<compile_context>
chip_gen: v7x
topology: tpu7x:2x2x1
jax: 0.10.2.dev20260603
libtpu: 0.0.44.dev20260713+nightly
codegen_flags: <defaults>
</compile_context>

<pallas_src>
import functools

import jax
import jax.numpy as jnp
from jax import lax
from jax.experimental import pallas as pl
from jax.experimental.pallas import tpu as pltpu
from jax.experimental.pallas import tpu_sc as plsc

D = 64
DP = 128
B = 16384
NC = 2
NS = 16
NW = NC * NS
SIDE = B // NW
TOT = 2 * SIDE
CHUNK = 128
GROUPS = CHUNK // 16
NCHUNKS = TOT // CHUNK
NPAIR = NCHUNKS // 2


def _tec_body(pos_h, pos_t, pos_r, neg_h, neg_t, neg_r, ent, rel,
              pos_out, neg_out,
              hidx, tidx, ridx, h0, t0, r0, h1, t1, r1, outv, sem0, sem1):
    wid = lax.axis_index("s") * NC + lax.axis_index("c")
    base = wid * SIDE

    pltpu.sync_copy(pos_h.at[pl.ds(base, SIDE)], hidx.at[pl.ds(0, SIDE)])
    pltpu.sync_copy(neg_h.at[pl.ds(base, SIDE)], hidx.at[pl.ds(SIDE, SIDE)])
    pltpu.sync_copy(pos_t.at[pl.ds(base, SIDE)], tidx.at[pl.ds(0, SIDE)])
    pltpu.sync_copy(neg_t.at[pl.ds(base, SIDE)], tidx.at[pl.ds(SIDE, SIDE)])
    pltpu.sync_copy(pos_r.at[pl.ds(base, SIDE)], ridx.at[pl.ds(0, SIDE)])
    pltpu.sync_copy(neg_r.at[pl.ds(base, SIDE)], ridx.at[pl.ds(SIDE, SIDE)])

    def issue(off, hb, tb, rb, sem):
        pltpu.async_copy(ent.at[hidx.at[pl.ds(off, CHUNK)]], hb, sem)
        pltpu.async_copy(ent.at[tidx.at[pl.ds(off, CHUNK)]], tb, sem)
        pltpu.async_copy(rel.at[ridx.at[pl.ds(off, CHUNK)]], rb, sem)

    def drain(hb, tb, rb, sem):
        for buf in (hb, tb, rb):
            pltpu.make_async_copy(ent.at[pl.ds(0, CHUNK)], buf, sem).wait()

    lane = lax.iota(jnp.int32, 16)
    perms = [lane ^ (1 << b) for b in range(4)]
    dnums = lax.GatherDimensionNumbers(
        offset_dims=(), collapsed_slice_dims=(0,), start_index_map=(0,))

    def shuffle(v, perm):
        return lax.gather(
            v, perm[:, None], dimension_numbers=dnums, slice_sizes=(1,),
            mode=lax.GatherScatterMode.PROMISE_IN_BOUNDS)

    def compute(off, hb, tb, rb):
        def group_body(g, carry):
            acc = jnp.zeros((16,), jnp.float32)
            for l in range(16):
                row = g * 16 + l
                p = jnp.zeros((16,), jnp.float32)
                for k in range(D // 16):
                    hv = hb[row, pl.ds(k * 16, 16)]
                    tv = tb[row, pl.ds(k * 16, 16)]
                    rv = rb[row, pl.ds(k * 16, 16)]
                    p = p + jnp.abs(hv + rv - tv)
                for bstep in range(4):
                    p = p + shuffle(p, perms[bstep])
                acc = jnp.where(lane == l, p, acc)
            outv[pl.ds(off + g * 16, 16)] = acc
            return carry
        lax.fori_loop(0, GROUPS, group_body, 0)

    issue(0, h0, t0, r0, sem0)

    def pair_body(pidx, carry):
        off0 = pl.multiple_of(2 * pidx * CHUNK, CHUNK)
        off1 = pl.multiple_of(off0 + CHUNK, CHUNK)
        issue(off1, h1, t1, r1, sem1)
        drain(h0, t0, r0, sem0)
        compute(off0, h0, t0, r0)

        @pl.when(pidx < NPAIR - 1)
        def _():
            issue(off1 + CHUNK, h0, t0, r0, sem0)

        drain(h1, t1, r1, sem1)
        compute(off1, h1, t1, r1)
        return carry

    lax.fori_loop(0, NPAIR, pair_body, 0)

    pltpu.sync_copy(outv.at[pl.ds(0, SIDE)], pos_out.at[pl.ds(base, SIDE)])
    pltpu.sync_copy(outv.at[pl.ds(SIDE, SIDE)], neg_out.at[pl.ds(base, SIDE)])


@functools.partial(jax.jit, donate_argnums=())
def _run(pos_h, pos_t, pos_r, neg_h, neg_t, neg_r, ent_emb, rel_emb):
    ent_pad = jnp.pad(ent_emb, ((0, 0), (0, DP - D)))
    rel_pad = jnp.pad(rel_emb, ((0, 0), (0, DP - D)))
    mesh = plsc.VectorSubcoreMesh(core_axis_name="c", subcore_axis_name="s")
    k = pl.kernel(
        _tec_body,
        mesh=mesh,
        compiler_params=pltpu.CompilerParams(use_tc_tiling_on_sc=False),
        out_type=(
            jax.ShapeDtypeStruct((B,), jnp.float32),
            jax.ShapeDtypeStruct((B,), jnp.float32),
        ),
        scratch_types=[
            pltpu.VMEM((TOT,), jnp.int32),
            pltpu.VMEM((TOT,), jnp.int32),
            pltpu.VMEM((TOT,), jnp.int32),
            pltpu.VMEM((CHUNK, DP), jnp.float32),
            pltpu.VMEM((CHUNK, DP), jnp.float32),
            pltpu.VMEM((CHUNK, DP), jnp.float32),
            pltpu.VMEM((CHUNK, DP), jnp.float32),
            pltpu.VMEM((CHUNK, DP), jnp.float32),
            pltpu.VMEM((CHUNK, DP), jnp.float32),
            pltpu.VMEM((TOT,), jnp.float32),
            pltpu.SemaphoreType.DMA,
            pltpu.SemaphoreType.DMA,
        ],
    )
    return k(pos_h, pos_t, pos_r, neg_h, neg_t, neg_r, ent_pad, rel_pad)


def kernel(pos_h, pos_t, pos_r, neg_h, neg_t, neg_r, ent_emb, rel_emb):
    idx = [jnp.asarray(a, jnp.int32)
           for a in (pos_h, pos_t, pos_r, neg_h, neg_t, neg_r)]
    return _run(*idx, ent_emb, rel_emb)

# --- scband reference (transcript-rebuilt; emitter-appended) ---
"""Pipeline reference for scband-trans-emodel-36558761623852 (READ-ONLY COPY).

The authoritative reference and input builder live on the scoring server;
editing this copy changes nothing except your own understanding.
"""

import jax, jax.numpy as jnp
import numpy as np

ENT = 1000000
REL = 1000
B = 16384
D = 64

def setup_inputs(seed: int = 0) -> dict:
    key = jax.random.key(seed)
    ks = jax.random.split(key, 8)
    ent_emb = jax.random.normal(ks[0], (ENT, D), dtype=jnp.float32)
    ent_emb = ent_emb / jnp.linalg.norm(ent_emb, axis=1, keepdims=True)
    rel_emb = jax.random.normal(ks[1], (REL, D), dtype=jnp.float32)
    rel_emb = rel_emb / jnp.linalg.norm(rel_emb, axis=1, keepdims=True)
    pos_h = jax.random.randint(ks[2], (B,), 0, ENT, dtype=jnp.int32).astype(jnp.int64)
    pos_t = jax.random.randint(ks[3], (B,), 0, ENT, dtype=jnp.int32).astype(jnp.int64)
    pos_r = jax.random.randint(ks[4], (B,), 0, REL, dtype=jnp.int32).astype(jnp.int64)
    neg_h = jax.random.randint(ks[5], (B,), 0, ENT, dtype=jnp.int32).astype(jnp.int64)
    neg_t = jax.random.randint(ks[6], (B,), 0, ENT, dtype=jnp.int32).astype(jnp.int64)
    neg_r = jax.random.randint(ks[7], (B,), 0, REL, dtype=jnp.int32).astype(jnp.int64)
    return {"pos_h": pos_h, "pos_t": pos_t, "pos_r": pos_r,
            "neg_h": neg_h, "neg_t": neg_t, "neg_r": neg_r,
            "ent_emb": ent_emb, "rel_emb": rel_emb}

def reference(pos_h, pos_t, pos_r, neg_h, neg_t, neg_r, ent_emb, rel_emb):
    pos_h_e = jnp.take(ent_emb, pos_h, axis=0)
    pos_t_e = jnp.take(ent_emb, pos_t, axis=0)
    pos_r_e = jnp.take(rel_emb, pos_r, axis=0)
    neg_h_e = jnp.take(ent_emb, neg_h, axis=0)
    neg_t_e = jnp.take(ent_emb, neg_t, axis=0)
    neg_r_e = jnp.take(rel_emb, neg_r, axis=0)
    # L1_flag = True
    pos = jnp.sum(jnp.abs(pos_h_e + pos_r_e - pos_t_e), axis=1)
    neg = jnp.sum(jnp.abs(neg_h_e + neg_r_e - neg_t_e), axis=1)
    return (pos, neg)

if __name__ == "__main__":
    import jax
    _d = setup_inputs()
    print(jax.jit(kernel)(*tuple(_d.values())))

</pallas_src>

<mosaic_0001>
#map = affine_map<(d0, d1) -> (0)>
#map1 = affine_map<(d0, d1) -> (0, 0)>
module attributes {stable_mosaic.version = 14 : i64} {
  func.func @_tec_body(%arg0: i32, %arg1: i32, %arg2: memref<16384xi32, #tpu.memory_space<hbm>>, %arg3: memref<16384xi32, #tpu.memory_space<hbm>>, %arg4: memref<16384xi32, #tpu.memory_space<hbm>>, %arg5: memref<16384xi32, #tpu.memory_space<hbm>>, %arg6: memref<16384xi32, #tpu.memory_space<hbm>>, %arg7: memref<16384xi32, #tpu.memory_space<hbm>>, %arg8: memref<1000000x128xf32, #tpu.memory_space<hbm>>, %arg9: memref<1000x128xf32, #tpu.memory_space<hbm>>, %arg10: memref<16384xf32, #tpu.memory_space<hbm>>, %arg11: memref<16384xf32, #tpu.memory_space<hbm>>, %arg12: memref<1024xi32, #tpu.memory_space<vmem>>, %arg13: memref<1024xi32, #tpu.memory_space<vmem>>, %arg14: memref<1024xi32, #tpu.memory_space<vmem>>, %arg15: memref<128x128xf32, #tpu.memory_space<vmem>>, %arg16: memref<128x128xf32, #tpu.memory_space<vmem>>, %arg17: memref<128x128xf32, #tpu.memory_space<vmem>>, %arg18: memref<128x128xf32, #tpu.memory_space<vmem>>, %arg19: memref<128x128xf32, #tpu.memory_space<vmem>>, %arg20: memref<128x128xf32, #tpu.memory_space<vmem>>, %arg21: memref<1024xf32, #tpu.memory_space<vmem>>, %arg22: memref<!tpu.dma_semaphore, #tpu.memory_space<semaphore_mem>>, %arg23: memref<!tpu.dma_semaphore, #tpu.memory_space<semaphore_mem>>) attributes {dimension_semantics = [#tpu.dimension_semantics<core_parallel>, #tpu.dimension_semantics<subcore_parallel>], iteration_bounds = array<i64: 2, 16>, scalar_prefetch = 0 : i64, scratch_operands = 12 : i64, tpu.core_type = #tpu.core_type<sc_vector_subcore>, window_params = [{transform_indices = #map}, {transform_indices = #map}, {transform_indices = #map}, {transform_indices = #map}, {transform_indices = #map}, {transform_indices = #map}, {transform_indices = #map1}, {transform_indices = #map1}, {transform_indices = #map}, {transform_indices = #map}]} {
    %mul3A = arith.constant 2 : i32
    %mul3A_0 = arith.muli %arg1, %mul3A : i32
    %add3A = arith.addi %mul3A_0, %arg0 : i32
    %mul3A_1 = arith.constant 512 : i32
    %mul3A_2 = arith.muli %add3A, %mul3A_1 : i32
    "tpu.region"() ({
      %run_scoped3A = tpu.sem_alloc : memref<!tpu.dma_semaphore, #tpu.memory_space<semaphore_mem>>
      %dma_start3A_33 = arith.constant 0 : i32
      %dma_start3A_34 = tpu.memref_slice %arg12[%dma_start3A_33] : memref<1024xi32, #tpu.memory_space<vmem>> -> memref<512xi32, #tpu.memory_space<vmem>>
      %dma_start3A_35 = tpu.memref_slice %arg2[%mul3A_2] : memref<16384xi32, #tpu.memory_space<hbm>> -> memref<512xi32, #tpu.memory_space<hbm>>
      %dma_start3A_36 = arith.constant 0 : i32
      %dma_start3A_37 = tpu.memref_slice %arg12[%dma_start3A_36] : memref<1024xi32, #tpu.memory_space<vmem>> -> memref<512xi32, #tpu.memory_space<vmem>>
      %dma_start3A_38 = tpu.memref_slice %arg2[%mul3A_2] : memref<16384xi32, #tpu.memory_space<hbm>> -> memref<512xi32, #tpu.memory_space<hbm>>
      tpu.enqueue_dma source(%dma_start3A_38 : memref<512xi32, #tpu.memory_space<hbm>>) target(%dma_start3A_37 : memref<512xi32, #tpu.memory_space<vmem>>) target_semaphore(%run_scoped3A : memref<!tpu.dma_semaphore, #tpu.memory_space<semaphore_mem>>)
      %dma_wait3A = arith.constant 0 : i32
      %dma_wait3A_39 = tpu.memref_slice %arg12[%dma_wait3A] : memref<1024xi32, #tpu.memory_space<vmem>> -> memref<512xi32, #tpu.memory_space<vmem>>
      %dma_wait3A_40 = tpu.memref_slice %arg2[%mul3A_2] : memref<16384xi32, #tpu.memory_space<hbm>> -> memref<512xi32, #tpu.memory_space<hbm>>
      %dma_wait3A_41 = arith.constant 0 : i32
      %dma_wait3A_42 = tpu.memref_slice %arg12[%dma_wait3A_41] : memref<1024xi32, #tpu.memory_space<vmem>> -> memref<512xi32, #tpu.memory_space<vmem>>
      %dma_wait3A_43 = tpu.memref_slice %arg2[%mul3A_2] : memref<16384xi32, #tpu.memory_space<hbm>> -> memref<512xi32, #tpu.memory_space<hbm>>
      tpu.wait_dma2 semaphore(%run_scoped3A : memref<!tpu.dma_semaphore, #tpu.memory_space<semaphore_mem>>) src(%dma_wait3A_43 : memref<512xi32, #tpu.memory_space<hbm>>) dst(%dma_wait3A_42 : memref<512xi32, #tpu.memory_space<vmem>>)
      tpu.yield
    }) : () -> ()
    "tpu.region"() ({
      %run_scoped3A = tpu.sem_alloc : memref<!tpu.dma_semaphore, #tpu.memory_space<semaphore_mem>>
      %dma_start3A_33 = arith.constant 512 : i32
      %dma_start3A_34 = tpu.memref_slice %arg12[%dma_start3A_33] : memref<1024xi32, #tpu.memory_space<vmem>> -> memref<512xi32, #tpu.memory_space<vmem>>
      %dma_start3A_35 = tpu.memref_slice %arg5[%mul3A_2] : memref<16384xi32, #tpu.memory_space<hbm>> -> memref<512xi32, #tpu.memory_space<hbm>>
      %dma_start3A_36 = arith.constant 512 : i32
      %dma_start3A_37 = tpu.memref_slice %arg12[%dma_start3A_36] : memref<1024xi32, #tpu.memory_space<vmem>> -> memref<512xi32, #tpu.memory_space<vmem>>
      %dma_start3A_38 = tpu.memref_slice %arg5[%mul3A_2] : memref<16384xi32, #tpu.memory_space<hbm>> -> memref<512xi32, #tpu.memory_space<hbm>>
      tpu.enqueue_dma source(%dma_start3A_38 : memref<512xi32, #tpu.memory_space<hbm>>) target(%dma_start3A_37 : memref<512xi32, #tpu.memory_space<vmem>>) target_semaphore(%run_scoped3A : memref<!tpu.dma_semaphore, #tpu.memory_space<semaphore_mem>>)
      %dma_wait3A = arith.constant 512 : i32
      %dma_wait3A_39 = tpu.memref_slice %arg12[%dma_wait3A] : memref<1024xi32, #tpu.memory_space<vmem>> -> memref<512xi32, #tpu.memory_space<vmem>>
      %dma_wait3A_40 = tpu.memref_slice %arg5[%mul3A_2] : memref<16384xi32, #tpu.memory_space<hbm>> -> memref<512xi32, #tpu.memory_space<hbm>>
      %dma_wait3A_41 = arith.constant 512 : i32
      %dma_wait3A_42 = tpu.memref_slice %arg12[%dma_wait3A_41] : memref<1024xi32, #tpu.memory_space<vmem>> -> memref<512xi32, #tpu.memory_space<vmem>>
      %dma_wait3A_43 = tpu.memref_slice %arg5[%mul3A_2] : memref<16384xi32, #tpu.memory_space<hbm>> -> memref<512xi32, #tpu.memory_space<hbm>>
      tpu.wait_dma2 semaphore(%run_scoped3A : memref<!tpu.dma_semaphore, #tpu.memory_space<semaphore_mem>>) src(%dma_wait3A_43 : memref<512xi32, #tpu.memory_space<hbm>>) dst(%dma_wait3A_42 : memref<512xi32, #tpu.memory_space<vmem>>)
      tpu.yield
    }) : () -> ()
    "tpu.region"() ({
      %run_scoped3A = tpu.sem_alloc : memref<!tpu.dma_semaphore, #tpu.memory_space<semaphore_mem>>
      %dma_start3A_33 = arith.constant 0 : i32
      %dma_start3A_34 = tpu.memref_slice %arg13[%dma_start3A_33] : memref<1024xi32, #tpu.memory_space<vmem>> -> memref<512xi32, #tpu.memory_space<vmem>>
      %dma_start3A_35 = tpu.memref_slice %arg3[%mul3A_2] : memref<16384xi32, #tpu.memory_space<hbm>> -> memref<512xi32, #tpu.memory_space<hbm>>
      %dma_start3A_36 = arith.constant 0 : i32
      %dma_start3A_37 = tpu.memref_slice %arg13[%dma_start3A_36] : memref<1024xi32, #tpu.memory_space<vmem>> -> memref<512xi32, #tpu.memory_space<vmem>>
      %dma_start3A_38 = tpu.memref_slice %arg3[%mul3A_2] : memref<16384xi32, #tpu.memory_space<hbm>> -> memref<512xi32, #tpu.memory_space<hbm>>
      tpu.enqueue_dma source(%dma_start3A_38 : memref<512xi32, #tpu.memory_space<hbm>>) target(%dma_start3A_37 : memref<512xi32, #tpu.memory_space<vmem>>) target_semaphore(%run_scoped3A : memref<!tpu.dma_semaphore, #tpu.memory_space<semaphore_mem>>)
      %dma_wait3A = arith.constant 0 : i32
      %dma_wait3A_39 = tpu.memref_slice %arg13[%dma_wait3A] : memref<1024xi32, #tpu.memory_space<vmem>> -> memref<512xi32, #tpu.memory_space<vmem>>
      %dma_wait3A_40 = tpu.memref_slice %arg3[%mul3A_2] : memref<16384xi32, #tpu.memory_space<hbm>> -> memref<512xi32, #tpu.memory_space<hbm>>
      %dma_wait3A_41 = arith.constant 0 : i32
      %dma_wait3A_42 = tpu.memref_slice %arg13[%dma_wait3A_41] : memref<1024xi32, #tpu.memory_space<vmem>> -> memref<512xi32, #tpu.memory_space<vmem>>
      %dma_wait3A_43 = tpu.memref_slice %arg3[%mul3A_2] : memref<16384xi32, #tpu.memory_space<hbm>> -> memref<512xi32, #tpu.memory_space<hbm>>
      tpu.wait_dma2 semaphore(%run_scoped3A : memref<!tpu.dma_semaphore, #tpu.memory_space<semaphore_mem>>) src(%dma_wait3A_43 : memref<512xi32, #tpu.memory_space<hbm>>) dst(%dma_wait3A_42 : memref<512xi32, #tpu.memory_space<vmem>>)
      tpu.yield
    }) : () -> ()
    "tpu.region"() ({
      %run_scoped3A = tpu.sem_alloc : memref<!tpu.dma_semaphore, #tpu.memory_space<semaphore_mem>>
      %dma_start3A_33 = arith.constant 512 : i32
      %dma_start3A_34 = tpu.memref_slice %arg13[%dma_start3A_33] : memref<1024xi32, #tpu.memory_space<vmem>> -> memref<512xi32, #tpu.memory_space<vmem>>
      %dma_start3A_35 = tpu.memref_slice %arg6[%mul3A_2] : memref<16384xi32, #tpu.memory_space<hbm>> -> memref<512xi32, #tpu.memory_space<hbm>>
      %dma_start3A_36 = arith.constant 512 : i32
      %dma_start3A_37 = tpu.memref_slice %arg13[%dma_start3A_36] : memref<1024xi32, #tpu.memory_space<vmem>> -> memref<512xi32, #tpu.memory_space<vmem>>
      %dma_start3A_38 = tpu.memref_slice %arg6[%mul3A_2] : memref<16384xi32, #tpu.memory_space<hbm>> -> memref<512xi32, #tpu.memory_space<hbm>>
      tpu.enqueue_dma source(%dma_start3A_38 : memref<512xi32, #tpu.memory_space<hbm>>) target(%dma_start3A_37 : memref<512xi32, #tpu.memory_space<vmem>>) target_semaphore(%run_scoped3A : memref<!tpu.dma_semaphore, #tpu.memory_space<semaphore_mem>>)
      %dma_wait3A = arith.constant 512 : i32
      %dma_wait3A_39 = tpu.memref_slice %arg13[%dma_wait3A] : memref<1024xi32, #tpu.memory_space<vmem>> -> memref<512xi32, #tpu.memory_space<vmem>>
      %dma_wait3A_40 = tpu.memref_slice %arg6[%mul3A_2] : memref<16384xi32, #tpu.memory_space<hbm>> -> memref<512xi32, #tpu.memory_space<hbm>>
      %dma_wait3A_41 = arith.constant 512 : i32
      %dma_wait3A_42 = tpu.memref_slice %arg13[%dma_wait3A_41] : memref<1024xi32, #tpu.memory_space<vmem>> -> memref<512xi32, #tpu.memory_space<vmem>>
      %dma_wait3A_43 = tpu.memref_slice %arg6[%mul3A_2] : memref<16384xi32, #tpu.memory_space<hbm>> -> memref<512xi32, #tpu.memory_space<hbm>>
      tpu.wait_dma2 semaphore(%run_scoped3A : memref<!tpu.dma_semaphore, #tpu.memory_space<semaphore_mem>>) src(%dma_wait3A_43 : memref<512xi32, #tpu.memory_space<hbm>>) dst(%dma_wait3A_42 : memref<512xi32, #tpu.memory_space<vmem>>)
      tpu.yield
    }) : () -> ()
    "tpu.region"() ({
      %run_scoped3A = tpu.sem_alloc : memref<!tpu.dma_semaphore, #tpu.memory_space<semaphore_mem>>
      %dma_start3A_33 = arith.constant 0 : i32
      %dma_start3A_34 = tpu.memref_slice %arg14[%dma_start3A_33] : memref<1024xi32, #tpu.memory_space<vmem>> -> memref<512xi32, #tpu.memory_space<vmem>>
      %dma_start3A_35 = tpu.memref_slice %arg4[%mul3A_2] : memref<16384xi32, #tpu.memory_space<hbm>> -> memref<512xi32, #tpu.memory_space<hbm>>
      %dma_start3A_36 = arith.constant 0 : i32
      %dma_start3A_37 = tpu.memref_slice %arg14[%dma_start3A_36] : memref<1024xi32, #tpu.memory_space<vmem>> -> memref<512xi32, #tpu.memory_space<vmem>>
      %dma_start3A_38 = tpu.memref_slice %arg4[%mul3A_2] : memref<16384xi32, #tpu.memory_space<hbm>> -> memref<512xi32, #tpu.memory_space<hbm>>
      tpu.enqueue_dma source(%dma_start3A_38 : memref<512xi32, #tpu.memory_space<hbm>>) target(%dma_start3A_37 : memref<512xi32, #tpu.memory_space<vmem>>) target_semaphore(%run_scoped3A : memref<!tpu.dma_semaphore, #tpu.memory_space<semaphore_mem>>)
      %dma_wait3A = arith.constant 0 : i32
      %dma_wait3A_39 = tpu.memref_slice %arg14[%dma_wait3A] : memref<1024xi32, #tpu.memory_space<vmem>> -> memref<512xi32, #tpu.memory_space<vmem>>
      %dma_wait3A_40 = tpu.memref_slice %arg4[%mul3A_2] : memref<16384xi32, #tpu.memory_space<hbm>> -> memref<512xi32, #tpu.memory_space<hbm>>
      %dma_wait3A_41 = arith.constant 0 : i32
      %dma_wait3A_42 = tpu.memref_slice %arg14[%dma_wait3A_41] : memref<1024xi32, #tpu.memory_space<vmem>> -> memref<512xi32, #tpu.memory_space<vmem>>
      %dma_wait3A_43 = tpu.memref_slice %arg4[%mul3A_2] : memref<16384xi32, #tpu.memory_space<hbm>> -> memref<512xi32, #tpu.memory_space<hbm>>
      tpu.wait_dma2 semaphore(%run_scoped3A : memref<!tpu.dma_semaphore, #tpu.memory_space<semaphore_mem>>) src(%dma_wait3A_43 : memref<512xi32, #tpu.memory_space<hbm>>) dst(%dma_wait3A_42 : memref<512xi32, #tpu.memory_space<vmem>>)
      tpu.yield
    }) : () -> ()
    "tpu.region"() ({
      %run_scoped3A = tpu.sem_alloc : memref<!tpu.dma_semaphore, #tpu.memory_space<semaphore_mem>>
      %dma_start3A_33 = arith.constant 512 : i32
      %dma_start3A_34 = tpu.memref_slice %arg14[%dma_start3A_33] : memref<1024xi32, #tpu.memory_space<vmem>> -> memref<512xi32, #tpu.memory_space<vmem>>
      %dma_start3A_35 = tpu.memref_slice %arg7[%mul3A_2] : memref<16384xi32, #tpu.memory_space<hbm>> -> memref<512xi32, #tpu.memory_space<hbm>>
      %dma_start3A_36 = arith.constant 512 : i32
      %dma_start3A_37 = tpu.memref_slice %arg14[%dma_start3A_36] : memref<1024xi32, #tpu.memory_space<vmem>> -> memref<512xi32, #tpu.memory_space<vmem>>
      %dma_start3A_38 = tpu.memref_slice %arg7[%mul3A_2] : memref<16384xi32, #tpu.memory_space<hbm>> -> memref<512xi32, #tpu.memory_space<hbm>>
      tpu.enqueue_dma source(%dma_start3A_38 : memref<512xi32, #tpu.memory_space<hbm>>) target(%dma_start3A_37 : memref<512xi32, #tpu.memory_space<vmem>>) target_semaphore(%run_scoped3A : memref<!tpu.dma_semaphore, #tpu.memory_space<semaphore_mem>>)
      %dma_wait3A = arith.constant 512 : i32
      %dma_wait3A_39 = tpu.memref_slice %arg14[%dma_wait3A] : memref<1024xi32, #tpu.memory_space<vmem>> -> memref<512xi32, #tpu.memory_space<vmem>>
      %dma_wait3A_40 = tpu.memref_slice %arg7[%mul3A_2] : memref<16384xi32, #tpu.memory_space<hbm>> -> memref<512xi32, #tpu.memory_space<hbm>>
      %dma_wait3A_41 = arith.constant 512 : i32
      %dma_wait3A_42 = tpu.memref_slice %arg14[%dma_wait3A_41] : memref<1024xi32, #tpu.memory_space<vmem>> -> memref<512xi32, #tpu.memory_space<vmem>>
      %dma_wait3A_43 = tpu.memref_slice %arg7[%mul3A_2] : memref<16384xi32, #tpu.memory_space<hbm>> -> memref<512xi32, #tpu.memory_space<hbm>>
      tpu.wait_dma2 semaphore(%run_scoped3A : memref<!tpu.dma_semaphore, #tpu.memory_space<semaphore_mem>>) src(%dma_wait3A_43 : memref<512xi32, #tpu.memory_space<hbm>>) dst(%dma_wait3A_42 : memref<512xi32, #tpu.memory_space<vmem>>)
      tpu.yield
    }) : () -> ()
    %iota3A = tpu.iota {dimensions = array<i32: 0>} : vector<16xi32>
    %xor3A = arith.constant 1 : i32
    %xor3A_3 = vector.broadcast %xor3A : i32 to vector<16xi32>
    %xor3A_4 = arith.xori %iota3A, %xor3A_3 : vector<16xi32>
    %xor3A_5 = arith.constant 2 : i32
    %xor3A_6 = vector.broadcast %xor3A_5 : i32 to vector<16xi32>
    %xor3A_7 = arith.xori %iota3A, %xor3A_6 : vector<16xi32>
    %xor3A_8 = arith.constant 4 : i32
    %xor3A_9 = vector.broadcast %xor3A_8 : i32 to vector<16xi32>
    %xor3A_10 = arith.xori %iota3A, %xor3A_9 : vector<16xi32>
    %xor3A_11 = arith.constant 8 : i32
    %xor3A_12 = vector.broadcast %xor3A_11 : i32 to vector<16xi32>
    %xor3A_13 = arith.xori %iota3A, %xor3A_12 : vector<16xi32>
    %dma_start3A = arith.constant 0 : i32
    %dma_start3A_14 = tpu.memref_slice %arg12[%dma_start3A] : memref<1024xi32, #tpu.memory_space<vmem>> -> memref<128xi32, #tpu.memory_space<vmem>>
    %dma_start3A_15 = arith.constant 0 : i32
    %dma_start3A_16 = arith.constant 0 : i32
    %dma_start3A_17 = tpu.memref_slice %arg8[%dma_start3A_15, %dma_start3A_16] : memref<1000000x128xf32, #tpu.memory_space<hbm>> -> memref<1000000x128xf32, #tpu.memory_space<hbm>>
    tpu.enqueue_indirect_dma source(%dma_start3A_17 : memref<1000000x128xf32, #tpu.memory_space<hbm>>) target(%arg15 : memref<128x128xf32, #tpu.memory_space<vmem>>) offsets(%dma_start3A_14 : memref<128xi32, #tpu.memory_space<vmem>>) semaphore(%arg22 : memref<!tpu.dma_semaphore, #tpu.memory_space<semaphore_mem>>)
    %dma_start3A_18 = arith.constant 0 : i32
    %dma_start3A_19 = tpu.memref_slice %arg13[%dma_start3A_18] : memref<1024xi32, #tpu.memory_space<vmem>> -> memref<128xi32, #tpu.memory_space<vmem>>
    %dma_start3A_20 = arith.constant 0 : i32
    %dma_start3A_21 = arith.constant 0 : i32
    %dma_start3A_22 = tpu.memref_slice %arg8[%dma_start3A_20, %dma_start3A_21] : memref<1000000x128xf32, #tpu.memory_space<hbm>> -> memref<1000000x128xf32, #tpu.memory_space<hbm>>
    tpu.enqueue_indirect_dma source(%dma_start3A_22 : memref<1000000x128xf32, #tpu.memory_space<hbm>>) target(%arg16 : memref<128x128xf32, #tpu.memory_space<vmem>>) offsets(%dma_start3A_19 : memref<128xi32, #tpu.memory_space<vmem>>) semaphore(%arg22 : memref<!tpu.dma_semaphore, #tpu.memory_space<semaphore_mem>>)
    %dma_start3A_23 = arith.constant 0 : i32
    %dma_start3A_24 = tpu.memref_slice %arg14[%dma_start3A_23] : memref<1024xi32, #tpu.memory_space<vmem>> -> memref<128xi32, #tpu.memory_space<vmem>>
    %dma_start3A_25 = arith.constant 0 : i32
    %dma_start3A_26 = arith.constant 0 : i32
    %dma_start3A_27 = tpu.memref_slice %arg9[%dma_start3A_25, %dma_start3A_26] : memref<1000x128xf32, #tpu.memory_space<hbm>> -> memref<1000x128xf32, #tpu.memory_space<hbm>>
    tpu.enqueue_indirect_dma source(%dma_start3A_27 : memref<1000x128xf32, #tpu.memory_space<hbm>>) target(%arg17 : memref<128x128xf32, #tpu.memory_space<vmem>>) offsets(%dma_start3A_24 : memref<128xi32, #tpu.memory_space<vmem>>) semaphore(%arg22 : memref<!tpu.dma_semaphore, #tpu.memory_space<semaphore_mem>>)
    %scan3A = arith.constant 0 : i32
    %scan3A_28 = arith.constant 0 : i32
    %scan3A_29 = arith.constant 4 : i32
    %scan3A_30 = arith.addi %scan3A_28, %scan3A_29 : i32
    %scan3A_31 = arith.constant 1 : i32
    scf.for %scan3A_33 = %scan3A_28 to %scan3A_30 step %scan3A_31  : i32 {
      %mul3A_34 = arith.constant 2 : i32
      %mul3A_35 = arith.muli %mul3A_34, %scan3A_33 : i32
      %mul3A_36 = arith.constant 128 : i32
      %mul3A_37 = arith.muli %mul3A_35, %mul3A_36 : i32
      %multiple_of3A = tpu.assume_multiple %mul3A_37, 128 : i32
      %add3A_38 = arith.constant 128 : i32
      %add3A_39 = arith.addi %multiple_of3A, %add3A_38 : i32
      %multiple_of3A_40 = tpu.assume_multiple %add3A_39, 128 : i32
      %dma_start3A_41 = tpu.memref_slice %arg12[%multiple_of3A_40] : memref<1024xi32, #tpu.memory_space<vmem>> -> memref<128xi32, #tpu.memory_space<vmem>>
      %dma_start3A_42 = arith.constant 0 : i32
      %dma_start3A_43 = arith.constant 0 : i32
      %dma_start3A_44 = tpu.memref_slice %arg8[%dma_start3A_42, %dma_start3A_43] : memref<1000000x128xf32, #tpu.memory_space<hbm>> -> memref<1000000x128xf32, #tpu.memory_space<hbm>>
      tpu.enqueue_indirect_dma source(%dma_start3A_44 : memref<1000000x128xf32, #tpu.memory_space<hbm>>) target(%arg18 : memref<128x128xf32, #tpu.memory_space<vmem>>) offsets(%dma_start3A_41 : memref<128xi32, #tpu.memory_space<vmem>>) semaphore(%arg23 : memref<!tpu.dma_semaphore, #tpu.memory_space<semaphore_mem>>)
      %dma_start3A_45 = tpu.memref_slice %arg13[%multiple_of3A_40] : memref<1024xi32, #tpu.memory_space<vmem>> -> memref<128xi32, #tpu.memory_space<vmem>>
      %dma_start3A_46 = arith.constant 0 : i32
      %dma_start3A_47 = arith.constant 0 : i32
      %dma_start3A_48 = tpu.memref_slice %arg8[%dma_start3A_46, %dma_start3A_47] : memref<1000000x128xf32, #tpu.memory_space<hbm>> -> memref<1000000x128xf32, #tpu.memory_space<hbm>>
      tpu.enqueue_indirect_dma source(%dma_start3A_48 : memref<1000000x128xf32, #tpu.memory_space<hbm>>) target(%arg19 : memref<128x128xf32, #tpu.memory_space<vmem>>) offsets(%dma_start3A_45 : memref<128xi32, #tpu.memory_space<vmem>>) semaphore(%arg23 : memref<!tpu.dma_semaphore, #tpu.memory_space<semaphore_mem>>)
      %dma_start3A_49 = tpu.memref_slice %arg14[%multiple_of3A_40] : memref<1024xi32, #tpu.memory_space<vmem>> -> memref<128xi32, #tpu.memory_space<vmem>>
      %dma_start3A_50 = arith.constant 0 : i32
      %dma_start3A_51 = arith.constant 0 : i32
      %dma_start3A_52 = tpu.memref_slice %arg9[%dma_start3A_50, %dma_start3A_51] : memref<1000x128xf32, #tpu.memory_space<hbm>> -> memref<1000x128xf32, #tpu.memory_space<hbm>>
      tpu.enqueue_indirect_dma source(%dma_start3A_52 : memref<1000x128xf32, #tpu.memory_space<hbm>>) target(%arg20 : memref<128x128xf32, #tpu.memory_space<vmem>>) offsets(%dma_start3A_49 : memref<128xi32, #tpu.memory_space<vmem>>) semaphore(%arg23 : memref<!tpu.dma_semaphore, #tpu.memory_space<semaphore_mem>>)
      %dma_wait3A = arith.constant 0 : i32
      %dma_wait3A_53 = arith.constant 0 : i32
      %dma_wait3A_54 = tpu.memref_slice %arg8[%dma_wait3A, %dma_wait3A_53] : memref<1000000x128xf32, #tpu.memory_space<hbm>> -> memref<128x128xf32, #tpu.memory_space<hbm>>
      %dma_wait3A_55 = arith.constant 0 : i32
      %dma_wait3A_56 = arith.constant 0 : i32
      %dma_wait3A_57 = tpu.memref_slice %arg8[%dma_wait3A_55, %dma_wait3A_56] : memref<1000000x128xf32, #tpu.memory_space<hbm>> -> memref<128x128xf32, #tpu.memory_space<hbm>>
      tpu.wait_dma2 semaphore(%arg22 : memref<!tpu.dma_semaphore, #tpu.memory_space<semaphore_mem>>) src(%dma_wait3A_57 : memref<128x128xf32, #tpu.memory_space<hbm>>) dst(%arg15 : memref<128x128xf32, #tpu.memory_space<vmem>>)
      %dma_wait3A_58 = arith.constant 0 : i32
      %dma_wait3A_59 = arith.constant 0 : i32
      %dma_wait3A_60 = tpu.memref_slice %arg8[%dma_wait3A_58, %dma_wait3A_59] : memref<1000000x128xf32, #tpu.memory_space<hbm>> -> memref<128x128xf32, #tpu.memory_space<hbm>>
      %dma_wait3A_61 = arith.constant 0 : i32
      %dma_wait3A_62 = arith.constant 0 : i32
      %dma_wait3A_63 = tpu.memref_slice %arg8[%dma_wait3A_61, %dma_wait3A_62] : memref<1000000x128xf32, #tpu.memory_space<hbm>> -> memref<128x128xf32, #tpu.memory_space<hbm>>
      tpu.wait_dma2 semaphore(%arg22 : memref<!tpu.dma_semaphore, #tpu.memory_space<semaphore_mem>>) src(%dma_wait3A_63 : memref<128x128xf32, #tpu.memory_space<hbm>>) dst(%arg16 : memref<128x128xf32, #tpu.memory_space<vmem>>)
      %dma_wait3A_64 = arith.constant 0 : i32
      %dma_wait3A_65 = arith.constant 0 : i32
      %dma_wait3A_66 = tpu.memref_slice %arg8[%dma_wait3A_64, %dma_wait3A_65] : memref<1000000x128xf32, #tpu.memory_space<hbm>> -> memref<128x128xf32, #tpu.memory_space<hbm>>
      %dma_wait3A_67 = arith.constant 0 : i32
      %dma_wait3A_68 = arith.constant 0 : i32
      %dma_wait3A_69 = tpu.memref_slice %arg8[%dma_wait3A_67, %dma_wait3A_68] : memref<1000000x128xf32, #tpu.memory_space<hbm>> -> memref<128x128xf32, #tpu.memory_space<hbm>>
      tpu.wait_dma2 semaphore(%arg22 : memref<!tpu.dma_semaphore, #tpu.memory_space<semaphore_mem>>) src(%dma_wait3A_69 : memref<128x128xf32, #tpu.memory_space<hbm>>) dst(%arg17 : memref<128x128xf32, #tpu.memory_space<vmem>>)
      %scan3A_70 = arith.constant 0 : i32
      %scan3A_71 = arith.constant 0 : i32
      %scan3A_72 = arith.constant 8 : i32
      %scan3A_73 = arith.addi %scan3A_71, %scan3A_72 : i32
      %scan3A_74 = arith.constant 1 : i32
      scf.for %scan3A_102 = %scan3A_71 to %scan3A_73 step %scan3A_74  : i32 {
        %broadcast_in_dim3A = arith.constant 0.000000e+00 : f32
        %broadcast_in_dim3A_103 = vector.broadcast %broadcast_in_dim3A : f32 to vector<16xf32>
        %mul3A_104 = arith.constant 16 : i32
        %mul3A_105 = arith.muli %scan3A_102, %mul3A_104 : i32
        %add3A_106 = arith.constant 0 : i32
        %add3A_107 = arith.addi %mul3A_105, %add3A_106 : i32
        %broadcast_in_dim3A_108 = arith.constant 0.000000e+00 : f32
        %broadcast_in_dim3A_109 = vector.broadcast %broadcast_in_dim3A_108 : f32 to vector<16xf32>
        %get3A = arith.index_cast %add3A_107 : i32 to index
        %get3A_110 = arith.constant 0 : index
        %get3A_111 = tpu.vector_load %arg15[%get3A, %get3A_110] {strides = array<i32>} : memref<128x128xf32, #tpu.memory_space<vmem>>, vector<1x16xf32>,
        %get3A_112 = vector.shape_cast %get3A_111 : vector<1x16xf32> to vector<16xf32>
        %get3A_113 = arith.index_cast %add3A_107 : i32 to index
        %get3A_114 = arith.constant 0 : index
        %get3A_115 = tpu.vector_load %arg16[%get3A_113, %get3A_114] {strides = array<i32>} : memref<128x128xf32, #tpu.memory_space<vmem>>, vector<1x16xf32>,
        %get3A_116 = vector.shape_cast %get3A_115 : vector<1x16xf32> to vector<16xf32>
        %get3A_117 = arith.index_cast %add3A_107 : i32 to index
        %get3A_118 = arith.constant 0 : index
        %get3A_119 = tpu.vector_load %arg17[%get3A_117, %get3A_118] {strides = array<i32>} : memref<128x128xf32, #tpu.memory_space<vmem>>, vector<1x16xf32>,
        %get3A_120 = vector.shape_cast %get3A_119 : vector<1x16xf32> to vector<16xf32>
        %add3A_121 = arith.addf %get3A_112, %get3A_120 : vector<16xf32>
        %sub3A = arith.subf %add3A_121, %get3A_116 : vector<16xf32>
        %abs3A = math.absf %sub3A : vector<16xf32>
        %add3A_122 = arith.addf %broadcast_in_dim3A_109, %abs3A : vector<16xf32>
        %get3A_123 = arith.index_cast %add3A_107 : i32 to index
        %get3A_124 = arith.constant 16 : index
        %get3A_125 = tpu.vector_load %arg15[%get3A_123, %get3A_124] {strides = array<i32>} : memref<128x128xf32, #tpu.memory_space<vmem>>, vector<1x16xf32>,
        %get3A_126 = vector.shape_cast %get3A_125 : vector<1x16xf32> to vector<16xf32>
        %get3A_127 = arith.index_cast %add3A_107 : i32 to index
        %get3A_128 = arith.constant 16 : index
        %get3A_129 = tpu.vector_load %arg16[%get3A_127, %get3A_128] {strides = array<i32>} : memref<128x128xf32, #tpu.memory_space<vmem>>, vector<1x16xf32>,
        %get3A_130 = vector.shape_cast %get3A_129 : vector<1x16xf32> to vector<16xf32>
        %get3A_131 = arith.index_cast %add3A_107 : i32 to index
        %get3A_132 = arith.constant 16 : index
        %get3A_133 = tpu.vector_load %arg17[%get3A_131, %get3A_132] {strides = array<i32>} : memref<128x128xf32, #tpu.memory_space<vmem>>, vector<1x16xf32>,
        %get3A_134 = vector.shape_cast %get3A_133 : vector<1x16xf32> to vector<16xf32>
        %add3A_135 = arith.addf %get3A_126, %get3A_134 : vector<16xf32>
        %sub3A_136 = arith.subf %add3A_135, %get3A_130 : vector<16xf32>
        %abs3A_137 = math.absf %sub3A_136 : vector<16xf32>
        %add3A_138 = arith.addf %add3A_122, %abs3A_137 : vector<16xf32>
        %get3A_139 = arith.index_cast %add3A_107 : i32 to index
        %get3A_140 = arith.constant 32 : index
        %get3A_141 = tpu.vector_load %arg15[%get3A_139, %get3A_140] {strides = array<i32>} : memref<128x128xf32, #tpu.memory_space<vmem>>, vector<1x16xf32>,
        %get3A_142 = vector.shape_cast %get3A_141 : vector<1x16xf32> to vector<16xf32>
        %get3A_143 = arith.index_cast %add3A_107 : i32 to index
        %get3A_144 = arith.constant 32 : index
        %get3A_145 = tpu.vector_load %arg16[%get3A_143, %get3A_144] {strides = array<i32>} : memref<128x128xf32, #tpu.memory_space<vmem>>, vector<1x16xf32>,
        %get3A_146 = vector.shape_cast %get3A_145 : vector<1x16xf32> to vector<16xf32>
        %get3A_147 = arith.index_cast %add3A_107 : i32 to index
        %get3A_148 = arith.constant 32 : index
        %get3A_149 = tpu.vector_load %arg17[%get3A_147, %get3A_148] {strides = array<i32>} : memref<128x128xf32, #tpu.memory_space<vmem>>, vector<1x16xf32>,
        %get3A_150 = vector.shape_cast %get3A_149 : vector<1x16xf32> to vector<16xf32>
        %add3A_151 = arith.addf %get3A_142, %get3A_150 : vector<16xf32>
        %sub3A_152 = arith.subf %add3A_151, %get3A_146 : vector<16xf32>
        %abs3A_153 = math.absf %sub3A_152 : vector<16xf32>
        %add3A_154 = arith.addf %add3A_138, %abs3A_153 : vector<16xf32>
        %get3A_155 = arith.index_cast %add3A_107 : i32 to index
        %get3A_156 = arith.constant 48 : index
        %get3A_157 = tpu.vector_load %arg15[%get3A_155, %get3A_156] {strides = array<i32>} : memref<128x128xf32, #tpu.memory_space<vmem>>, vector<1x16xf32>,
        %get3A_158 = vector.shape_cast %get3A_157 : vector<1x16xf32> to vector<16xf32>
        %get3A_159 = arith.index_cast %add3A_107 : i32 to index
        %get3A_160 = arith.constant 48 : index
        %get3A_161 = tpu.vector_load %arg16[%get3A_159, %get3A_160] {strides = array<i32>} : memref<128x128xf32, #tpu.memory_space<vmem>>, vector<1x16xf32>,
        %get3A_162 = vector.shape_cast %get3A_161 : vector<1x16xf32> to vector<16xf32>
        %get3A_163 = arith.index_cast %add3A_107 : i32 to index
        %get3A_164 = arith.constant 48 : index
        %get3A_165 = tpu.vector_load %arg17[%get3A_163, %get3A_164] {strides = array<i32>} : memref<128x128xf32, #tpu.memory_space<vmem>>, vector<1x16xf32>,
        %get3A_166 = vector.shape_cast %get3A_165 : vector<1x16xf32> to vector<16xf32>
        %add3A_167 = arith.addf %get3A_158, %get3A_166 : vector<16xf32>
        %sub3A_168 = arith.subf %add3A_167, %get3A_162 : vector<16xf32>
        %abs3A_169 = math.absf %sub3A_168 : vector<16xf32>
        %add3A_170 = arith.addf %add3A_154, %abs3A_169 : vector<16xf32>
        %broadcast_in_dim3A_171 = vector.shape_cast %xor3A_4 : vector<16xi32> to vector<16x1xi32>
        %gather3A = vector.shape_cast %broadcast_in_dim3A_171 : vector<16x1xi32> to vector<16xi32>
        %gather3A_172 = tpu.dynamic_gather %add3A_170[%gather3A] in [0] : vector<16xf32>, vector<16xi32> -> vector<16xf32>
        %add3A_173 = arith.addf %add3A_170, %gather3A_172 : vector<16xf32>
        %broadcast_in_dim3A_174 = vector.shape_cast %xor3A_7 : vector<16xi32> to vector<16x1xi32>
        %gather3A_175 = vector.shape_cast %broadcast_in_dim3A_174 : vector<16x1xi32> to vector<16xi32>
        %gather3A_176 = tpu.dynamic_gather %add3A_173[%gather3A_175] in [0] : vector<16xf32>, vector<16xi32> -> vector<16xf32>
        %add3A_177 = arith.addf %add3A_173, %gather3A_176 : vector<16xf32>
        %broadcast_in_dim3A_178 = vector.shape_cast %xor3A_10 : vector<16xi32> to vector<16x1xi32>
        %gather3A_179 = vector.shape_cast %broadcast_in_dim3A_178 : vector<16x1xi32> to vector<16xi32>
        %gather3A_180 = tpu.dynamic_gather %add3A_177[%gather3A_179] in [0] : vector<16xf32>, vector<16xi32> -> vector<16xf32>
        %add3A_181 = arith.addf %add3A_177, %gather3A_180 : vector<16xf32>
        %broadcast_in_dim3A_182 = vector.shape_cast %xor3A_13 : vector<16xi32> to vector<16x1xi32>
        %gather3A_183 = vector.shape_cast %broadcast_in_dim3A_182 : vector<16x1xi32> to vector<16xi32>
        %gather3A_184 = tpu.dynamic_gather %add3A_181[%gather3A_183] in [0] : vector<16xf32>, vector<16xi32> -> vector<16xf32>
        %add3A_185 = arith.addf %add3A_181, %gather3A_184 : vector<16xf32>
        %eq3A = arith.constant 0 : i32
        %eq3A_186 = vector.broadcast %eq3A : i32 to vector<16xi32>
        %eq3A_187 = arith.cmpi eq, %iota3A, %eq3A_186 : vector<16xi32>
        %select_n3A = arith.select %eq3A_187, %add3A_185, %broadcast_in_dim3A_103 : vector<16xi1>, vector<16xf32>
        %mul3A_188 = arith.constant 16 : i32
        %mul3A_189 = arith.muli %scan3A_102, %mul3A_188 : i32
        %add3A_190 = arith.constant 1 : i32
        %add3A_191 = arith.addi %mul3A_189, %add3A_190 : i32
        %broadcast_in_dim3A_192 = arith.constant 0.000000e+00 : f32
        %broadcast_in_dim3A_193 = vector.broadcast %broadcast_in_dim3A_192 : f32 to vector<16xf32>
        %get3A_194 = arith.index_cast %add3A_191 : i32 to index
        %get3A_195 = arith.constant 0 : index
        %get3A_196 = tpu.vector_load %arg15[%get3A_194, %get3A_195] {strides = array<i32>} : memref<128x128xf32, #tpu.memory_space<vmem>>, vector<1x16xf32>,
        %get3A_197 = vector.shape_cast %get3A_196 : vector<1x16xf32> to vector<16xf32>
        %get3A_198 = arith.index_cast %add3A_191 : i32 to index
        %get3A_199 = arith.constant 0 : index
        %get3A_200 = tpu.vector_load %arg16[%get3A_198, %get3A_199] {strides = array<i32>} : memref<128x128xf32, #tpu.memory_space<vmem>>, vector<1x16xf32>,
        %get3A_201 = vector.shape_cast %get3A_200 : vector<1x16xf32> to vector<16xf32>
        %get3A_202 = arith.index_cast %add3A_191 : i32 to index
        %get3A_203 = arith.constant 0 : index
        %get3A_204 = tpu.vector_load %arg17[%get3A_202, %get3A_203] {strides = array<i32>} : memref<128x128xf32, #tpu.memory_space<vmem>>, vector<1x16xf32>,
        %get3A_205 = vector.shape_cast %get3A_204 : vector<1x16xf32> to vector<16xf32>
        %add3A_206 = arith.addf %get3A_197, %get3A_205 : vector<16xf32>
        %sub3A_207 = arith.subf %add3A_206, %get3A_201 : vector<16xf32>
        %abs3A_208 = math.absf %sub3A_207 : vector<16xf32>
        %add3A_209 = arith.addf %broadcast_in_dim3A_193, %abs3A_208 : vector<16xf32>
        %get3A_210 = arith.index_cast %add3A_191 : i32 to index
        %get3A_211 = arith.constant 16 : index
        %get3A_212 = tpu.vector_load %arg15[%get3A_210, %get3A_211] {strides = array<i32>} : memref<128x128xf32, #tpu.memory_space<vmem>>, vector<1x16xf32>,
        %get3A_213 = vector.shape_cast %get3A_212 : vector<1x16xf32> to vector<16xf32>
        %get3A_214 = arith.index_cast %add3A_191 : i32 to index
        %get3A_215 = arith.constant 16 : index
        %get3A_216 = tpu.vector_load %arg16[%get3A_214, %get3A_215] {strides = array<i32>} : memref<128x128xf32, #tpu.memory_space<vmem>>, vector<1x16xf32>,
        %get3A_217 = vector.shape_cast %get3A_216 : vector<1x16xf32> to vector<16xf32>
        %get3A_218 = arith.index_cast %add3A_191 : i32 to index
        %get3A_219 = arith.constant 16 : index
        %get3A_220 = tpu.vector_load %arg17[%get3A_218, %get3A_219] {strides = array<i32>} : memref<128x128xf32, #tpu.memory_space<vmem>>, vector<1x16xf32>,
        %get3A_221 = vector.shape_cast %get3A_220 : vector<1x16xf32> to vector<16xf32>
        %add3A_222 = arith.addf %get3A_213, %get3A_221 : vector<16xf32>
        %sub3A_223 = arith.subf %add3A_222, %get3A_217 : vector<16xf32>
        %abs3A_224 = math.absf %sub3A_223 : vector<16xf32>
        %add3A_225 = arith.addf %add3A_209, %abs3A_224 : vector<16xf32>
        %get3A_226 = arith.index_cast %add3A_191 : i32 to index
        %get3A_227 = arith.constant 32 : index
        %get3A_228 = tpu.vector_load %arg15[%get3A_226, %get3A_227] {strides = array<i32>} : memref<128x128xf32, #tpu.memory_space<vmem>>, vector<1x16xf32>,
        %get3A_229 = vector.shape_cast %get3A_228 : vector<1x16xf32> to vector<16xf32>
        %get3A_230 = arith.index_cast %add3A_191 : i32 to index
        %get3A_231 = arith.constant 32 : index
        %get3A_232 = tpu.vector_load %arg16[%get3A_230, %get3A_231] {strides = array<i32>} : memref<128x128xf32, #tpu.memory_space<vmem>>, vector<1x16xf32>,
        %get3A_233 = vector.shape_cast %get3A_232 : vector<1x16xf32> to vector<16xf32>
        %get3A_234 = arith.index_cast %add3A_191 : i32 to index
        %get3A_235 = arith.constant 32 : index
        %get3A_236 = tpu.vector_load %arg17[%get3A_234, %get3A_235] {strides = array<i32>} : memref<128x128xf32, #tpu.memory_space<vmem>>, vector<1x16xf32>,
        %get3A_237 = vector.shape_cast %get3A_236 : vector<1x16xf32> to vector<16xf32>
        %add3A_238 = arith.addf %get3A_229, %get3A_237 : vector<16xf32>
        %sub3A_239 = arith.subf %add3A_238, %get3A_233 : vector<16xf32>
        %abs3A_240 = math.absf %sub3A_239 : vector<16xf32>
        %add3A_241 = arith.addf %add3A_225, %abs3A_240 : vector<16xf32>
        %get3A_242 = arith.index_cast %add3A_191 : i32 to index
        %get3A_243 = arith.constant 48 : index
        %get3A_244 = tpu.vector_load %arg15[%get3A_242, %get3A_243] {strides = array<i32>} : memref<128x128xf32, #tpu.memory_space<vmem>>, vector<1x16xf32>,
        %get3A_245 = vector.shape_cast %get3A_244 : vector<1x16xf32> to vector<16xf32>
        %get3A_246 = arith.index_cast %add3A_191 : i32 to index
        %get3A_247 = arith.constant 48 : index
        %get3A_248 = tpu.vector_load %arg16[%get3A_246, %get3A_247] {strides = array<i32>} : memref<128x128xf32, #tpu.memory_space<vmem>>, vector<1x16xf32>,
        %get3A_249 = vector.shape_cast %get3A_248 : vector<1x16xf32> to vector<16xf32>
        %get3A_250 = arith.index_cast %add3A_191 : i32 to index
        %get3A_251 = arith.constant 48 : index
        %get3A_252 = tpu.vector_load %arg17[%get3A_250, %get3A_251] {strides = array<i32>} : memref<128x128xf32, #tpu.memory_space<vmem>>, vector<1x16xf32>,
        %get3A_253 = vector.shape_cast %get3A_252 : vector<1x16xf32> to vector<16xf32>
        %add3A_254 = arith.addf %get3A_245, %get3A_253 : vector<16xf32>
        %sub3A_255 = arith.subf %add3A_254, %get3A_249 : vector<16xf32>
        %abs3A_256 = math.absf %sub3A_255 : vector<16xf32>
        %add3A_257 = arith.addf %add3A_241, %abs3A_256 : vector<16xf32>
        %broadcast_in_dim3A_258 = vector.shape_cast %xor3A_4 : vector<16xi32> to vector<16x1xi32>
        %gather3A_259 = vector.shape_cast %broadcast_in_dim3A_258 : vector<16x1xi32> to vector<16xi32>
        %gather3A_260 = tpu.dynamic_gather %add3A_257[%gather3A_259] in [0] : vector<16xf32>, vector<16xi32> -> vector<16xf32>
        %add3A_261 = arith.addf %add3A_257, %gather3A_260 : vector<16xf32>
        %broadcast_in_dim3A_262 = vector.shape_cast %xor3A_7 : vector<16xi32> to vector<16x1xi32>
        %gather3A_263 = vector.shape_cast %broadcast_in_dim3A_262 : vector<16x1xi32> to vector<16xi32>
        %gather3A_264 = tpu.dynamic_gather %add3A_261[%gather3A_263] in [0] : vector<16xf32>, vector<16xi32> -> vector<16xf32>
        %add3A_265 = arith.addf %add3A_261, %gather3A_264 : vector<16xf32>
        %broadcast_in_dim3A_266 = vector.shape_cast %xor3A_10 : vector<16xi32> to vector<16x1xi32>
        %gather3A_267 = vector.shape_cast %broadcast_in_dim3A_266 : vector<16x1xi32> to vector<16xi32>
        %gather3A_268 = tpu.dynamic_gather %add3A_265[%gather3A_267] in [0] : vector<16xf32>, vector<16xi32> -> vector<16xf32>
        %add3A_269 = arith.addf %add3A_265, %gather3A_268 : vector<16xf32>
        %broadcast_in_dim3A_270 = vector.shape_cast %xor3A_13 : vector<16xi32> to vector<16x1xi32>
        %gather3A_271 = vector.shape_cast %broadcast_in_dim3A_270 : vector<16x1xi32> to vector<16xi32>
        %gather3A_272 = tpu.dynamic_gather %add3A_269[%gather3A_271] in [0] : vector<16xf32>, vector<16xi32> -> vector<16xf32>
        %add3A_273 = arith.addf %add3A_269, %gather3A_272 : vector<16xf32>
        %eq3A_274 = arith.constant 1 : i32
        %eq3A_275 = vector.broadcast %eq3A_274 : i32 to vector<16xi32>
        %eq3A_276 = arith.cmpi eq, %iota3A, %eq3A_275 : vector<16xi32>
        %select_n3A_277 = arith.select %eq3A_276, %add3A_273, %select_n3A : vector<16xi1>, vector<16xf32>
        %mul3A_278 = arith.constant 16 : i32
        %mul3A_279 = arith.muli %scan3A_102, %mul3A_278 : i32
        %add3A_280 = arith.constant 2 : i32
        %add3A_281 = arith.addi %mul3A_279, %add3A_280 : i32
        %broadcast_in_dim3A_282 = arith.constant 0.000000e+00 : f32
        %broadcast_in_dim3A_283 = vector.broadcast %broadcast_in_dim3A_282 : f32 to vector<16xf32>
        %get3A_284 = arith.index_cast %add3A_281 : i32 to index
        %get3A_285 = arith.constant 0 : index
        %get3A_286 = tpu.vector_load %arg15[%get3A_284, %get3A_285] {strides = array<i32>} : memref<128x128xf32, #tpu.memory_space<vmem>>, vector<1x16xf32>,
        %get3A_287 = vector.shape_cast %get3A_286 : vector<1x16xf32> to vector<16xf32>
        %get3A_288 = arith.index_cast %add3A_281 : i32 to index
        %get3A_289 = arith.constant 0 : index
        %get3A_290 = tpu.vector_load %arg16[%get3A_288, %get3A_289] {strides = array<i32>} : memref<128x128xf32, #tpu.memory_space<vmem>>, vector<1x16xf32>,
        %get3A_291 = vector.shape_cast %get3A_290 : vector<1x16xf32> to vector<16xf32>
        %get3A_292 = arith.index_cast %add3A_281 : i32 to index
        %get3A_293 = arith.constant 0 : index
        %get3A_294 = tpu.vector_load %arg17[%get3A_292, %get3A_293] {strides = array<i32>} : memref<128x128xf32, #tpu.memory_space<vmem>>, vector<1x16xf32>,
        %get3A_295 = vector.shape_cast %get3A_294 : vector<1x16xf32> to vector<16xf32>
        %add3A_296 = arith.addf %get3A_287, %get3A_295 : vector<16xf32>
        %sub3A_297 = arith.subf %add3A_296, %get3A_291 : vector<16xf32>
        %abs3A_298 = math.absf %sub3A_297 : vector<16xf32>
        %add3A_299 = arith.addf %broadcast_in_dim3A_283, %abs3A_298 : vector<16xf32>
        %get3A_300 = arith.index_cast %add3A_281 : i32 to index
        %get3A_301 = arith.constant 16 : index
        %get3A_302 = tpu.vector_load %arg15[%get3A_300, %get3A_301] {strides = array<i32>} : memref<128x128xf32, #tpu.memory_space<vmem>>, vector<1x16xf32>,
        %get3A_303 = vector.shape_cast %get3A_302 : vector<1x16xf32> to vector<16xf32>
        %get3A_304 = arith.index_cast %add3A_281 : i32 to index
        %get3A_305 = arith.constant 16 : index
        %get3A_306 = tpu.vector_load %arg16[%get3A_304, %get3A_305] {strides = array<i32>} : memref<128x128xf32, #tpu.memory_space<vmem>>, vector<1x16xf32>,
        %get3A_307 = vector.shape_cast %get3A_306 : vector<1x16xf32> to vector<16xf32>
        %get3A_308 = arith.index_cast %add3A_281 : i32 to index
        %get3A_309 = arith.constant 16 : index
        %get3A_310 = tpu.vector_load %arg17[%get3A_308, %get3A_309] {strides = array<i32>} : memref<128x128xf32, #tpu.memory_space<vmem>>, vector<1x16xf32>,
        %get3A_311 = vector.shape_cast %get3A_310 : vector<1x16xf32> to vector<16xf32>
        %add3A_312 = arith.addf %get3A_303, %get3A_311 : vector<16xf32>
        %sub3A_313 = arith.subf %add3A_312, %get3A_307 : vector<16xf32>
        %abs3A_314 = math.absf %sub3A_313 : vector<16xf32>
        %add3A_315 = arith.addf %add3A_299, %abs3A_314 : vector<16xf32>
        %get3A_316 = arith.index_cast %add3A_281 : i32 to index
        %get3A_317 = arith.constant 32 : index
        %get3A_318 = tpu.vector_load %arg15[%get3A_316, %get3A_317] {strides = array<i32>} : memref<128x128xf32, #tpu.memory_space<vmem>>, vector<1x16xf32>,
        %get3A_319 = vector.shape_cast %get3A_318 : vector<1x16xf32> to vector<16xf32>
        %get3A_320 = arith.index_cast %add3A_281 : i32 to index
        %get3A_321 = arith.constant 32 : index
        %get3A_322 = tpu.vector_load %arg16[%get3A_320, %get3A_321] {strides = array<i32>} : memref<128x128xf32, #tpu.memory_space<vmem>>, vector<1x16xf32>,
        %get3A_323 = vector.shape_cast %get3A_322 : vector<1x16xf32> to vector<16xf32>
        %get3A_324 = arith.index_cast %add3A_281 : i32 to index
        %get3A_325 = arith.constant 32 : index
        %get3A_326 = tpu.vector_load %arg17[%get3A_324, %get3A_325] {strides = array<i32>} : memref<128x128xf32, #tpu.memory_space<vmem>>, vector<1x16xf32>,
        %get3A_327 = vector.shape_cast %get3A_326 : vector<1x16xf32> to vector<16xf32>
        %add3A_328 = arith.addf %get3A_319, %get3A_327 : vector<16xf32>
        %sub3A_329 = arith.subf %add3A_328, %get3A_323 : vector<16xf32>
        %abs3A_330 = math.absf %sub3A_329 : vector<16xf32>
        %add3A_331 = arith.addf %add3A_315, %abs3A_330 : vector<16xf32>
        %get3A_332 = arith.index_cast %add3A_281 : i32 to index
        %get3A_333 = arith.constant 48 : index
        %get3A_334 = tpu.vector_load %arg15[%get3A_332, %get3A_333] {strides = array<i32>} : memref<128x128xf32, #tpu.memory_space<vmem>>, vector<1x16xf32>,
        %get3A_335 = vector.shape_cast %get3A_334 : vector<1x16xf32> to vector<16xf32>
        %get3A_336 = arith.index_cast %add3A_281 : i32 to index
        %get3A_337 = arith.constant 48 : index
        %get3A_338 = tpu.vector_load %arg16[%get3A_336, %get3A_337] {strides = array<i32>} : memref<128x128xf32, #tpu.memory_space<vmem>>, vector<1x16xf32>,
        %get3A_339 = vector.shape_cast %get3A_338 : vector<1x16xf32> to vector<16xf32>
        %get3A_340 = arith.index_cast %add3A_281 : i32 to index
        %get3A_341 = arith.constant 48 : index
        %get3A_342 = tpu.vector_load %arg17[%get3A_340, %get3A_341] {strides = array<i32>} : memref<128x128xf32, #tpu.memory_space<vmem>>, vector<1x16xf32>,
        %get3A_343 = vector.shape_cast %get3A_342 : vector<1x16xf32> to vector<16xf32>
        %add3A_344 = arith.addf %get3A_335, %get3A_343 : vector<16xf32>
        %sub3A_345 = arith.subf %add3A_344, %get3A_339 : vector<16xf32>
        %abs3A_346 = math.absf %sub3A_345 : vector<16xf32>
        %add3A_347 = arith.addf %add3A_331, %abs3A_346 : vector<16xf32>
        %broadcast_in_dim3A_348 = vector.shape_cast %xor3A_4 : vector<16xi32> to vector<16x1xi32>
        %gather3A_349 = vector.shape_cast %broadcast_in_dim3A_348 : vector<16x1xi32> to vector<16xi32>
        %gather3A_350 = tpu.dynamic_gather %add3A_347[%gather3A_349] in [0] : vector<16xf32>, vector<16xi32> -> vector<16xf32>
        %add3A_351 = arith.addf %add3A_347, %gather3A_350 : vector<16xf32>
        %broadcast_in_dim3A_352 = vector.shape_cast %xor3A_7 : vector<16xi32> to vector<16x1xi32>
        %gather3A_353 = vector.shape_cast %broadcast_in_dim3A_352 : vector<16x1xi32> to vector<16xi32>
        %gather3A_354 = tpu.dynamic_gather %add3A_351[%gather3A_353] in [0] : vector<16xf32>, vector<16xi32> -> vector<16xf32>
        %add3A_355 = arith.addf %add3A_351, %gather3A_354 : vector<16xf32>
        %broadcast_in_dim3A_356 = vector.shape_cast %xor3A_10 : vector<16xi32> to vector<16x1xi32>
        %gather3A_357 = vector.shape_cast %broadcast_in_dim3A_356 : vector<16x1xi32> to vector<16xi32>
        %gather3A_358 = tpu.dynamic_gather %add3A_355[%gather3A_357] in [0] : vector<16xf32>, vector<16xi32> -> vector<16xf32>
        %add3A_359 = arith.addf %add3A_355, %gather3A_358 : vector<16xf32>
        %broadcast_in_dim3A_360 = vector.shape_cast %xor3A_13 : vector<16xi32> to vector<16x1xi32>
        %gather3A_361 = vector.shape_cast %broadcast_in_dim3A_360 : vector<16x1xi32> to vector<16xi32>
        %gather3A_362 = tpu.dynamic_gather %add3A_359[%gather3A_361] in [0] : vector<16xf32>, vector<16xi32> -> vector<16xf32>
        %add3A_363 = arith.addf %add3A_359, %gather3A_362 : vector<16xf32>
        %eq3A_364 = arith.constant 2 : i32
        %eq3A_365 = vector.broadcast %eq3A_364 : i32 to vector<16xi32>
        %eq3A_366 = arith.cmpi eq, %iota3A, %eq3A_365 : vector<16xi32>
        %select_n3A_367 = arith.select %eq3A_366, %add3A_363, %select_n3A_277 : vector<16xi1>, vector<16xf32>
        %mul3A_368 = arith.constant 16 : i32
        %mul3A_369 = arith.muli %scan3A_102, %mul3A_368 : i32
        %add3A_370 = arith.constant 3 : i32
        %add3A_371 = arith.addi %mul3A_369, %add3A_370 : i32
        %broadcast_in_dim3A_372 = arith.constant 0.000000e+00 : f32
        %broadcast_in_dim3A_373 = vector.broadcast %broadcast_in_dim3A_372 : f32 to vector<16xf32>
        %get3A_374 = arith.index_cast %add3A_371 : i32 to index
        %get3A_375 = arith.constant 0 : index
        %get3A_376 = tpu.vector_load %arg15[%get3A_374, %get3A_375] {strides = array<i32>} : memref<128x128xf32, #tpu.memory_space<vmem>>, vector<1x16xf32>,
        %get3A_377 = vector.shape_cast %get3A_376 : vector<1x16xf32> to vector<16xf32>
        %get3A_378 = arith.index_cast %add3A_371 : i32 to index
        %get3A_379 = arith.constant 0 : index
        %get3A_380 = tpu.vector_load %arg16[%get3A_378, %get3A_379] {strides = array<i32>} : memref<128x128xf32, #tpu.memory_space<vmem>>, vector<1x16xf32>,
        %get3A_381 = vector.shape_cast %get3A_380 : vector<1x16xf32> to vector<16xf32>
        %get3A_382 = arith.index_cast %add3A_371 : i32 to index
        %get3A_383 = arith.constant 0 : index
        %get3A_384 = tpu.vector_load %arg17[%get3A_382, %get3A_383] {strides = array<i32>} : memref<128x128xf32, #tpu.memory_space<vmem>>, vector<1x16xf32>,
        %get3A_385 = vector.shape_cast %get3A_384 : vector<1x16xf32> to vector<16xf32>
        %add3A_386 = arith.addf %get3A_377, %get3A_385 : vector<16xf32>
        %sub3A_387 = arith.subf %add3A_386, %get3A_381 : vector<16xf32>
        %abs3A_388 = math.absf %sub3A_387 : vector<16xf32>
        %add3A_389 = arith.addf %broadcast_in_dim3A_373, %abs3A_388 : vector<16xf32>
        %get3A_390 = arith.index_cast %add3A_371 : i32 to index
        %get3A_391 = arith.constant 16 : index
        %get3A_392 = tpu.vector_load %arg15[%get3A_390, %get3A_391] {strides = array<i32>} : memref<128x128xf32, #tpu.memory_space<vmem>>, vector<1x16xf32>,
        %get3A_393 = vector.shape_cast %get3A_392 : vector<1x16xf32> to vector<16xf32>
        %get3A_394 = arith.index_cast %add3A_371 : i32 to index
        %get3A_395 = arith.constant 16 : index
        %get3A_396 = tpu.vector_load %arg16[%get3A_394, %get3A_395] {strides = array<i32>} : memref<128x128xf32, #tpu.memory_space<vmem>>, vector<1x16xf32>,
        %get3A_397 = vector.shape_cast %get3A_396 : vector<1x16xf32> to vector<16xf32>
        %get3A_398 = arith.index_cast %add3A_371 : i32 to index
        %get3A_399 = arith.constant 16 : index
        %get3A_400 = tpu.vector_load %arg17[%get3A_398, %get3A_399] {strides = array<i32>} : memref<128x128xf32, #tpu.memory_space<vmem>>, vector<1x16xf32>,
        %get3A_401 = vector.shape_cast %get3A_400 : vector<1x16xf32> to vector<16xf32>
        %add3A_402 = arith.addf %get3A_393, %get3A_401 : vector<16xf32>
        %sub3A_403 = arith.subf %add3A_402, %get3A_397 : vector<16xf32>
        %abs3A_404 = math.absf %sub3A_403 : vector<16xf32>
        %add3A_405 = arith.addf %add3A_389, %abs3A_404 : vector<16xf32>
        %get3A_406 = arith.index_cast %add3A_371 : i32 to index
        %get3A_407 = arith.constant 32 : index
        %get3A_408 = tpu.vector_load %arg15[%get3A_406, %get3A_407] {strides = array<i32>} : memref<128x128xf32, #tpu.memory_space<vmem>>, vector<1x16xf32>,
        %get3A_409 = vector.shape_cast %get3A_408 : vector<1x16xf32> to vector<16xf32>
        %get3A_410 = arith.index_cast %add3A_371 : i32 to index
        %get3A_411 = arith.constant 32 : index
        %get3A_412 = tpu.vector_load %arg16[%get3A_410, %get3A_411] {strides = array<i32>} : memref<128x128xf32, #tpu.memory_space<vmem>>, vector<1x16xf32>,
        %get3A_413 = vector.shape_cast %get3A_412 : vector<1x16xf32> to vector<16xf32>
        %get3A_414 = arith.index_cast %add3A_371 : i32 to index
        %get3A_415 = arith.constant 32 : index
        %get3A_416 = tpu.vector_load %arg17[%get3A_414, %get3A_415] {strides = array<i32>} : memref<128x128xf32, #tpu.memory_space<vmem>>, vector<1x16xf32>,
        %get3A_417 = vector.shape_cast %get3A_416 : vector<1x16xf32> to vector<16xf32>
        %add3A_418 = arith.addf %get3A_409, %get3A_417 : vector<16xf32>
        %sub3A_419 = arith.subf %add3A_418, %get3A_413 : vector<16xf32>
        %abs3A_420 = math.absf %sub3A_419 : vector<16xf32>
        %add3A_421 = arith.addf %add3A_405, %abs3A_420 : vector<16xf32>
        %get3A_422 = arith.index_cast %add3A_371 : i32 to index
        %get3A_423 = arith.constant 48 : index
        %get3A_424 = tpu.vector_load %arg15[%get3A_422, %get3A_423] {strides = array<i32>} : memref<128x128xf32, #tpu.memory_space<vmem>>, vector<1x16xf32>,
        %get3A_425 = vector.shape_cast %get3A_424 : vector<1x16xf32> to vector<16xf32>
        %get3A_426 = arith.index_cast %add3A_371 : i32 to index
        %get3A_427 = arith.constant 48 : index
        %get3A_428 = tpu.vector_load %arg16[%get3A_426, %get3A_427] {strides = array<i32>} : memref<128x128xf32, #tpu.memory_space<vmem>>, vector<1x16xf32>,
        %get3A_429 = vector.shape_cast %get3A_428 : vector<1x16xf32> to vector<16xf32>
        %get3A_430 = arith.index_cast %add3A_371 : i32 to index
        %get3A_431 = arith.constant 48 : index
        %get3A_432 = tpu.vector_load %arg17[%get3A_430, %get3A_431] {strides = array<i32>} : memref<128x128xf32, #tpu.memory_space<vmem>>, vector<1x16xf32>,
        %get3A_433 = vector.shape_cast %get3A_432 : vector<1x16xf32> to vector<16xf32>
        %add3A_434 = arith.addf %get3A_425, %get3A_433 : vector<16xf32>
        %sub3A_435 = arith.subf %add3A_434, %get3A_429 : vector<16xf32>
        %abs3A_436 = math.absf %sub3A_435 : vector<16xf32>
        %add3A_437 = arith.addf %add3A_421, %abs3A_436 : vector<16xf32>
        %broadcast_in_dim3A_438 = vector.shape_cast %xor3A_4 : vector<16xi32> to vector<16x1xi32>
        %gather3A_439 = vector.shape_cast %broadcast_in_dim3A_438 : vector<16x1xi32> to vector<16xi32>
        %gather3A_440 = tpu.dynamic_gather %add3A_437[%gather3A_439] in [0] : vector<16xf32>, vector<16xi32> -> vector<16xf32>
        %add3A_441 = arith.addf %add3A_437, %gather3A_440 : vector<16xf32>
        %broadcast_in_dim3A_442 = vector.shape_cast %xor3A_7 : vector<16xi32> to vector<16x1xi32>
        %gather3A_443 = vector.shape_cast %broadcast_in_dim3A_442 : vector<16x1xi32> to vector<16xi32>
        %gather3A_444 = tpu.dynamic_gather %add3A_441[%gather3A_443] in [0] : vector<16xf32>, vector<16xi32> -> vector<16xf32>
        %add3A_445 = arith.addf %add3A_441, %gather3A_444 : vector<16xf32>
        %broadcast_in_dim3A_446 = vector.shape_cast %xor3A_10 : vector<16xi32> to vector<16x1xi32>
        %gather3A_447 = vector.shape_cast %broadcast_in_dim3A_446 : vector<16x1xi32> to vector<16xi32>
        %gather3A_448 = tpu.dynamic_gather %add3A_445[%gather3A_447] in [0] : vector<16xf32>, vector<16xi32> -> vector<16xf32>
        %add3A_449 = arith.addf %add3A_445, %gather3A_448 : vector<16xf32>
        %broadcast_in_dim3A_450 = vector.shape_cast %xor3A_13 : vector<16xi32> to vector<16x1xi32>
        %gather3A_451 = vector.shape_cast %broadcast_in_dim3A_450 : vector<16x1xi32> to vector<16xi32>
        %gather3A_452 = tpu.dynamic_gather %add3A_449[%gather3A_451] in [0] : vector<16xf32>, vector<16xi32> -> vector<16xf32>
        %add3A_453 = arith.addf %add3A_449, %gather3A_452 : vector<16xf32>
        %eq3A_454 = arith.constant 3 : i32
        %eq3A_455 = vector.broadcast %eq3A_454 : i32 to vector<16xi32>
        %eq3A_456 = arith.cmpi eq, %iota3A, %eq3A_455 : vector<16xi32>
        %select_n3A_457 = arith.select %eq3A_456, %add3A_453, %select_n3A_367 : vector<16xi1>, vector<16xf32>
        %mul3A_458 = arith.constant 16 : i32
        %mul3A_459 = arith.muli %scan3A_102, %mul3A_458 : i32
        %add3A_460 = arith.constant 4 : i32
        %add3A_461 = arith.addi %mul3A_459, %add3A_460 : i32
        %broadcast_in_dim3A_462 = arith.constant 0.000000e+00 : f32
        %broadcast_in_dim3A_463 = vector.broadcast %broadcast_in_dim3A_462 : f32 to vector<16xf32>
        %get3A_464 = arith.index_cast %add3A_461 : i32 to index
        %get3A_465 = arith.constant 0 : index
        %get3A_466 = tpu.vector_load %arg15[%get3A_464, %get3A_465] {strides = array<i32>} : memref<128x128xf32, #tpu.memory_space<vmem>>, vector<1x16xf32>,
        %get3A_467 = vector.shape_cast %get3A_466 : vector<1x16xf32> to vector<16xf32>
        %get3A_468 = arith.index_cast %add3A_461 : i32 to index
        %get3A_469 = arith.constant 0 : index
        %get3A_470 = tpu.vector_load %arg16[%get3A_468, %get3A_469] {strides = array<i32>} : memref<128x128xf32, #tpu.memory_space<vmem>>, vector<1x16xf32>,
        %get3A_471 = vector.shape_cast %get3A_470 : vector<1x16xf32> to vector<16xf32>
        %get3A_472 = arith.index_cast %add3A_461 : i32 to index
        %get3A_473 = arith.constant 0 : index
        %get3A_474 = tpu.vector_load %arg17[%get3A_472, %get3A_473] {strides = array<i32>} : memref<128x128xf32, #tpu.memory_space<vmem>>, vector<1x16xf32>,
        %get3A_475 = vector.shape_cast %get3A_474 : vector<1x16xf32> to vector<16xf32>
        %add3A_476 = arith.addf %get3A_467, %get3A_475 : vector<16xf32>
        %sub3A_477 = arith.subf %add3A_476, %get3A_471 : vector<16xf32>
        %abs3A_478 = math.absf %sub3A_477 : vector<16xf32>
        %add3A_479 = arith.addf %broadcast_in_dim3A_463, %abs3A_478 : vector<16xf32>
        %get3A_480 = arith.index_cast %add3A_461 : i32 to index
        %get3A_481 = arith.constant 16 : index
        %get3A_482 = tpu.vector_load %arg15[%get3A_480, %get3A_481] {strides = array<i32>} : memref<128x128xf32, #tpu.memory_space<vmem>>, vector<1x16xf32>,
        %get3A_483 = vector.shape_cast %get3A_482 : vector<1x16xf32> to vector<16xf32>
        %get3A_484 = arith.index_cast %add3A_461 : i32 to index
        %get3A_485 = arith.constant 16 : index
        %get3A_486 = tpu.vector_load %arg16[%get3A_484, %get3A_485] {strides = array<i32>} : memref<128x128xf32, #tpu.memory_space<vmem>>, vector<1x16xf32>,
        %get3A_487 = vector.shape_cast %get3A_486 : vector<1x16xf32> to vector<16xf32>
        %get3A_488 = arith.index_cast %add3A_461 : i32 to index
        %get3A_489 = arith.constant 16 : index
        %get3A_490 = tpu.vector_load %arg17[%get3A_488, %get3A_489] {strides = array<i32>} : memref<128x128xf32, #tpu.memory_space<vmem>>, vector<1x16xf32>,
        %get3A_491 = vector.shape_cast %get3A_490 : vector<1x16xf32> to vector<16xf32>
        %add3A_492 = arith.addf %get3A_483, %get3A_491 : vector<16xf32>
        %sub3A_493 = arith.subf %add3A_492, %get3A_487 : vector<16xf32>
        %abs3A_494 = math.absf %sub3A_493 : vector<16xf32>
        %add3A_495 = arith.addf %add3A_479, %abs3A_494 : vector<16xf32>
        %get3A_496 = arith.index_cast %add3A_461 : i32 to index
        %get3A_497 = arith.constant 32 : index
        %get3A_498 = tpu.vector_load %arg15[%get3A_496, %get3A_497] {strides = array<i32>} : memref<128x128xf32, #tpu.memory_space<vmem>>, vector<1x16xf32>,
        %get3A_499 = vector.shape_cast %get3A_498 : vector<1x16xf32> to vector<16xf32>
        %get3A_500 = arith.index_cast %add3A_461 : i32 to index
        %get3A_501 = arith.constant 32 : index
        %get3A_502 = tpu.vector_load %arg16[%get3A_500, %get3A_501] {strides = array<i32>} : memref<128x128xf32, #tpu.memory_space<vmem>>, vector<1x16xf32>,
        %get3A_503 = vector.shape_cast %get3A_502 : vector<1x16xf32> to vector<16xf32>
        %get3A_504 = arith.index_cast %add3A_461 : i32 to index
        %get3A_505 = arith.constant 32 : index
        %get3A_506 = tpu.vector_load %arg17[%get3A_504, %get3A_505] {strides = array<i32>} : memref<128x128xf32, #tpu.memory_space<vmem>>, vector<1x16xf32>,
        %get3A_507 = vector.shape_cast %get3A_506 : vector<1x16xf32> to vector<16xf32>
        %add3A_508 = arith.addf %get3A_499, %get3A_507 : vector<16xf32>
        %sub3A_509 = arith.subf %add3A_508, %get3A_503 : vector<16xf32>
        %abs3A_510 = math.absf %sub3A_509 : vector<16xf32>
        %add3A_511 = arith.addf %add3A_495, %abs3A_510 : vector<16xf32>
        %get3A_512 = arith.index_cast %add3A_461 : i32 to index
        %get3A_513 = arith.constant 48 : index
        %get3A_514 = tpu.vector_load %arg15[%get3A_512, %get3A_513] {strides = array<i32>} : memref<128x128xf32, #tpu.memory_space<vmem>>, vector<1x16xf32>,
        %get3A_515 = vector.shape_cast %get3A_514 : vector<1x16xf32> to vector<16xf32>
        %get3A_516 = arith.index_cast %add3A_461 : i32 to index
        %get3A_517 = arith.constant 48 : index
        %get3A_518 = tpu.vector_load %arg16[%get3A_516, %get3A_517] {strides = array<i32>} : memref<128x128xf32, #tpu.memory_space<vmem>>, vector<1x16xf32>,
        %get3A_519 = vector.shape_cast %get3A_518 : vector<1x16xf32> to vector<16xf32>
        %get3A_520 = arith.index_cast %add3A_461 : i32 to index
        %get3A_521 = arith.constant 48 : index
        %get3A_522 = tpu.vector_load %arg17[%get3A_520, %get3A_521] {strides = array<i32>} : memref<128x128xf32, #tpu.memory_space<vmem>>, vector<1x16xf32>,
        %get3A_523 = vector.shape_cast %get3A_522 : vector<1x16xf32> to vector<16xf32>
        %add3A_524 = arith.addf %get3A_515, %get3A_523 : vector<16xf32>
        %sub3A_525 = arith.subf %add3A_524, %get3A_519 : vector<16xf32>
        %abs3A_526 = math.absf %sub3A_525 : vector<16xf32>
        %add3A_527 = arith.addf %add3A_511, %abs3A_526 : vector<16xf32>
        %broadcast_in_dim3A_528 = vector.shape_cast %xor3A_4 : vector<16xi32> to vector<16x1xi32>
        %gather3A_529 = vector.shape_cast %broadcast_in_dim3A_528 : vector<16x1xi32> to vector<16xi32>
        %gather3A_530 = tpu.dynamic_gather %add3A_527[%gather3A_529] in [0] : vector<16xf32>, vector<16xi32> -> vector<16xf32>
        %add3A_531 = arith.addf %add3A_527, %gather3A_530 : vector<16xf32>
        %broadcast_in_dim3A_532 = vector.shape_cast %xor3A_7 : vector<16xi32> to vector<16x1xi32>
        %gather3A_533 = vector.shape_cast %broadcast_in_dim3A_532 : vector<16x1xi32> to vector<16xi32>
        %gather3A_534 = tpu.dynamic_gather %add3A_531[%gather3A_533] in [0] : vector<16xf32>, vector<16xi32> -> vector<16xf32>
        %add3A_535 = arith.addf %add3A_531, %gather3A_534 : vector<16xf32>
        %broadcast_in_dim3A_536 = vector.shape_cast %xor3A_10 : vector<16xi32> to vector<16x1xi32>
        %gather3A_537 = vector.shape_cast %broadcast_in_dim3A_536 : vector<16x1xi32> to vector<16xi32>
        %gather3A_538 = tpu.dynamic_gather %add3A_535[%gather3A_537] in [0] : vector<16xf32>, vector<16xi32> -> vector<16xf32>
        %add3A_539 = arith.addf %add3A_535, %gather3A_538 : vector<16xf32>
        %broadcast_in_dim3A_540 = vector.shape_cast %xor3A_13 : vector<16xi32> to vector<16x1xi32>
        %gather3A_541 = vector.shape_cast %broadcast_in_dim3A_540 : vector<16x1xi32> to vector<16xi32>
        %gather3A_542 = tpu.dynamic_gather %add3A_539[%gather3A_541] in [0] : vector<16xf32>, vector<16xi32> -> vector<16xf32>
        %add3A_543 = arith.addf %add3A_539, %gather3A_542 : vector<16xf32>
        %eq3A_544 = arith.constant 4 : i32
        %eq3A_545 = vector.broadcast %eq3A_544 : i32 to vector<16xi32>
        %eq3A_546 = arith.cmpi eq, %iota3A, %eq3A_545 : vector<16xi32>
        %select_n3A_547 = arith.select %eq3A_546, %add3A_543, %select_n3A_457 : vector<16xi1>, vector<16xf32>
        %mul3A_548 = arith.constant 16 : i32
        %mul3A_549 = arith.muli %scan3A_102, %mul3A_548 : i32
        %add3A_550 = arith.constant 5 : i32
        %add3A_551 = arith.addi %mul3A_549, %add3A_550 : i32
        %broadcast_in_dim3A_552 = arith.constant 0.000000e+00 : f32
        %broadcast_in_dim3A_553 = vector.broadcast %broadcast_in_dim3A_552 : f32 to vector<16xf32>
        %get3A_554 = arith.index_cast %add3A_551 : i32 to index
        %get3A_555 = arith.constant 0 : index
        %get3A_556 = tpu.vector_load %arg15[%get3A_554, %get3A_555] {strides = array<i32>} : memref<128x128xf32, #tpu.memory_space<vmem>>, vector<1x16xf32>,
        %get3A_557 = vector.shape_cast %get3A_556 : vector<1x16xf32> to vector<16xf32>
        %get3A_558 = arith.index_cast %add3A_551 : i32 to index
        %get3A_559 = arith.constant 0 : index
        %get3A_560 = tpu.vector_load %arg16[%get3A_558, %get3A_559] {strides = array<i32>} : memref<128x128xf32, #tpu.memory_space<vmem>>, vector<1x16xf32>,
        %get3A_561 = vector.shape_cast %get3A_560 : vector<1x16xf32> to vector<16xf32>
        %get3A_562 = arith.index_cast %add3A_551 : i32 to index
        %get3A_563 = arith.constant 0 : index
        %get3A_564 = tpu.vector_load %arg17[%get3A_562, %get3A_563] {strides = array<i32>} : memref<128x128xf32, #tpu.memory_space<vmem>>, vector<1x16xf32>,
        %get3A_565 = vector.shape_cast %get3A_564 : vector<1x16xf32> to vector<16xf32>
        %add3A_566 = arith.addf %get3A_557, %get3A_565 : vector<16xf32>
        %sub3A_567 = arith.subf %add3A_566, %get3A_561 : vector<16xf32>
        %abs3A_568 = math.absf %sub3A_567 : vector<16xf32>
        %add3A_569 = arith.addf %broadcast_in_dim3A_553, %abs3A_568 : vector<16xf32>
        %get3A_570 = arith.index_cast %add3A_551 : i32 to index
        %get3A_571 = arith.constant 16 : index
        %get3A_572 = tpu.vector_load %arg15[%get3A_570, %get3A_571] {strides = array<i32>} : memref<128x128xf32, #tpu.memory_space<vmem>>, vector<1x16xf32>,
        %get3A_573 = vector.shape_cast %get3A_572 : vector<1x16xf32> to vector<16xf32>
        %get3A_574 = arith.index_cast %add3A_551 : i32 to index
        %get3A_575 = arith.constant 16 : index
        %get3A_576 = tpu.vector_load %arg16[%get3A_574, %get3A_575] {strides = array<i32>} : memref<128x128xf32, #tpu.memory_space<vmem>>, vector<1x16xf32>,
        %get3A_577 = vector.shape_cast %get3A_576 : vector<1x16xf32> to vector<16xf32>
        %get3A_578 = arith.index_cast %add3A_551 : i32 to index
        %get3A_579 = arith.constant 16 : index
        %get3A_580 = tpu.vector_load %arg17[%get3A_578, %get3A_579] {strides = array<i32>} : memref<128x128xf32, #tpu.memory_space<vmem>>, vector<1x16xf32>,
        %get3A_581 = vector.shape_cast %get3A_580 : vector<1x16xf32> to vector<16xf32>
        %add3A_582 = arith.addf %get3A_573, %get3A_581 : vector<16xf32>
        %sub3A_583 = arith.subf %add3A_582, %get3A_577 : vector<16xf32>
        %abs3A_584 = math.absf %sub3A_583 : vector<16xf32>
        %add3A_585 = arith.addf %add3A_569, %abs3A_584 : vector<16xf32>
        %get3A_586 = arith.index_cast %add3A_551 : i32 to index
        %get3A_587 = arith.constant 32 : index
        %get3A_588 = tpu.vector_load %arg15[%get3A_586, %get3A_587] {strides = array<i32>} : memref<128x128xf32, #tpu.memory_space<vmem>>, vector<1x16xf32>,
        %get3A_589 = vector.shape_cast %get3A_588 : vector<1x16xf32> to vector<16xf32>
        %get3A_590 = arith.index_cast %add3A_551 : i32 to index
        %get3A_591 = arith.constant 32 : index
        %get3A_592 = tpu.vector_load %arg16[%get3A_590, %get3A_591] {strides = array<i32>} : memref<128x128xf32, #tpu.memory_space<vmem>>, vector<1x16xf32>,
        %get3A_593 = vector.shape_cast %get3A_592 : vector<1x16xf32> to vector<16xf32>
        %get3A_594 = arith.index_cast %add3A_551 : i32 to index
        %get3A_595 = arith.constant 32 : index
        %get3A_596 = tpu.vector_load %arg17[%get3A_594, %get3A_595] {strides = array<i32>} : memref<128x128xf32, #tpu.memory_space<vmem>>, vector<1x16xf32>,
        %get3A_597 = vector.shape_cast %get3A_596 : vector<1x16xf32> to vector<16xf32>
        %add3A_598 = arith.addf %get3A_589, %get3A_597 : vector<16xf32>
        %sub3A_599 = arith.subf %add3A_598, %get3A_593 : vector<16xf32>
        %abs3A_600 = math.absf %sub3A_599 : vector<16xf32>
        %add3A_601 = arith.addf %add3A_585, %abs3A_600 : vector<16xf32>
        %get3A_602 = arith.index_cast %add3A_551 : i32 to index
        %get3A_603 = arith.constant 48 : index
        %get3A_604 = tpu.vector_load %arg15[%get3A_602, %get3A_603] {strides = array<i32>} : memref<128x128xf32, #tpu.memory_space<vmem>>, vector<1x16xf32>,
        %get3A_605 = vector.shape_cast %get3A_604 : vector<1x16xf32> to vector<16xf32>
        %get3A_606 = arith.index_cast %add3A_551 : i32 to index
        %get3A_607 = arith.constant 48 : index
        %get3A_608 = tpu.vector_load %arg16[%get3A_606, %get3A_607] {strides = array<i32>} : memref<128x128xf32, #tpu.memory_space<vmem>>, vector<1x16xf32>,
        %get3A_609 = vector.shape_cast %get3A_608 : vector<1x16xf32> to vector<16xf32>
        %get3A_610 = arith.index_cast %add3A_551 : i32 to index
        %get3A_611 = arith.constant 48 : index
        %get3A_612 = tpu.vector_load %arg17[%get3A_610, %get3A_611] {strides = array<i32>} : memref<128x128xf32, #tpu.memory_space<vmem>>, vector<1x16xf32>,
        %get3A_613 = vector.shape_cast %get3A_612 : vector<1x16xf32> to vector<16xf32>
        %add3A_614 = arith.addf %get3A_605, %get3A_613 : vector<16xf32>
        %sub3A_615 = arith.subf %add3A_614, %get3A_609 : vector<16xf32>
        %abs3A_616 = math.absf %sub3A_615 : vector<16xf32>
        %add3A_617 = arith.addf %add3A_601, %abs3A_616 : vector<16xf32>
        %broadcast_in_dim3A_618 = vector.shape_cast %xor3A_4 : vector<16xi32> to vector<16x1xi32>
        %gather3A_619 = vector.shape_cast %broadcast_in_dim3A_618 : vector<16x1xi32> to vector<16xi32>
        %gather3A_620 = tpu.dynamic_gather %add3A_617[%gather3A_619] in [0] : vector<16xf32>, vector<16xi32> -> vector<16xf32>
        %add3A_621 = arith.addf %add3A_617, %gather3A_620 : vector<16xf32>
        %broadcast_in_dim3A_622 = vector.shape_cast %xor3A_7 : vector<16xi32> to vector<16x1xi32>
        %gather3A_623 = vector.shape_cast %broadcast_in_dim3A_622 : vector<16x1xi32> to vector<16xi32>
        %gather3A_624 = tpu.dynamic_gather %add3A_621[%gather3A_623] in [0] : vector<16xf32>, vector<16xi32> -> vector<16xf32>
        %add3A_625 = arith.addf %add3A_621, %gather3A_624 : vector<16xf32>
        %broadcast_in_dim3A_626 = vector.shape_cast %xor3A_10 : vector<16xi32> to vector<16x1xi32>
        %gather3A_627 = vector.shape_cast %broadcast_in_dim3A_626 : vector<16x1xi32> to vector<16xi32>
        %gather3A_628 = tpu.dynamic_gather %add3A_625[%gather3A_627] in [0] : vector<16xf32>, vector<16xi32> -> vector<16xf32>
        %add3A_629 = arith.addf %add3A_625, %gather3A_628 : vector<16xf32>
        %broadcast_in_dim3A_630 = vector.shape_cast %xor3A_13 : vector<16xi32> to vector<16x1xi32>
        %gather3A_631 = vector.shape_cast %broadcast_in_dim3A_630 : vector<16x1xi32> to vector<16xi32>
        %gather3A_632 = tpu.dynamic_gather %add3A_629[%gather3A_631] in [0] : vector<16xf32>, vector<16xi32> -> vector<16xf32>
        %add3A_633 = arith.addf %add3A_629, %gather3A_632 : vector<16xf32>
        %eq3A_634 = arith.constant 5 : i32
        %eq3A_635 = vector.broadcast %eq3A_634 : i32 to vector<16xi32>
        %eq3A_636 = arith.cmpi eq, %iota3A, %eq3A_635 : vector<16xi32>
        %select_n3A_637 = arith.select %eq3A_636, %add3A_633, %select_n3A_547 : vector<16xi1>, vector<16xf32>
        %mul3A_638 = arith.constant 16 : i32
        %mul3A_639 = arith.muli %scan3A_102, %mul3A_638 : i32
        %add3A_640 = arith.constant 6 : i32
        %add3A_641 = arith.addi %mul3A_639, %add3A_640 : i32
        %broadcast_in_dim3A_642 = arith.constant 0.000000e+00 : f32
        %broadcast_in_dim3A_643 = vector.broadcast %broadcast_in_dim3A_642 : f32 to vector<16xf32>
        %get3A_644 = arith.index_cast %add3A_641 : i32 to index
        %get3A_645 = arith.constant 0 : index
        %get3A_646 = tpu.vector_load %arg15[%get3A_644, %get3A_645] {strides = array<i32>} : memref<128x128xf32, #tpu.memory_space<vmem>>, vector<1x16xf32>,
        %get3A_647 = vector.shape_cast %get3A_646 : vector<1x16xf32> to vector<16xf32>
        %get3A_648 = arith.index_cast %add3A_641 : i32 to index
        %get3A_649 = arith.constant 0 : index
        %get3A_650 = tpu.vector_load %arg16[%get3A_648, %get3A_649] {strides = array<i32>} : memref<128x128xf32, #tpu.memory_space<vmem>>, vector<1x16xf32>,
        %get3A_651 = vector.shape_cast %get3A_650 : vector<1x16xf32> to vector<16xf32>
        %get3A_652 = arith.index_cast %add3A_641 : i32 to index
        %get3A_653 = arith.constant 0 : index
        %get3A_654 = tpu.vector_load %arg17[%get3A_652, %get3A_653] {strides = array<i32>} : memref<128x128xf32, #tpu.memory_space<vmem>>, vector<1x16xf32>,
        %get3A_655 = vector.shape_cast %get3A_654 : vector<1x16xf32> to vector<16xf32>
        %add3A_656 = arith.addf %get3A_647, %get3A_655 : vector<16xf32>
        %sub3A_657 = arith.subf %add3A_656, %get3A_651 : vector<16xf32>
        %abs3A_658 = math.absf %sub3A_657 : vector<16xf32>
        %add3A_659 = arith.addf %broadcast_in_dim3A_643, %abs3A_658 : vector<16xf32>
        %get3A_660 = arith.index_cast %add3A_641 : i32 to index
        %get3A_661 = arith.constant 16 : index
        %get3A_662 = tpu.vector_load %arg15[%get3A_660, %get3A_661] {strides = array<i32>} : memref<128x128xf32, #tpu.memory_space<vmem>>, vector<1x16xf32>,
        %get3A_663 = vector.shape_cast %get3A_662 : vector<1x16xf32> to vector<16xf32>
        %get3A_664 = arith.index_cast %add3A_641 : i32 to index
        %get3A_665 = arith.constant 16 : index
        %get3A_666 = tpu.vector_load %arg16[%get3A_664, %get3A_665] {strides = array<i32>} : memref<128x128xf32, #tpu.memory_space<vmem>>, vector<1x16xf32>,
        %get3A_667 = vector.shape_cast %get3A_666 : vector<1x16xf32> to vector<16xf32>
        %get3A_668 = arith.index_cast %add3A_641 : i32 to index
        %get3A_669 = arith.constant 16 : index
        %get3A_670 = tpu.vector_load %arg17[%get3A_668, %get3A_669] {strides = array<i32>} : memref<128x128xf32, #tpu.memory_space<vmem>>, vector<1x16xf32>,
        %get3A_671 = vector.shape_cast %get3A_670 : vector<1x16xf32> to vector<16xf32>
        %add3A_672 = arith.addf %get3A_663, %get3A_671 : vector<16xf32>
        %sub3A_673 = arith.subf %add3A_672, %get3A_667 : vector<16xf32>
        %abs3A_674 = math.absf %sub3A_673 : vector<16xf32>
        %add3A_675 = arith.addf %add3A_659, %abs3A_674 : vector<16xf32>
        %get3A_676 = arith.index_cast %add3A_641 : i32 to index
        %get3A_677 = arith.constant 32 : index
        %get3A_678 = tpu.vector_load %arg15[%get3A_676, %get3A_677] {strides = array<i32>} : memref<128x128xf32, #tpu.memory_space<vmem>>, vector<1x16xf32>,
        %get3A_679 = vector.shape_cast %get3A_678 : vector<1x16xf32> to vector<16xf32>
        %get3A_680 = arith.index_cast %add3A_641 : i32 to index
        %get3A_681 = arith.constant 32 : index
        %get3A_682 = tpu.vector_load %arg16[%get3A_680, %get3A_681] {strides = array<i32>} : memref<128x128xf32, #tpu.memory_space<vmem>>, vector<1x16xf32>,
        %get3A_683 = vector.shape_cast %get3A_682 : vector<1x16xf32> to vector<16xf32>
        %get3A_684 = arith.index_cast %add3A_641 : i32 to index
        %get3A_685 = arith.constant 32 : index
        %get3A_686 = tpu.vector_load %arg17[%get3A_684, %get3A_685] {strides = array<i32>} : memref<128x128xf32, #tpu.memory_space<vmem>>, vector<1x16xf32>,
        %get3A_687 = vector.shape_cast %get3A_686 : vector<1x16xf32> to vector<16xf32>
        %add3A_688 = arith.addf %get3A_679, %get3A_687 : vector<16xf32>
        %sub3A_689 = arith.subf %add3A_688, %get3A_683 : vector<16xf32>
        %abs3A_690 = math.absf %sub3A_689 : vector<16xf32>
        %add3A_691 = arith.addf %add3A_675, %abs3A_690 : vector<16xf32>
        %get3A_692 = arith.index_cast %add3A_641 : i32 to index
        %get3A_693 = arith.constant 48 : index
        %get3A_694 = tpu.vector_load %arg15[%get3A_692, %get3A_693] {strides = array<i32>} : memref<128x128xf32, #tpu.memory_space<vmem>>, vector<1x16xf32>,
        %get3A_695 = vector.shape_cast %get3A_694 : vector<1x16xf32> to vector<16xf32>
        %get3A_696 = arith.index_cast %add3A_641 : i32 to index
        %get3A_697 = arith.constant 48 : index
        %get3A_698 = tpu.vector_load %arg16[%get3A_696, %get3A_697] {strides = array<i32>} : memref<128x128xf32, #tpu.memory_space<vmem>>, vector<1x16xf32>,
        %get3A_699 = vector.shape_cast %get3A_698 : vector<1x16xf32> to vector<16xf32>
        %get3A_700 = arith.index_cast %add3A_641 : i32 to index
        %get3A_701 = arith.constant 48 : index
        %get3A_702 = tpu.vector_load %arg17[%get3A_700, %get3A_701] {strides = array<i32>} : memref<128x128xf32, #tpu.memory_space<vmem>>, vector<1x16xf32>,
        %get3A_703 = vector.shape_cast %get3A_702 : vector<1x16xf32> to vector<16xf32>
        %add3A_704 = arith.addf %get3A_695, %get3A_703 : vector<16xf32>
        %sub3A_705 = arith.subf %add3A_704, %get3A_699 : vector<16xf32>
        %abs3A_706 = math.absf %sub3A_705 : vector<16xf32>
        %add3A_707 = arith.addf %add3A_691, %abs3A_706 : vector<16xf32>
        %broadcast_in_dim3A_708 = vector.shape_cast %xor3A_4 : vector<16xi32> to vector<16x1xi32>
        %gather3A_709 = vector.shape_cast %broadcast_in_dim3A_708 : vector<16x1xi32> to vector<16xi32>
        %gather3A_710 = tpu.dynamic_gather %add3A_707[%gather3A_709] in [0] : vector<16xf32>, vector<16xi32> -> vector<16xf32>
        %add3A_711 = arith.addf %add3A_707, %gather3A_710 : vector<16xf32>
        %broadcast_in_dim3A_712 = vector.shape_cast %xor3A_7 : vector<16xi32> to vector<16x1xi32>
        %gather3A_713 = vector.shape_cast %broadcast_in_dim3A_712 : vector<16x1xi32> to vector<16xi32>
        %gather3A_714 = tpu.dynamic_gather %add3A_711[%gather3A_713] in [0] : vector<16xf32>, vector<16xi32> -> vector<16xf32>
        %add3A_715 = arith.addf %add3A_711, %gather3A_714 : vector<16xf32>
        %broadcast_in_dim3A_716 = vector.shape_cast %xor3A_10 : vector<16xi32> to vector<16x1xi32>
        %gather3A_717 = vector.shape_cast %broadcast_in_dim3A_716 : vector<16x1xi32> to vector<16xi32>
        %gather3A_718 = tpu.dynamic_gather %add3A_715[%gather3A_717] in [0] : vector<16xf32>, vector<16xi32> -> vector<16xf32>
        %add3A_719 = arith.addf %add3A_715, %gather3A_718 : vector<16xf32>
        %broadcast_in_dim3A_720 = vector.shape_cast %xor3A_13 : vector<16xi32> to vector<16x1xi32>
        %gather3A_721 = vector.shape_cast %broadcast_in_dim3A_720 : vector<16x1xi32> to vector<16xi32>
        %gather3A_722 = tpu.dynamic_gather %add3A_719[%gather3A_721] in [0] : vector<16xf32>, vector<16xi32> -> vector<16xf32>
        %add3A_723 = arith.addf %add3A_719, %gather3A_722 : vector<16xf32>
        %eq3A_724 = arith.constant 6 : i32
        %eq3A_725 = vector.broadcast %eq3A_724 : i32 to vector<16xi32>
        %eq3A_726 = arith.cmpi eq, %iota3A, %eq3A_725 : vector<16xi32>
        %select_n3A_727 = arith.select %eq3A_726, %add3A_723, %select_n3A_637 : vector<16xi1>, vector<16xf32>
        %mul3A_728 = arith.constant 16 : i32
        %mul3A_729 = arith.muli %scan3A_102, %mul3A_728 : i32
        %add3A_730 = arith.constant 7 : i32
        %add3A_731 = arith.addi %mul3A_729, %add3A_730 : i32
        %broadcast_in_dim3A_732 = arith.constant 0.000000e+00 : f32
        %broadcast_in_dim3A_733 = vector.broadcast %broadcast_in_dim3A_732 : f32 to vector<16xf32>
        %get3A_734 = arith.index_cast %add3A_731 : i32 to index
        %get3A_735 = arith.constant 0 : index
        %get3A_736 = tpu.vector_load %arg15[%get3A_734, %get3A_735] {strides = array<i32>} : memref<128x128xf32, #tpu.memory_space<vmem>>, vector<1x16xf32>,
        %get3A_737 = vector.shape_cast %get3A_736 : vector<1x16xf32> to vector<16xf32>
        %get3A_738 = arith.index_cast %add3A_731 : i32 to index
        %get3A_739 = arith.constant 0 : index
        %get3A_740 = tpu.vector_load %arg16[%get3A_738, %get3A_739] {strides = array<i32>} : memref<128x128xf32, #tpu.memory_space<vmem>>, vector<1x16xf32>,
        %get3A_741 = vector.shape_cast %get3A_740 : vector<1x16xf32> to vector<16xf32>
        %get3A_742 = arith.index_cast %add3A_731 : i32 to index
        %get3A_743 = arith.constant 0 : index
        %get3A_744 = tpu.vector_load %arg17[%get3A_742, %get3A_743] {strides = array<i32>} : memref<128x128xf32, #tpu.memory_space<vmem>>, vector<1x16xf32>,
        %get3A_745 = vector.shape_cast %get3A_744 : vector<1x16xf32> to vector<16xf32>
        %add3A_746 = arith.addf %get3A_737, %get3A_745 : vector<16xf32>
        %sub3A_747 = arith.subf %add3A_746, %get3A_741 : vector<16xf32>
        %abs3A_748 = math.absf %sub3A_747 : vector<16xf32>
        %add3A_749 = arith.addf %broadcast_in_dim3A_733, %abs3A_748 : vector<16xf32>
        %get3A_750 = arith.index_cast %add3A_731 : i32 to index
        %get3A_751 = arith.constant 16 : index
        %get3A_752 = tpu.vector_load %arg15[%get3A_750, %get3A_751] {strides = array<i32>} : memref<128x128xf32, #tpu.memory_space<vmem>>, vector<1x16xf32>,
        %get3A_753 = vector.shape_cast %get3A_752 : vector<1x16xf32> to vector<16xf32>
        %get3A_754 = arith.index_cast %add3A_731 : i32 to index
        %get3A_755 = arith.constant 16 : index
        %get3A_756 = tpu.vector_load %arg16[%get3A_754, %get3A_755] {strides = array<i32>} : memref<128x128xf32, #tpu.memory_space<vmem>>, vector<1x16xf32>,
        %get3A_757 = vector.shape_cast %get3A_756 : vector<1x16xf32> to vector<16xf32>
        %get3A_758 = arith.index_cast %add3A_731 : i32 to index
        %get3A_759 = arith.constant 16 : index
        %get3A_760 = tpu.vector_load %arg17[%get3A_758, %get3A_759] {strides = array<i32>} : memref<128x128xf32, #tpu.memory_space<vmem>>, vector<1x16xf32>,
        %get3A_761 = vector.shape_cast %get3A_760 : vector<1x16xf32> to vector<16xf32>
        %add3A_762 = arith.addf %get3A_753, %get3A_761 : vector<16xf32>
        %sub3A_763 = arith.subf %add3A_762, %get3A_757 : vector<16xf32>
        %abs3A_764 = math.absf %sub3A_763 : vector<16xf32>
        %add3A_765 = arith.addf %add3A_749, %abs3A_764 : vector<16xf32>
        %get3A_766 = arith.index_cast %add3A_731 : i32 to index
        %get3A_767 = arith.constant 32 : index
        %get3A_768 = tpu.vector_load %arg15[%get3A_766, %get3A_767] {strides = array<i32>} : memref<128x128xf32, #tpu.memory_space<vmem>>, vector<1x16xf32>,
        %get3A_769 = vector.shape_cast %get3A_768 : vector<1x16xf32> to vector<16xf32>
        %get3A_770 = arith.index_cast %add3A_731 : i32 to index
        %get3A_771 = arith.constant 32 : index
        %get3A_772 = tpu.vector_load %arg16[%get3A_770, %get3A_771] {strides = array<i32>} : memref<128x128xf32, #tpu.memory_space<vmem>>, vector<1x16xf32>,
        %get3A_773 = vector.shape_cast %get3A_772 : vector<1x16xf32> to vector<16xf32>
        %get3A_774 = arith.index_cast %add3A_731 : i32 to index
        %get3A_775 = arith.constant 32 : index
        %get3A_776 = tpu.vector_load %arg17[%get3A_774, %get3A_775] {strides = array<i32>} : memref<128x128xf32, #tpu.memory_space<vmem>>, vector<1x16xf32>,
        %get3A_777 = vector.shape_cast %get3A_776 : vector<1x16xf32> to vector<16xf32>
        %add3A_778 = arith.addf %get3A_769, %get3A_777 : vector<16xf32>
        %sub3A_779 = arith.subf %add3A_778, %get3A_773 : vector<16xf32>
        %abs3A_780 = math.absf %sub3A_779 : vector<16xf32>
        %add3A_781 = arith.addf %add3A_765, %abs3A_780 : vector<16xf32>
        %get3A_782 = arith.index_cast %add3A_731 : i32 to index
        %get3A_783 = arith.constant 48 : index
        %get3A_784 = tpu.vector_load %arg15[%get3A_782, %get3A_783] {strides = array<i32>} : memref<128x128xf32, #tpu.memory_space<vmem>>, vector<1x16xf32>,
        %get3A_785 = vector.shape_cast %get3A_784 : vector<1x16xf32> to vector<16xf32>
        %get3A_786 = arith.index_cast %add3A_731 : i32 to index
        %get3A_787 = arith.constant 48 : index
        %get3A_788 = tpu.vector_load %arg16[%get3A_786, %get3A_787] {strides = array<i32>} : memref<128x128xf32, #tpu.memory_space<vmem>>, vector<1x16xf32>,
        %get3A_789 = vector.shape_cast %get3A_788 : vector<1x16xf32> to vector<16xf32>
        %get3A_790 = arith.index_cast %add3A_731 : i32 to index
        %get3A_791 = arith.constant 48 : index
        %get3A_792 = tpu.vector_load %arg17[%get3A_790, %get3A_791] {strides = array<i32>} : memref<128x128xf32, #tpu.memory_space<vmem>>, vector<1x16xf32>,
        %get3A_793 = vector.shape_cast %get3A_792 : vector<1x16xf32> to vector<16xf32>
        %add3A_794 = arith.addf %get3A_785, %get3A_793 : vector<16xf32>
        %sub3A_795 = arith.subf %add3A_794, %get3A_789 : vector<16xf32>
        %abs3A_796 = math.absf %sub3A_795 : vector<16xf32>
        %add3A_797 = arith.addf %add3A_781, %abs3A_796 : vector<16xf32>
        %broadcast_in_dim3A_798 = vector.shape_cast %xor3A_4 : vector<16xi32> to vector<16x1xi32>
        %gather3A_799 = vector.shape_cast %broadcast_in_dim3A_798 : vector<16x1xi32> to vector<16xi32>
        %gather3A_800 = tpu.dynamic_gather %add3A_797[%gather3A_799] in [0] : vector<16xf32>, vector<16xi32> -> vector<16xf32>
        %add3A_801 = arith.addf %add3A_797, %gather3A_800 : vector<16xf32>
        %broadcast_in_dim3A_802 = vector.shape_cast %xor3A_7 : vector<16xi32> to vector<16x1xi32>
        %gather3A_803 = vector.shape_cast %broadcast_in_dim3A_802 : vector<16x1xi32> to vector<16xi32>
        %gather3A_804 = tpu.dynamic_gather %add3A_801[%gather3A_803] in [0] : vector<16xf32>, vector<16xi32> -> vector<16xf32>
        %add3A_805 = arith.addf %add3A_801, %gather3A_804 : vector<16xf32>
        %broadcast_in_dim3A_806 = vector.shape_cast %xor3A_10 : vector<16xi32> to vector<16x1xi32>
        %gather3A_807 = vector.shape_cast %broadcast_in_dim3A_806 : vector<16x1xi32> to vector<16xi32>
        %gather3A_808 = tpu.dynamic_gather %add3A_805[%gather3A_807] in [0] : vector<16xf32>, vector<16xi32> -> vector<16xf32>
        %add3A_809 = arith.addf %add3A_805, %gather3A_808 : vector<16xf32>
        %broadcast_in_dim3A_810 = vector.shape_cast %xor3A_13 : vector<16xi32> to vector<16x1xi32>
        %gather3A_811 = vector.shape_cast %broadcast_in_dim3A_810 : vector<16x1xi32> to vector<16xi32>
        %gather3A_812 = tpu.dynamic_gather %add3A_809[%gather3A_811] in [0] : vector<16xf32>, vector<16xi32> -> vector<16xf32>
        %add3A_813 = arith.addf %add3A_809, %gather3A_812 : vector<16xf32>
        %eq3A_814 = arith.constant 7 : i32
        %eq3A_815 = vector.broadcast %eq3A_814 : i32 to vector<16xi32>
        %eq3A_816 = arith.cmpi eq, %iota3A, %eq3A_815 : vector<16xi32>
        %select_n3A_817 = arith.select %eq3A_816, %add3A_813, %select_n3A_727 : vector<16xi1>, vector<16xf32>
        %mul3A_818 = arith.constant 16 : i32
        %mul3A_819 = arith.muli %scan3A_102, %mul3A_818 : i32
        %add3A_820 = arith.constant 8 : i32
        %add3A_821 = arith.addi %mul3A_819, %add3A_820 : i32
        %broadcast_in_dim3A_822 = arith.constant 0.000000e+00 : f32
        %broadcast_in_dim3A_823 = vector.broadcast %broadcast_in_dim3A_822 : f32 to vector<16xf32>
        %get3A_824 = arith.index_cast %add3A_821 : i32 to index
        %get3A_825 = arith.constant 0 : index
        %get3A_826 = tpu.vector_load %arg15[%get3A_824, %get3A_825] {strides = array<i32>} : memref<128x128xf32, #tpu.memory_space<vmem>>, vector<1x16xf32>,
        %get3A_827 = vector.shape_cast %get3A_826 : vector<1x16xf32> to vector<16xf32>
        %get3A_828 = arith.index_cast %add3A_821 : i32 to index
        %get3A_829 = arith.constant 0 : index
        %get3A_830 = tpu.vector_load %arg16[%get3A_828, %get3A_829] {strides = array<i32>} : memref<128x128xf32, #tpu.memory_space<vmem>>, vector<1x16xf32>,
        %get3A_831 = vector.shape_cast %get3A_830 : vector<1x16xf32> to vector<16xf32>
        %get3A_832 = arith.index_cast %add3A_821 : i32 to index
        %get3A_833 = arith.constant 0 : index
        %get3A_834 = tpu.vector_load %arg17[%get3A_832, %get3A_833] {strides = array<i32>} : memref<128x128xf32, #tpu.memory_space<vmem>>, vector<1x16xf32>,
        %get3A_835 = vector.shape_cast %get3A_834 : vector<1x16xf32> to vector<16xf32>
        %add3A_836 = arith.addf %get3A_827, %get3A_835 : vector<16xf32>
        %sub3A_837 = arith.subf %add3A_836, %get3A_831 : vector<16xf32>
        %abs3A_838 = math.absf %sub3A_837 : vector<16xf32>
        %add3A_839 = arith.addf %broadcast_in_dim3A_823, %abs3A_838 : vector<16xf32>
        %get3A_840 = arith.index_cast %add3A_821 : i32 to index
        %get3A_841 = arith.constant 16 : index
        %get3A_842 = tpu.vector_load %arg15[%get3A_840, %get3A_841] {strides = array<i32>} : memref<128x128xf32, #tpu.memory_space<vmem>>, vector<1x16xf32>,
        %get3A_843 = vector.shape_cast %get3A_842 : vector<1x16xf32> to vector<16xf32>
        %get3A_844 = arith.index_cast %add3A_821 : i32 to index
        %get3A_845 = arith.constant 16 : index
        %get3A_846 = tpu.vector_load %arg16[%get3A_844, %get3A_845] {strides = array<i32>} : memref<128x128xf32, #tpu.memory_space<vmem>>, vector<1x16xf32>,
        %get3A_847 = vector.shape_cast %get3A_846 : vector<1x16xf32> to vector<16xf32>
        %get3A_848 = arith.index_cast %add3A_821 : i32 to index
        %get3A_849 = arith.constant 16 : index
        %get3A_850 = tpu.vector_load %arg17[%get3A_848, %get3A_849] {strides = array<i32>} : memref<128x128xf32, #tpu.memory_space<vmem>>, vector<1x16xf32>,
        %get3A_851 = vector.shape_cast %get3A_850 : vector<1x16xf32> to vector<16xf32>
        %add3A_852 = arith.addf %get3A_843, %get3A_851 : vector<16xf32>
        %sub3A_853 = arith.subf %add3A_852, %get3A_847 : vector<16xf32>
        %abs3A_854 = math.absf %sub3A_853 : vector<16xf32>
        %add3A_855 = arith.addf %add3A_839, %abs3A_854 : vector<16xf32>
        %get3A_856 = arith.index_cast %add3A_821 : i32 to index
        %get3A_857 = arith.constant 32 : index
        %get3A_858 = tpu.vector_load %arg15[%get3A_856, %get3A_857] {strides = array<i32>} : memref<128x128xf32, #tpu.memory_space<vmem>>, vector<1x16xf32>,
        %get3A_859 = vector.shape_cast %get3A_858 : vector<1x16xf32> to vector<16xf32>
        %get3A_860 = arith.index_cast %add3A_821 : i32 to index
        %get3A_861 = arith.constant 32 : index
        %get3A_862 = tpu.vector_load %arg16[%get3A_860, %get3A_861] {strides = array<i32>} : memref<128x128xf32, #tpu.memory_space<vmem>>, vector<1x16xf32>,
        %get3A_863 = vector.shape_cast %get3A_862 : vector<1x16xf32> to vector<16xf32>
        %get3A_864 = arith.index_cast %add3A_821 : i32 to index
        %get3A_865 = arith.constant 32 : index
        %get3A_866 = tpu.vector_load %arg17[%get3A_864, %get3A_865] {strides = array<i32>} : memref<128x128xf32, #tpu.memory_space<vmem>>, vector<1x16xf32>,
        %get3A_867 = vector.shape_cast %get3A_866 : vector<1x16xf32> to vector<16xf32>
        %add3A_868 = arith.addf %get3A_859, %get3A_867 : vector<16xf32>
        %sub3A_869 = arith.subf %add3A_868, %get3A_863 : vector<16xf32>
        %abs3A_870 = math.absf %sub3A_869 : vector<16xf32>
        %add3A_871 = arith.addf %add3A_855, %abs3A_870 : vector<16xf32>
        %get3A_872 = arith.index_cast %add3A_821 : i32 to index
        %get3A_873 = arith.constant 48 : index
        %get3A_874 = tpu.vector_load %arg15[%get3A_872, %get3A_873] {strides = array<i32>} : memref<128x128xf32, #tpu.memory_space<vmem>>, vector<1x16xf32>,
        %get3A_875 = vector.shape_cast %get3A_874 : vector<1x16xf32> to vector<16xf32>
        %get3A_876 = arith.index_cast %add3A_821 : i32 to index
        %get3A_877 = arith.constant 48 : index
        %get3A_878 = tpu.vector_load %arg16[%get3A_876, %get3A_877] {strides = array<i32>} : memref<128x128xf32, #tpu.memory_space<vmem>>, vector<1x16xf32>,
        %get3A_879 = vector.shape_cast %get3A_878 : vector<1x16xf32> to vector<16xf32>
        %get3A_880 = arith.index_cast %add3A_821 : i32 to index
        %get3A_881 = arith.constant 48 : index
        %get3A_882 = tpu.vector_load %arg17[%get3A_880, %get3A_881] {strides = array<i32>} : memref<128x128xf32, #tpu.memory_space<vmem>>, vector<1x16xf32>,
        %get3A_883 = vector.shape_cast %get3A_882 : vector<1x16xf32> to vector<16xf32>
        %add3A_884 = arith.addf %get3A_875, %get3A_883 : vector<16xf32>
        %sub3A_885 = arith.subf %add3A_884, %get3A_879 : vector<16xf32>
        %abs3A_886 = math.absf %sub3A_885 : vector<16xf32>
        %add3A_887 = arith.addf %add3A_871, %abs3A_886 : vector<16xf32>
        %broadcast_in_dim3A_888 = vector.shape_cast %xor3A_4 : vector<16xi32> to vector<16x1xi32>
        %gather3A_889 = vector.shape_cast %broadcast_in_dim3A_888 : vector<16x1xi32> to vector<16xi32>
        %gather3A_890 = tpu.dynamic_gather %add3A_887[%gather3A_889] in [0] : vector<16xf32>, vector<16xi32> -> vector<16xf32>
        %add3A_891 = arith.addf %add3A_887, %gather3A_890 : vector<16xf32>
        %broadcast_in_dim3A_892 = vector.shape_cast %xor3A_7 : vector<16xi32> to vector<16x1xi32>
        %gather3A_893 = vector.shape_cast %broadcast_in_dim3A_892 : vector<16x1xi32> to vector<16xi32>
        %gather3A_894 = tpu.dynamic_gather %add3A_891[%gather3A_893] in [0] : vector<16xf32>, vector<16xi32> -> vector<16xf32>
        %add3A_895 = arith.addf %add3A_891, %gather3A_894 : vector<16xf32>
        %broadcast_in_dim3A_896 = vector.shape_cast %xor3A_10 : vector<16xi32> to vector<16x1xi32>
        %gather3A_897 = vector.shape_cast %broadcast_in_dim3A_896 : vector<16x1xi32> to vector<16xi32>
        %gather3A_898 = tpu.dynamic_gather %add3A_895[%gather3A_897] in [0] : vector<16xf32>, vector<16xi32> -> vector<16xf32>
        %add3A_899 = arith.addf %add3A_895, %gather3A_898 : vector<16xf32>
        %broadcast_in_dim3A_900 = vector.shape_cast %xor3A_13 : vector<16xi32> to vector<16x1xi32>
        %gather3A_901 = vector.shape_cast %broadcast_in_dim3A_900 : vector<16x1xi32> to vector<16xi32>
        %gather3A_902 = tpu.dynamic_gather %add3A_899[%gather3A_901] in [0] : vector<16xf32>, vector<16xi32> -> vector<16xf32>
        %add3A_903 = arith.addf %add3A_899, %gather3A_902 : vector<16xf32>
        %eq3A_904 = arith.constant 8 : i32
        %eq3A_905 = vector.broadcast %eq3A_904 : i32 to vector<16xi32>
        %eq3A_906 = arith.cmpi eq, %iota3A, %eq3A_905 : vector<16xi32>
        %select_n3A_907 = arith.select %eq3A_906, %add3A_903, %select_n3A_817 : vector<16xi1>, vector<16xf32>
        %mul3A_908 = arith.constant 16 : i32
        %mul3A_909 = arith.muli %scan3A_102, %mul3A_908 : i32
        %add3A_910 = arith.constant 9 : i32
        %add3A_911 = arith.addi %mul3A_909, %add3A_910 : i32
        %broadcast_in_dim3A_912 = arith.constant 0.000000e+00 : f32
        %broadcast_in_dim3A_913 = vector.broadcast %broadcast_in_dim3A_912 : f32 to vector<16xf32>
        %get3A_914 = arith.index_cast %add3A_911 : i32 to index
        %get3A_915 = arith.constant 0 : index
        %get3A_916 = tpu.vector_load %arg15[%get3A_914, %get3A_915] {strides = array<i32>} : memref<128x128xf32, #tpu.memory_space<vmem>>, vector<1x16xf32>,
        %get3A_917 = vector.shape_cast %get3A_916 : vector<1x16xf32> to vector<16xf32>
        %get3A_918 = arith.index_cast %add3A_911 : i32 to index
        %get3A_919 = arith.constant 0 : index
        %get3A_920 = tpu.vector_load %arg16[%get3A_918, %get3A_919] {strides = array<i32>} : memref<128x128xf32, #tpu.memory_space<vmem>>, vector<1x16xf32>,
        %get3A_921 = vector.shape_cast %get3A_920 : vector<1x16xf32> to vector<16xf32>
        %get3A_922 = arith.index_cast %add3A_911 : i32 to index
        %get3A_923 = arith.constant 0 : index
        %get3A_924 = tpu.vector_load %arg17[%get3A_922, %get3A_923] {strides = array<i32>} : memref<128x128xf32, #tpu.memory_space<vmem>>, vector<1x16xf32>,
        %get3A_925 = vector.shape_cast %get3A_924 : vector<1x16xf32> to vector<16xf32>
        %add3A_926 = arith.addf %get3A_917, %get3A_925 : vector<16xf32>
        %sub3A_927 = arith.subf %add3A_926, %get3A_921 : vector<16xf32>
        %abs3A_928 = math.absf %sub3A_927 : vector<16xf32>
        %add3A_929 = arith.addf %broadcast_in_dim3A_913, %abs3A_928 : vector<16xf32>
        %get3A_930 = arith.index_cast %add3A_911 : i32 to index
        %get3A_931 = arith.constant 16 : index
        %get3A_932 = tpu.vector_load %arg15[%get3A_930, %get3A_931] {strides = array<i32>} : memref<128x128xf32, #tpu.memory_space<vmem>>, vector<1x16xf32>,
        %get3A_933 = vector.shape_cast %get3A_932 : vector<1x16xf32> to vector<16xf32>
        %get3A_934 = arith.index_cast %add3A_911 : i32 to index
        %get3A_935 = arith.constant 16 : index
        %get3A_936 = tpu.vector_load %arg16[%get3A_934, %get3A_935] {strides = array<i32>} : memref<128x128xf32, #tpu.memory_space<vmem>>, vector<1x16xf32>,
        %get3A_937 = vector.shape_cast %get3A_936 : vector<1x16xf32> to vector<16xf32>
        %get3A_938 = arith.index_cast %add3A_911 : i32 to index
        %get3A_939 = arith.constant 16 : index
        %get3A_940 = tpu.vector_load %arg17[%get3A_938, %get3A_939] {strides = array<i32>} : memref<128x128xf32, #tpu.memory_space<vmem>>, vector<1x16xf32>,
        %get3A_941 = vector.shape_cast %get3A_940 : vector<1x16xf32> to vector<16xf32>
        %add3A_942 = arith.addf %get3A_933, %get3A_941 : vector<16xf32>
        %sub3A_943 = arith.subf %add3A_942, %get3A_937 : vector<16xf32>
        %abs3A_944 = math.absf %sub3A_943 : vector<16xf32>
        %add3A_945 = arith.addf %add3A_929, %abs3A_944 : vector<16xf32>
        %get3A_946 = arith.index_cast %add3A_911 : i32 to index
        %get3A_947 = arith.constant 32 : index
        %get3A_948 = tpu.vector_load %arg15[%get3A_946, %get3A_947] {strides = array<i32>} : memref<128x128xf32, #tpu.memory_space<vmem>>, vector<1x16xf32>,
        %get3A_949 = vector.shape_cast %get3A_948 : vector<1x16xf32> to vector<16xf32>
        %get3A_950 = arith.index_cast %add3A_911 : i32 to index
        %get3A_951 = arith.constant 32 : index
        %get3A_952 = tpu.vector_load %arg16[%get3A_950, %get3A_951] {strides = array<i32>} : memref<128x128xf32, #tpu.memory_space<vmem>>, vector<1x16xf32>,
        %get3A_953 = vector.shape_cast %get3A_952 : vector<1x16xf32> to vector<16xf32>
        %get3A_954 = arith.index_cast %add3A_911 : i32 to index
        %get3A_955 = arith.constant 32 : index
        %get3A_956 = tpu.vector_load %arg17[%get3A_954, %get3A_955] {strides = array<i32>} : memref<128x128xf32, #tpu.memory_space<vmem>>, vector<1x16xf32>,
        %get3A_957 = vector.shape_cast %get3A_956 : vector<1x16xf32> to vector<16xf32>
        %add3A_958 = arith.addf %get3A_949, %get3A_957 : vector<16xf32>
        %sub3A_959 = arith.subf %add3A_958, %get3A_953 : vector<16xf32>
        %abs3A_960 = math.absf %sub3A_959 : vector<16xf32>
        %add3A_961 = arith.addf %add3A_945, %abs3A_960 : vector<16xf32>
        %get3A_962 = arith.index_cast %add3A_911 : i32 to index
        %get3A_963 = arith.constant 48 : index
        %get3A_964 = tpu.vector_load %arg15[%get3A_962, %get3A_963] {strides = array<i32>} : memref<128x128xf32, #tpu.memory_space<vmem>>, vector<1x16xf32>,
        %get3A_965 = vector.shape_cast %get3A_964 : vector<1x16xf32> to vector<16xf32>
        %get3A_966 = arith.index_cast %add3A_911 : i32 to index
        %get3A_967 = arith.constant 48 : index
        %get3A_968 = tpu.vector_load %arg16[%get3A_966, %get3A_967] {strides = array<i32>} : memref<128x128xf32, #tpu.memory_space<vmem>>, vector<1x16xf32>,
        %get3A_969 = vector.shape_cast %get3A_968 : vector<1x16xf32> to vector<16xf32>
        %get3A_970 = arith.index_cast %add3A_911 : i32 to index
        %get3A_971 = arith.constant 48 : index
        %get3A_972 = tpu.vector_load %arg17[%get3A_970, %get3A_971] {strides = array<i32>} : memref<128x128xf32, #tpu.memory_space<vmem>>, vector<1x16xf32>,
        %get3A_973 = vector.shape_cast %get3A_972 : vector<1x16xf32> to vector<16xf32>
        %add3A_974 = arith.addf %get3A_965, %get3A_973 : vector<16xf32>
        %sub3A_975 = arith.subf %add3A_974, %get3A_969 : vector<16xf32>
        %abs3A_976 = math.absf %sub3A_975 : vector<16xf32>
        %add3A_977 = arith.addf %add3A_961, %abs3A_976 : vector<16xf32>
        %broadcast_in_dim3A_978 = vector.shape_cast %xor3A_4 : vector<16xi32> to vector<16x1xi32>
        %gather3A_979 = vector.shape_cast %broadcast_in_dim3A_978 : vector<16x1xi32> to vector<16xi32>
        %gather3A_980 = tpu.dynamic_gather %add3A_977[%gather3A_979] in [0] : vector<16xf32>, vector<16xi32> -> vector<16xf32>
        %add3A_981 = arith.addf %add3A_977, %gather3A_980 : vector<16xf32>
        %broadcast_in_dim3A_982 = vector.shape_cast %xor3A_7 : vector<16xi32> to vector<16x1xi32>
        %gather3A_983 = vector.shape_cast %broadcast_in_dim3A_982 : vector<16x1xi32> to vector<16xi32>
        %gather3A_984 = tpu.dynamic_gather %add3A_981[%gather3A_983] in [0] : vector<16xf32>, vector<16xi32> -> vector<16xf32>
        %add3A_985 = arith.addf %add3A_981, %gather3A_984 : vector<16xf32>
        %broadcast_in_dim3A_986 = vector.shape_cast %xor3A_10 : vector<16xi32> to vector<16x1xi32>
        %gather3A_987 = vector.shape_cast %broadcast_in_dim3A_986 : vector<16x1xi32> to vector<16xi32>
        %gather3A_988 = tpu.dynamic_gather %add3A_985[%gather3A_987] in [0] : vector<16xf32>, vector<16xi32> -> vector<16xf32>
        %add3A_989 = arith.addf %add3A_985, %gather3A_988 : vector<16xf32>
        %broadcast_in_dim3A_990 = vector.shape_cast %xor3A_13 : vector<16xi32> to vector<16x1xi32>
        %gather3A_991 = vector.shape_cast %broadcast_in_dim3A_990 : vector<16x1xi32> to vector<16xi32>
        %gather3A_992 = tpu.dynamic_gather %add3A_989[%gather3A_991] in [0] : vector<16xf32>, vector<16xi32> -> vector<16xf32>
        %add3A_993 = arith.addf %add3A_989, %gather3A_992 : vector<16xf32>
        %eq3A_994 = arith.constant 9 : i32
        %eq3A_995 = vector.broadcast %eq3A_994 : i32 to vector<16xi32>
        %eq3A_996 = arith.cmpi eq, %iota3A, %eq3A_995 : vector<16xi32>
        %select_n3A_997 = arith.select %eq3A_996, %add3A_993, %select_n3A_907 : vector<16xi1>, vector<16xf32>
        %mul3A_998 = arith.constant 16 : i32
        %mul3A_999 = arith.muli %scan3A_102, %mul3A_998 : i32
        %add3A_1000 = arith.constant 10 : i32
        %add3A_1001 = arith.addi %mul3A_999, %add3A_1000 : i32
        %broadcast_in_dim3A_1002 = arith.constant 0.000000e+00 : f32
        %broadcast_in_dim3A_1003 = vector.broadcast %broadcast_in_dim3A_1002 : f32 to vector<16xf32>
        %get3A_1004 = arith.index_cast %add3A_1001 : i32 to index
        %get3A_1005 = arith.constant 0 : index
        %get3A_1006 = tpu.vector_load %arg15[%get3A_1004, %get3A_1005] {strides = array<i32>} : memref<128x128xf32, #tpu.memory_space<vmem>>, vector<1x16xf32>,
        %get3A_1007 = vector.shape_cast %get3A_1006 : vector<1x16xf32> to vector<16xf32>
        %get3A_1008 = arith.index_cast %add3A_1001 : i32 to index
        %get3A_1009 = arith.constant 0 : index
        %get3A_1010 = tpu.vector_load %arg16[%get3A_1008, %get3A_1009] {strides = array<i32>} : memref<128x128xf32, #tpu.memory_space<vmem>>, vector<1x16xf32>,
        %get3A_1011 = vector.shape_cast %get3A_1010 : vector<1x16xf32> to vector<16xf32>
        %get3A_1012 = arith.index_cast %add3A_1001 : i32 to index
        %get3A_1013 = arith.constant 0 : index
        %get3A_1014 = tpu.vector_load %arg17[%get3A_1012, %get3A_1013] {strides = array<i32>} : memref<128x128xf32, #tpu.memory_space<vmem>>, vector<1x16xf32>,
        %get3A_1015 = vector.shape_cast %get3A_1014 : vector<1x16xf32> to vector<16xf32>
        %add3A_1016 = arith.addf %get3A_1007, %get3A_1015 : vector<16xf32>
        %sub3A_1017 = arith.subf %add3A_1016, %get3A_1011 : vector<16xf32>
        %abs3A_1018 = math.absf %sub3A_1017 : vector<16xf32>
        %add3A_1019 = arith.addf %broadcast_in_dim3A_1003, %abs3A_1018 : vector<16xf32>
        %get3A_1020 = arith.index_cast %add3A_1001 : i32 to index
        %get3A_1021 = arith.constant 16 : index
        %get3A_1022 = tpu.vector_load %arg15[%get3A_1020, %get3A_1021] {strides = array<i32>} : memref<128x128xf32, #tpu.memory_space<vmem>>, vector<1x16xf32>,
        %get3A_1023 = vector.shape_cast %get3A_1022 : vector<1x16xf32> to vector<16xf32>
        %get3A_1024 = arith.index_cast %add3A_1001 : i32 to index
        %get3A_1025 = arith.constant 16 : index
        %get3A_1026 = tpu.vector_load %arg16[%get3A_1024, %get3A_1025] {strides = array<i32>} : memref<128x128xf32, #tpu.memory_space<vmem>>, vector<1x16xf32>,
        %get3A_1027 = vector.shape_cast %get3A_1026 : vector<1x16xf32> to vector<16xf32>
        %get3A_1028 = arith.index_cast %add3A_1001 : i32 to index
        %get3A_1029 = arith.constant 16 : index
        %get3A_1030 = tpu.vector_load %arg17[%get3A_1028, %get3A_1029] {strides = array<i32>} : memref<128x128xf32, #tpu.memory_space<vmem>>, vector<1x16xf32>,
        %get3A_1031 = vector.shape_cast %get3A_1030 : vector<1x16xf32> to vector<16xf32>
        %add3A_1032 = arith.addf %get3A_1023, %get3A_1031 : vector<16xf32>
        %sub3A_1033 = arith.subf %add3A_1032, %get3A_1027 : vector<16xf32>
        %abs3A_1034 = math.absf %sub3A_1033 : vector<16xf32>
        %add3A_1035 = arith.addf %add3A_1019, %abs3A_1034 : vector<16xf32>
        %get3A_1036 = arith.index_cast %add3A_1001 : i32 to index
        %get3A_1037 = arith.constant 32 : index
        %get3A_1038 = tpu.vector_load %arg15[%get3A_1036, %get3A_1037] {strides = array<i32>} : memref<128x128xf32, #tpu.memory_space<vmem>>, vector<1x16xf32>,
        %get3A_1039 = vector.shape_cast %get3A_1038 : vector<1x16xf32> to vector<16xf32>
        %get3A_1040 = arith.index_cast %add3A_1001 : i32 to index
        %get3A_1041 = arith.constant 32 : index
        %get3A_1042 = tpu.vector_load %arg16[%get3A_1040, %get3A_1041] {strides = array<i32>} : memref<128x128xf32, #tpu.memory_space<vmem>>, vector<1x16xf32>,
        %get3A_1043 = vector.shape_cast %get3A_1042 : vector<1x16xf32> to vector<16xf32>
        %get3A_1044 = arith.index_cast %add3A_1001 : i32 to index
        %get3A_1045 = arith.constant 32 : index
        %get3A_1046 = tpu.vector_load %arg17[%get3A_1044, %get3A_1045] {strides = array<i32>} : memref<128x128xf32, #tpu.memory_space<vmem>>, vector<1x16xf32>,
        %get3A_1047 = vector.shape_cast %get3A_1046 : vector<1x16xf32> to vector<16xf32>
        %add3A_1048 = arith.addf %get3A_1039, %get3A_1047 : vector<16xf32>
        %sub3A_1049 = arith.subf %add3A_1048, %get3A_1043 : vector<16xf32>
        %abs3A_1050 = math.absf %sub3A_1049 : vector<16xf32>
        %add3A_1051 = arith.addf %add3A_1035, %abs3A_1050 : vector<16xf32>
        %get3A_1052 = arith.index_cast %add3A_1001 : i32 to index
        %get3A_1053 = arith.constant 48 : index
        %get3A_1054 = tpu.vector_load %arg15[%get3A_1052, %get3A_1053] {strides = array<i32>} : memref<128x128xf32, #tpu.memory_space<vmem>>, vector<1x16xf32>,
        %get3A_1055 = vector.shape_cast %get3A_1054 : vector<1x16xf32> to vector<16xf32>
        %get3A_1056 = arith.index_cast %add3A_1001 : i32 to index
        %get3A_1057 = arith.constant 48 : index
        %get3A_1058 = tpu.vector_load %arg16[%get3A_1056, %get3A_1057] {strides = array<i32>} : memref<128x128xf32, #tpu.memory_space<vmem>>, vector<1x16xf32>,
        %get3A_1059 = vector.shape_cast %get3A_1058 : vector<1x16xf32> to vector<16xf32>
        %get3A_1060 = arith.index_cast %add3A_1001 : i32 to index
        %get3A_1061 = arith.constant 48 : index
        %get3A_1062 = tpu.vector_load %arg17[%get3A_1060, %get3A_1061] {strides = array<i32>} : memref<128x128xf32, #tpu.memory_space<vmem>>, vector<1x16xf32>,
        %get3A_1063 = vector.shape_cast %get3A_1062 : vector<1x16xf32> to vector<16xf32>
        %add3A_1064 = arith.addf %get3A_1055, %get3A_1063 : vector<16xf32>
        %sub3A_1065 = arith.subf %add3A_1064, %get3A_1059 : vector<16xf32>
        %abs3A_1066 = math.absf %sub3A_1065 : vector<16xf32>
        %add3A_1067 = arith.addf %add3A_1051, %abs3A_1066 : vector<16xf32>
        %broadcast_in_dim3A_1068 = vector.shape_cast %xor3A_4 : vector<16xi32> to vector<16x1xi32>
        %gather3A_1069 = vector.shape_cast %broadcast_in_dim3A_1068 : vector<16x1xi32> to vector<16xi32>
        %gather3A_1070 = tpu.dynamic_gather %add3A_1067[%gather3A_1069] in [0] : vector<16xf32>, vector<16xi32> -> vector<16xf32>
        %add3A_1071 = arith.addf %add3A_1067, %gather3A_1070 : vector<16xf32>
        %broadcast_in_dim3A_1072 = vector.shape_cast %xor3A_7 : vector<16xi32> to vector<16x1xi32>
        %gather3A_1073 = vector.shape_cast %broadcast_in_dim3A_1072 : vector<16x1xi32> to vector<16xi32>
        %gather3A_1074 = tpu.dynamic_gather %add3A_1071[%gather3A_1073] in [0] : vector<16xf32>, vector<16xi32> -> vector<16xf32>
        %add3A_1075 = arith.addf %add3A_1071, %gather3A_1074 : vector<16xf32>
        %broadcast_in_dim3A_1076 = vector.shape_cast %xor3A_10 : vector<16xi32> to vector<16x1xi32>
        %gather3A_1077 = vector.shape_cast %broadcast_in_dim3A_1076 : vector<16x1xi32> to vector<16xi32>
        %gather3A_1078 = tpu.dynamic_gather %add3A_1075[%gather3A_1077] in [0] : vector<16xf32>, vector<16xi32> -> vector<16xf32>
        %add3A_1079 = arith.addf %add3A_1075, %gather3A_1078 : vector<16xf32>
        %broadcast_in_dim3A_1080 = vector.shape_cast %xor3A_13 : vector<16xi32> to vector<16x1xi32>
        %gather3A_1081 = vector.shape_cast %broadcast_in_dim3A_1080 : vector<16x1xi32> to vector<16xi32>
        %gather3A_1082 = tpu.dynamic_gather %add3A_1079[%gather3A_1081] in [0] : vector<16xf32>, vector<16xi32> -> vector<16xf32>
        %add3A_1083 = arith.addf %add3A_1079, %gather3A_1082 : vector<16xf32>
        %eq3A_1084 = arith.constant 10 : i32
        %eq3A_1085 = vector.broadcast %eq3A_1084 : i32 to vector<16xi32>
        %eq3A_1086 = arith.cmpi eq, %iota3A, %eq3A_1085 : vector<16xi32>
        %select_n3A_1087 = arith.select %eq3A_1086, %add3A_1083, %select_n3A_997 : vector<16xi1>, vector<16xf32>
        %mul3A_1088 = arith.constant 16 : i32
        %mul3A_1089 = arith.muli %scan3A_102, %mul3A_1088 : i32
        %add3A_1090 = arith.constant 11 : i32
        %add3A_1091 = arith.addi %mul3A_1089, %add3A_1090 : i32
        %broadcast_in_dim3A_1092 = arith.constant 0.000000e+00 : f32
        %broadcast_in_dim3A_1093 = vector.broadcast %broadcast_in_dim3A_1092 : f32 to vector<16xf32>
        %get3A_1094 = arith.index_cast %add3A_1091 : i32 to index
        %get3A_1095 = arith.constant 0 : index
        %get3A_1096 = tpu.vector_load %arg15[%get3A_1094, %get3A_1095] {strides = array<i32>} : memref<128x128xf32, #tpu.memory_space<vmem>>, vector<1x16xf32>,
        %get3A_1097 = vector.shape_cast %get3A_1096 : vector<1x16xf32> to vector<16xf32>
        %get3A_1098 = arith.index_cast %add3A_1091 : i32 to index
        %get3A_1099 = arith.constant 0 : index
        %get3A_1100 = tpu.vector_load %arg16[%get3A_1098, %get3A_1099] {strides = array<i32>} : memref<128x128xf32, #tpu.memory_space<vmem>>, vector<1x16xf32>,
        %get3A_1101 = vector.shape_cast %get3A_1100 : vector<1x16xf32> to vector<16xf32>
        %get3A_1102 = arith.index_cast %add3A_1091 : i32 to index
        %get3A_1103 = arith.constant 0 : index
        %get3A_1104 = tpu.vector_load %arg17[%get3A_1102, %get3A_1103] {strides = array<i32>} : memref<128x128xf32, #tpu.memory_space<vmem>>, vector<1x16xf32>,
        %get3A_1105 = vector.shape_cast %get3A_1104 : vector<1x16xf32> to vector<16xf32>
        %add3A_1106 = arith.addf %get3A_1097, %get3A_1105 : vector<16xf32>
        %sub3A_1107 = arith.subf %add3A_1106, %get3A_1101 : vector<16xf32>
        %abs3A_1108 = math.absf %sub3A_1107 : vector<16xf32>
        %add3A_1109 = arith.addf %broadcast_in_dim3A_1093, %abs3A_1108 : vector<16xf32>
        %get3A_1110 = arith.index_cast %add3A_1091 : i32 to index
        %get3A_1111 = arith.constant 16 : index
        %get3A_1112 = tpu.vector_load %arg15[%get3A_1110, %get3A_1111] {strides = array<i32>} : memref<128x128xf32, #tpu.memory_space<vmem>>, vector<1x16xf32>,
        %get3A_1113 = vector.shape_cast %get3A_1112 : vector<1x16xf32> to vector<16xf32>
        %get3A_1114 = arith.index_cast %add3A_1091 : i32 to index
        %get3A_1115 = arith.constant 16 : index
        %get3A_1116 = tpu.vector_load %arg16[%get3A_1114, %get3A_1115] {strides = array<i32>} : memref<128x128xf32, #tpu.memory_space<vmem>>, vector<1x16xf32>,
        %get3A_1117 = vector.shape_cast %get3A_1116 : vector<1x16xf32> to vector<16xf32>
        %get3A_1118 = arith.index_cast %add3A_1091 : i32 to index
        %get3A_1119 = arith.constant 16 : index
        %get3A_1120 = tpu.vector_load %arg17[%get3A_1118, %get3A_1119] {strides = array<i32>} : memref<128x128xf32, #tpu.memory_space<vmem>>, vector<1x16xf32>,
        %get3A_1121 = vector.shape_cast %get3A_1120 : vector<1x16xf32> to vector<16xf32>
        %add3A_1122 = arith.addf %get3A_1113, %get3A_1121 : vector<16xf32>
        %sub3A_1123 = arith.subf %add3A_1122, %get3A_1117 : vector<16xf32>
        %abs3A_1124 = math.absf %sub3A_1123 : vector<16xf32>
        %add3A_1125 = arith.addf %add3A_1109, %abs3A_1124 : vector<16xf32>
        %get3A_1126 = arith.index_cast %add3A_1091 : i32 to index
        %get3A_1127 = arith.constant 32 : index
        %get3A_1128 = tpu.vector_load %arg15[%get3A_1126, %get3A_1127] {strides = array<i32>} : memref<128x128xf32, #tpu.memory_space<vmem>>, vector<1x16xf32>,
        %get3A_1129 = vector.shape_cast %get3A_1128 : vector<1x16xf32> to vector<16xf32>
        %get3A_1130 = arith.index_cast %add3A_1091 : i32 to index
        %get3A_1131 = arith.constant 32 : index
        %get3A_1132 = tpu.vector_load %arg16[%get3A_1130, %get3A_1131] {strides = array<i32>} : memref<128x128xf32, #tpu.memory_space<vmem>>, vector<1x16xf32>,
        %get3A_1133 = vector.shape_cast %get3A_1132 : vector<1x16xf32> to vector<16xf32>
        %get3A_1134 = arith.index_cast %add3A_1091 : i32 to index
        %get3A_1135 = arith.constant 32 : index
        %get3A_1136 = tpu.vector_load %arg17[%get3A_1134, %get3A_1135] {strides = array<i32>} : memref<128x128xf32, #tpu.memory_space<vmem>>, vector<1x16xf32>,
        %get3A_1137 = vector.shape_cast %get3A_1136 : vector<1x16xf32> to vector<16xf32>
        %add3A_1138 = arith.addf %get3A_1129, %get3A_1137 : vector<16xf32>
        %sub3A_1139 = arith.subf %add3A_1138, %get3A_1133 : vector<16xf32>
        %abs3A_1140 = math.absf %sub3A_1139 : vector<16xf32>
        %add3A_1141 = arith.addf %add3A_1125, %abs3A_1140 : vector<16xf32>
        %get3A_1142 = arith.index_cast %add3A_1091 : i32 to index
        %get3A_1143 = arith.constant 48 : index
        %get3A_1144 = tpu.vector_load %arg15[%get3A_1142, %get3A_1143] {strides = array<i32>} : memref<128x128xf32, #tpu.memory_space<vmem>>, vector<1x16xf32>,
        %get3A_1145 = vector.shape_cast %get3A_1144 : vector<1x16xf32> to vector<16xf32>
        %get3A_1146 = arith.index_cast %add3A_1091 : i32 to index
        %get3A_1147 = arith.constant 48 : index
        %get3A_1148 = tpu.vector_load %arg16[%get3A_1146, %get3A_1147] {strides = array<i32>} : memref<128x128xf32, #tpu.memory_space<vmem>>, vector<1x16xf32>,
        %get3A_1149 = vector.shape_cast %get3A_1148 : vector<1x16xf32> to vector<16xf32>
        %get3A_1150 = arith.index_cast %add3A_1091 : i32 to index
        %get3A_1151 = arith.constant 48 : index
        %get3A_1152 = tpu.vector_load %arg17[%get3A_1150, %get3A_1151] {strides = array<i32>} : memref<128x128xf32, #tpu.memory_space<vmem>>, vector<1x16xf32>,
        %get3A_1153 = vector.shape_cast %get3A_1152 : vector<1x16xf32> to vector<16xf32>
        %add3A_1154 = arith.addf %get3A_1145, %get3A_1153 : vector<16xf32>
        %sub3A_1155 = arith.subf %add3A_1154, %get3A_1149 : vector<16xf32>
        %abs3A_1156 = math.absf %sub3A_1155 : vector<16xf32>
        %add3A_1157 = arith.addf %add3A_1141, %abs3A_1156 : vector<16xf32>
        %broadcast_in_dim3A_1158 = vector.shape_cast %xor3A_4 : vector<16xi32> to vector<16x1xi32>
        %gather3A_1159 = vector.shape_cast %broadcast_in_dim3A_1158 : vector<16x1xi32> to vector<16xi32>
        %gather3A_1160 = tpu.dynamic_gather %add3A_1157[%gather3A_1159] in [0] : vector<16xf32>, vector<16xi32> -> vector<16xf32>
        %add3A_1161 = arith.addf %add3A_1157, %gather3A_1160 : vector<16xf32>
        %broadcast_in_dim3A_1162 = vector.shape_cast %xor3A_7 : vector<16xi32> to vector<16x1xi32>
        %gather3A_1163 = vector.shape_cast %broadcast_in_dim3A_1162 : vector<16x1xi32> to vector<16xi32>
        %gather3A_1164 = tpu.dynamic_gather %add3A_1161[%gather3A_1163] in [0] : vector<16xf32>, vector<16xi32> -> vector<16xf32>
        %add3A_1165 = arith.addf %add3A_1161, %gather3A_1164 : vector<16xf32>
        %broadcast_in_dim3A_1166 = vector.shape_cast %xor3A_10 : vector<16xi32> to vector<16x1xi32>
        %gather3A_1167 = vector.shape_cast %broadcast_in_dim3A_1166 : vector<16x1xi32> to vector<16xi32>
        %gather3A_1168 = tpu.dynamic_gather %add3A_1165[%gather3A_1167] in [0] : vector<16xf32>, vector<16xi32> -> vector<16xf32>
        %add3A_1169 = arith.addf %add3A_1165, %gather3A_1168 : vector<16xf32>
        %broadcast_in_dim3A_1170 = vector.shape_cast %xor3A_13 : vector<16xi32> to vector<16x1xi32>
        %gather3A_1171 = vector.shape_cast %broadcast_in_dim3A_1170 : vector<16x1xi32> to vector<16xi32>
        %gather3A_1172 = tpu.dynamic_gather %add3A_1169[%gather3A_1171] in [0] : vector<16xf32>, vector<16xi32> -> vector<16xf32>
        %add3A_1173 = arith.addf %add3A_1169, %gather3A_1172 : vector<16xf32>
        %eq3A_1174 = arith.constant 11 : i32
        %eq3A_1175 = vector.broadcast %eq3A_1174 : i32 to vector<16xi32>
        %eq3A_1176 = arith.cmpi eq, %iota3A, %eq3A_1175 : vector<16xi32>
        %select_n3A_1177 = arith.select %eq3A_1176, %add3A_1173, %select_n3A_1087 : vector<16xi1>, vector<16xf32>
        %mul3A_1178 = arith.constant 16 : i32
        %mul3A_1179 = arith.muli %scan3A_102, %mul3A_1178 : i32
        %add3A_1180 = arith.constant 12 : i32
        %add3A_1181 = arith.addi %mul3A_1179, %add3A_1180 : i32
        %broadcast_in_dim3A_1182 = arith.constant 0.000000e+00 : f32
        %broadcast_in_dim3A_1183 = vector.broadcast %broadcast_in_dim3A_1182 : f32 to vector<16xf32>
        %get3A_1184 = arith.index_cast %add3A_1181 : i32 to index
        %get3A_1185 = arith.constant 0 : index
        %get3A_1186 = tpu.vector_load %arg15[%get3A_1184, %get3A_1185] {strides = array<i32>} : memref<128x128xf32, #tpu.memory_space<vmem>>, vector<1x16xf32>,
        %get3A_1187 = vector.shape_cast %get3A_1186 : vector<1x16xf32> to vector<16xf32>
        %get3A_1188 = arith.index_cast %add3A_1181 : i32 to index
        %get3A_1189 = arith.constant 0 : index
        %get3A_1190 = tpu.vector_load %arg16[%get3A_1188, %get3A_1189] {strides = array<i32>} : memref<128x128xf32, #tpu.memory_space<vmem>>, vector<1x16xf32>,
        %get3A_1191 = vector.shape_cast %get3A_1190 : vector<1x16xf32> to vector<16xf32>
        %get3A_1192 = arith.index_cast %add3A_1181 : i32 to index
        %get3A_1193 = arith.constant 0 : index
        %get3A_1194 = tpu.vector_load %arg17[%get3A_1192, %get3A_1193] {strides = array<i32>} : memref<128x128xf32, #tpu.memory_space<vmem>>, vector<1x16xf32>,
        %get3A_1195 = vector.shape_cast %get3A_1194 : vector<1x16xf32> to vector<16xf32>
        %add3A_1196 = arith.addf %get3A_1187, %get3A_1195 : vector<16xf32>
        %sub3A_1197 = arith.subf %add3A_1196, %get3A_1191 : vector<16xf32>
        %abs3A_1198 = math.absf %sub3A_1197 : vector<16xf32>
        %add3A_1199 = arith.addf %broadcast_in_dim3A_1183, %abs3A_1198 : vector<16xf32>
        %get3A_1200 = arith.index_cast %add3A_1181 : i32 to index
        %get3A_1201 = arith.constant 16 : index
        %get3A_1202 = tpu.vector_load %arg15[%get3A_1200, %get3A_1201] {strides = array<i32>} : memref<128x128xf32, #tpu.memory_space<vmem>>, vector<1x16xf32>,
        %get3A_1203 = vector.shape_cast %get3A_1202 : vector<1x16xf32> to vector<16xf32>
        %get3A_1204 = arith.index_cast %add3A_1181 : i32 to index
        %get3A_1205 = arith.constant 16 : index
        %get3A_1206 = tpu.vector_load %arg16[%get3A_1204, %get3A_1205] {strides = array<i32>} : memref<128x128xf32, #tpu.memory_space<vmem>>, vector<1x16xf32>,
        %get3A_1207 = vector.shape_cast %get3A_1206 : vector<1x16xf32> to vector<16xf32>
        %get3A_1208 = arith.index_cast %add3A_1181 : i32 to index
        %get3A_1209 = arith.constant 16 : index
        %get3A_1210 = tpu.vector_load %arg17[%get3A_1208, %get3A_1209] {strides = array<i32>} : memref<128x128xf32, #tpu.memory_space<vmem>>, vector<1x16xf32>,
        %get3A_1211 = vector.shape_cast %get3A_1210 : vector<1x16xf32> to vector<16xf32>
        %add3A_1212 = arith.addf %get3A_1203, %get3A_1211 : vector<16xf32>
        %sub3A_1213 = arith.subf %add3A_1212, %get3A_1207 : vector<16xf32>
        %abs3A_1214 = math.absf %sub3A_1213 : vector<16xf32>
        %add3A_1215 = arith.addf %add3A_1199, %abs3A_1214 : vector<16xf32>
        %get3A_1216 = arith.index_cast %add3A_1181 : i32 to index
        %get3A_1217 = arith.constant 32 : index
        %get3A_1218 = tpu.vector_load %arg15[%get3A_1216, %get3A_1217] {strides = array<i32>} : memref<128x128xf32, #tpu.memory_space<vmem>>, vector<1x16xf32>,
        %get3A_1219 = vector.shape_cast %get3A_1218 : vector<1x16xf32> to vector<16xf32>
        %get3A_1220 = arith.index_cast %add3A_1181 : i32 to index
        %get3A_1221 = arith.constant 32 : index
        %get3A_1222 = tpu.vector_load %arg16[%get3A_1220, %get3A_1221] {strides = array<i32>} : memref<128x128xf32, #tpu.memory_space<vmem>>, vector<1x16xf32>,
        %get3A_1223 = vector.shape_cast %get3A_1222 : vector<1x16xf32> to vector<16xf32>
        %get3A_1224 = arith.index_cast %add3A_1181 : i32 to index
        %get3A_1225 = arith.constant 32 : index
        %get3A_1226 = tpu.vector_load %arg17[%get3A_1224, %get3A_1225] {strides = array<i32>} : memref<128x128xf32, #tpu.memory_space<vmem>>, vector<1x16xf32>,
        %get3A_1227 = vector.shape_cast %get3A_1226 : vector<1x16xf32> to vector<16xf32>
        %add3A_1228 = arith.addf %get3A_1219, %get3A_1227 : vector<16xf32>
        %sub3A_1229 = arith.subf %add3A_1228, %get3A_1223 : vector<16xf32>
        %abs3A_1230 = math.absf %sub3A_1229 : vector<16xf32>
        %add3A_1231 = arith.addf %add3A_1215, %abs3A_1230 : vector<16xf32>
        %get3A_1232 = arith.index_cast %add3A_1181 : i32 to index
        %get3A_1233 = arith.constant 48 : index
        %get3A_1234 = tpu.vector_load %arg15[%get3A_1232, %get3A_1233] {strides = array<i32>} : memref<128x128xf32, #tpu.memory_space<vmem>>, vector<1x16xf32>,
        %get3A_1235 = vector.shape_cast %get3A_1234 : vector<1x16xf32> to vector<16xf32>
        %get3A_1236 = arith.index_cast %add3A_1181 : i32 to index
        %get3A_1237 = arith.constant 48 : index
        %get3A_1238 = tpu.vector_load %arg16[%get3A_1236, %get3A_1237] {strides = array<i32>} : memref<128x128xf32, #tpu.memory_space<vmem>>, vector<1x16xf32>,
        %get3A_1239 = vector.shape_cast %get3A_1238 : vector<1x16xf32> to vector<16xf32>
        %get3A_1240 = arith.index_cast %add3A_1181 : i32 to index
        %get3A_1241 = arith.constant 48 : index
        %get3A_1242 = tpu.vector_load %arg17[%get3A_1240, %get3A_1241] {strides = array<i32>} : memref<128x128xf32, #tpu.memory_space<vmem>>, vector<1x16xf32>,
        %get3A_1243 = vector.shape_cast %get3A_1242 : vector<1x16xf32> to vector<16xf32>
        %add3A_1244 = arith.addf %get3A_1235, %get3A_1243 : vector<16xf32>
        %sub3A_1245 = arith.subf %add3A_1244, %get3A_1239 : vector<16xf32>
        %abs3A_1246 = math.absf %sub3A_1245 : vector<16xf32>
        %add3A_1247 = arith.addf %add3A_1231, %abs3A_1246 : vector<16xf32>
        %broadcast_in_dim3A_1248 = vector.shape_cast %xor3A_4 : vector<16xi32> to vector<16x1xi32>
        %gather3A_1249 = vector.shape_cast %broadcast_in_dim3A_1248 : vector<16x1xi32> to vector<16xi32>
        %gather3A_1250 = tpu.dynamic_gather %add3A_1247[%gather3A_1249] in [0] : vector<16xf32>, vector<16xi32> -> vector<16xf32>
        %add3A_1251 = arith.addf %add3A_1247, %gather3A_1250 : vector<16xf32>
        %broadcast_in_dim3A_1252 = vector.shape_cast %xor3A_7 : vector<16xi32> to vector<16x1xi32>
        %gather3A_1253 = vector.shape_cast %broadcast_in_dim3A_1252 : vector<16x1xi32> to vector<16xi32>
        %gather3A_1254 = tpu.dynamic_gather %add3A_1251[%gather3A_1253] in [0] : vector<16xf32>, vector<16xi32> -> vector<16xf32>
        %add3A_1255 = arith.addf %add3A_1251, %gather3A_1254 : vector<16xf32>
        %broadcast_in_dim3A_1256 = vector.shape_cast %xor3A_10 : vector<16xi32> to vector<16x1xi32>
        %gather3A_1257 = vector.shape_cast %broadcast_in_dim3A_1256 : vector<16x1xi32> to vector<16xi32>
        %gather3A_1258 = tpu.dynamic_gather %add3A_1255[%gather3A_1257] in [0] : vector<16xf32>, vector<16xi32> -> vector<16xf32>
        %add3A_1259 = arith.addf %add3A_1255, %gather3A_1258 : vector<16xf32>
        %broadcast_in_dim3A_1260 = vector.shape_cast %xor3A_13 : vector<16xi32> to vector<16x1xi32>
        %gather3A_1261 = vector.shape_cast %broadcast_in_dim3A_1260 : vector<16x1xi32> to vector<16xi32>
        %gather3A_1262 = tpu.dynamic_gather %add3A_1259[%gather3A_1261] in [0] : vector<16xf32>, vector<16xi32> -> vector<16xf32>
        %add3A_1263 = arith.addf %add3A_1259, %gather3A_1262 : vector<16xf32>
        %eq3A_1264 = arith.constant 12 : i32
        %eq3A_1265 = vector.broadcast %eq3A_1264 : i32 to vector<16xi32>
        %eq3A_1266 = arith.cmpi eq, %iota3A, %eq3A_1265 : vector<16xi32>
        %select_n3A_1267 = arith.select %eq3A_1266, %add3A_1263, %select_n3A_1177 : vector<16xi1>, vector<16xf32>
        %mul3A_1268 = arith.constant 16 : i32
        %mul3A_1269 = arith.muli %scan3A_102, %mul3A_1268 : i32
        %add3A_1270 = arith.constant 13 : i32
        %add3A_1271 = arith.addi %mul3A_1269, %add3A_1270 : i32
        %broadcast_in_dim3A_1272 = arith.constant 0.000000e+00 : f32
        %broadcast_in_dim3A_1273 = vector.broadcast %broadcast_in_dim3A_1272 : f32 to vector<16xf32>
        %get3A_1274 = arith.index_cast %add3A_1271 : i32 to index
        %get3A_1275 = arith.constant 0 : index
        %get3A_1276 = tpu.vector_load %arg15[%get3A_1274, %get3A_1275] {strides = array<i32>} : memref<128x128xf32, #tpu.memory_space<vmem>>, vector<1x16xf32>,
        %get3A_1277 = vector.shape_cast %get3A_1276 : vector<1x16xf32> to vector<16xf32>
        %get3A_1278 = arith.index_cast %add3A_1271 : i32 to index
        %get3A_1279 = arith.constant 0 : index
        %get3A_1280 = tpu.vector_load %arg16[%get3A_1278, %get3A_1279] {strides = array<i32>} : memref<128x128xf32, #tpu.memory_space<vmem>>, vector<1x16xf32>,
        %get3A_1281 = vector.shape_cast %get3A_1280 : vector<1x16xf32> to vector<16xf32>
        %get3A_1282 = arith.index_cast %add3A_1271 : i32 to index
        %get3A_1283 = arith.constant 0 : index
        %get3A_1284 = tpu.vector_load %arg17[%get3A_1282, %get3A_1283] {strides = array<i32>} : memref<128x128xf32, #tpu.memory_space<vmem>>, vector<1x16xf32>,
        %get3A_1285 = vector.shape_cast %get3A_1284 : vector<1x16xf32> to vector<16xf32>
        %add3A_1286 = arith.addf %get3A_1277, %get3A_1285 : vector<16xf32>
        %sub3A_1287 = arith.subf %add3A_1286, %get3A_1281 : vector<16xf32>
        %abs3A_1288 = math.absf %sub3A_1287 : vector<16xf32>
        %add3A_1289 = arith.addf %broadcast_in_dim3A_1273, %abs3A_1288 : vector<16xf32>
        %get3A_1290 = arith.index_cast %add3A_1271 : i32 to index
        %get3A_1291 = arith.constant 16 : index
        %get3A_1292 = tpu.vector_load %arg15[%get3A_1290, %get3A_1291] {strides = array<i32>} : memref<128x128xf32, #tpu.memory_space<vmem>>, vector<1x16xf32>,
        %get3A_1293 = vector.shape_cast %get3A_1292 : vector<1x16xf32> to vector<16xf32>
        %get3A_1294 = arith.index_cast %add3A_1271 : i32 to index
        %get3A_1295 = arith.constant 16 : index
        %get3A_1296 = tpu.vector_load %arg16[%get3A_1294, %get3A_1295] {strides = array<i32>} : memref<128x128xf32, #tpu.memory_space<vmem>>, vector<1x16xf32>,
        %get3A_1297 = vector.shape_cast %get3A_1296 : vector<1x16xf32> to vector<16xf32>
        %get3A_1298 = arith.index_cast %add3A_1271 : i32 to index
        %get3A_1299 = arith.constant 16 : index
        %get3A_1300 = tpu.vector_load %arg17[%get3A_1298, %get3A_1299] {strides = array<i32>} : memref<128x128xf32, #tpu.memory_space<vmem>>, vector<1x16xf32>,
        %get3A_1301 = vector.shape_cast %get3A_1300 : vector<1x16xf32> to vector<16xf32>
        %add3A_1302 = arith.addf %get3A_1293, %get3A_1301 : vector<16xf32>
        %sub3A_1303 = arith.subf %add3A_1302, %get3A_1297 : vector<16xf32>
        %abs3A_1304 = math.absf %sub3A_1303 : vector<16xf32>
        %add3A_1305 = arith.addf %add3A_1289, %abs3A_1304 : vector<16xf32>
        %get3A_1306 = arith.index_cast %add3A_1271 : i32 to index
        %get3A_1307 = arith.constant 32 : index
        %get3A_1308 = tpu.vector_load %arg15[%get3A_1306, %get3A_1307] {strides = array<i32>} : memref<128x128xf32, #tpu.memory_space<vmem>>, vector<1x16xf32>,
        %get3A_1309 = vector.shape_cast %get3A_1308 : vector<1x16xf32> to vector<16xf32>
        %get3A_1310 = arith.index_cast %add3A_1271 : i32 to index
        %get3A_1311 = arith.constant 32 : index
        %get3A_1312 = tpu.vector_load %arg16[%get3A_1310, %get3A_1311] {strides = array<i32>} : memref<128x128xf32, #tpu.memory_space<vmem>>, vector<1x16xf32>,
        %get3A_1313 = vector.shape_cast %get3A_1312 : vector<1x16xf32> to vector<16xf32>
        %get3A_1314 = arith.index_cast %add3A_1271 : i32 to index
        %get3A_1315 = arith.constant 32 : index
        %get3A_1316 = tpu.vector_load %arg17[%get3A_1314, %get3A_1315] {strides = array<i32>} : memref<128x128xf32, #tpu.memory_space<vmem>>, vector<1x16xf32>,
        %get3A_1317 = vector.shape_cast %get3A_1316 : vector<1x16xf32> to vector<16xf32>
        %add3A_1318 = arith.addf %get3A_1309, %get3A_1317 : vector<16xf32>
        %sub3A_1319 = arith.subf %add3A_1318, %get3A_1313 : vector<16xf32>
        %abs3A_1320 = math.absf %sub3A_1319 : vector<16xf32>
        %add3A_1321 = arith.addf %add3A_1305, %abs3A_1320 : vector<16xf32>
        %get3A_1322 = arith.index_cast %add3A_1271 : i32 to index
        %get3A_1323 = arith.constant 48 : index
        %get3A_1324 = tpu.vector_load %arg15[%get3A_1322, %get3A_1323] {strides = array<i32>} : memref<128x128xf32, #tpu.memory_space<vmem>>, vector<1x16xf32>,
        %get3A_1325 = vector.shape_cast %get3A_1324 : vector<1x16xf32> to vector<16xf32>
        %get3A_1326 = arith.index_cast %add3A_1271 : i32 to index
        %get3A_1327 = arith.constant 48 : index
        %get3A_1328 = tpu.vector_load %arg16[%get3A_1326, %get3A_1327] {strides = array<i32>} : memref<128x128xf32, #tpu.memory_space<vmem>>, vector<1x16xf32>,
        %get3A_1329 = vector.shape_cast %get3A_1328 : vector<1x16xf32> to vector<16xf32>
        %get3A_1330 = arith.index_cast %add3A_1271 : i32 to index
        %get3A_1331 = arith.constant 48 : index
        %get3A_1332 = tpu.vector_load %arg17[%get3A_1330, %get3A_1331] {strides = array<i32>} : memref<128x128xf32, #tpu.memory_space<vmem>>, vector<1x16xf32>,
        %get3A_1333 = vector.shape_cast %get3A_1332 : vector<1x16xf32> to vector<16xf32>
        %add3A_1334 = arith.addf %get3A_1325, %get3A_1333 : vector<16xf32>
        %sub3A_1335 = arith.subf %add3A_1334, %get3A_1329 : vector<16xf32>
        %abs3A_1336 = math.absf %sub3A_1335 : vector<16xf32>
        %add3A_1337 = arith.addf %add3A_1321, %abs3A_1336 : vector<16xf32>
        %broadcast_in_dim3A_1338 = vector.shape_cast %xor3A_4 : vector<16xi32> to vector<16x1xi32>
        %gather3A_1339 = vector.shape_cast %broadcast_in_dim3A_1338 : vector<16x1xi32> to vector<16xi32>
        %gather3A_1340 = tpu.dynamic_gather %add3A_1337[%gather3A_1339] in [0] : vector<16xf32>, vector<16xi32> -> vector<16xf32>
        %add3A_1341 = arith.addf %add3A_1337, %gather3A_1340 : vector<16xf32>
        %broadcast_in_dim3A_1342 = vector.shape_cast %xor3A_7 : vector<16xi32> to vector<16x1xi32>
        %gather3A_1343 = vector.shape_cast %broadcast_in_dim3A_1342 : vector<16x1xi32> to vector<16xi32>
        %gather3A_1344 = tpu.dynamic_gather %add3A_1341[%gather3A_1343] in [0] : vector<16xf32>, vector<16xi32> -> vector<16xf32>
        %add3A_1345 = arith.addf %add3A_1341, %gather3A_1344 : vector<16xf32>
        %broadcast_in_dim3A_1346 = vector.shape_cast %xor3A_10 : vector<16xi32> to vector<16x1xi32>
        %gather3A_1347 = vector.shape_cast %broadcast_in_dim3A_1346 : vector<16x1xi32> to vector<16xi32>
        %gather3A_1348 = tpu.dynamic_gather %add3A_1345[%gather3A_1347] in [0] : vector<16xf32>, vector<16xi32> -> vector<16xf32>
        %add3A_1349 = arith.addf %add3A_1345, %gather3A_1348 : vector<16xf32>
        %broadcast_in_dim3A_1350 = vector.shape_cast %xor3A_13 : vector<16xi32> to vector<16x1xi32>
        %gather3A_1351 = vector.shape_cast %broadcast_in_dim3A_1350 : vector<16x1xi32> to vector<16xi32>
        %gather3A_1352 = tpu.dynamic_gather %add3A_1349[%gather3A_1351] in [0] : vector<16xf32>, vector<16xi32> -> vector<16xf32>
        %add3A_1353 = arith.addf %add3A_1349, %gather3A_1352 : vector<16xf32>
        %eq3A_1354 = arith.constant 13 : i32
        %eq3A_1355 = vector.broadcast %eq3A_1354 : i32 to vector<16xi32>
        %eq3A_1356 = arith.cmpi eq, %iota3A, %eq3A_1355 : vector<16xi32>
        %select_n3A_1357 = arith.select %eq3A_1356, %add3A_1353, %select_n3A_1267 : vector<16xi1>, vector<16xf32>
        %mul3A_1358 = arith.constant 16 : i32
        %mul3A_1359 = arith.muli %scan3A_102, %mul3A_1358 : i32
        %add3A_1360 = arith.constant 14 : i32
        %add3A_1361 = arith.addi %mul3A_1359, %add3A_1360 : i32
        %broadcast_in_dim3A_1362 = arith.constant 0.000000e+00 : f32
        %broadcast_in_dim3A_1363 = vector.broadcast %broadcast_in_dim3A_1362 : f32 to vector<16xf32>
        %get3A_1364 = arith.index_cast %add3A_1361 : i32 to index
        %get3A_1365 = arith.constant 0 : index
        %get3A_1366 = tpu.vector_load %arg15[%get3A_1364, %get3A_1365] {strides = array<i32>} : memref<128x128xf32, #tpu.memory_space<vmem>>, vector<1x16xf32>,
        %get3A_1367 = vector.shape_cast %get3A_1366 : vector<1x16xf32> to vector<16xf32>
        %get3A_1368 = arith.index_cast %add3A_1361 : i32 to index
        %get3A_1369 = arith.constant 0 : index
        %get3A_1370 = tpu.vector_load %arg16[%get3A_1368, %get3A_1369] {strides = array<i32>} : memref<128x128xf32, #tpu.memory_space<vmem>>, vector<1x16xf32>,
        %get3A_1371 = vector.shape_cast %get3A_1370 : vector<1x16xf32> to vector<16xf32>
        %get3A_1372 = arith.index_cast %add3A_1361 : i32 to index
        %get3A_1373 = arith.constant 0 : index
        %get3A_1374 = tpu.vector_load %arg17[%get3A_1372, %get3A_1373] {strides = array<i32>} : memref<128x128xf32, #tpu.memory_space<vmem>>, vector<1x16xf32>,
        %get3A_1375 = vector.shape_cast %get3A_1374 : vector<1x16xf32> to vector<16xf32>
        %add3A_1376 = arith.addf %get3A_1367, %get3A_1375 : vector<16xf32>
        %sub3A_1377 = arith.subf %add3A_1376, %get3A_1371 : vector<16xf32>
        %abs3A_1378 = math.absf %sub3A_1377 : vector<16xf32>
        %add3A_1379 = arith.addf %broadcast_in_dim3A_1363, %abs3A_1378 : vector<16xf32>
        %get3A_1380 = arith.index_cast %add3A_1361 : i32 to index
        %get3A_1381 = arith.constant 16 : index
        %get3A_1382 = tpu.vector_load %arg15[%get3A_1380, %get3A_1381] {strides = array<i32>} : memref<128x128xf32, #tpu.memory_space<vmem>>, vector<1x16xf32>,
        %get3A_1383 = vector.shape_cast %get3A_1382 : vector<1x16xf32> to vector<16xf32>
        %get3A_1384 = arith.index_cast %add3A_1361 : i32 to index
        %get3A_1385 = arith.constant 16 : index
        %get3A_1386 = tpu.vector_load %arg16[%get3A_1384, %get3A_1385] {strides = array<i32>} : memref<128x128xf32, #tpu.memory_space<vmem>>, vector<1x16xf32>,
        %get3A_1387 = vector.shape_cast %get3A_1386 : vector<1x16xf32> to vector<16xf32>
        %get3A_1388 = arith.index_cast %add3A_1361 : i32 to index
        %get3A_1389 = arith.constant 16 : index
        %get3A_1390 = tpu.vector_load %arg17[%get3A_1388, %get3A_1389] {strides = array<i32>} : memref<128x128xf32, #tpu.memory_space<vmem>>, vector<1x16xf32>,
        %get3A_1391 = vector.shape_cast %get3A_1390 : vector<1x16xf32> to vector<16xf32>
        %add3A_1392 = arith.addf %get3A_1383, %get3A_1391 : vector<16xf32>
        %sub3A_1393 = arith.subf %add3A_1392, %get3A_1387 : vector<16xf32>
        %abs3A_1394 = math.absf %sub3A_1393 : vector<16xf32>
        %add3A_1395 = arith.addf %add3A_1379, %abs3A_1394 : vector<16xf32>
        %get3A_1396 = arith.index_cast %add3A_1361 : i32 to index
        %get3A_1397 = arith.constant 32 : index
        %get3A_1398 = tpu.vector_load %arg15[%get3A_1396, %get3A_1397] {strides = array<i32>} : memref<128x128xf32, #tpu.memory_space<vmem>>, vector<1x16xf32>,
        %get3A_1399 = vector.shape_cast %get3A_1398 : vector<1x16xf32> to vector<16xf32>
        %get3A_1400 = arith.index_cast %add3A_1361 : i32 to index
        %get3A_1401 = arith.constant 32 : index
        %get3A_1402 = tpu.vector_load %arg16[%get3A_1400, %get3A_1401] {strides = array<i32>} : memref<128x128xf32, #tpu.memory_space<vmem>>, vector<1x16xf32>,
        %get3A_1403 = vector.shape_cast %get3A_1402 : vector<1x16xf32> to vector<16xf32>
        %get3A_1404 = arith.index_cast %add3A_1361 : i32 to index
        %get3A_1405 = arith.constant 32 : index
        %get3A_1406 = tpu.vector_load %arg17[%get3A_1404, %get3A_1405] {strides = array<i32>} : memref<128x128xf32, #tpu.memory_space<vmem>>, vector<1x16xf32>,
        %get3A_1407 = vector.shape_cast %get3A_1406 : vector<1x16xf32> to vector<16xf32>
        %add3A_1408 = arith.addf %get3A_1399, %get3A_1407 : vector<16xf32>
        %sub3A_1409 = arith.subf %add3A_1408, %get3A_1403 : vector<16xf32>
        %abs3A_1410 = math.absf %sub3A_1409 : vector<16xf32>
        %add3A_1411 = arith.addf %add3A_1395, %abs3A_1410 : vector<16xf32>
        %get3A_1412 = arith.index_cast %add3A_1361 : i32 to index
        %get3A_1413 = arith.constant 48 : index
        %get3A_1414 = tpu.vector_load %arg15[%get3A_1412, %get3A_1413] {strides = array<i32>} : memref<128x128xf32, #tpu.memory_space<vmem>>, vector<1x16xf32>,
        %get3A_1415 = vector.shape_cast %get3A_1414 : vector<1x16xf32> to vector<16xf32>
        %get3A_1416 = arith.index_cast %add3A_1361 : i32 to index
        %get3A_1417 = arith.constant 48 : index
        %get3A_1418 = tpu.vector_load %arg16[%get3A_1416, %get3A_1417] {strides = array<i32>} : memref<128x128xf32, #tpu.memory_space<vmem>>, vector<1x16xf32>,
        %get3A_1419 = vector.shape_cast %get3A_1418 : vector<1x16xf32> to vector<16xf32>
        %get3A_1420 = arith.index_cast %add3A_1361 : i32 to index
        %get3A_1421 = arith.constant 48 : index
        %get3A_1422 = tpu.vector_load %arg17[%get3A_1420, %get3A_1421] {strides = array<i32>} : memref<128x128xf32, #tpu.memory_space<vmem>>, vector<1x16xf32>,
        %get3A_1423 = vector.shape_cast %get3A_1422 : vector<1x16xf32> to vector<16xf32>
        %add3A_1424 = arith.addf %get3A_1415, %get3A_1423 : vector<16xf32>
        %sub3A_1425 = arith.subf %add3A_1424, %get3A_1419 : vector<16xf32>
        %abs3A_1426 = math.absf %sub3A_1425 : vector<16xf32>
        %add3A_1427 = arith.addf %add3A_1411, %abs3A_1426 : vector<16xf32>
        %broadcast_in_dim3A_1428 = vector.shape_cast %xor3A_4 : vector<16xi32> to vector<16x1xi32>
        %gather3A_1429 = vector.shape_cast %broadcast_in_dim3A_1428 : vector<16x1xi32> to vector<16xi32>
        %gather3A_1430 = tpu.dynamic_gather %add3A_1427[%gather3A_1429] in [0] : vector<16xf32>, vector<16xi32> -> vector<16xf32>
        %add3A_1431 = arith.addf %add3A_1427, %gather3A_1430 : vector<16xf32>
        %broadcast_in_dim3A_1432 = vector.shape_cast %xor3A_7 : vector<16xi32> to vector<16x1xi32>
        %gather3A_1433 = vector.shape_cast %broadcast_in_dim3A_1432 : vector<16x1xi32> to vector<16xi32>
        %gather3A_1434 = tpu.dynamic_gather %add3A_1431[%gather3A_1433] in [0] : vector<16xf32>, vector<16xi32> -> vector<16xf32>
        %add3A_1435 = arith.addf %add3A_1431, %gather3A_1434 : vector<16xf32>
        %broadcast_in_dim3A_1436 = vector.shape_cast %xor3A_10 : vector<16xi32> to vector<16x1xi32>
        %gather3A_1437 = vector.shape_cast %broadcast_in_dim3A_1436 : vector<16x1xi32> to vector<16xi32>
        %gather3A_1438 = tpu.dynamic_gather %add3A_1435[%gather3A_1437] in [0] : vector<16xf32>, vector<16xi32> -> vector<16xf32>
        %add3A_1439 = arith.addf %add3A_1435, %gather3A_1438 : vector<16xf32>
        %broadcast_in_dim3A_1440 = vector.shape_cast %xor3A_13 : vector<16xi32> to vector<16x1xi32>
        %gather3A_1441 = vector.shape_cast %broadcast_in_dim3A_1440 : vector<16x1xi32> to vector<16xi32>
        %gather3A_1442 = tpu.dynamic_gather %add3A_1439[%gather3A_1441] in [0] : vector<16xf32>, vector<16xi32> -> vector<16xf32>
        %add3A_1443 = arith.addf %add3A_1439, %gather3A_1442 : vector<16xf32>
        %eq3A_1444 = arith.constant 14 : i32
        %eq3A_1445 = vector.broadcast %eq3A_1444 : i32 to vector<16xi32>
        %eq3A_1446 = arith.cmpi eq, %iota3A, %eq3A_1445 : vector<16xi32>
        %select_n3A_1447 = arith.select %eq3A_1446, %add3A_1443, %select_n3A_1357 : vector<16xi1>, vector<16xf32>
        %mul3A_1448 = arith.constant 16 : i32
        %mul3A_1449 = arith.muli %scan3A_102, %mul3A_1448 : i32
        %add3A_1450 = arith.constant 15 : i32
        %add3A_1451 = arith.addi %mul3A_1449, %add3A_1450 : i32
        %broadcast_in_dim3A_1452 = arith.constant 0.000000e+00 : f32
        %broadcast_in_dim3A_1453 = vector.broadcast %broadcast_in_dim3A_1452 : f32 to vector<16xf32>
        %get3A_1454 = arith.index_cast %add3A_1451 : i32 to index
        %get3A_1455 = arith.constant 0 : index
        %get3A_1456 = tpu.vector_load %arg15[%get3A_1454, %get3A_1455] {strides = array<i32>} : memref<128x128xf32, #tpu.memory_space<vmem>>, vector<1x16xf32>,
        %get3A_1457 = vector.shape_cast %get3A_1456 : vector<1x16xf32> to vector<16xf32>
        %get3A_1458 = arith.index_cast %add3A_1451 : i32 to index
        %get3A_1459 = arith.constant 0 : index
        %get3A_1460 = tpu.vector_load %arg16[%get3A_1458, %get3A_1459] {strides = array<i32>} : memref<128x128xf32, #tpu.memory_space<vmem>>, vector<1x16xf32>,
        %get3A_1461 = vector.shape_cast %get3A_1460 : vector<1x16xf32> to vector<16xf32>
        %get3A_1462 = arith.index_cast %add3A_1451 : i32 to index
        %get3A_1463 = arith.constant 0 : index
        %get3A_1464 = tpu.vector_load %arg17[%get3A_1462, %get3A_1463] {strides = array<i32>} : memref<128x128xf32, #tpu.memory_space<vmem>>, vector<1x16xf32>,
        %get3A_1465 = vector.shape_cast %get3A_1464 : vector<1x16xf32> to vector<16xf32>
        %add3A_1466 = arith.addf %get3A_1457, %get3A_1465 : vector<16xf32>
        %sub3A_1467 = arith.subf %add3A_1466, %get3A_1461 : vector<16xf32>
        %abs3A_1468 = math.absf %sub3A_1467 : vector<16xf32>
        %add3A_1469 = arith.addf %broadcast_in_dim3A_1453, %abs3A_1468 : vector<16xf32>
        %get3A_1470 = arith.index_cast %add3A_1451 : i32 to index
        %get3A_1471 = arith.constant 16 : index
        %get3A_1472 = tpu.vector_load %arg15[%get3A_1470, %get3A_1471] {strides = array<i32>} : memref<128x128xf32, #tpu.memory_space<vmem>>, vector<1x16xf32>,
        %get3A_1473 = vector.shape_cast %get3A_1472 : vector<1x16xf32> to vector<16xf32>
        %get3A_1474 = arith.index_cast %add3A_1451 : i32 to index
        %get3A_1475 = arith.constant 16 : index
        %get3A_1476 = tpu.vector_load %arg16[%get3A_1474, %get3A_1475] {strides = array<i32>} : memref<128x128xf32, #tpu.memory_space<vmem>>, vector<1x16xf32>,
        %get3A_1477 = vector.shape_cast %get3A_1476 : vector<1x16xf32> to vector<16xf32>
        %get3A_1478 = arith.index_cast %add3A_1451 : i32 to index
        %get3A_1479 = arith.constant 16 : index
        %get3A_1480 = tpu.vector_load %arg17[%get3A_1478, %get3A_1479] {strides = array<i32>} : memref<128x128xf32, #tpu.memory_space<vmem>>, vector<1x16xf32>,
        %get3A_1481 = vector.shape_cast %get3A_1480 : vector<1x16xf32> to vector<16xf32>
        %add3A_1482 = arith.addf %get3A_1473, %get3A_1481 : vector<16xf32>
        %sub3A_1483 = arith.subf %add3A_1482, %get3A_1477 : vector<16xf32>
        %abs3A_1484 = math.absf %sub3A_1483 : vector<16xf32>
        %add3A_1485 = arith.addf %add3A_1469, %abs3A_1484 : vector<16xf32>
        %get3A_1486 = arith.index_cast %add3A_1451 : i32 to index
        %get3A_1487 = arith.constant 32 : index
        %get3A_1488 = tpu.vector_load %arg15[%get3A_1486, %get3A_1487] {strides = array<i32>} : memref<128x128xf32, #tpu.memory_space<vmem>>, vector<1x16xf32>,
        %get3A_1489 = vector.shape_cast %get3A_1488 : vector<1x16xf32> to vector<16xf32>
        %get3A_1490 = arith.index_cast %add3A_1451 : i32 to index
        %get3A_1491 = arith.constant 32 : index
        %get3A_1492 = tpu.vector_load %arg16[%get3A_1490, %get3A_1491] {strides = array<i32>} : memref<128x128xf32, #tpu.memory_space<vmem>>, vector<1x16xf32>,
        %get3A_1493 = vector.shape_cast %get3A_1492 : vector<1x16xf32> to vector<16xf32>
        %get3A_1494 = arith.index_cast %add3A_1451 : i32 to index
        %get3A_1495 = arith.constant 32 : index
        %get3A_1496 = tpu.vector_load %arg17[%get3A_1494, %get3A_1495] {strides = array<i32>} : memref<128x128xf32, #tpu.memory_space<vmem>>, vector<1x16xf32>,
        %get3A_1497 = vector.shape_cast %get3A_1496 : vector<1x16xf32> to vector<16xf32>
        %add3A_1498 = arith.addf %get3A_1489, %get3A_1497 : vector<16xf32>
        %sub3A_1499 = arith.subf %add3A_1498, %get3A_1493 : vector<16xf32>
        %abs3A_1500 = math.absf %sub3A_1499 : vector<16xf32>
        %add3A_1501 = arith.addf %add3A_1485, %abs3A_1500 : vector<16xf32>
        %get3A_1502 = arith.index_cast %add3A_1451 : i32 to index
        %get3A_1503 = arith.constant 48 : index
        %get3A_1504 = tpu.vector_load %arg15[%get3A_1502, %get3A_1503] {strides = array<i32>} : memref<128x128xf32, #tpu.memory_space<vmem>>, vector<1x16xf32>,
        %get3A_1505 = vector.shape_cast %get3A_1504 : vector<1x16xf32> to vector<16xf32>
        %get3A_1506 = arith.index_cast %add3A_1451 : i32 to index
        %get3A_1507 = arith.constant 48 : index
        %get3A_1508 = tpu.vector_load %arg16[%get3A_1506, %get3A_1507] {strides = array<i32>} : memref<128x128xf32, #tpu.memory_space<vmem>>, vector<1x16xf32>,
        %get3A_1509 = vector.shape_cast %get3A_1508 : vector<1x16xf32> to vector<16xf32>
        %get3A_1510 = arith.index_cast %add3A_1451 : i32 to index
        %get3A_1511 = arith.constant 48 : index
        %get3A_1512 = tpu.vector_load %arg17[%get3A_1510, %get3A_1511] {strides = array<i32>} : memref<128x128xf32, #tpu.memory_space<vmem>>, vector<1x16xf32>,
        %get3A_1513 = vector.shape_cast %get3A_1512 : vector<1x16xf32> to vector<16xf32>
        %add3A_1514 = arith.addf %get3A_1505, %get3A_1513 : vector<16xf32>
        %sub3A_1515 = arith.subf %add3A_1514, %get3A_1509 : vector<16xf32>
        %abs3A_1516 = math.absf %sub3A_1515 : vector<16xf32>
        %add3A_1517 = arith.addf %add3A_1501, %abs3A_1516 : vector<16xf32>
        %broadcast_in_dim3A_1518 = vector.shape_cast %xor3A_4 : vector<16xi32> to vector<16x1xi32>
        %gather3A_1519 = vector.shape_cast %broadcast_in_dim3A_1518 : vector<16x1xi32> to vector<16xi32>
        %gather3A_1520 = tpu.dynamic_gather %add3A_1517[%gather3A_1519] in [0] : vector<16xf32>, vector<16xi32> -> vector<16xf32>
        %add3A_1521 = arith.addf %add3A_1517, %gather3A_1520 : vector<16xf32>
        %broadcast_in_dim3A_1522 = vector.shape_cast %xor3A_7 : vector<16xi32> to vector<16x1xi32>
        %gather3A_1523 = vector.shape_cast %broadcast_in_dim3A_1522 : vector<16x1xi32> to vector<16xi32>
        %gather3A_1524 = tpu.dynamic_gather %add3A_1521[%gather3A_1523] in [0] : vector<16xf32>, vector<16xi32> -> vector<16xf32>
        %add3A_1525 = arith.addf %add3A_1521, %gather3A_1524 : vector<16xf32>
        %broadcast_in_dim3A_1526 = vector.shape_cast %xor3A_10 : vector<16xi32> to vector<16x1xi32>
        %gather3A_1527 = vector.shape_cast %broadcast_in_dim3A_1526 : vector<16x1xi32> to vector<16xi32>
        %gather3A_1528 = tpu.dynamic_gather %add3A_1525[%gather3A_1527] in [0] : vector<16xf32>, vector<16xi32> -> vector<16xf32>
        %add3A_1529 = arith.addf %add3A_1525, %gather3A_1528 : vector<16xf32>
        %broadcast_in_dim3A_1530 = vector.shape_cast %xor3A_13 : vector<16xi32> to vector<16x1xi32>
        %gather3A_1531 = vector.shape_cast %broadcast_in_dim3A_1530 : vector<16x1xi32> to vector<16xi32>
        %gather3A_1532 = tpu.dynamic_gather %add3A_1529[%gather3A_1531] in [0] : vector<16xf32>, vector<16xi32> -> vector<16xf32>
        %add3A_1533 = arith.addf %add3A_1529, %gather3A_1532 : vector<16xf32>
        %eq3A_1534 = arith.constant 15 : i32
        %eq3A_1535 = vector.broadcast %eq3A_1534 : i32 to vector<16xi32>
        %eq3A_1536 = arith.cmpi eq, %iota3A, %eq3A_1535 : vector<16xi32>
        %select_n3A_1537 = arith.select %eq3A_1536, %add3A_1533, %select_n3A_1447 : vector<16xi1>, vector<16xf32>
        %mul3A_1538 = arith.constant 16 : i32
        %mul3A_1539 = arith.muli %scan3A_102, %mul3A_1538 : i32
        %add3A_1540 = arith.addi %multiple_of3A, %mul3A_1539 : i32
        %swap3A = arith.index_cast %add3A_1540 : i32 to index
        %swap3A_1541 = tpu.vector_load %arg21[%swap3A] {strides = array<i32>} : memref<1024xf32, #tpu.memory_space<vmem>>, vector<16xf32>,
        %swap3A_1542 = vector.shape_cast %swap3A_1541 : vector<16xf32> to vector<16xf32>
        %swap3A_1543 = vector.shape_cast %select_n3A_1537 : vector<16xf32> to vector<16xf32>
        tpu.vector_store %arg21[%swap3A], %swap3A_1543 {strides = array<i32>} : memref<1024xf32, #tpu.memory_space<vmem>>, vector<16xf32>,
      }
      %scan3A_75 = arith.constant 8 : i32
      %lt3A = arith.constant 3 : i32
      %lt3A_76 = arith.cmpi slt, %scan3A_33, %lt3A : i32
      %convert_element_type3A = arith.extui %lt3A_76 : i1 to i32
      %cond3A = arith.constant 0 : i32
      %cond3A_77 = arith.cmpi ne, %convert_element_type3A, %cond3A : i32
      scf.if %cond3A_77 {
        %add3A_102 = arith.constant 128 : i32
        %add3A_103 = arith.addi %multiple_of3A_40, %add3A_102 : i32
        %dma_start3A_104 = tpu.memref_slice %arg12[%add3A_103] : memref<1024xi32, #tpu.memory_space<vmem>> -> memref<128xi32, #tpu.memory_space<vmem>>
        %dma_start3A_105 = arith.constant 0 : i32
        %dma_start3A_106 = arith.constant 0 : i32
        %dma_start3A_107 = tpu.memref_slice %arg8[%dma_start3A_105, %dma_start3A_106] : memref<1000000x128xf32, #tpu.memory_space<hbm>> -> memref<1000000x128xf32, #tpu.memory_space<hbm>>
        tpu.enqueue_indirect_dma source(%dma_start3A_107 : memref<1000000x128xf32, #tpu.memory_space<hbm>>) target(%arg15 : memref<128x128xf32, #tpu.memory_space<vmem>>) offsets(%dma_start3A_104 : memref<128xi32, #tpu.memory_space<vmem>>) semaphore(%arg22 : memref<!tpu.dma_semaphore, #tpu.memory_space<semaphore_mem>>)
        %dma_start3A_108 = tpu.memref_slice %arg13[%add3A_103] : memref<1024xi32, #tpu.memory_space<vmem>> -> memref<128xi32, #tpu.memory_space<vmem>>
        %dma_start3A_109 = arith.constant 0 : i32
        %dma_start3A_110 = arith.constant 0 : i32
        %dma_start3A_111 = tpu.memref_slice %arg8[%dma_start3A_109, %dma_start3A_110] : memref<1000000x128xf32, #tpu.memory_space<hbm>> -> memref<1000000x128xf32, #tpu.memory_space<hbm>>
        tpu.enqueue_indirect_dma source(%dma_start3A_111 : memref<1000000x128xf32, #tpu.memory_space<hbm>>) target(%arg16 : memref<128x128xf32, #tpu.memory_space<vmem>>) offsets(%dma_start3A_108 : memref<128xi32, #tpu.memory_space<vmem>>) semaphore(%arg22 : memref<!tpu.dma_semaphore, #tpu.memory_space<semaphore_mem>>)
        %dma_start3A_112 = tpu.memref_slice %arg14[%add3A_103] : memref<1024xi32, #tpu.memory_space<vmem>> -> memref<128xi32, #tpu.memory_space<vmem>>
        %dma_start3A_113 = arith.constant 0 : i32
        %dma_start3A_114 = arith.constant 0 : i32
        %dma_start3A_115 = tpu.memref_slice %arg9[%dma_start3A_113, %dma_start3A_114] : memref<1000x128xf32, #tpu.memory_space<hbm>> -> memref<1000x128xf32, #tpu.memory_space<hbm>>
        tpu.enqueue_indirect_dma source(%dma_start3A_115 : memref<1000x128xf32, #tpu.memory_space<hbm>>) target(%arg17 : memref<128x128xf32, #tpu.memory_space<vmem>>) offsets(%dma_start3A_112 : memref<128xi32, #tpu.memory_space<vmem>>) semaphore(%arg22 : memref<!tpu.dma_semaphore, #tpu.memory_space<semaphore_mem>>)
      } else {
      }
      %dma_wait3A_78 = arith.constant 0 : i32
      %dma_wait3A_79 = arith.constant 0 : i32
      %dma_wait3A_80 = tpu.memref_slice %arg8[%dma_wait3A_78, %dma_wait3A_79] : memref<1000000x128xf32, #tpu.memory_space<hbm>> -> memref<128x128xf32, #tpu.memory_space<hbm>>
      %dma_wait3A_81 = arith.constant 0 : i32
      %dma_wait3A_82 = arith.constant 0 : i32
      %dma_wait3A_83 = tpu.memref_slice %arg8[%dma_wait3A_81, %dma_wait3A_82] : memref<1000000x128xf32, #tpu.memory_space<hbm>> -> memref<128x128xf32, #tpu.memory_space<hbm>>
      tpu.wait_dma2 semaphore(%arg23 : memref<!tpu.dma_semaphore, #tpu.memory_space<semaphore_mem>>) src(%dma_wait3A_83 : memref<128x128xf32, #tpu.memory_space<hbm>>) dst(%arg18 : memref<128x128xf32, #tpu.memory_space<vmem>>)
      %dma_wait3A_84 = arith.constant 0 : i32
      %dma_wait3A_85 = arith.constant 0 : i32
      %dma_wait3A_86 = tpu.memref_slice %arg8[%dma_wait3A_84, %dma_wait3A_85] : memref<1000000x128xf32, #tpu.memory_space<hbm>> -> memref<128x128xf32, #tpu.memory_space<hbm>>
      %dma_wait3A_87 = arith.constant 0 : i32
      %dma_wait3A_88 = arith.constant 0 : i32
      %dma_wait3A_89 = tpu.memref_slice %arg8[%dma_wait3A_87, %dma_wait3A_88] : memref<1000000x128xf32, #tpu.memory_space<hbm>> -> memref<128x128xf32, #tpu.memory_space<hbm>>
      tpu.wait_dma2 semaphore(%arg23 : memref<!tpu.dma_semaphore, #tpu.memory_space<semaphore_mem>>) src(%dma_wait3A_89 : memref<128x128xf32, #tpu.memory_space<hbm>>) dst(%arg19 : memref<128x128xf32, #tpu.memory_space<vmem>>)
      %dma_wait3A_90 = arith.constant 0 : i32
      %dma_wait3A_91 = arith.constant 0 : i32
      %dma_wait3A_92 = tpu.memref_slice %arg8[%dma_wait3A_90, %dma_wait3A_91] : memref<1000000x128xf32, #tpu.memory_space<hbm>> -> memref<128x128xf32, #tpu.memory_space<hbm>>
      %dma_wait3A_93 = arith.constant 0 : i32
      %dma_wait3A_94 = arith.constant 0 : i32
      %dma_wait3A_95 = tpu.memref_slice %arg8[%dma_wait3A_93, %dma_wait3A_94] : memref<1000000x128xf32, #tpu.memory_space<hbm>> -> memref<128x128xf32, #tpu.memory_space<hbm>>
      tpu.wait_dma2 semaphore(%arg23 : memref<!tpu.dma_semaphore, #tpu.memory_space<semaphore_mem>>) src(%dma_wait3A_95 : memref<128x128xf32, #tpu.memory_space<hbm>>) dst(%arg20 : memref<128x128xf32, #tpu.memory_space<vmem>>)
      %scan3A_96 = arith.constant 0 : i32
      %scan3A_97 = arith.constant 0 : i32
      %scan3A_98 = arith.constant 8 : i32
      %scan3A_99 = arith.addi %scan3A_97, %scan3A_98 : i32
      %scan3A_100 = arith.constant 1 : i32
      scf.for %scan3A_102 = %scan3A_97 to %scan3A_99 step %scan3A_100  : i32 {
        %broadcast_in_dim3A = arith.constant 0.000000e+00 : f32
        %broadcast_in_dim3A_103 = vector.broadcast %broadcast_in_dim3A : f32 to vector<16xf32>
        %mul3A_104 = arith.constant 16 : i32
        %mul3A_105 = arith.muli %scan3A_102, %mul3A_104 : i32
        %add3A_106 = arith.constant 0 : i32
        %add3A_107 = arith.addi %mul3A_105, %add3A_106 : i32
        %broadcast_in_dim3A_108 = arith.constant 0.000000e+00 : f32
        %broadcast_in_dim3A_109 = vector.broadcast %broadcast_in_dim3A_108 : f32 to vector<16xf32>
        %get3A = arith.index_cast %add3A_107 : i32 to index
        %get3A_110 = arith.constant 0 : index
        %get3A_111 = tpu.vector_load %arg18[%get3A, %get3A_110] {strides = array<i32>} : memref<128x128xf32, #tpu.memory_space<vmem>>, vector<1x16xf32>,
        %get3A_112 = vector.shape_cast %get3A_111 : vector<1x16xf32> to vector<16xf32>
        %get3A_113 = arith.index_cast %add3A_107 : i32 to index
        %get3A_114 = arith.constant 0 : index
        %get3A_115 = tpu.vector_load %arg19[%get3A_113, %get3A_114] {strides = array<i32>} : memref<128x128xf32, #tpu.memory_space<vmem>>, vector<1x16xf32>,
        %get3A_116 = vector.shape_cast %get3A_115 : vector<1x16xf32> to vector<16xf32>
        %get3A_117 = arith.index_cast %add3A_107 : i32 to index
        %get3A_118 = arith.constant 0 : index
        %get3A_119 = tpu.vector_load %arg20[%get3A_117, %get3A_118] {strides = array<i32>} : memref<128x128xf32, #tpu.memory_space<vmem>>, vector<1x16xf32>,
        %get3A_120 = vector.shape_cast %get3A_119 : vector<1x16xf32> to vector<16xf32>
        %add3A_121 = arith.addf %get3A_112, %get3A_120 : vector<16xf32>
        %sub3A = arith.subf %add3A_121, %get3A_116 : vector<16xf32>
        %abs3A = math.absf %sub3A : vector<16xf32>
        %add3A_122 = arith.addf %broadcast_in_dim3A_109, %abs3A : vector<16xf32>
        %get3A_123 = arith.index_cast %add3A_107 : i32 to index
        %get3A_124 = arith.constant 16 : index
        %get3A_125 = tpu.vector_load %arg18[%get3A_123, %get3A_124] {strides = array<i32>} : memref<128x128xf32, #tpu.memory_space<vmem>>, vector<1x16xf32>,
        %get3A_126 = vector.shape_cast %get3A_125 : vector<1x16xf32> to vector<16xf32>
        %get3A_127 = arith.index_cast %add3A_107 : i32 to index
        %get3A_128 = arith.constant 16 : index
        %get3A_129 = tpu.vector_load %arg19[%get3A_127, %get3A_128] {strides = array<i32>} : memref<128x128xf32, #tpu.memory_space<vmem>>, vector<1x16xf32>,
        %get3A_130 = vector.shape_cast %get3A_129 : vector<1x16xf32> to vector<16xf32>
        %get3A_131 = arith.index_cast %add3A_107 : i32 to index
        %get3A_132 = arith.constant 16 : index
        %get3A_133 = tpu.vector_load %arg20[%get3A_131, %get3A_132] {strides = array<i32>} : memref<128x128xf32, #tpu.memory_space<vmem>>, vector<1x16xf32>,
        %get3A_134 = vector.shape_cast %get3A_133 : vector<1x16xf32> to vector<16xf32>
        %add3A_135 = arith.addf %get3A_126, %get3A_134 : vector<16xf32>
        %sub3A_136 = arith.subf %add3A_135, %get3A_130 : vector<16xf32>
        %abs3A_137 = math.absf %sub3A_136 : vector<16xf32>
        %add3A_138 = arith.addf %add3A_122, %abs3A_137 : vector<16xf32>
        %get3A_139 = arith.index_cast %add3A_107 : i32 to index
        %get3A_140 = arith.constant 32 : index
        %get3A_141 = tpu.vector_load %arg18[%get3A_139, %get3A_140] {strides = array<i32>} : memref<128x128xf32, #tpu.memory_space<vmem>>, vector<1x16xf32>,
        %get3A_142 = vector.shape_cast %get3A_141 : vector<1x16xf32> to vector<16xf32>
        %get3A_143 = arith.index_cast %add3A_107 : i32 to index
        %get3A_144 = arith.constant 32 : index
        %get3A_145 = tpu.vector_load %arg19[%get3A_143, %get3A_144] {strides = array<i32>} : memref<128x128xf32, #tpu.memory_space<vmem>>, vector<1x16xf32>,
        %get3A_146 = vector.shape_cast %get3A_145 : vector<1x16xf32> to vector<16xf32>
        %get3A_147 = arith.index_cast %add3A_107 : i32 to index
        %get3A_148 = arith.constant 32 : index
        %get3A_149 = tpu.vector_load %arg20[%get3A_147, %get3A_148] {strides = array<i32>} : memref<128x128xf32, #tpu.memory_space<vmem>>, vector<1x16xf32>,
        %get3A_150 = vector.shape_cast %get3A_149 : vector<1x16xf32> to vector<16xf32>
        %add3A_151 = arith.addf %get3A_142, %get3A_150 : vector<16xf32>
        %sub3A_152 = arith.subf %add3A_151, %get3A_146 : vector<16xf32>
        %abs3A_153 = math.absf %sub3A_152 : vector<16xf32>
        %add3A_154 = arith.addf %add3A_138, %abs3A_153 : vector<16xf32>
        %get3A_155 = arith.index_cast %add3A_107 : i32 to index
        %get3A_156 = arith.constant 48 : index
        %get3A_157 = tpu.vector_load %arg18[%get3A_155, %get3A_156] {strides = array<i32>} : memref<128x128xf32, #tpu.memory_space<vmem>>, vector<1x16xf32>,
        %get3A_158 = vector.shape_cast %get3A_157 : vector<1x16xf32> to vector<16xf32>
        %get3A_159 = arith.index_cast %add3A_107 : i32 to index
        %get3A_160 = arith.constant 48 : index
        %get3A_161 = tpu.vector_load %arg19[%get3A_159, %get3A_160] {strides = array<i32>} : memref<128x128xf32, #tpu.memory_space<vmem>>, vector<1x16xf32>,
        %get3A_162 = vector.shape_cast %get3A_161 : vector<1x16xf32> to vector<16xf32>
        %get3A_163 = arith.index_cast %add3A_107 : i32 to index
        %get3A_164 = arith.constant 48 : index
        %get3A_165 = tpu.vector_load %arg20[%get3A_163, %get3A_164] {strides = array<i32>} : memref<128x128xf32, #tpu.memory_space<vmem>>, vector<1x16xf32>,
        %get3A_166 = vector.shape_cast %get3A_165 : vector<1x16xf32> to vector<16xf32>
        %add3A_167 = arith.addf %get3A_158, %get3A_166 : vector<16xf32>
        %sub3A_168 = arith.subf %add3A_167, %get3A_162 : vector<16xf32>
        %abs3A_169 = math.absf %sub3A_168 : vector<16xf32>
        %add3A_170 = arith.addf %add3A_154, %abs3A_169 : vector<16xf32>
        %broadcast_in_dim3A_171 = vector.shape_cast %xor3A_4 : vector<16xi32> to vector<16x1xi32>
        %gather3A = vector.shape_cast %broadcast_in_dim3A_171 : vector<16x1xi32> to vector<16xi32>
        %gather3A_172 = tpu.dynamic_gather %add3A_170[%gather3A] in [0] : vector<16xf32>, vector<16xi32> -> vector<16xf32>
        %add3A_173 = arith.addf %add3A_170, %gather3A_172 : vector<16xf32>
        %broadcast_in_dim3A_174 = vector.shape_cast %xor3A_7 : vector<16xi32> to vector<16x1xi32>
        %gather3A_175 = vector.shape_cast %broadcast_in_dim3A_174 : vector<16x1xi32> to vector<16xi32>
        %gather3A_176 = tpu.dynamic_gather %add3A_173[%gather3A_175] in [0] : vector<16xf32>, vector<16xi32> -> vector<16xf32>
        %add3A_177 = arith.addf %add3A_173, %gather3A_176 : vector<16xf32>
        %broadcast_in_dim3A_178 = vector.shape_cast %xor3A_10 : vector<16xi32> to vector<16x1xi32>
        %gather3A_179 = vector.shape_cast %broadcast_in_dim3A_178 : vector<16x1xi32> to vector<16xi32>
        %gather3A_180 = tpu.dynamic_gather %add3A_177[%gather3A_179] in [0] : vector<16xf32>, vector<16xi32> -> vector<16xf32>
        %add3A_181 = arith.addf %add3A_177, %gather3A_180 : vector<16xf32>
        %broadcast_in_dim3A_182 = vector.shape_cast %xor3A_13 : vector<16xi32> to vector<16x1xi32>
        %gather3A_183 = vector.shape_cast %broadcast_in_dim3A_182 : vector<16x1xi32> to vector<16xi32>
        %gather3A_184 = tpu.dynamic_gather %add3A_181[%gather3A_183] in [0] : vector<16xf32>, vector<16xi32> -> vector<16xf32>
        %add3A_185 = arith.addf %add3A_181, %gather3A_184 : vector<16xf32>
        %eq3A = arith.constant 0 : i32
        %eq3A_186 = vector.broadcast %eq3A : i32 to vector<16xi32>
        %eq3A_187 = arith.cmpi eq, %iota3A, %eq3A_186 : vector<16xi32>
        %select_n3A = arith.select %eq3A_187, %add3A_185, %broadcast_in_dim3A_103 : vector<16xi1>, vector<16xf32>
        %mul3A_188 = arith.constant 16 : i32
        %mul3A_189 = arith.muli %scan3A_102, %mul3A_188 : i32
        %add3A_190 = arith.constant 1 : i32
        %add3A_191 = arith.addi %mul3A_189, %add3A_190 : i32
        %broadcast_in_dim3A_192 = arith.constant 0.000000e+00 : f32
        %broadcast_in_dim3A_193 = vector.broadcast %broadcast_in_dim3A_192 : f32 to vector<16xf32>
        %get3A_194 = arith.index_cast %add3A_191 : i32 to index
        %get3A_195 = arith.constant 0 : index
        %get3A_196 = tpu.vector_load %arg18[%get3A_194, %get3A_195] {strides = array<i32>} : memref<128x128xf32, #tpu.memory_space<vmem>>, vector<1x16xf32>,
        %get3A_197 = vector.shape_cast %get3A_196 : vector<1x16xf32> to vector<16xf32>
        %get3A_198 = arith.index_cast %add3A_191 : i32 to index
        %get3A_199 = arith.constant 0 : index
        %get3A_200 = tpu.vector_load %arg19[%get3A_198, %get3A_199] {strides = array<i32>} : memref<128x128xf32, #tpu.memory_space<vmem>>, vector<1x16xf32>,
        %get3A_201 = vector.shape_cast %get3A_200 : vector<1x16xf32> to vector<16xf32>
        %get3A_202 = arith.index_cast %add3A_191 : i32 to index
        %get3A_203 = arith.constant 0 : index
        %get3A_204 = tpu.vector_load %arg20[%get3A_202, %get3A_203] {strides = array<i32>} : memref<128x128xf32, #tpu.memory_space<vmem>>, vector<1x16xf32>,
        %get3A_205 = vector.shape_cast %get3A_204 : vector<1x16xf32> to vector<16xf32>
        %add3A_206 = arith.addf %get3A_197, %get3A_205 : vector<16xf32>
        %sub3A_207 = arith.subf %add3A_206, %get3A_201 : vector<16xf32>
        %abs3A_208 = math.absf %sub3A_207 : vector<16xf32>
        %add3A_209 = arith.addf %broadcast_in_dim3A_193, %abs3A_208 : vector<16xf32>
        %get3A_210 = arith.index_cast %add3A_191 : i32 to index
        %get3A_211 = arith.constant 16 : index
        %get3A_212 = tpu.vector_load %arg18[%get3A_210, %get3A_211] {strides = array<i32>} : memref<128x128xf32, #tpu.memory_space<vmem>>, vector<1x16xf32>,
        %get3A_213 = vector.shape_cast %get3A_212 : vector<1x16xf32> to vector<16xf32>
        %get3A_214 = arith.index_cast %add3A_191 : i32 to index
        %get3A_215 = arith.constant 16 : index
        %get3A_216 = tpu.vector_load %arg19[%get3A_214, %get3A_215] {strides = array<i32>} : memref<128x128xf32, #tpu.memory_space<vmem>>, vector<1x16xf32>,
        %get3A_217 = vector.shape_cast %get3A_216 : vector<1x16xf32> to vector<16xf32>
        %get3A_218 = arith.index_cast %add3A_191 : i32 to index
        %get3A_219 = arith.constant 16 : index
        %get3A_220 = tpu.vector_load %arg20[%get3A_218, %get3A_219] {strides = array<i32>} : memref<128x128xf32, #tpu.memory_space<vmem>>, vector<1x16xf32>,
        %get3A_221 = vector.shape_cast %get3A_220 : vector<1x16xf32> to vector<16xf32>
        %add3A_222 = arith.addf %get3A_213, %get3A_221 : vector<16xf32>
        %sub3A_223 = arith.subf %add3A_222, %get3A_217 : vector<16xf32>
        %abs3A_224 = math.absf %sub3A_223 : vector<16xf32>
        %add3A_225 = arith.addf %add3A_209, %abs3A_224 : vector<16xf32>
        %get3A_226 = arith.index_cast %add3A_191 : i32 to index
        %get3A_227 = arith.constant 32 : index
        %get3A_228 = tpu.vector_load %arg18[%get3A_226, %get3A_227] {strides = array<i32>} : memref<128x128xf32, #tpu.memory_space<vmem>>, vector<1x16xf32>,
        %get3A_229 = vector.shape_cast %get3A_228 : vector<1x16xf32> to vector<16xf32>
        %get3A_230 = arith.index_cast %add3A_191 : i32 to index
        %get3A_231 = arith.constant 32 : index
        %get3A_232 = tpu.vector_load %arg19[%get3A_230, %get3A_231] {strides = array<i32>} : memref<128x128xf32, #tpu.memory_space<vmem>>, vector<1x16xf32>,
        %get3A_233 = vector.shape_cast %get3A_232 : vector<1x16xf32> to vector<16xf32>
        %get3A_234 = arith.index_cast %add3A_191 : i32 to index
        %get3A_235 = arith.constant 32 : index
        %get3A_236 = tpu.vector_load %arg20[%get3A_234, %get3A_235] {strides = array<i32>} : memref<128x128xf32, #tpu.memory_space<vmem>>, vector<1x16xf32>,
        %get3A_237 = vector.shape_cast %get3A_236 : vector<1x16xf32> to vector<16xf32>
        %add3A_238 = arith.addf %get3A_229, %get3A_237 : vector<16xf32>
        %sub3A_239 = arith.subf %add3A_238, %get3A_233 : vector<16xf32>
        %abs3A_240 = math.absf %sub3A_239 : vector<16xf32>
        %add3A_241 = arith.addf %add3A_225, %abs3A_240 : vector<16xf32>
        %get3A_242 = arith.index_cast %add3A_191 : i32 to index
        %get3A_243 = arith.constant 48 : index
        %get3A_244 = tpu.vector_load %arg18[%get3A_242, %get3A_243] {strides = array<i32>} : memref<128x128xf32, #tpu.memory_space<vmem>>, vector<1x16xf32>,
        %get3A_245 = vector.shape_cast %get3A_244 : vector<1x16xf32> to vector<16xf32>
        %get3A_246 = arith.index_cast %add3A_191 : i32 to index
        %get3A_247 = arith.constant 48 : index
        %get3A_248 = tpu.vector_load %arg19[%get3A_246, %get3A_247] {strides = array<i32>} : memref<128x128xf32, #tpu.memory_space<vmem>>, vector<1x16xf32>,
        %get3A_249 = vector.shape_cast %get3A_248 : vector<1x16xf32> to vector<16xf32>
        %get3A_250 = arith.index_cast %add3A_191 : i32 to index
        %get3A_251 = arith.constant 48 : index
        %get3A_252 = tpu.vector_load %arg20[%get3A_250, %get3A_251] {strides = array<i32>} : memref<128x128xf32, #tpu.memory_space<vmem>>, vector<1x16xf32>,
        %get3A_253 = vector.shape_cast %get3A_252 : vector<1x16xf32> to vector<16xf32>
        %add3A_254 = arith.addf %get3A_245, %get3A_253 : vector<16xf32>
        %sub3A_255 = arith.subf %add3A_254, %get3A_249 : vector<16xf32>
        %abs3A_256 = math.absf %sub3A_255 : vector<16xf32>
        %add3A_257 = arith.addf %add3A_241, %abs3A_256 : vector<16xf32>
        %broadcast_in_dim3A_258 = vector.shape_cast %xor3A_4 : vector<16xi32> to vector<16x1xi32>
        %gather3A_259 = vector.shape_cast %broadcast_in_dim3A_258 : vector<16x1xi32> to vector<16xi32>
        %gather3A_260 = tpu.dynamic_gather %add3A_257[%gather3A_259] in [0] : vector<16xf32>, vector<16xi32> -> vector<16xf32>
        %add3A_261 = arith.addf %add3A_257, %gather3A_260 : vector<16xf32>
        %broadcast_in_dim3A_262 = vector.shape_cast %xor3A_7 : vector<16xi32> to vector<16x1xi32>
        %gather3A_263 = vector.shape_cast %broadcast_in_dim3A_262 : vector<16x1xi32> to vector<16xi32>
        %gather3A_264 = tpu.dynamic_gather %add3A_261[%gather3A_263] in [0] : vector<16xf32>, vector<16xi32> -> vector<16xf32>
        %add3A_265 = arith.addf %add3A_261, %gather3A_264 : vector<16xf32>
        %broadcast_in_dim3A_266 = vector.shape_cast %xor3A_10 : vector<16xi32> to vector<16x1xi32>
        %gather3A_267 = vector.shape_cast %broadcast_in_dim3A_266 : vector<16x1xi32> to vector<16xi32>
        %gather3A_268 = tpu.dynamic_gather %add3A_265[%gather3A_267] in [0] : vector<16xf32>, vector<16xi32> -> vector<16xf32>
        %add3A_269 = arith.addf %add3A_265, %gather3A_268 : vector<16xf32>
        %broadcast_in_dim3A_270 = vector.shape_cast %xor3A_13 : vector<16xi32> to vector<16x1xi32>
        %gather3A_271 = vector.shape_cast %broadcast_in_dim3A_270 : vector<16x1xi32> to vector<16xi32>
        %gather3A_272 = tpu.dynamic_gather %add3A_269[%gather3A_271] in [0] : vector<16xf32>, vector<16xi32> -> vector<16xf32>
        %add3A_273 = arith.addf %add3A_269, %gather3A_272 : vector<16xf32>
        %eq3A_274 = arith.constant 1 : i32
        %eq3A_275 = vector.broadcast %eq3A_274 : i32 to vector<16xi32>
        %eq3A_276 = arith.cmpi eq, %iota3A, %eq3A_275 : vector<16xi32>
        %select_n3A_277 = arith.select %eq3A_276, %add3A_273, %select_n3A : vector<16xi1>, vector<16xf32>
        %mul3A_278 = arith.constant 16 : i32
        %mul3A_279 = arith.muli %scan3A_102, %mul3A_278 : i32
        %add3A_280 = arith.constant 2 : i32
        %add3A_281 = arith.addi %mul3A_279, %add3A_280 : i32
        %broadcast_in_dim3A_282 = arith.constant 0.000000e+00 : f32
        %broadcast_in_dim3A_283 = vector.broadcast %broadcast_in_dim3A_282 : f32 to vector<16xf32>
        %get3A_284 = arith.index_cast %add3A_281 : i32 to index
        %get3A_285 = arith.constant 0 : index
        %get3A_286 = tpu.vector_load %arg18[%get3A_284, %get3A_285] {strides = array<i32>} : memref<128x128xf32, #tpu.memory_space<vmem>>, vector<1x16xf32>,
        %get3A_287 = vector.shape_cast %get3A_286 : vector<1x16xf32> to vector<16xf32>
        %get3A_288 = arith.index_cast %add3A_281 : i32 to index
        %get3A_289 = arith.constant 0 : index
        %get3A_290 = tpu.vector_load %arg19[%get3A_288, %get3A_289] {strides = array<i32>} : memref<128x128xf32, #tpu.memory_space<vmem>>, vector<1x16xf32>,
        %get3A_291 = vector.shape_cast %get3A_290 : vector<1x16xf32> to vector<16xf32>
        %get3A_292 = arith.index_cast %add3A_281 : i32 to index
        %get3A_293 = arith.constant 0 : index
        %get3A_294 = tpu.vector_load %arg20[%get3A_292, %get3A_293] {strides = array<i32>} : memref<128x128xf32, #tpu.memory_space<vmem>>, vector<1x16xf32>,
        %get3A_295 = vector.shape_cast %get3A_294 : vector<1x16xf32> to vector<16xf32>
        %add3A_296 = arith.addf %get3A_287, %get3A_295 : vector<16xf32>
        %sub3A_297 = arith.subf %add3A_296, %get3A_291 : vector<16xf32>
        %abs3A_298 = math.absf %sub3A_297 : vector<16xf32>
        %add3A_299 = arith.addf %broadcast_in_dim3A_283, %abs3A_298 : vector<16xf32>
        %get3A_300 = arith.index_cast %add3A_281 : i32 to index
        %get3A_301 = arith.constant 16 : index
        %get3A_302 = tpu.vector_load %arg18[%get3A_300, %get3A_301] {strides = array<i32>} : memref<128x128xf32, #tpu.memory_space<vmem>>, vector<1x16xf32>,
        %get3A_303 = vector.shape_cast %get3A_302 : vector<1x16xf32> to vector<16xf32>
        %get3A_304 = arith.index_cast %add3A_281 : i32 to index
        %get3A_305 = arith.constant 16 : index
        %get3A_306 = tpu.vector_load %arg19[%get3A_304, %get3A_305] {strides = array<i32>} : memref<128x128xf32, #tpu.memory_space<vmem>>, vector<1x16xf32>,
        %get3A_307 = vector.shape_cast %get3A_306 : vector<1x16xf32> to vector<16xf32>
        %get3A_308 = arith.index_cast %add3A_281 : i32 to index
        %get3A_309 = arith.constant 16 : index
        %get3A_310 = tpu.vector_load %arg20[%get3A_308, %get3A_309] {strides = array<i32>} : memref<128x128xf32, #tpu.memory_space<vmem>>, vector<1x16xf32>,
        %get3A_311 = vector.shape_cast %get3A_310 : vector<1x16xf32> to vector<16xf32>
        %add3A_312 = arith.addf %get3A_303, %get3A_311 : vector<16xf32>
        %sub3A_313 = arith.subf %add3A_312, %get3A_307 : vector<16xf32>
        %abs3A_314 = math.absf %sub3A_313 : vector<16xf32>
        %add3A_315 = arith.addf %add3A_299, %abs3A_314 : vector<16xf32>
        %get3A_316 = arith.index_cast %add3A_281 : i32 to index
        %get3A_317 = arith.constant 32 : index
        %get3A_318 = tpu.vector_load %arg18[%get3A_316, %get3A_317] {strides = array<i32>} : memref<128x128xf32, #tpu.memory_space<vmem>>, vector<1x16xf32>,
        %get3A_319 = vector.shape_cast %get3A_318 : vector<1x16xf32> to vector<16xf32>
        %get3A_320 = arith.index_cast %add3A_281 : i32 to index
        %get3A_321 = arith.constant 32 : index
        %get3A_322 = tpu.vector_load %arg19[%get3A_320, %get3A_321] {strides = array<i32>} : memref<128x128xf32, #tpu.memory_space<vmem>>, vector<1x16xf32>,
        %get3A_323 = vector.shape_cast %get3A_322 : vector<1x16xf32> to vector<16xf32>
        %get3A_324 = arith.index_cast %add3A_281 : i32 to index
        %get3A_325 = arith.constant 32 : index
        %get3A_326 = tpu.vector_load %arg20[%get3A_324, %get3A_325] {strides = array<i32>} : memref<128x128xf32, #tpu.memory_space<vmem>>, vector<1x16xf32>,
        %get3A_327 = vector.shape_cast %get3A_326 : vector<1x16xf32> to vector<16xf32>
        %add3A_328 = arith.addf %get3A_319, %get3A_327 : vector<16xf32>
        %sub3A_329 = arith.subf %add3A_328, %get3A_323 : vector<16xf32>
        %abs3A_330 = math.absf %sub3A_329 : vector<16xf32>
        %add3A_331 = arith.addf %add3A_315, %abs3A_330 : vector<16xf32>
        %get3A_332 = arith.index_cast %add3A_281 : i32 to index
        %get3A_333 = arith.constant 48 : index
        %get3A_334 = tpu.vector_load %arg18[%get3A_332, %get3A_333] {strides = array<i32>} : memref<128x128xf32, #tpu.memory_space<vmem>>, vector<1x16xf32>,
        %get3A_335 = vector.shape_cast %get3A_334 : vector<1x16xf32> to vector<16xf32>
        %get3A_336 = arith.index_cast %add3A_281 : i32 to index
        %get3A_337 = arith.constant 48 : index
        %get3A_338 = tpu.vector_load %arg19[%get3A_336, %get3A_337] {strides = array<i32>} : memref<128x128xf32, #tpu.memory_space<vmem>>, vector<1x16xf32>,
        %get3A_339 = vector.shape_cast %get3A_338 : vector<1x16xf32> to vector<16xf32>
        %get3A_340 = arith.index_cast %add3A_281 : i32 to index
        %get3A_341 = arith.constant 48 : index
        %get3A_342 = tpu.vector_load %arg20[%get3A_340, %get3A_341] {strides = array<i32>} : memref<128x128xf32, #tpu.memory_space<vmem>>, vector<1x16xf32>,
        %get3A_343 = vector.shape_cast %get3A_342 : vector<1x16xf32> to vector<16xf32>
        %add3A_344 = arith.addf %get3A_335, %get3A_343 : vector<16xf32>
        %sub3A_345 = arith.subf %add3A_344, %get3A_339 : vector<16xf32>
        %abs3A_346 = math.absf %sub3A_345 : vector<16xf32>
        %add3A_347 = arith.addf %add3A_331, %abs3A_346 : vector<16xf32>
        %broadcast_in_dim3A_348 = vector.shape_cast %xor3A_4 : vector<16xi32> to vector<16x1xi32>
        %gather3A_349 = vector.shape_cast %broadcast_in_dim3A_348 : vector<16x1xi32> to vector<16xi32>
        %gather3A_350 = tpu.dynamic_gather %add3A_347[%gather3A_349] in [0] : vector<16xf32>, vector<16xi32> -> vector<16xf32>
        %add3A_351 = arith.addf %add3A_347, %gather3A_350 : vector<16xf32>
        %broadcast_in_dim3A_352 = vector.shape_cast %xor3A_7 : vector<16xi32> to vector<16x1xi32>
        %gather3A_353 = vector.shape_cast %broadcast_in_dim3A_352 : vector<16x1xi32> to vector<16xi32>
        %gather3A_354 = tpu.dynamic_gather %add3A_351[%gather3A_353] in [0] : vector<16xf32>, vector<16xi32> -> vector<16xf32>
        %add3A_355 = arith.addf %add3A_351, %gather3A_354 : vector<16xf32>
        %broadcast_in_dim3A_356 = vector.shape_cast %xor3A_10 : vector<16xi32> to vector<16x1xi32>
        %gather3A_357 = vector.shape_cast %broadcast_in_dim3A_356 : vector<16x1xi32> to vector<16xi32>
        %gather3A_358 = tpu.dynamic_gather %add3A_355[%gather3A_357] in [0] : vector<16xf32>, vector<16xi32> -> vector<16xf32>
        %add3A_359 = arith.addf %add3A_355, %gather3A_358 : vector<16xf32>
        %broadcast_in_dim3A_360 = vector.shape_cast %xor3A_13 : vector<16xi32> to vector<16x1xi32>
        %gather3A_361 = vector.shape_cast %broadcast_in_dim3A_360 : vector<16x1xi32> to vector<16xi32>
        %gather3A_362 = tpu.dynamic_gather %add3A_359[%gather3A_361] in [0] : vector<16xf32>, vector<16xi32> -> vector<16xf32>
        %add3A_363 = arith.addf %add3A_359, %gather3A_362 : vector<16xf32>
        %eq3A_364 = arith.constant 2 : i32
        %eq3A_365 = vector.broadcast %eq3A_364 : i32 to vector<16xi32>
        %eq3A_366 = arith.cmpi eq, %iota3A, %eq3A_365 : vector<16xi32>
        %select_n3A_367 = arith.select %eq3A_366, %add3A_363, %select_n3A_277 : vector<16xi1>, vector<16xf32>
        %mul3A_368 = arith.constant 16 : i32
        %mul3A_369 = arith.muli %scan3A_102, %mul3A_368 : i32
        %add3A_370 = arith.constant 3 : i32
        %add3A_371 = arith.addi %mul3A_369, %add3A_370 : i32
        %broadcast_in_dim3A_372 = arith.constant 0.000000e+00 : f32
        %broadcast_in_dim3A_373 = vector.broadcast %broadcast_in_dim3A_372 : f32 to vector<16xf32>
        %get3A_374 = arith.index_cast %add3A_371 : i32 to index
        %get3A_375 = arith.constant 0 : index
        %get3A_376 = tpu.vector_load %arg18[%get3A_374, %get3A_375] {strides = array<i32>} : memref<128x128xf32, #tpu.memory_space<vmem>>, vector<1x16xf32>,
        %get3A_377 = vector.shape_cast %get3A_376 : vector<1x16xf32> to vector<16xf32>
        %get3A_378 = arith.index_cast %add3A_371 : i32 to index
        %get3A_379 = arith.constant 0 : index
        %get3A_380 = tpu.vector_load %arg19[%get3A_378, %get3A_379] {strides = array<i32>} : memref<128x128xf32, #tpu.memory_space<vmem>>, vector<1x16xf32>,
        %get3A_381 = vector.shape_cast %get3A_380 : vector<1x16xf32> to vector<16xf32>
        %get3A_382 = arith.index_cast %add3A_371 : i32 to index
        %get3A_383 = arith.constant 0 : index
        %get3A_384 = tpu.vector_load %arg20[%get3A_382, %get3A_383] {strides = array<i32>} : memref<128x128xf32, #tpu.memory_space<vmem>>, vector<1x16xf32>,
        %get3A_385 = vector.shape_cast %get3A_384 : vector<1x16xf32> to vector<16xf32>
        %add3A_386 = arith.addf %get3A_377, %get3A_385 : vector<16xf32>
        %sub3A_387 = arith.subf %add3A_386, %get3A_381 : vector<16xf32>
        %abs3A_388 = math.absf %sub3A_387 : vector<16xf32>
        %add3A_389 = arith.addf %broadcast_in_dim3A_373, %abs3A_388 : vector<16xf32>
        %get3A_390 = arith.index_cast %add3A_371 : i32 to index
        %get3A_391 = arith.constant 16 : index
        %get3A_392 = tpu.vector_load %arg18[%get3A_390, %get3A_391] {strides = array<i32>} : memref<128x128xf32, #tpu.memory_space<vmem>>, vector<1x16xf32>,
        %get3A_393 = vector.shape_cast %get3A_392 : vector<1x16xf32> to vector<16xf32>
        %get3A_394 = arith.index_cast %add3A_371 : i32 to index
        %get3A_395 = arith.constant 16 : index
        %get3A_396 = tpu.vector_load %arg19[%get3A_394, %get3A_395] {strides = array<i32>} : memref<128x128xf32, #tpu.memory_space<vmem>>, vector<1x16xf32>,
        %get3A_397 = vector.shape_cast %get3A_396 : vector<1x16xf32> to vector<16xf32>
        %get3A_398 = arith.index_cast %add3A_371 : i32 to index
        %get3A_399 = arith.constant 16 : index
        %get3A_400 = tpu.vector_load %arg20[%get3A_398, %get3A_399] {strides = array<i32>} : memref<128x128xf32, #tpu.memory_space<vmem>>, vector<1x16xf32>,
        %get3A_401 = vector.shape_cast %get3A_400 : vector<1x16xf32> to vector<16xf32>
        %add3A_402 = arith.addf %get3A_393, %get3A_401 : vector<16xf32>
        %sub3A_403 = arith.subf %add3A_402, %get3A_397 : vector<16xf32>
        %abs3A_404 = math.absf %sub3A_403 : vector<16xf32>
        %add3A_405 = arith.addf %add3A_389, %abs3A_404 : vector<16xf32>
        %get3A_406 = arith.index_cast %add3A_371 : i32 to index
        %get3A_407 = arith.constant 32 : index
        %get3A_408 = tpu.vector_load %arg18[%get3A_406, %get3A_407] {strides = array<i32>} : memref<128x128xf32, #tpu.memory_space<vmem>>, vector<1x16xf32>,
        %get3A_409 = vector.shape_cast %get3A_408 : vector<1x16xf32> to vector<16xf32>
        %get3A_410 = arith.index_cast %add3A_371 : i32 to index
        %get3A_411 = arith.constant 32 : index
        %get3A_412 = tpu.vector_load %arg19[%get3A_410, %get3A_411] {strides = array<i32>} : memref<128x128xf32, #tpu.memory_space<vmem>>, vector<1x16xf32>,
        %get3A_413 = vector.shape_cast %get3A_412 : vector<1x16xf32> to vector<16xf32>
        %get3A_414 = arith.index_cast %add3A_371 : i32 to index
        %get3A_415 = arith.constant 32 : index
        %get3A_416 = tpu.vector_load %arg20[%get3A_414, %get3A_415] {strides = array<i32>} : memref<128x128xf32, #tpu.memory_space<vmem>>, vector<1x16xf32>,
        %get3A_417 = vector.shape_cast %get3A_416 : vector<1x16xf32> to vector<16xf32>
        %add3A_418 = arith.addf %get3A_409, %get3A_417 : vector<16xf32>
        %sub3A_419 = arith.subf %add3A_418, %get3A_413 : vector<16xf32>
        %abs3A_420 = math.absf %sub3A_419 : vector<16xf32>
        %add3A_421 = arith.addf %add3A_405, %abs3A_420 : vector<16xf32>
        %get3A_422 = arith.index_cast %add3A_371 : i32 to index
        %get3A_423 = arith.constant 48 : index
        %get3A_424 = tpu.vector_load %arg18[%get3A_422, %get3A_423] {strides = array<i32>} : memref<128x128xf32, #tpu.memory_space<vmem>>, vector<1x16xf32>,
        %get3A_425 = vector.shape_cast %get3A_424 : vector<1x16xf32> to vector<16xf32>
        %get3A_426 = arith.index_cast %add3A_371 : i32 to index
        %get3A_427 = arith.constant 48 : index
        %get3A_428 = tpu.vector_load %arg19[%get3A_426, %get3A_427] {strides = array<i32>} : memref<128x128xf32, #tpu.memory_space<vmem>>, vector<1x16xf32>,
        %get3A_429 = vector.shape_cast %get3A_428 : vector<1x16xf32> to vector<16xf32>
        %get3A_430 = arith.index_cast %add3A_371 : i32 to index
        %get3A_431 = arith.constant 48 : index
        %get3A_432 = tpu.vector_load %arg20[%get3A_430, %get3A_431] {strides = array<i32>} : memref<128x128xf32, #tpu.memory_space<vmem>>, vector<1x16xf32>,
        %get3A_433 = vector.shape_cast %get3A_432 : vector<1x16xf32> to vector<16xf32>
        %add3A_434 = arith.addf %get3A_425, %get3A_433 : vector<16xf32>
        %sub3A_435 = arith.subf %add3A_434, %get3A_429 : vector<16xf32>
        %abs3A_436 = math.absf %sub3A_435 : vector<16xf32>
        %add3A_437 = arith.addf %add3A_421, %abs3A_436 : vector<16xf32>
        %broadcast_in_dim3A_438 = vector.shape_cast %xor3A_4 : vector<16xi32> to vector<16x1xi32>
        %gather3A_439 = vector.shape_cast %broadcast_in_dim3A_438 : vector<16x1xi32> to vector<16xi32>
        %gather3A_440 = tpu.dynamic_gather %add3A_437[%gather3A_439] in [0] : vector<16xf32>, vector<16xi32> -> vector<16xf32>
        %add3A_441 = arith.addf %add3A_437, %gather3A_440 : vector<16xf32>
        %broadcast_in_dim3A_442 = vector.shape_cast %xor3A_7 : vector<16xi32> to vector<16x1xi32>
        %gather3A_443 = vector.shape_cast %broadcast_in_dim3A_442 : vector<16x1xi32> to vector<16xi32>
        %gather3A_444 = tpu.dynamic_gather %add3A_441[%gather3A_443] in [0] : vector<16xf32>, vector<16xi32> -> vector<16xf32>
        %add3A_445 = arith.addf %add3A_441, %gather3A_444 : vector<16xf32>
        %broadcast_in_dim3A_446 = vector.shape_cast %xor3A_10 : vector<16xi32> to vector<16x1xi32>
        %gather3A_447 = vector.shape_cast %broadcast_in_dim3A_446 : vector<16x1xi32> to vector<16xi32>
        %gather3A_448 = tpu.dynamic_gather %add3A_445[%gather3A_447] in [0] : vector<16xf32>, vector<16xi32> -> vector<16xf32>
        %add3A_449 = arith.addf %add3A_445, %gather3A_448 : vector<16xf32>
        %broadcast_in_dim3A_450 = vector.shape_cast %xor3A_13 : vector<16xi32> to vector<16x1xi32>
        %gather3A_451 = vector.shape_cast %broadcast_in_dim3A_450 : vector<16x1xi32> to vector<16xi32>
        %gather3A_452 = tpu.dynamic_gather %add3A_449[%gather3A_451] in [0] : vector<16xf32>, vector<16xi32> -> vector<16xf32>
        %add3A_453 = arith.addf %add3A_449, %gather3A_452 : vector<16xf32>
        %eq3A_454 = arith.constant 3 : i32
        %eq3A_455 = vector.broadcast %eq3A_454 : i32 to vector<16xi32>
        %eq3A_456 = arith.cmpi eq, %iota3A, %eq3A_455 : vector<16xi32>
        %select_n3A_457 = arith.select %eq3A_456, %add3A_453, %select_n3A_367 : vector<16xi1>, vector<16xf32>
        %mul3A_458 = arith.constant 16 : i32
        %mul3A_459 = arith.muli %scan3A_102, %mul3A_458 : i32
        %add3A_460 = arith.constant 4 : i32
        %add3A_461 = arith.addi %mul3A_459, %add3A_460 : i32
        %broadcast_in_dim3A_462 = arith.constant 0.000000e+00 : f32
        %broadcast_in_dim3A_463 = vector.broadcast %broadcast_in_dim3A_462 : f32 to vector<16xf32>
        %get3A_464 = arith.index_cast %add3A_461 : i32 to index
        %get3A_465 = arith.constant 0 : index
        %get3A_466 = tpu.vector_load %arg18[%get3A_464, %get3A_465] {strides = array<i32>} : memref<128x128xf32, #tpu.memory_space<vmem>>, vector<1x16xf32>,
        %get3A_467 = vector.shape_cast %get3A_466 : vector<1x16xf32> to vector<16xf32>
        %get3A_468 = arith.index_cast %add3A_461 : i32 to index
        %get3A_469 = arith.constant 0 : index
        %get3A_470 = tpu.vector_load %arg19[%get3A_468, %get3A_469] {strides = array<i32>} : memref<128x128xf32, #tpu.memory_space<vmem>>, vector<1x16xf32>,
        %get3A_471 = vector.shape_cast %get3A_470 : vector<1x16xf32> to vector<16xf32>
        %get3A_472 = arith.index_cast %add3A_461 : i32 to index
        %get3A_473 = arith.constant 0 : index
        %get3A_474 = tpu.vector_load %arg20[%get3A_472, %get3A_473] {strides = array<i32>} : memref<128x128xf32, #tpu.memory_space<vmem>>, vector<1x16xf32>,
        %get3A_475 = vector.shape_cast %get3A_474 : vector<1x16xf32> to vector<16xf32>
        %add3A_476 = arith.addf %get3A_467, %get3A_475 : vector<16xf32>
        %sub3A_477 = arith.subf %add3A_476, %get3A_471 : vector<16xf32>
        %abs3A_478 = math.absf %sub3A_477 : vector<16xf32>
        %add3A_479 = arith.addf %broadcast_in_dim3A_463, %abs3A_478 : vector<16xf32>
        %get3A_480 = arith.index_cast %add3A_461 : i32 to index
        %get3A_481 = arith.constant 16 : index
        %get3A_482 = tpu.vector_load %arg18[%get3A_480, %get3A_481] {strides = array<i32>} : memref<128x128xf32, #tpu.memory_space<vmem>>, vector<1x16xf32>,
        %get3A_483 = vector.shape_cast %get3A_482 : vector<1x16xf32> to vector<16xf32>
        %get3A_484 = arith.index_cast %add3A_461 : i32 to index
        %get3A_485 = arith.constant 16 : index
        %get3A_486 = tpu.vector_load %arg19[%get3A_484, %get3A_485] {strides = array<i32>} : memref<128x128xf32, #tpu.memory_space<vmem>>, vector<1x16xf32>,
        %get3A_487 = vector.shape_cast %get3A_486 : vector<1x16xf32> to vector<16xf32>
        %get3A_488 = arith.index_cast %add3A_461 : i32 to index
        %get3A_489 = arith.constant 16 : index
        %get3A_490 = tpu.vector_load %arg20[%get3A_488, %get3A_489] {strides = array<i32>} : memref<128x128xf32, #tpu.memory_space<vmem>>, vector<1x16xf32>,
        %get3A_491 = vector.shape_cast %get3A_490 : vector<1x16xf32> to vector<16xf32>
        %add3A_492 = arith.addf %get3A_483, %get3A_491 : vector<16xf32>
        %sub3A_493 = arith.subf %add3A_492, %get3A_487 : vector<16xf32>
        %abs3A_494 = math.absf %sub3A_493 : vector<16xf32>
        %add3A_495 = arith.addf %add3A_479, %abs3A_494 : vector<16xf32>
        %get3A_496 = arith.index_cast %add3A_461 : i32 to index
        %get3A_497 = arith.constant 32 : index
        %get3A_498 = tpu.vector_load %arg18[%get3A_496, %get3A_497] {strides = array<i32>} : memref<128x128xf32, #tpu.memory_space<vmem>>, vector<1x16xf32>,
        %get3A_499 = vector.shape_cast %get3A_498 : vector<1x16xf32> to vector<16xf32>
        %get3A_500 = arith.index_cast %add3A_461 : i32 to index
        %get3A_501 = arith.constant 32 : index
        %get3A_502 = tpu.vector_load %arg19[%get3A_500, %get3A_501] {strides = array<i32>} : memref<128x128xf32, #tpu.memory_space<vmem>>, vector<1x16xf32>,
        %get3A_503 = vector.shape_cast %get3A_502 : vector<1x16xf32> to vector<16xf32>
        %get3A_504 = arith.index_cast %add3A_461 : i32 to index
        %get3A_505 = arith.constant 32 : index
        %get3A_506 = tpu.vector_load %arg20[%get3A_504, %get3A_505] {strides = array<i32>} : memref<128x128xf32, #tpu.memory_space<vmem>>, vector<1x16xf32>,
        %get3A_507 = vector.shape_cast %get3A_506 : vector<1x16xf32> to vector<16xf32>
        %add3A_508 = arith.addf %get3A_499, %get3A_507 : vector<16xf32>
        %sub3A_509 = arith.subf %add3A_508, %get3A_503 : vector<16xf32>
        %abs3A_510 = math.absf %sub3A_509 : vector<16xf32>
        %add3A_511 = arith.addf %add3A_495, %abs3A_510 : vector<16xf32>
        %get3A_512 = arith.index_cast %add3A_461 : i32 to index
        %get3A_513 = arith.constant 48 : index
        %get3A_514 = tpu.vector_load %arg18[%get3A_512, %get3A_513] {strides = array<i32>} : memref<128x128xf32, #tpu.memory_space<vmem>>, vector<1x16xf32>,
        %get3A_515 = vector.shape_cast %get3A_514 : vector<1x16xf32> to vector<16xf32>
        %get3A_516 = arith.index_cast %add3A_461 : i32 to index
        %get3A_517 = arith.constant 48 : index
        %get3A_518 = tpu.vector_load %arg19[%get3A_516, %get3A_517] {strides = array<i32>} : memref<128x128xf32, #tpu.memory_space<vmem>>, vector<1x16xf32>,
        %get3A_519 = vector.shape_cast %get3A_518 : vector<1x16xf32> to vector<16xf32>
        %get3A_520 = arith.index_cast %add3A_461 : i32 to index
        %get3A_521 = arith.constant 48 : index
        %get3A_522 = tpu.vector_load %arg20[%get3A_520, %get3A_521] {strides = array<i32>} : memref<128x128xf32, #tpu.memory_space<vmem>>, vector<1x16xf32>,
        %get3A_523 = vector.shape_cast %get3A_522 : vector<1x16xf32> to vector<16xf32>
        %add3A_524 = arith.addf %get3A_515, %get3A_523 : vector<16xf32>
        %sub3A_525 = arith.subf %add3A_524, %get3A_519 : vector<16xf32>
        %abs3A_526 = math.absf %sub3A_525 : vector<16xf32>
        %add3A_527 = arith.addf %add3A_511, %abs3A_526 : vector<16xf32>
        %broadcast_in_dim3A_528 = vector.shape_cast %xor3A_4 : vector<16xi32> to vector<16x1xi32>
        %gather3A_529 = vector.shape_cast %broadcast_in_dim3A_528 : vector<16x1xi32> to vector<16xi32>
        %gather3A_530 = tpu.dynamic_gather %add3A_527[%gather3A_529] in [0] : vector<16xf32>, vector<16xi32> -> vector<16xf32>
        %add3A_531 = arith.addf %add3A_527, %gather3A_530 : vector<16xf32>
        %broadcast_in_dim3A_532 = vector.shape_cast %xor3A_7 : vector<16xi32> to vector<16x1xi32>
        %gather3A_533 = vector.shape_cast %broadcast_in_dim3A_532 : vector<16x1xi32> to vector<16xi32>
        %gather3A_534 = tpu.dynamic_gather %add3A_531[%gather3A_533] in [0] : vector<16xf32>, vector<16xi32> -> vector<16xf32>
        %add3A_535 = arith.addf %add3A_531, %gather3A_534 : vector<16xf32>
        %broadcast_in_dim3A_536 = vector.shape_cast %xor3A_10 : vector<16xi32> to vector<16x1xi32>
        %gather3A_537 = vector.shape_cast %broadcast_in_dim3A_536 : vector<16x1xi32> to vector<16xi32>
        %gather3A_538 = tpu.dynamic_gather %add3A_535[%gather3A_537] in [0] : vector<16xf32>, vector<16xi32> -> vector<16xf32>
        %add3A_539 = arith.addf %add3A_535, %gather3A_538 : vector<16xf32>
        %broadcast_in_dim3A_540 = vector.shape_cast %xor3A_13 : vector<16xi32> to vector<16x1xi32>
        %gather3A_541 = vector.shape_cast %broadcast_in_dim3A_540 : vector<16x1xi32> to vector<16xi32>
        %gather3A_542 = tpu.dynamic_gather %add3A_539[%gather3A_541] in [0] : vector<16xf32>, vector<16xi32> -> vector<16xf32>
        %add3A_543 = arith.addf %add3A_539, %gather3A_542 : vector<16xf32>
        %eq3A_544 = arith.constant 4 : i32
        %eq3A_545 = vector.broadcast %eq3A_544 : i32 to vector<16xi32>
        %eq3A_546 = arith.cmpi eq, %iota3A, %eq3A_545 : vector<16xi32>
        %select_n3A_547 = arith.select %eq3A_546, %add3A_543, %select_n3A_457 : vector<16xi1>, vector<16xf32>
        %mul3A_548 = arith.constant 16 : i32
        %mul3A_549 = arith.muli %scan3A_102, %mul3A_548 : i32
        %add3A_550 = arith.constant 5 : i32
        %add3A_551 = arith.addi %mul3A_549, %add3A_550 : i32
        %broadcast_in_dim3A_552 = arith.constant 0.000000e+00 : f32
        %broadcast_in_dim3A_553 = vector.broadcast %broadcast_in_dim3A_552 : f32 to vector<16xf32>
        %get3A_554 = arith.index_cast %add3A_551 : i32 to index
        %get3A_555 = arith.constant 0 : index
        %get3A_556 = tpu.vector_load %arg18[%get3A_554, %get3A_555] {strides = array<i32>} : memref<128x128xf32, #tpu.memory_space<vmem>>, vector<1x16xf32>,
        %get3A_557 = vector.shape_cast %get3A_556 : vector<1x16xf32> to vector<16xf32>
        %get3A_558 = arith.index_cast %add3A_551 : i32 to index
        %get3A_559 = arith.constant 0 : index
        %get3A_560 = tpu.vector_load %arg19[%get3A_558, %get3A_559] {strides = array<i32>} : memref<128x128xf32, #tpu.memory_space<vmem>>, vector<1x16xf32>,
        %get3A_561 = vector.shape_cast %get3A_560 : vector<1x16xf32> to vector<16xf32>
        %get3A_562 = arith.index_cast %add3A_551 : i32 to index
        %get3A_563 = arith.constant 0 : index
        %get3A_564 = tpu.vector_load %arg20[%get3A_562, %get3A_563] {strides = array<i32>} : memref<128x128xf32, #tpu.memory_space<vmem>>, vector<1x16xf32>,
        %get3A_565 = vector.shape_cast %get3A_564 : vector<1x16xf32> to vector<16xf32>
        %add3A_566 = arith.addf %get3A_557, %get3A_565 : vector<16xf32>
        %sub3A_567 = arith.subf %add3A_566, %get3A_561 : vector<16xf32>
        %abs3A_568 = math.absf %sub3A_567 : vector<16xf32>
        %add3A_569 = arith.addf %broadcast_in_dim3A_553, %abs3A_568 : vector<16xf32>
        %get3A_570 = arith.index_cast %add3A_551 : i32 to index
        %get3A_571 = arith.constant 16 : index
        %get3A_572 = tpu.vector_load %arg18[%get3A_570, %get3A_571] {strides = array<i32>} : memref<128x128xf32, #tpu.memory_space<vmem>>, vector<1x16xf32>,
        %get3A_573 = vector.shape_cast %get3A_572 : vector<1x16xf32> to vector<16xf32>
        %get3A_574 = arith.index_cast %add3A_551 : i32 to index
        %get3A_575 = arith.constant 16 : index
        %get3A_576 = tpu.vector_load %arg19[%get3A_574, %get3A_575] {strides = array<i32>} : memref<128x128xf32, #tpu.memory_space<vmem>>, vector<1x16xf32>,
        %get3A_577 = vector.shape_cast %get3A_576 : vector<1x16xf32> to vector<16xf32>
        %get3A_578 = arith.index_cast %add3A_551 : i32 to index
        %get3A_579 = arith.constant 16 : index
        %get3A_580 = tpu.vector_load %arg20[%get3A_578, %get3A_579] {strides = array<i32>} : memref<128x128xf32, #tpu.memory_space<vmem>>, vector<1x16xf32>,
        %get3A_581 = vector.shape_cast %get3A_580 : vector<1x16xf32> to vector<16xf32>
        %add3A_582 = arith.addf %get3A_573, %get3A_581 : vector<16xf32>
        %sub3A_583 = arith.subf %add3A_582, %get3A_577 : vector<16xf32>
        %abs3A_584 = math.absf %sub3A_583 : vector<16xf32>
        %add3A_585 = arith.addf %add3A_569, %abs3A_584 : vector<16xf32>
        %get3A_586 = arith.index_cast %add3A_551 : i32 to index
        %get3A_587 = arith.constant 32 : index
        %get3A_588 = tpu.vector_load %arg18[%get3A_586, %get3A_587] {strides = array<i32>} : memref<128x128xf32, #tpu.memory_space<vmem>>, vector<1x16xf32>,
        %get3A_589 = vector.shape_cast %get3A_588 : vector<1x16xf32> to vector<16xf32>
        %get3A_590 = arith.index_cast %add3A_551 : i32 to index
        %get3A_591 = arith.constant 32 : index
        %get3A_592 = tpu.vector_load %arg19[%get3A_590, %get3A_591] {strides = array<i32>} : memref<128x128xf32, #tpu.memory_space<vmem>>, vector<1x16xf32>,
        %get3A_593 = vector.shape_cast %get3A_592 : vector<1x16xf32> to vector<16xf32>
        %get3A_594 = arith.index_cast %add3A_551 : i32 to index
        %get3A_595 = arith.constant 32 : index
        %get3A_596 = tpu.vector_load %arg20[%get3A_594, %get3A_595] {strides = array<i32>} : memref<128x128xf32, #tpu.memory_space<vmem>>, vector<1x16xf32>,
        %get3A_597 = vector.shape_cast %get3A_596 : vector<1x16xf32> to vector<16xf32>
        %add3A_598 = arith.addf %get3A_589, %get3A_597 : vector<16xf32>
        %sub3A_599 = arith.subf %add3A_598, %get3A_593 : vector<16xf32>
        %abs3A_600 = math.absf %sub3A_599 : vector<16xf32>
        %add3A_601 = arith.addf %add3A_585, %abs3A_600 : vector<16xf32>
        %get3A_602 = arith.index_cast %add3A_551 : i32 to index
        %get3A_603 = arith.constant 48 : index
        %get3A_604 = tpu.vector_load %arg18[%get3A_602, %get3A_603] {strides = array<i32>} : memref<128x128xf32, #tpu.memory_space<vmem>>, vector<1x16xf32>,
        %get3A_605 = vector.shape_cast %get3A_604 : vector<1x16xf32> to vector<16xf32>
        %get3A_606 = arith.index_cast %add3A_551 : i32 to index
        %get3A_607 = arith.constant 48 : index
        %get3A_608 = tpu.vector_load %arg19[%get3A_606, %get3A_607] {strides = array<i32>} : memref<128x128xf32, #tpu.memory_space<vmem>>, vector<1x16xf32>,
        %get3A_609 = vector.shape_cast %get3A_608 : vector<1x16xf32> to vector<16xf32>
        %get3A_610 = arith.index_cast %add3A_551 : i32 to index
        %get3A_611 = arith.constant 48 : index
        %get3A_612 = tpu.vector_load %arg20[%get3A_610, %get3A_611] {strides = array<i32>} : memref<128x128xf32, #tpu.memory_space<vmem>>, vector<1x16xf32>,
        %get3A_613 = vector.shape_cast %get3A_612 : vector<1x16xf32> to vector<16xf32>
        %add3A_614 = arith.addf %get3A_605, %get3A_613 : vector<16xf32>
        %sub3A_615 = arith.subf %add3A_614, %get3A_609 : vector<16xf32>
        %abs3A_616 = math.absf %sub3A_615 : vector<16xf32>
        %add3A_617 = arith.addf %add3A_601, %abs3A_616 : vector<16xf32>
        %broadcast_in_dim3A_618 = vector.shape_cast %xor3A_4 : vector<16xi32> to vector<16x1xi32>
        %gather3A_619 = vector.shape_cast %broadcast_in_dim3A_618 : vector<16x1xi32> to vector<16xi32>
        %gather3A_620 = tpu.dynamic_gather %add3A_617[%gather3A_619] in [0] : vector<16xf32>, vector<16xi32> -> vector<16xf32>
        %add3A_621 = arith.addf %add3A_617, %gather3A_620 : vector<16xf32>
        %broadcast_in_dim3A_622 = vector.shape_cast %xor3A_7 : vector<16xi32> to vector<16x1xi32>
        %gather3A_623 = vector.shape_cast %broadcast_in_dim3A_622 : vector<16x1xi32> to vector<16xi32>
        %gather3A_624 = tpu.dynamic_gather %add3A_621[%gather3A_623] in [0] : vector<16xf32>, vector<16xi32> -> vector<16xf32>
        %add3A_625 = arith.addf %add3A_621, %gather3A_624 : vector<16xf32>
        %broadcast_in_dim3A_626 = vector.shape_cast %xor3A_10 : vector<16xi32> to vector<16x1xi32>
        %gather3A_627 = vector.shape_cast %broadcast_in_dim3A_626 : vector<16x1xi32> to vector<16xi32>
        %gather3A_628 = tpu.dynamic_gather %add3A_625[%gather3A_627] in [0] : vector<16xf32>, vector<16xi32> -> vector<16xf32>
        %add3A_629 = arith.addf %add3A_625, %gather3A_628 : vector<16xf32>
        %broadcast_in_dim3A_630 = vector.shape_cast %xor3A_13 : vector<16xi32> to vector<16x1xi32>
        %gather3A_631 = vector.shape_cast %broadcast_in_dim3A_630 : vector<16x1xi32> to vector<16xi32>
        %gather3A_632 = tpu.dynamic_gather %add3A_629[%gather3A_631] in [0] : vector<16xf32>, vector<16xi32> -> vector<16xf32>
        %add3A_633 = arith.addf %add3A_629, %gather3A_632 : vector<16xf32>
        %eq3A_634 = arith.constant 5 : i32
        %eq3A_635 = vector.broadcast %eq3A_634 : i32 to vector<16xi32>
        %eq3A_636 = arith.cmpi eq, %iota3A, %eq3A_635 : vector<16xi32>
        %select_n3A_637 = arith.select %eq3A_636, %add3A_633, %select_n3A_547 : vector<16xi1>, vector<16xf32>
        %mul3A_638 = arith.constant 16 : i32
        %mul3A_639 = arith.muli %scan3A_102, %mul3A_638 : i32
        %add3A_640 = arith.constant 6 : i32
        %add3A_641 = arith.addi %mul3A_639, %add3A_640 : i32
        %broadcast_in_dim3A_642 = arith.constant 0.000000e+00 : f32
        %broadcast_in_dim3A_643 = vector.broadcast %broadcast_in_dim3A_642 : f32 to vector<16xf32>
        %get3A_644 = arith.index_cast %add3A_641 : i32 to index
        %get3A_645 = arith.constant 0 : index
        %get3A_646 = tpu.vector_load %arg18[%get3A_644, %get3A_645] {strides = array<i32>} : memref<128x128xf32, #tpu.memory_space<vmem>>, vector<1x16xf32>,
        %get3A_647 = vector.shape_cast %get3A_646 : vector<1x16xf32> to vector<16xf32>
        %get3A_648 = arith.index_cast %add3A_641 : i32 to index
        %get3A_649 = arith.constant 0 : index
        %get3A_650 = tpu.vector_load %arg19[%get3A_648, %get3A_649] {strides = array<i32>} : memref<128x128xf32, #tpu.memory_space<vmem>>, vector<1x16xf32>,
        %get3A_651 = vector.shape_cast %get3A_650 : vector<1x16xf32> to vector<16xf32>
        %get3A_652 = arith.index_cast %add3A_641 : i32 to index
        %get3A_653 = arith.constant 0 : index
        %get3A_654 = tpu.vector_load %arg20[%get3A_652, %get3A_653] {strides = array<i32>} : memref<128x128xf32, #tpu.memory_space<vmem>>, vector<1x16xf32>,
        %get3A_655 = vector.shape_cast %get3A_654 : vector<1x16xf32> to vector<16xf32>
        %add3A_656 = arith.addf %get3A_647, %get3A_655 : vector<16xf32>
        %sub3A_657 = arith.subf %add3A_656, %get3A_651 : vector<16xf32>
        %abs3A_658 = math.absf %sub3A_657 : vector<16xf32>
        %add3A_659 = arith.addf %broadcast_in_dim3A_643, %abs3A_658 : vector<16xf32>
        %get3A_660 = arith.index_cast %add3A_641 : i32 to index
        %get3A_661 = arith.constant 16 : index
        %get3A_662 = tpu.vector_load %arg18[%get3A_660, %get3A_661] {strides = array<i32>} : memref<128x128xf32, #tpu.memory_space<vmem>>, vector<1x16xf32>,
        %get3A_663 = vector.shape_cast %get3A_662 : vector<1x16xf32> to vector<16xf32>
        %get3A_664 = arith.index_cast %add3A_641 : i32 to index
        %get3A_665 = arith.constant 16 : index
        %get3A_666 = tpu.vector_load %arg19[%get3A_664, %get3A_665] {strides = array<i32>} : memref<128x128xf32, #tpu.memory_space<vmem>>, vector<1x16xf32>,
        %get3A_667 = vector.shape_cast %get3A_666 : vector<1x16xf32> to vector<16xf32>
        %get3A_668 = arith.index_cast %add3A_641 : i32 to index
        %get3A_669 = arith.constant 16 : index
        %get3A_670 = tpu.vector_load %arg20[%get3A_668, %get3A_669] {strides = array<i32>} : memref<128x128xf32, #tpu.memory_space<vmem>>, vector<1x16xf32>,
        %get3A_671 = vector.shape_cast %get3A_670 : vector<1x16xf32> to vector<16xf32>
        %add3A_672 = arith.addf %get3A_663, %get3A_671 : vector<16xf32>
        %sub3A_673 = arith.subf %add3A_672, %get3A_667 : vector<16xf32>
        %abs3A_674 = math.absf %sub3A_673 : vector<16xf32>
        %add3A_675 = arith.addf %add3A_659, %abs3A_674 : vector<16xf32>
        %get3A_676 = arith.index_cast %add3A_641 : i32 to index
        %get3A_677 = arith.constant 32 : index
        %get3A_678 = tpu.vector_load %arg18[%get3A_676, %get3A_677] {strides = array<i32>} : memref<128x128xf32, #tpu.memory_space<vmem>>, vector<1x16xf32>,
        %get3A_679 = vector.shape_cast %get3A_678 : vector<1x16xf32> to vector<16xf32>
        %get3A_680 = arith.index_cast %add3A_641 : i32 to index
        %get3A_681 = arith.constant 32 : index
        %get3A_682 = tpu.vector_load %arg19[%get3A_680, %get3A_681] {strides = array<i32>} : memref<128x128xf32, #tpu.memory_space<vmem>>, vector<1x16xf32>,
        %get3A_683 = vector.shape_cast %get3A_682 : vector<1x16xf32> to vector<16xf32>
        %get3A_684 = arith.index_cast %add3A_641 : i32 to index
        %get3A_685 = arith.constant 32 : index
        %get3A_686 = tpu.vector_load %arg20[%get3A_684, %get3A_685] {strides = array<i32>} : memref<128x128xf32, #tpu.memory_space<vmem>>, vector<1x16xf32>,
        %get3A_687 = vector.shape_cast %get3A_686 : vector<1x16xf32> to vector<16xf32>
        %add3A_688 = arith.addf %get3A_679, %get3A_687 : vector<16xf32>
        %sub3A_689 = arith.subf %add3A_688, %get3A_683 : vector<16xf32>
        %abs3A_690 = math.absf %sub3A_689 : vector<16xf32>
        %add3A_691 = arith.addf %add3A_675, %abs3A_690 : vector<16xf32>
        %get3A_692 = arith.index_cast %add3A_641 : i32 to index
        %get3A_693 = arith.constant 48 : index
        %get3A_694 = tpu.vector_load %arg18[%get3A_692, %get3A_693] {strides = array<i32>} : memref<128x128xf32, #tpu.memory_space<vmem>>, vector<1x16xf32>,
        %get3A_695 = vector.shape_cast %get3A_694 : vector<1x16xf32> to vector<16xf32>
        %get3A_696 = arith.index_cast %add3A_641 : i32 to index
        %get3A_697 = arith.constant 48 : index
        %get3A_698 = tpu.vector_load %arg19[%get3A_696, %get3A_697] {strides = array<i32>} : memref<128x128xf32, #tpu.memory_space<vmem>>, vector<1x16xf32>,
        %get3A_699 = vector.shape_cast %get3A_698 : vector<1x16xf32> to vector<16xf32>
        %get3A_700 = arith.index_cast %add3A_641 : i32 to index
        %get3A_701 = arith.constant 48 : index
        %get3A_702 = tpu.vector_load %arg20[%get3A_700, %get3A_701] {strides = array<i32>} : memref<128x128xf32, #tpu.memory_space<vmem>>, vector<1x16xf32>,
        %get3A_703 = vector.shape_cast %get3A_702 : vector<1x16xf32> to vector<16xf32>
        %add3A_704 = arith.addf %get3A_695, %get3A_703 : vector<16xf32>
        %sub3A_705 = arith.subf %add3A_704, %get3A_699 : vector<16xf32>
        %abs3A_706 = math.absf %sub3A_705 : vector<16xf32>
        %add3A_707 = arith.addf %add3A_691, %abs3A_706 : vector<16xf32>
        %broadcast_in_dim3A_708 = vector.shape_cast %xor3A_4 : vector<16xi32> to vector<16x1xi32>
        %gather3A_709 = vector.shape_cast %broadcast_in_dim3A_708 : vector<16x1xi32> to vector<16xi32>
        %gather3A_710 = tpu.dynamic_gather %add3A_707[%gather3A_709] in [0] : vector<16xf32>, vector<16xi32> -> vector<16xf32>
        %add3A_711 = arith.addf %add3A_707, %gather3A_710 : vector<16xf32>
        %broadcast_in_dim3A_712 = vector.shape_cast %xor3A_7 : vector<16xi32> to vector<16x1xi32>
        %gather3A_713 = vector.shape_cast %broadcast_in_dim3A_712 : vector<16x1xi32> to vector<16xi32>
        %gather3A_714 = tpu.dynamic_gather %add3A_711[%gather3A_713] in [0] : vector<16xf32>, vector<16xi32> -> vector<16xf32>
        %add3A_715 = arith.addf %add3A_711, %gather3A_714 : vector<16xf32>
        %broadcast_in_dim3A_716 = vector.shape_cast %xor3A_10 : vector<16xi32> to vector<16x1xi32>
        %gather3A_717 = vector.shape_cast %broadcast_in_dim3A_716 : vector<16x1xi32> to vector<16xi32>
        %gather3A_718 = tpu.dynamic_gather %add3A_715[%gather3A_717] in [0] : vector<16xf32>, vector<16xi32> -> vector<16xf32>
        %add3A_719 = arith.addf %add3A_715, %gather3A_718 : vector<16xf32>
        %broadcast_in_dim3A_720 = vector.shape_cast %xor3A_13 : vector<16xi32> to vector<16x1xi32>
        %gather3A_721 = vector.shape_cast %broadcast_in_dim3A_720 : vector<16x1xi32> to vector<16xi32>
        %gather3A_722 = tpu.dynamic_gather %add3A_719[%gather3A_721] in [0] : vector<16xf32>, vector<16xi32> -> vector<16xf32>
        %add3A_723 = arith.addf %add3A_719, %gather3A_722 : vector<16xf32>
        %eq3A_724 = arith.constant 6 : i32
        %eq3A_725 = vector.broadcast %eq3A_724 : i32 to vector<16xi32>
        %eq3A_726 = arith.cmpi eq, %iota3A, %eq3A_725 : vector<16xi32>
        %select_n3A_727 = arith.select %eq3A_726, %add3A_723, %select_n3A_637 : vector<16xi1>, vector<16xf32>
        %mul3A_728 = arith.constant 16 : i32
        %mul3A_729 = arith.muli %scan3A_102, %mul3A_728 : i32
        %add3A_730 = arith.constant 7 : i32
        %add3A_731 = arith.addi %mul3A_729, %add3A_730 : i32
        %broadcast_in_dim3A_732 = arith.constant 0.000000e+00 : f32
        %broadcast_in_dim3A_733 = vector.broadcast %broadcast_in_dim3A_732 : f32 to vector<16xf32>
        %get3A_734 = arith.index_cast %add3A_731 : i32 to index
        %get3A_735 = arith.constant 0 : index
        %get3A_736 = tpu.vector_load %arg18[%get3A_734, %get3A_735] {strides = array<i32>} : memref<128x128xf32, #tpu.memory_space<vmem>>, vector<1x16xf32>,
        %get3A_737 = vector.shape_cast %get3A_736 : vector<1x16xf32> to vector<16xf32>
        %get3A_738 = arith.index_cast %add3A_731 : i32 to index
        %get3A_739 = arith.constant 0 : index
        %get3A_740 = tpu.vector_load %arg19[%get3A_738, %get3A_739] {strides = array<i32>} : memref<128x128xf32, #tpu.memory_space<vmem>>, vector<1x16xf32>,
        %get3A_741 = vector.shape_cast %get3A_740 : vector<1x16xf32> to vector<16xf32>
        %get3A_742 = arith.index_cast %add3A_731 : i32 to index
        %get3A_743 = arith.constant 0 : index
        %get3A_744 = tpu.vector_load %arg20[%get3A_742, %get3A_743] {strides = array<i32>} : memref<128x128xf32, #tpu.memory_space<vmem>>, vector<1x16xf32>,
        %get3A_745 = vector.shape_cast %get3A_744 : vector<1x16xf32> to vector<16xf32>
        %add3A_746 = arith.addf %get3A_737, %get3A_745 : vector<16xf32>
        %sub3A_747 = arith.subf %add3A_746, %get3A_741 : vector<16xf32>
        %abs3A_748 = math.absf %sub3A_747 : vector<16xf32>
        %add3A_749 = arith.addf %broadcast_in_dim3A_733, %abs3A_748 : vector<16xf32>
        %get3A_750 = arith.index_cast %add3A_731 : i32 to index
        %get3A_751 = arith.constant 16 : index
        %get3A_752 = tpu.vector_load %arg18[%get3A_750, %get3A_751] {strides = array<i32>} : memref<128x128xf32, #tpu.memory_space<vmem>>, vector<1x16xf32>,
        %get3A_753 = vector.shape_cast %get3A_752 : vector<1x16xf32> to vector<16xf32>
        %get3A_754 = arith.index_cast %add3A_731 : i32 to index
        %get3A_755 = arith.constant 16 : index
        %get3A_756 = tpu.vector_load %arg19[%get3A_754, %get3A_755] {strides = array<i32>} : memref<128x128xf32, #tpu.memory_space<vmem>>, vector<1x16xf32>,
        %get3A_757 = vector.shape_cast %get3A_756 : vector<1x16xf32> to vector<16xf32>
        %get3A_758 = arith.index_cast %add3A_731 : i32 to index
        %get3A_759 = arith.constant 16 : index
        %get3A_760 = tpu.vector_load %arg20[%get3A_758, %get3A_759] {strides = array<i32>} : memref<128x128xf32, #tpu.memory_space<vmem>>, vector<1x16xf32>,
        %get3A_761 = vector.shape_cast %get3A_760 : vector<1x16xf32> to vector<16xf32>
        %add3A_762 = arith.addf %get3A_753, %get3A_761 : vector<16xf32>
        %sub3A_763 = arith.subf %add3A_762, %get3A_757 : vector<16xf32>
        %abs3A_764 = math.absf %sub3A_763 : vector<16xf32>
        %add3A_765 = arith.addf %add3A_749, %abs3A_764 : vector<16xf32>
        %get3A_766 = arith.index_cast %add3A_731 : i32 to index
        %get3A_767 = arith.constant 32 : index
        %get3A_768 = tpu.vector_load %arg18[%get3A_766, %get3A_767] {strides = array<i32>} : memref<128x128xf32, #tpu.memory_space<vmem>>, vector<1x16xf32>,
        %get3A_769 = vector.shape_cast %get3A_768 : vector<1x16xf32> to vector<16xf32>
        %get3A_770 = arith.index_cast %add3A_731 : i32 to index
        %get3A_771 = arith.constant 32 : index
        %get3A_772 = tpu.vector_load %arg19[%get3A_770, %get3A_771] {strides = array<i32>} : memref<128x128xf32, #tpu.memory_space<vmem>>, vector<1x16xf32>,
        %get3A_773 = vector.shape_cast %get3A_772 : vector<1x16xf32> to vector<16xf32>
        %get3A_774 = arith.index_cast %add3A_731 : i32 to index
        %get3A_775 = arith.constant 32 : index
        %get3A_776 = tpu.vector_load %arg20[%get3A_774, %get3A_775] {strides = array<i32>} : memref<128x128xf32, #tpu.memory_space<vmem>>, vector<1x16xf32>,
        %get3A_777 = vector.shape_cast %get3A_776 : vector<1x16xf32> to vector<16xf32>
        %add3A_778 = arith.addf %get3A_769, %get3A_777 : vector<16xf32>
        %sub3A_779 = arith.subf %add3A_778, %get3A_773 : vector<16xf32>
        %abs3A_780 = math.absf %sub3A_779 : vector<16xf32>
        %add3A_781 = arith.addf %add3A_765, %abs3A_780 : vector<16xf32>
        %get3A_782 = arith.index_cast %add3A_731 : i32 to index
        %get3A_783 = arith.constant 48 : index
        %get3A_784 = tpu.vector_load %arg18[%get3A_782, %get3A_783] {strides = array<i32>} : memref<128x128xf32, #tpu.memory_space<vmem>>, vector<1x16xf32>,
        %get3A_785 = vector.shape_cast %get3A_784 : vector<1x16xf32> to vector<16xf32>
        %get3A_786 = arith.index_cast %add3A_731 : i32 to index
        %get3A_787 = arith.constant 48 : index
        %get3A_788 = tpu.vector_load %arg19[%get3A_786, %get3A_787] {strides = array<i32>} : memref<128x128xf32, #tpu.memory_space<vmem>>, vector<1x16xf32>,
        %get3A_789 = vector.shape_cast %get3A_788 : vector<1x16xf32> to vector<16xf32>
        %get3A_790 = arith.index_cast %add3A_731 : i32 to index
        %get3A_791 = arith.constant 48 : index
        %get3A_792 = tpu.vector_load %arg20[%get3A_790, %get3A_791] {strides = array<i32>} : memref<128x128xf32, #tpu.memory_space<vmem>>, vector<1x16xf32>,
        %get3A_793 = vector.shape_cast %get3A_792 : vector<1x16xf32> to vector<16xf32>
        %add3A_794 = arith.addf %get3A_785, %get3A_793 : vector<16xf32>
        %sub3A_795 = arith.subf %add3A_794, %get3A_789 : vector<16xf32>
        %abs3A_796 = math.absf %sub3A_795 : vector<16xf32>
        %add3A_797 = arith.addf %add3A_781, %abs3A_796 : vector<16xf32>
        %broadcast_in_dim3A_798 = vector.shape_cast %xor3A_4 : vector<16xi32> to vector<16x1xi32>
        %gather3A_799 = vector.shape_cast %broadcast_in_dim3A_798 : vector<16x1xi32> to vector<16xi32>
        %gather3A_800 = tpu.dynamic_gather %add3A_797[%gather3A_799] in [0] : vector<16xf32>, vector<16xi32> -> vector<16xf32>
        %add3A_801 = arith.addf %add3A_797, %gather3A_800 : vector<16xf32>
        %broadcast_in_dim3A_802 = vector.shape_cast %xor3A_7 : vector<16xi32> to vector<16x1xi32>
        %gather3A_803 = vector.shape_cast %broadcast_in_dim3A_802 : vector<16x1xi32> to vector<16xi32>
        %gather3A_804 = tpu.dynamic_gather %add3A_801[%gather3A_803] in [0] : vector<16xf32>, vector<16xi32> -> vector<16xf32>
        %add3A_805 = arith.addf %add3A_801, %gather3A_804 : vector<16xf32>
        %broadcast_in_dim3A_806 = vector.shape_cast %xor3A_10 : vector<16xi32> to vector<16x1xi32>
        %gather3A_807 = vector.shape_cast %broadcast_in_dim3A_806 : vector<16x1xi32> to vector<16xi32>
        %gather3A_808 = tpu.dynamic_gather %add3A_805[%gather3A_807] in [0] : vector<16xf32>, vector<16xi32> -> vector<16xf32>
        %add3A_809 = arith.addf %add3A_805, %gather3A_808 : vector<16xf32>
        %broadcast_in_dim3A_810 = vector.shape_cast %xor3A_13 : vector<16xi32> to vector<16x1xi32>
        %gather3A_811 = vector.shape_cast %broadcast_in_dim3A_810 : vector<16x1xi32> to vector<16xi32>
        %gather3A_812 = tpu.dynamic_gather %add3A_809[%gather3A_811] in [0] : vector<16xf32>, vector<16xi32> -> vector<16xf32>
        %add3A_813 = arith.addf %add3A_809, %gather3A_812 : vector<16xf32>
        %eq3A_814 = arith.constant 7 : i32
        %eq3A_815 = vector.broadcast %eq3A_814 : i32 to vector<16xi32>
        %eq3A_816 = arith.cmpi eq, %iota3A, %eq3A_815 : vector<16xi32>
        %select_n3A_817 = arith.select %eq3A_816, %add3A_813, %select_n3A_727 : vector<16xi1>, vector<16xf32>
        %mul3A_818 = arith.constant 16 : i32
        %mul3A_819 = arith.muli %scan3A_102, %mul3A_818 : i32
        %add3A_820 = arith.constant 8 : i32
        %add3A_821 = arith.addi %mul3A_819, %add3A_820 : i32
        %broadcast_in_dim3A_822 = arith.constant 0.000000e+00 : f32
        %broadcast_in_dim3A_823 = vector.broadcast %broadcast_in_dim3A_822 : f32 to vector<16xf32>
        %get3A_824 = arith.index_cast %add3A_821 : i32 to index
        %get3A_825 = arith.constant 0 : index
        %get3A_826 = tpu.vector_load %arg18[%get3A_824, %get3A_825] {strides = array<i32>} : memref<128x128xf32, #tpu.memory_space<vmem>>, vector<1x16xf32>,
        %get3A_827 = vector.shape_cast %get3A_826 : vector<1x16xf32> to vector<16xf32>
        %get3A_828 = arith.index_cast %add3A_821 : i32 to index
        %get3A_829 = arith.constant 0 : index
        %get3A_830 = tpu.vector_load %arg19[%get3A_828, %get3A_829] {strides = array<i32>} : memref<128x128xf32, #tpu.memory_space<vmem>>, vector<1x16xf32>,
        %get3A_831 = vector.shape_cast %get3A_830 : vector<1x16xf32> to vector<16xf32>
        %get3A_832 = arith.index_cast %add3A_821 : i32 to index
        %get3A_833 = arith.constant 0 : index
        %get3A_834 = tpu.vector_load %arg20[%get3A_832, %get3A_833] {strides = array<i32>} : memref<128x128xf32, #tpu.memory_space<vmem>>, vector<1x16xf32>,
        %get3A_835 = vector.shape_cast %get3A_834 : vector<1x16xf32> to vector<16xf32>
        %add3A_836 = arith.addf %get3A_827, %get3A_835 : vector<16xf32>
        %sub3A_837 = arith.subf %add3A_836, %get3A_831 : vector<16xf32>
        %abs3A_838 = math.absf %sub3A_837 : vector<16xf32>
        %add3A_839 = arith.addf %broadcast_in_dim3A_823, %abs3A_838 : vector<16xf32>
        %get3A_840 = arith.index_cast %add3A_821 : i32 to index
        %get3A_841 = arith.constant 16 : index
        %get3A_842 = tpu.vector_load %arg18[%get3A_840, %get3A_841] {strides = array<i32>} : memref<128x128xf32, #tpu.memory_space<vmem>>, vector<1x16xf32>,
        %get3A_843 = vector.shape_cast %get3A_842 : vector<1x16xf32> to vector<16xf32>
        %get3A_844 = arith.index_cast %add3A_821 : i32 to index
        %get3A_845 = arith.constant 16 : index
        %get3A_846 = tpu.vector_load %arg19[%get3A_844, %get3A_845] {strides = array<i32>} : memref<128x128xf32, #tpu.memory_space<vmem>>, vector<1x16xf32>,
        %get3A_847 = vector.shape_cast %get3A_846 : vector<1x16xf32> to vector<16xf32>
        %get3A_848 = arith.index_cast %add3A_821 : i32 to index
        %get3A_849 = arith.constant 16 : index
        %get3A_850 = tpu.vector_load %arg20[%get3A_848, %get3A_849] {strides = array<i32>} : memref<128x128xf32, #tpu.memory_space<vmem>>, vector<1x16xf32>,
        %get3A_851 = vector.shape_cast %get3A_850 : vector<1x16xf32> to vector<16xf32>
        %add3A_852 = arith.addf %get3A_843, %get3A_851 : vector<16xf32>
        %sub3A_853 = arith.subf %add3A_852, %get3A_847 : vector<16xf32>
        %abs3A_854 = math.absf %sub3A_853 : vector<16xf32>
        %add3A_855 = arith.addf %add3A_839, %abs3A_854 : vector<16xf32>
        %get3A_856 = arith.index_cast %add3A_821 : i32 to index
        %get3A_857 = arith.constant 32 : index
        %get3A_858 = tpu.vector_load %arg18[%get3A_856, %get3A_857] {strides = array<i32>} : memref<128x128xf32, #tpu.memory_space<vmem>>, vector<1x16xf32>,
        %get3A_859 = vector.shape_cast %get3A_858 : vector<1x16xf32> to vector<16xf32>
        %get3A_860 = arith.index_cast %add3A_821 : i32 to index
        %get3A_861 = arith.constant 32 : index
        %get3A_862 = tpu.vector_load %arg19[%get3A_860, %get3A_861] {strides = array<i32>} : memref<128x128xf32, #tpu.memory_space<vmem>>, vector<1x16xf32>,
        %get3A_863 = vector.shape_cast %get3A_862 : vector<1x16xf32> to vector<16xf32>
        %get3A_864 = arith.index_cast %add3A_821 : i32 to index
        %get3A_865 = arith.constant 32 : index
        %get3A_866 = tpu.vector_load %arg20[%get3A_864, %get3A_865] {strides = array<i32>} : memref<128x128xf32, #tpu.memory_space<vmem>>, vector<1x16xf32>,
        %get3A_867 = vector.shape_cast %get3A_866 : vector<1x16xf32> to vector<16xf32>
        %add3A_868 = arith.addf %get3A_859, %get3A_867 : vector<16xf32>
        %sub3A_869 = arith.subf %add3A_868, %get3A_863 : vector<16xf32>
        %abs3A_870 = math.absf %sub3A_869 : vector<16xf32>
        %add3A_871 = arith.addf %add3A_855, %abs3A_870 : vector<16xf32>
        %get3A_872 = arith.index_cast %add3A_821 : i32 to index
        %get3A_873 = arith.constant 48 : index
        %get3A_874 = tpu.vector_load %arg18[%get3A_872, %get3A_873] {strides = array<i32>} : memref<128x128xf32, #tpu.memory_space<vmem>>, vector<1x16xf32>,
        %get3A_875 = vector.shape_cast %get3A_874 : vector<1x16xf32> to vector<16xf32>
        %get3A_876 = arith.index_cast %add3A_821 : i32 to index
        %get3A_877 = arith.constant 48 : index
        %get3A_878 = tpu.vector_load %arg19[%get3A_876, %get3A_877] {strides = array<i32>} : memref<128x128xf32, #tpu.memory_space<vmem>>, vector<1x16xf32>,
        %get3A_879 = vector.shape_cast %get3A_878 : vector<1x16xf32> to vector<16xf32>
        %get3A_880 = arith.index_cast %add3A_821 : i32 to index
        %get3A_881 = arith.constant 48 : index
        %get3A_882 = tpu.vector_load %arg20[%get3A_880, %get3A_881] {strides = array<i32>} : memref<128x128xf32, #tpu.memory_space<vmem>>, vector<1x16xf32>,
        %get3A_883 = vector.shape_cast %get3A_882 : vector<1x16xf32> to vector<16xf32>
        %add3A_884 = arith.addf %get3A_875, %get3A_883 : vector<16xf32>
        %sub3A_885 = arith.subf %add3A_884, %get3A_879 : vector<16xf32>
        %abs3A_886 = math.absf %sub3A_885 : vector<16xf32>
        %add3A_887 = arith.addf %add3A_871, %abs3A_886 : vector<16xf32>
        %broadcast_in_dim3A_888 = vector.shape_cast %xor3A_4 : vector<16xi32> to vector<16x1xi32>
        %gather3A_889 = vector.shape_cast %broadcast_in_dim3A_888 : vector<16x1xi32> to vector<16xi32>
        %gather3A_890 = tpu.dynamic_gather %add3A_887[%gather3A_889] in [0] : vector<16xf32>, vector<16xi32> -> vector<16xf32>
        %add3A_891 = arith.addf %add3A_887, %gather3A_890 : vector<16xf32>
        %broadcast_in_dim3A_892 = vector.shape_cast %xor3A_7 : vector<16xi32> to vector<16x1xi32>
        %gather3A_893 = vector.shape_cast %broadcast_in_dim3A_892 : vector<16x1xi32> to vector<16xi32>
        %gather3A_894 = tpu.dynamic_gather %add3A_891[%gather3A_893] in [0] : vector<16xf32>, vector<16xi32> -> vector<16xf32>
        %add3A_895 = arith.addf %add3A_891, %gather3A_894 : vector<16xf32>
        %broadcast_in_dim3A_896 = vector.shape_cast %xor3A_10 : vector<16xi32> to vector<16x1xi32>
        %gather3A_897 = vector.shape_cast %broadcast_in_dim3A_896 : vector<16x1xi32> to vector<16xi32>
        %gather3A_898 = tpu.dynamic_gather %add3A_895[%gather3A_897] in [0] : vector<16xf32>, vector<16xi32> -> vector<16xf32>
        %add3A_899 = arith.addf %add3A_895, %gather3A_898 : vector<16xf32>
        %broadcast_in_dim3A_900 = vector.shape_cast %xor3A_13 : vector<16xi32> to vector<16x1xi32>
        %gather3A_901 = vector.shape_cast %broadcast_in_dim3A_900 : vector<16x1xi32> to vector<16xi32>
        %gather3A_902 = tpu.dynamic_gather %add3A_899[%gather3A_901] in [0] : vector<16xf32>, vector<16xi32> -> vector<16xf32>
        %add3A_903 = arith.addf %add3A_899, %gather3A_902 : vector<16xf32>
        %eq3A_904 = arith.constant 8 : i32
        %eq3A_905 = vector.broadcast %eq3A_904 : i32 to vector<16xi32>
        %eq3A_906 = arith.cmpi eq, %iota3A, %eq3A_905 : vector<16xi32>
        %select_n3A_907 = arith.select %eq3A_906, %add3A_903, %select_n3A_817 : vector<16xi1>, vector<16xf32>
        %mul3A_908 = arith.constant 16 : i32
        %mul3A_909 = arith.muli %scan3A_102, %mul3A_908 : i32
        %add3A_910 = arith.constant 9 : i32
        %add3A_911 = arith.addi %mul3A_909, %add3A_910 : i32
        %broadcast_in_dim3A_912 = arith.constant 0.000000e+00 : f32
        %broadcast_in_dim3A_913 = vector.broadcast %broadcast_in_dim3A_912 : f32 to vector<16xf32>
        %get3A_914 = arith.index_cast %add3A_911 : i32 to index
        %get3A_915 = arith.constant 0 : index
        %get3A_916 = tpu.vector_load %arg18[%get3A_914, %get3A_915] {strides = array<i32>} : memref<128x128xf32, #tpu.memory_space<vmem>>, vector<1x16xf32>,
        %get3A_917 = vector.shape_cast %get3A_916 : vector<1x16xf32> to vector<16xf32>
        %get3A_918 = arith.index_cast %add3A_911 : i32 to index
        %get3A_919 = arith.constant 0 : index
        %get3A_920 = tpu.vector_load %arg19[%get3A_918, %get3A_919] {strides = array<i32>} : memref<128x128xf32, #tpu.memory_space<vmem>>, vector<1x16xf32>,
        %get3A_921 = vector.shape_cast %get3A_920 : vector<1x16xf32> to vector<16xf32>
        %get3A_922 = arith.index_cast %add3A_911 : i32 to index
        %get3A_923 = arith.constant 0 : index
        %get3A_924 = tpu.vector_load %arg20[%get3A_922, %get3A_923] {strides = array<i32>} : memref<128x128xf32, #tpu.memory_space<vmem>>, vector<1x16xf32>,
        %get3A_925 = vector.shape_cast %get3A_924 : vector<1x16xf32> to vector<16xf32>
        %add3A_926 = arith.addf %get3A_917, %get3A_925 : vector<16xf32>
        %sub3A_927 = arith.subf %add3A_926, %get3A_921 : vector<16xf32>
        %abs3A_928 = math.absf %sub3A_927 : vector<16xf32>
        %add3A_929 = arith.addf %broadcast_in_dim3A_913, %abs3A_928 : vector<16xf32>
        %get3A_930 = arith.index_cast %add3A_911 : i32 to index
        %get3A_931 = arith.constant 16 : index
        %get3A_932 = tpu.vector_load %arg18[%get3A_930, %get3A_931] {strides = array<i32>} : memref<128x128xf32, #tpu.memory_space<vmem>>, vector<1x16xf32>,
        %get3A_933 = vector.shape_cast %get3A_932 : vector<1x16xf32> to vector<16xf32>
        %get3A_934 = arith.index_cast %add3A_911 : i32 to index
        %get3A_935 = arith.constant 16 : index
        %get3A_936 = tpu.vector_load %arg19[%get3A_934, %get3A_935] {strides = array<i32>} : memref<128x128xf32, #tpu.memory_space<vmem>>, vector<1x16xf32>,
        %get3A_937 = vector.shape_cast %get3A_936 : vector<1x16xf32> to vector<16xf32>
        %get3A_938 = arith.index_cast %add3A_911 : i32 to index
        %get3A_939 = arith.constant 16 : index
        %get3A_940 = tpu.vector_load %arg20[%get3A_938, %get3A_939] {strides = array<i32>} : memref<128x128xf32, #tpu.memory_space<vmem>>, vector<1x16xf32>,
        %get3A_941 = vector.shape_cast %get3A_940 : vector<1x16xf32> to vector<16xf32>
        %add3A_942 = arith.addf %get3A_933, %get3A_941 : vector<16xf32>
        %sub3A_943 = arith.subf %add3A_942, %get3A_937 : vector<16xf32>
        %abs3A_944 = math.absf %sub3A_943 : vector<16xf32>
        %add3A_945 = arith.addf %add3A_929, %abs3A_944 : vector<16xf32>
        %get3A_946 = arith.index_cast %add3A_911 : i32 to index
        %get3A_947 = arith.constant 32 : index
        %get3A_948 = tpu.vector_load %arg18[%get3A_946, %get3A_947] {strides = array<i32>} : memref<128x128xf32, #tpu.memory_space<vmem>>, vector<1x16xf32>,
        %get3A_949 = vector.shape_cast %get3A_948 : vector<1x16xf32> to vector<16xf32>
        %get3A_950 = arith.index_cast %add3A_911 : i32 to index
        %get3A_951 = arith.constant 32 : index
        %get3A_952 = tpu.vector_load %arg19[%get3A_950, %get3A_951] {strides = array<i32>} : memref<128x128xf32, #tpu.memory_space<vmem>>, vector<1x16xf32>,
        %get3A_953 = vector.shape_cast %get3A_952 : vector<1x16xf32> to vector<16xf32>
        %get3A_954 = arith.index_cast %add3A_911 : i32 to index
        %get3A_955 = arith.constant 32 : index
        %get3A_956 = tpu.vector_load %arg20[%get3A_954, %get3A_955] {strides = array<i32>} : memref<128x128xf32, #tpu.memory_space<vmem>>, vector<1x16xf32>,
        %get3A_957 = vector.shape_cast %get3A_956 : vector<1x16xf32> to vector<16xf32>
        %add3A_958 = arith.addf %get3A_949, %get3A_957 : vector<16xf32>
        %sub3A_959 = arith.subf %add3A_958, %get3A_953 : vector<16xf32>
        %abs3A_960 = math.absf %sub3A_959 : vector<16xf32>
        %add3A_961 = arith.addf %add3A_945, %abs3A_960 : vector<16xf32>
        %get3A_962 = arith.index_cast %add3A_911 : i32 to index
        %get3A_963 = arith.constant 48 : index
        %get3A_964 = tpu.vector_load %arg18[%get3A_962, %get3A_963] {strides = array<i32>} : memref<128x128xf32, #tpu.memory_space<vmem>>, vector<1x16xf32>,
        %get3A_965 = vector.shape_cast %get3A_964 : vector<1x16xf32> to vector<16xf32>
        %get3A_966 = arith.index_cast %add3A_911 : i32 to index
        %get3A_967 = arith.constant 48 : index
        %get3A_968 = tpu.vector_load %arg19[%get3A_966, %get3A_967] {strides = array<i32>} : memref<128x128xf32, #tpu.memory_space<vmem>>, vector<1x16xf32>,
        %get3A_969 = vector.shape_cast %get3A_968 : vector<1x16xf32> to vector<16xf32>
        %get3A_970 = arith.index_cast %add3A_911 : i32 to index
        %get3A_971 = arith.constant 48 : index
        %get3A_972 = tpu.vector_load %arg20[%get3A_970, %get3A_971] {strides = array<i32>} : memref<128x128xf32, #tpu.memory_space<vmem>>, vector<1x16xf32>,
        %get3A_973 = vector.shape_cast %get3A_972 : vector<1x16xf32> to vector<16xf32>
        %add3A_974 = arith.addf %get3A_965, %get3A_973 : vector<16xf32>
        %sub3A_975 = arith.subf %add3A_974, %get3A_969 : vector<16xf32>
        %abs3A_976 = math.absf %sub3A_975 : vector<16xf32>
        %add3A_977 = arith.addf %add3A_961, %abs3A_976 : vector<16xf32>
        %broadcast_in_dim3A_978 = vector.shape_cast %xor3A_4 : vector<16xi32> to vector<16x1xi32>
        %gather3A_979 = vector.shape_cast %broadcast_in_dim3A_978 : vector<16x1xi32> to vector<16xi32>
        %gather3A_980 = tpu.dynamic_gather %add3A_977[%gather3A_979] in [0] : vector<16xf32>, vector<16xi32> -> vector<16xf32>
        %add3A_981 = arith.addf %add3A_977, %gather3A_980 : vector<16xf32>
        %broadcast_in_dim3A_982 = vector.shape_cast %xor3A_7 : vector<16xi32> to vector<16x1xi32>
        %gather3A_983 = vector.shape_cast %broadcast_in_dim3A_982 : vector<16x1xi32> to vector<16xi32>
        %gather3A_984 = tpu.dynamic_gather %add3A_981[%gather3A_983] in [0] : vector<16xf32>, vector<16xi32> -> vector<16xf32>
        %add3A_985 = arith.addf %add3A_981, %gather3A_984 : vector<16xf32>
        %broadcast_in_dim3A_986 = vector.shape_cast %xor3A_10 : vector<16xi32> to vector<16x1xi32>
        %gather3A_987 = vector.shape_cast %broadcast_in_dim3A_986 : vector<16x1xi32> to vector<16xi32>
        %gather3A_988 = tpu.dynamic_gather %add3A_985[%gather3A_987] in [0] : vector<16xf32>, vector<16xi32> -> vector<16xf32>
        %add3A_989 = arith.addf %add3A_985, %gather3A_988 : vector<16xf32>
        %broadcast_in_dim3A_990 = vector.shape_cast %xor3A_13 : vector<16xi32> to vector<16x1xi32>
        %gather3A_991 = vector.shape_cast %broadcast_in_dim3A_990 : vector<16x1xi32> to vector<16xi32>
        %gather3A_992 = tpu.dynamic_gather %add3A_989[%gather3A_991] in [0] : vector<16xf32>, vector<16xi32> -> vector<16xf32>
        %add3A_993 = arith.addf %add3A_989, %gather3A_992 : vector<16xf32>
        %eq3A_994 = arith.constant 9 : i32
        %eq3A_995 = vector.broadcast %eq3A_994 : i32 to vector<16xi32>
        %eq3A_996 = arith.cmpi eq, %iota3A, %eq3A_995 : vector<16xi32>
        %select_n3A_997 = arith.select %eq3A_996, %add3A_993, %select_n3A_907 : vector<16xi1>, vector<16xf32>
        %mul3A_998 = arith.constant 16 : i32
        %mul3A_999 = arith.muli %scan3A_102, %mul3A_998 : i32
        %add3A_1000 = arith.constant 10 : i32
        %add3A_1001 = arith.addi %mul3A_999, %add3A_1000 : i32
        %broadcast_in_dim3A_1002 = arith.constant 0.000000e+00 : f32
        %broadcast_in_dim3A_1003 = vector.broadcast %broadcast_in_dim3A_1002 : f32 to vector<16xf32>
        %get3A_1004 = arith.index_cast %add3A_1001 : i32 to index
        %get3A_1005 = arith.constant 0 : index
        %get3A_1006 = tpu.vector_load %arg18[%get3A_1004, %get3A_1005] {strides = array<i32>} : memref<128x128xf32, #tpu.memory_space<vmem>>, vector<1x16xf32>,
        %get3A_1007 = vector.shape_cast %get3A_1006 : vector<1x16xf32> to vector<16xf32>
        %get3A_1008 = arith.index_cast %add3A_1001 : i32 to index
        %get3A_1009 = arith.constant 0 : index
        %get3A_1010 = tpu.vector_load %arg19[%get3A_1008, %get3A_1009] {strides = array<i32>} : memref<128x128xf32, #tpu.memory_space<vmem>>, vector<1x16xf32>,
        %get3A_1011 = vector.shape_cast %get3A_1010 : vector<1x16xf32> to vector<16xf32>
        %get3A_1012 = arith.index_cast %add3A_1001 : i32 to index
        %get3A_1013 = arith.constant 0 : index
        %get3A_1014 = tpu.vector_load %arg20[%get3A_1012, %get3A_1013] {strides = array<i32>} : memref<128x128xf32, #tpu.memory_space<vmem>>, vector<1x16xf32>,
        %get3A_1015 = vector.shape_cast %get3A_1014 : vector<1x16xf32> to vector<16xf32>
        %add3A_1016 = arith.addf %get3A_1007, %get3A_1015 : vector<16xf32>
        %sub3A_1017 = arith.subf %add3A_1016, %get3A_1011 : vector<16xf32>
        %abs3A_1018 = math.absf %sub3A_1017 : vector<16xf32>
        %add3A_1019 = arith.addf %broadcast_in_dim3A_1003, %abs3A_1018 : vector<16xf32>
        %get3A_1020 = arith.index_cast %add3A_1001 : i32 to index
        %get3A_1021 = arith.constant 16 : index
        %get3A_1022 = tpu.vector_load %arg18[%get3A_1020, %get3A_1021] {strides = array<i32>} : memref<128x128xf32, #tpu.memory_space<vmem>>, vector<1x16xf32>,
        %get3A_1023 = vector.shape_cast %get3A_1022 : vector<1x16xf32> to vector<16xf32>
        %get3A_1024 = arith.index_cast %add3A_1001 : i32 to index
        %get3A_1025 = arith.constant 16 : index
        %get3A_1026 = tpu.vector_load %arg19[%get3A_1024, %get3A_1025] {strides = array<i32>} : memref<128x128xf32, #tpu.memory_space<vmem>>, vector<1x16xf32>,
        %get3A_1027 = vector.shape_cast %get3A_1026 : vector<1x16xf32> to vector<16xf32>
        %get3A_1028 = arith.index_cast %add3A_1001 : i32 to index
        %get3A_1029 = arith.constant 16 : index
        %get3A_1030 = tpu.vector_load %arg20[%get3A_1028, %get3A_1029] {strides = array<i32>} : memref<128x128xf32, #tpu.memory_space<vmem>>, vector<1x16xf32>,
        %get3A_1031 = vector.shape_cast %get3A_1030 : vector<1x16xf32> to vector<16xf32>
        %add3A_1032 = arith.addf %get3A_1023, %get3A_1031 : vector<16xf32>
        %sub3A_1033 = arith.subf %add3A_1032, %get3A_1027 : vector<16xf32>
        %abs3A_1034 = math.absf %sub3A_1033 : vector<16xf32>
        %add3A_1035 = arith.addf %add3A_1019, %abs3A_1034 : vector<16xf32>
        %get3A_1036 = arith.index_cast %add3A_1001 : i32 to index
        %get3A_1037 = arith.constant 32 : index
        %get3A_1038 = tpu.vector_load %arg18[%get3A_1036, %get3A_1037] {strides = array<i32>} : memref<128x128xf32, #tpu.memory_space<vmem>>, vector<1x16xf32>,
        %get3A_1039 = vector.shape_cast %get3A_1038 : vector<1x16xf32> to vector<16xf32>
        %get3A_1040 = arith.index_cast %add3A_1001 : i32 to index
        %get3A_1041 = arith.constant 32 : index
        %get3A_1042 = tpu.vector_load %arg19[%get3A_1040, %get3A_1041] {strides = array<i32>} : memref<128x128xf32, #tpu.memory_space<vmem>>, vector<1x16xf32>,
        %get3A_1043 = vector.shape_cast %get3A_1042 : vector<1x16xf32> to vector<16xf32>
        %get3A_1044 = arith.index_cast %add3A_1001 : i32 to index
        %get3A_1045 = arith.constant 32 : index
        %get3A_1046 = tpu.vector_load %arg20[%get3A_1044, %get3A_1045] {strides = array<i32>} : memref<128x128xf32, #tpu.memory_space<vmem>>, vector<1x16xf32>,
        %get3A_1047 = vector.shape_cast %get3A_1046 : vector<1x16xf32> to vector<16xf32>
        %add3A_1048 = arith.addf %get3A_1039, %get3A_1047 : vector<16xf32>
        %sub3A_1049 = arith.subf %add3A_1048, %get3A_1043 : vector<16xf32>
        %abs3A_1050 = math.absf %sub3A_1049 : vector<16xf32>
        %add3A_1051 = arith.addf %add3A_1035, %abs3A_1050 : vector<16xf32>
        %get3A_1052 = arith.index_cast %add3A_1001 : i32 to index
        %get3A_1053 = arith.constant 48 : index
        %get3A_1054 = tpu.vector_load %arg18[%get3A_1052, %get3A_1053] {strides = array<i32>} : memref<128x128xf32, #tpu.memory_space<vmem>>, vector<1x16xf32>,
        %get3A_1055 = vector.shape_cast %get3A_1054 : vector<1x16xf32> to vector<16xf32>
        %get3A_1056 = arith.index_cast %add3A_1001 : i32 to index
        %get3A_1057 = arith.constant 48 : index
        %get3A_1058 = tpu.vector_load %arg19[%get3A_1056, %get3A_1057] {strides = array<i32>} : memref<128x128xf32, #tpu.memory_space<vmem>>, vector<1x16xf32>,
        %get3A_1059 = vector.shape_cast %get3A_1058 : vector<1x16xf32> to vector<16xf32>
        %get3A_1060 = arith.index_cast %add3A_1001 : i32 to index
        %get3A_1061 = arith.constant 48 : index
        %get3A_1062 = tpu.vector_load %arg20[%get3A_1060, %get3A_1061] {strides = array<i32>} : memref<128x128xf32, #tpu.memory_space<vmem>>, vector<1x16xf32>,
        %get3A_1063 = vector.shape_cast %get3A_1062 : vector<1x16xf32> to vector<16xf32>
        %add3A_1064 = arith.addf %get3A_1055, %get3A_1063 : vector<16xf32>
        %sub3A_1065 = arith.subf %add3A_1064, %get3A_1059 : vector<16xf32>
        %abs3A_1066 = math.absf %sub3A_1065 : vector<16xf32>
        %add3A_1067 = arith.addf %add3A_1051, %abs3A_1066 : vector<16xf32>
        %broadcast_in_dim3A_1068 = vector.shape_cast %xor3A_4 : vector<16xi32> to vector<16x1xi32>
        %gather3A_1069 = vector.shape_cast %broadcast_in_dim3A_1068 : vector<16x1xi32> to vector<16xi32>
        %gather3A_1070 = tpu.dynamic_gather %add3A_1067[%gather3A_1069] in [0] : vector<16xf32>, vector<16xi32> -> vector<16xf32>
        %add3A_1071 = arith.addf %add3A_1067, %gather3A_1070 : vector<16xf32>
        %broadcast_in_dim3A_1072 = vector.shape_cast %xor3A_7 : vector<16xi32> to vector<16x1xi32>
        %gather3A_1073 = vector.shape_cast %broadcast_in_dim3A_1072 : vector<16x1xi32> to vector<16xi32>
        %gather3A_1074 = tpu.dynamic_gather %add3A_1071[%gather3A_1073] in [0] : vector<16xf32>, vector<16xi32> -> vector<16xf32>
        %add3A_1075 = arith.addf %add3A_1071, %gather3A_1074 : vector<16xf32>
        %broadcast_in_dim3A_1076 = vector.shape_cast %xor3A_10 : vector<16xi32> to vector<16x1xi32>
        %gather3A_1077 = vector.shape_cast %broadcast_in_dim3A_1076 : vector<16x1xi32> to vector<16xi32>
        %gather3A_1078 = tpu.dynamic_gather %add3A_1075[%gather3A_1077] in [0] : vector<16xf32>, vector<16xi32> -> vector<16xf32>
        %add3A_1079 = arith.addf %add3A_1075, %gather3A_1078 : vector<16xf32>
        %broadcast_in_dim3A_1080 = vector.shape_cast %xor3A_13 : vector<16xi32> to vector<16x1xi32>
        %gather3A_1081 = vector.shape_cast %broadcast_in_dim3A_1080 : vector<16x1xi32> to vector<16xi32>
        %gather3A_1082 = tpu.dynamic_gather %add3A_1079[%gather3A_1081] in [0] : vector<16xf32>, vector<16xi32> -> vector<16xf32>
        %add3A_1083 = arith.addf %add3A_1079, %gather3A_1082 : vector<16xf32>
        %eq3A_1084 = arith.constant 10 : i32
        %eq3A_1085 = vector.broadcast %eq3A_1084 : i32 to vector<16xi32>
        %eq3A_1086 = arith.cmpi eq, %iota3A, %eq3A_1085 : vector<16xi32>
        %select_n3A_1087 = arith.select %eq3A_1086, %add3A_1083, %select_n3A_997 : vector<16xi1>, vector<16xf32>
        %mul3A_1088 = arith.constant 16 : i32
        %mul3A_1089 = arith.muli %scan3A_102, %mul3A_1088 : i32
        %add3A_1090 = arith.constant 11 : i32
        %add3A_1091 = arith.addi %mul3A_1089, %add3A_1090 : i32
        %broadcast_in_dim3A_1092 = arith.constant 0.000000e+00 : f32
        %broadcast_in_dim3A_1093 = vector.broadcast %broadcast_in_dim3A_1092 : f32 to vector<16xf32>
        %get3A_1094 = arith.index_cast %add3A_1091 : i32 to index
        %get3A_1095 = arith.constant 0 : index
        %get3A_1096 = tpu.vector_load %arg18[%get3A_1094, %get3A_1095] {strides = array<i32>} : memref<128x128xf32, #tpu.memory_space<vmem>>, vector<1x16xf32>,
        %get3A_1097 = vector.shape_cast %get3A_1096 : vector<1x16xf32> to vector<16xf32>
        %get3A_1098 = arith.index_cast %add3A_1091 : i32 to index
        %get3A_1099 = arith.constant 0 : index
        %get3A_1100 = tpu.vector_load %arg19[%get3A_1098, %get3A_1099] {strides = array<i32>} : memref<128x128xf32, #tpu.memory_space<vmem>>, vector<1x16xf32>,
        %get3A_1101 = vector.shape_cast %get3A_1100 : vector<1x16xf32> to vector<16xf32>
        %get3A_1102 = arith.index_cast %add3A_1091 : i32 to index
        %get3A_1103 = arith.constant 0 : index
        %get3A_1104 = tpu.vector_load %arg20[%get3A_1102, %get3A_1103] {strides = array<i32>} : memref<128x128xf32, #tpu.memory_space<vmem>>, vector<1x16xf32>,
        %get3A_1105 = vector.shape_cast %get3A_1104 : vector<1x16xf32> to vector<16xf32>
        %add3A_1106 = arith.addf %get3A_1097, %get3A_1105 : vector<16xf32>
        %sub3A_1107 = arith.subf %add3A_1106, %get3A_1101 : vector<16xf32>
        %abs3A_1108 = math.absf %sub3A_1107 : vector<16xf32>
        %add3A_1109 = arith.addf %broadcast_in_dim3A_1093, %abs3A_1108 : vector<16xf32>
        %get3A_1110 = arith.index_cast %add3A_1091 : i32 to index
        %get3A_1111 = arith.constant 16 : index
        %get3A_1112 = tpu.vector_load %arg18[%get3A_1110, %get3A_1111] {strides = array<i32>} : memref<128x128xf32, #tpu.memory_space<vmem>>, vector<1x16xf32>,
        %get3A_1113 = vector.shape_cast %get3A_1112 : vector<1x16xf32> to vector<16xf32>
        %get3A_1114 = arith.index_cast %add3A_1091 : i32 to index
        %get3A_1115 = arith.constant 16 : index
        %get3A_1116 = tpu.vector_load %arg19[%get3A_1114, %get3A_1115] {strides = array<i32>} : memref<128x128xf32, #tpu.memory_space<vmem>>, vector<1x16xf32>,
        %get3A_1117 = vector.shape_cast %get3A_1116 : vector<1x16xf32> to vector<16xf32>
        %get3A_1118 = arith.index_cast %add3A_1091 : i32 to index
        %get3A_1119 = arith.constant 16 : index
        %get3A_1120 = tpu.vector_load %arg20[%get3A_1118, %get3A_1119] {strides = array<i32>} : memref<128x128xf32, #tpu.memory_space<vmem>>, vector<1x16xf32>,
        %get3A_1121 = vector.shape_cast %get3A_1120 : vector<1x16xf32> to vector<16xf32>
        %add3A_1122 = arith.addf %get3A_1113, %get3A_1121 : vector<16xf32>
        %sub3A_1123 = arith.subf %add3A_1122, %get3A_1117 : vector<16xf32>
        %abs3A_1124 = math.absf %sub3A_1123 : vector<16xf32>
        %add3A_1125 = arith.addf %add3A_1109, %abs3A_1124 : vector<16xf32>
        %get3A_1126 = arith.index_cast %add3A_1091 : i32 to index
        %get3A_1127 = arith.constant 32 : index
        %get3A_1128 = tpu.vector_load %arg18[%get3A_1126, %get3A_1127] {strides = array<i32>} : memref<128x128xf32, #tpu.memory_space<vmem>>, vector<1x16xf32>,
        %get3A_1129 = vector.shape_cast %get3A_1128 : vector<1x16xf32> to vector<16xf32>
        %get3A_1130 = arith.index_cast %add3A_1091 : i32 to index
        %get3A_1131 = arith.constant 32 : index
        %get3A_1132 = tpu.vector_load %arg19[%get3A_1130, %get3A_1131] {strides = array<i32>} : memref<128x128xf32, #tpu.memory_space<vmem>>, vector<1x16xf32>,
        %get3A_1133 = vector.shape_cast %get3A_1132 : vector<1x16xf32> to vector<16xf32>
        %get3A_1134 = arith.index_cast %add3A_1091 : i32 to index
        %get3A_1135 = arith.constant 32 : index
        %get3A_1136 = tpu.vector_load %arg20[%get3A_1134, %get3A_1135] {strides = array<i32>} : memref<128x128xf32, #tpu.memory_space<vmem>>, vector<1x16xf32>,
        %get3A_1137 = vector.shape_cast %get3A_1136 : vector<1x16xf32> to vector<16xf32>
        %add3A_1138 = arith.addf %get3A_1129, %get3A_1137 : vector<16xf32>
        %sub3A_1139 = arith.subf %add3A_1138, %get3A_1133 : vector<16xf32>
        %abs3A_1140 = math.absf %sub3A_1139 : vector<16xf32>
        %add3A_1141 = arith.addf %add3A_1125, %abs3A_1140 : vector<16xf32>
        %get3A_1142 = arith.index_cast %add3A_1091 : i32 to index
        %get3A_1143 = arith.constant 48 : index
        %get3A_1144 = tpu.vector_load %arg18[%get3A_1142, %get3A_1143] {strides = array<i32>} : memref<128x128xf32, #tpu.memory_space<vmem>>, vector<1x16xf32>,
        %get3A_1145 = vector.shape_cast %get3A_1144 : vector<1x16xf32> to vector<16xf32>
        %get3A_1146 = arith.index_cast %add3A_1091 : i32 to index
        %get3A_1147 = arith.constant 48 : index
        %get3A_1148 = tpu.vector_load %arg19[%get3A_1146, %get3A_1147] {strides = array<i32>} : memref<128x128xf32, #tpu.memory_space<vmem>>, vector<1x16xf32>,
        %get3A_1149 = vector.shape_cast %get3A_1148 : vector<1x16xf32> to vector<16xf32>
        %get3A_1150 = arith.index_cast %add3A_1091 : i32 to index
        %get3A_1151 = arith.constant 48 : index
        %get3A_1152 = tpu.vector_load %arg20[%get3A_1150, %get3A_1151] {strides = array<i32>} : memref<128x128xf32, #tpu.memory_space<vmem>>, vector<1x16xf32>,
        %get3A_1153 = vector.shape_cast %get3A_1152 : vector<1x16xf32> to vector<16xf32>
        %add3A_1154 = arith.addf %get3A_1145, %get3A_1153 : vector<16xf32>
        %sub3A_1155 = arith.subf %add3A_1154, %get3A_1149 : vector<16xf32>
        %abs3A_1156 = math.absf %sub3A_1155 : vector<16xf32>
        %add3A_1157 = arith.addf %add3A_1141, %abs3A_1156 : vector<16xf32>
        %broadcast_in_dim3A_1158 = vector.shape_cast %xor3A_4 : vector<16xi32> to vector<16x1xi32>
        %gather3A_1159 = vector.shape_cast %broadcast_in_dim3A_1158 : vector<16x1xi32> to vector<16xi32>
        %gather3A_1160 = tpu.dynamic_gather %add3A_1157[%gather3A_1159] in [0] : vector<16xf32>, vector<16xi32> -> vector<16xf32>
        %add3A_1161 = arith.addf %add3A_1157, %gather3A_1160 : vector<16xf32>
        %broadcast_in_dim3A_1162 = vector.shape_cast %xor3A_7 : vector<16xi32> to vector<16x1xi32>
        %gather3A_1163 = vector.shape_cast %broadcast_in_dim3A_1162 : vector<16x1xi32> to vector<16xi32>
        %gather3A_1164 = tpu.dynamic_gather %add3A_1161[%gather3A_1163] in [0] : vector<16xf32>, vector<16xi32> -> vector<16xf32>
        %add3A_1165 = arith.addf %add3A_1161, %gather3A_1164 : vector<16xf32>
        %broadcast_in_dim3A_1166 = vector.shape_cast %xor3A_10 : vector<16xi32> to vector<16x1xi32>
        %gather3A_1167 = vector.shape_cast %broadcast_in_dim3A_1166 : vector<16x1xi32> to vector<16xi32>
        %gather3A_1168 = tpu.dynamic_gather %add3A_1165[%gather3A_1167] in [0] : vector<16xf32>, vector<16xi32> -> vector<16xf32>
        %add3A_1169 = arith.addf %add3A_1165, %gather3A_1168 : vector<16xf32>
        %broadcast_in_dim3A_1170 = vector.shape_cast %xor3A_13 : vector<16xi32> to vector<16x1xi32>
        %gather3A_1171 = vector.shape_cast %broadcast_in_dim3A_1170 : vector<16x1xi32> to vector<16xi32>
        %gather3A_1172 = tpu.dynamic_gather %add3A_1169[%gather3A_1171] in [0] : vector<16xf32>, vector<16xi32> -> vector<16xf32>
        %add3A_1173 = arith.addf %add3A_1169, %gather3A_1172 : vector<16xf32>
        %eq3A_1174 = arith.constant 11 : i32
        %eq3A_1175 = vector.broadcast %eq3A_1174 : i32 to vector<16xi32>
        %eq3A_1176 = arith.cmpi eq, %iota3A, %eq3A_1175 : vector<16xi32>
        %select_n3A_1177 = arith.select %eq3A_1176, %add3A_1173, %select_n3A_1087 : vector<16xi1>, vector<16xf32>
        %mul3A_1178 = arith.constant 16 : i32
        %mul3A_1179 = arith.muli %scan3A_102, %mul3A_1178 : i32
        %add3A_1180 = arith.constant 12 : i32
        %add3A_1181 = arith.addi %mul3A_1179, %add3A_1180 : i32
        %broadcast_in_dim3A_1182 = arith.constant 0.000000e+00 : f32
        %broadcast_in_dim3A_1183 = vector.broadcast %broadcast_in_dim3A_1182 : f32 to vector<16xf32>
        %get3A_1184 = arith.index_cast %add3A_1181 : i32 to index
        %get3A_1185 = arith.constant 0 : index
        %get3A_1186 = tpu.vector_load %arg18[%get3A_1184, %get3A_1185] {strides = array<i32>} : memref<128x128xf32, #tpu.memory_space<vmem>>, vector<1x16xf32>,
        %get3A_1187 = vector.shape_cast %get3A_1186 : vector<1x16xf32> to vector<16xf32>
        %get3A_1188 = arith.index_cast %add3A_1181 : i32 to index
        %get3A_1189 = arith.constant 0 : index
        %get3A_1190 = tpu.vector_load %arg19[%get3A_1188, %get3A_1189] {strides = array<i32>} : memref<128x128xf32, #tpu.memory_space<vmem>>, vector<1x16xf32>,
        %get3A_1191 = vector.shape_cast %get3A_1190 : vector<1x16xf32> to vector<16xf32>
        %get3A_1192 = arith.index_cast %add3A_1181 : i32 to index
        %get3A_1193 = arith.constant 0 : index
        %get3A_1194 = tpu.vector_load %arg20[%get3A_1192, %get3A_1193] {strides = array<i32>} : memref<128x128xf32, #tpu.memory_space<vmem>>, vector<1x16xf32>,
        %get3A_1195 = vector.shape_cast %get3A_1194 : vector<1x16xf32> to vector<16xf32>
        %add3A_1196 = arith.addf %get3A_1187, %get3A_1195 : vector<16xf32>
        %sub3A_1197 = arith.subf %add3A_1196, %get3A_1191 : vector<16xf32>
        %abs3A_1198 = math.absf %sub3A_1197 : vector<16xf32>
        %add3A_1199 = arith.addf %broadcast_in_dim3A_1183, %abs3A_1198 : vector<16xf32>
        %get3A_1200 = arith.index_cast %add3A_1181 : i32 to index
        %get3A_1201 = arith.constant 16 : index
        %get3A_1202 = tpu.vector_load %arg18[%get3A_1200, %get3A_1201] {strides = array<i32>} : memref<128x128xf32, #tpu.memory_space<vmem>>, vector<1x16xf32>,
        %get3A_1203 = vector.shape_cast %get3A_1202 : vector<1x16xf32> to vector<16xf32>
        %get3A_1204 = arith.index_cast %add3A_1181 : i32 to index
        %get3A_1205 = arith.constant 16 : index
        %get3A_1206 = tpu.vector_load %arg19[%get3A_1204, %get3A_1205] {strides = array<i32>} : memref<128x128xf32, #tpu.memory_space<vmem>>, vector<1x16xf32>,
        %get3A_1207 = vector.shape_cast %get3A_1206 : vector<1x16xf32> to vector<16xf32>
        %get3A_1208 = arith.index_cast %add3A_1181 : i32 to index
        %get3A_1209 = arith.constant 16 : index
        %get3A_1210 = tpu.vector_load %arg20[%get3A_1208, %get3A_1209] {strides = array<i32>} : memref<128x128xf32, #tpu.memory_space<vmem>>, vector<1x16xf32>,
        %get3A_1211 = vector.shape_cast %get3A_1210 : vector<1x16xf32> to vector<16xf32>
        %add3A_1212 = arith.addf %get3A_1203, %get3A_1211 : vector<16xf32>
        %sub3A_1213 = arith.subf %add3A_1212, %get3A_1207 : vector<16xf32>
        %abs3A_1214 = math.absf %sub3A_1213 : vector<16xf32>
        %add3A_1215 = arith.addf %add3A_1199, %abs3A_1214 : vector<16xf32>
        %get3A_1216 = arith.index_cast %add3A_1181 : i32 to index
        %get3A_1217 = arith.constant 32 : index
        %get3A_1218 = tpu.vector_load %arg18[%get3A_1216, %get3A_1217] {strides = array<i32>} : memref<128x128xf32, #tpu.memory_space<vmem>>, vector<1x16xf32>,
        %get3A_1219 = vector.shape_cast %get3A_1218 : vector<1x16xf32> to vector<16xf32>
        %get3A_1220 = arith.index_cast %add3A_1181 : i32 to index
        %get3A_1221 = arith.constant 32 : index
        %get3A_1222 = tpu.vector_load %arg19[%get3A_1220, %get3A_1221] {strides = array<i32>} : memref<128x128xf32, #tpu.memory_space<vmem>>, vector<1x16xf32>,
        %get3A_1223 = vector.shape_cast %get3A_1222 : vector<1x16xf32> to vector<16xf32>
        %get3A_1224 = arith.index_cast %add3A_1181 : i32 to index
        %get3A_1225 = arith.constant 32 : index
        %get3A_1226 = tpu.vector_load %arg20[%get3A_1224, %get3A_1225] {strides = array<i32>} : memref<128x128xf32, #tpu.memory_space<vmem>>, vector<1x16xf32>,
        %get3A_1227 = vector.shape_cast %get3A_1226 : vector<1x16xf32> to vector<16xf32>
        %add3A_1228 = arith.addf %get3A_1219, %get3A_1227 : vector<16xf32>
        %sub3A_1229 = arith.subf %add3A_1228, %get3A_1223 : vector<16xf32>
        %abs3A_1230 = math.absf %sub3A_1229 : vector<16xf32>
        %add3A_1231 = arith.addf %add3A_1215, %abs3A_1230 : vector<16xf32>
        %get3A_1232 = arith.index_cast %add3A_1181 : i32 to index
        %get3A_1233 = arith.constant 48 : index
        %get3A_1234 = tpu.vector_load %arg18[%get3A_1232, %get3A_1233] {strides = array<i32>} : memref<128x128xf32, #tpu.memory_space<vmem>>, vector<1x16xf32>,
        %get3A_1235 = vector.shape_cast %get3A_1234 : vector<1x16xf32> to vector<16xf32>
        %get3A_1236 = arith.index_cast %add3A_1181 : i32 to index
        %get3A_1237 = arith.constant 48 : index
        %get3A_1238 = tpu.vector_load %arg19[%get3A_1236, %get3A_1237] {strides = array<i32>} : memref<128x128xf32, #tpu.memory_space<vmem>>, vector<1x16xf32>,
        %get3A_1239 = vector.shape_cast %get3A_1238 : vector<1x16xf32> to vector<16xf32>
        %get3A_1240 = arith.index_cast %add3A_1181 : i32 to index
        %get3A_1241 = arith.constant 48 : index
        %get3A_1242 = tpu.vector_load %arg20[%get3A_1240, %get3A_1241] {strides = array<i32>} : memref<128x128xf32, #tpu.memory_space<vmem>>, vector<1x16xf32>,
        %get3A_1243 = vector.shape_cast %get3A_1242 : vector<1x16xf32> to vector<16xf32>
        %add3A_1244 = arith.addf %get3A_1235, %get3A_1243 : vector<16xf32>
        %sub3A_1245 = arith.subf %add3A_1244, %get3A_1239 : vector<16xf32>
        %abs3A_1246 = math.absf %sub3A_1245 : vector<16xf32>
        %add3A_1247 = arith.addf %add3A_1231, %abs3A_1246 : vector<16xf32>
        %broadcast_in_dim3A_1248 = vector.shape_cast %xor3A_4 : vector<16xi32> to vector<16x1xi32>
        %gather3A_1249 = vector.shape_cast %broadcast_in_dim3A_1248 : vector<16x1xi32> to vector<16xi32>
        %gather3A_1250 = tpu.dynamic_gather %add3A_1247[%gather3A_1249] in [0] : vector<16xf32>, vector<16xi32> -> vector<16xf32>
        %add3A_1251 = arith.addf %add3A_1247, %gather3A_1250 : vector<16xf32>
        %broadcast_in_dim3A_1252 = vector.shape_cast %xor3A_7 : vector<16xi32> to vector<16x1xi32>
        %gather3A_1253 = vector.shape_cast %broadcast_in_dim3A_1252 : vector<16x1xi32> to vector<16xi32>
        %gather3A_1254 = tpu.dynamic_gather %add3A_1251[%gather3A_1253] in [0] : vector<16xf32>, vector<16xi32> -> vector<16xf32>
        %add3A_1255 = arith.addf %add3A_1251, %gather3A_1254 : vector<16xf32>
        %broadcast_in_dim3A_1256 = vector.shape_cast %xor3A_10 : vector<16xi32> to vector<16x1xi32>
        %gather3A_1257 = vector.shape_cast %broadcast_in_dim3A_1256 : vector<16x1xi32> to vector<16xi32>
        %gather3A_1258 = tpu.dynamic_gather %add3A_1255[%gather3A_1257] in [0] : vector<16xf32>, vector<16xi32> -> vector<16xf32>
        %add3A_1259 = arith.addf %add3A_1255, %gather3A_1258 : vector<16xf32>
        %broadcast_in_dim3A_1260 = vector.shape_cast %xor3A_13 : vector<16xi32> to vector<16x1xi32>
        %gather3A_1261 = vector.shape_cast %broadcast_in_dim3A_1260 : vector<16x1xi32> to vector<16xi32>
        %gather3A_1262 = tpu.dynamic_gather %add3A_1259[%gather3A_1261] in [0] : vector<16xf32>, vector<16xi32> -> vector<16xf32>
        %add3A_1263 = arith.addf %add3A_1259, %gather3A_1262 : vector<16xf32>
        %eq3A_1264 = arith.constant 12 : i32
        %eq3A_1265 = vector.broadcast %eq3A_1264 : i32 to vector<16xi32>
        %eq3A_1266 = arith.cmpi eq, %iota3A, %eq3A_1265 : vector<16xi32>
        %select_n3A_1267 = arith.select %eq3A_1266, %add3A_1263, %select_n3A_1177 : vector<16xi1>, vector<16xf32>
        %mul3A_1268 = arith.constant 16 : i32
        %mul3A_1269 = arith.muli %scan3A_102, %mul3A_1268 : i32
        %add3A_1270 = arith.constant 13 : i32
        %add3A_1271 = arith.addi %mul3A_1269, %add3A_1270 : i32
        %broadcast_in_dim3A_1272 = arith.constant 0.000000e+00 : f32
        %broadcast_in_dim3A_1273 = vector.broadcast %broadcast_in_dim3A_1272 : f32 to vector<16xf32>
        %get3A_1274 = arith.index_cast %add3A_1271 : i32 to index
        %get3A_1275 = arith.constant 0 : index
        %get3A_1276 = tpu.vector_load %arg18[%get3A_1274, %get3A_1275] {strides = array<i32>} : memref<128x128xf32, #tpu.memory_space<vmem>>, vector<1x16xf32>,
        %get3A_1277 = vector.shape_cast %get3A_1276 : vector<1x16xf32> to vector<16xf32>
        %get3A_1278 = arith.index_cast %add3A_1271 : i32 to index
        %get3A_1279 = arith.constant 0 : index
        %get3A_1280 = tpu.vector_load %arg19[%get3A_1278, %get3A_1279] {strides = array<i32>} : memref<128x128xf32, #tpu.memory_space<vmem>>, vector<1x16xf32>,
        %get3A_1281 = vector.shape_cast %get3A_1280 : vector<1x16xf32> to vector<16xf32>
        %get3A_1282 = arith.index_cast %add3A_1271 : i32 to index
        %get3A_1283 = arith.constant 0 : index
        %get3A_1284 = tpu.vector_load %arg20[%get3A_1282, %get3A_1283] {strides = array<i32>} : memref<128x128xf32, #tpu.memory_space<vmem>>, vector<1x16xf32>,
        %get3A_1285 = vector.shape_cast %get3A_1284 : vector<1x16xf32> to vector<16xf32>
        %add3A_1286 = arith.addf %get3A_1277, %get3A_1285 : vector<16xf32>
        %sub3A_1287 = arith.subf %add3A_1286, %get3A_1281 : vector<16xf32>
        %abs3A_1288 = math.absf %sub3A_1287 : vector<16xf32>
        %add3A_1289 = arith.addf %broadcast_in_dim3A_1273, %abs3A_1288 : vector<16xf32>
        %get3A_1290 = arith.index_cast %add3A_1271 : i32 to index
        %get3A_1291 = arith.constant 16 : index
        %get3A_1292 = tpu.vector_load %arg18[%get3A_1290, %get3A_1291] {strides = array<i32>} : memref<128x128xf32, #tpu.memory_space<vmem>>, vector<1x16xf32>,
        %get3A_1293 = vector.shape_cast %get3A_1292 : vector<1x16xf32> to vector<16xf32>
        %get3A_1294 = arith.index_cast %add3A_1271 : i32 to index
        %get3A_1295 = arith.constant 16 : index
        %get3A_1296 = tpu.vector_load %arg19[%get3A_1294, %get3A_1295] {strides = array<i32>} : memref<128x128xf32, #tpu.memory_space<vmem>>, vector<1x16xf32>,
        %get3A_1297 = vector.shape_cast %get3A_1296 : vector<1x16xf32> to vector<16xf32>
        %get3A_1298 = arith.index_cast %add3A_1271 : i32 to index
        %get3A_1299 = arith.constant 16 : index
        %get3A_1300 = tpu.vector_load %arg20[%get3A_1298, %get3A_1299] {strides = array<i32>} : memref<128x128xf32, #tpu.memory_space<vmem>>, vector<1x16xf32>,
        %get3A_1301 = vector.shape_cast %get3A_1300 : vector<1x16xf32> to vector<16xf32>
        %add3A_1302 = arith.addf %get3A_1293, %get3A_1301 : vector<16xf32>
        %sub3A_1303 = arith.subf %add3A_1302, %get3A_1297 : vector<16xf32>
        %abs3A_1304 = math.absf %sub3A_1303 : vector<16xf32>
        %add3A_1305 = arith.addf %add3A_1289, %abs3A_1304 : vector<16xf32>
        %get3A_1306 = arith.index_cast %add3A_1271 : i32 to index
        %get3A_1307 = arith.constant 32 : index
        %get3A_1308 = tpu.vector_load %arg18[%get3A_1306, %get3A_1307] {strides = array<i32>} : memref<128x128xf32, #tpu.memory_space<vmem>>, vector<1x16xf32>,
        %get3A_1309 = vector.shape_cast %get3A_1308 : vector<1x16xf32> to vector<16xf32>
        %get3A_1310 = arith.index_cast %add3A_1271 : i32 to index
        %get3A_1311 = arith.constant 32 : index
        %get3A_1312 = tpu.vector_load %arg19[%get3A_1310, %get3A_1311] {strides = array<i32>} : memref<128x128xf32, #tpu.memory_space<vmem>>, vector<1x16xf32>,
        %get3A_1313 = vector.shape_cast %get3A_1312 : vector<1x16xf32> to vector<16xf32>
        %get3A_1314 = arith.index_cast %add3A_1271 : i32 to index
        %get3A_1315 = arith.constant 32 : index
        %get3A_1316 = tpu.vector_load %arg20[%get3A_1314, %get3A_1315] {strides = array<i32>} : memref<128x128xf32, #tpu.memory_space<vmem>>, vector<1x16xf32>,
        %get3A_1317 = vector.shape_cast %get3A_1316 : vector<1x16xf32> to vector<16xf32>
        %add3A_1318 = arith.addf %get3A_1309, %get3A_1317 : vector<16xf32>
        %sub3A_1319 = arith.subf %add3A_1318, %get3A_1313 : vector<16xf32>
        %abs3A_1320 = math.absf %sub3A_1319 : vector<16xf32>
        %add3A_1321 = arith.addf %add3A_1305, %abs3A_1320 : vector<16xf32>
        %get3A_1322 = arith.index_cast %add3A_1271 : i32 to index
        %get3A_1323 = arith.constant 48 : index
        %get3A_1324 = tpu.vector_load %arg18[%get3A_1322, %get3A_1323] {strides = array<i32>} : memref<128x128xf32, #tpu.memory_space<vmem>>, vector<1x16xf32>,
        %get3A_1325 = vector.shape_cast %get3A_1324 : vector<1x16xf32> to vector<16xf32>
        %get3A_1326 = arith.index_cast %add3A_1271 : i32 to index
        %get3A_1327 = arith.constant 48 : index
        %get3A_1328 = tpu.vector_load %arg19[%get3A_1326, %get3A_1327] {strides = array<i32>} : memref<128x128xf32, #tpu.memory_space<vmem>>, vector<1x16xf32>,
        %get3A_1329 = vector.shape_cast %get3A_1328 : vector<1x16xf32> to vector<16xf32>
        %get3A_1330 = arith.index_cast %add3A_1271 : i32 to index
        %get3A_1331 = arith.constant 48 : index
        %get3A_1332 = tpu.vector_load %arg20[%get3A_1330, %get3A_1331] {strides = array<i32>} : memref<128x128xf32, #tpu.memory_space<vmem>>, vector<1x16xf32>,
        %get3A_1333 = vector.shape_cast %get3A_1332 : vector<1x16xf32> to vector<16xf32>
        %add3A_1334 = arith.addf %get3A_1325, %get3A_1333 : vector<16xf32>
        %sub3A_1335 = arith.subf %add3A_1334, %get3A_1329 : vector<16xf32>
        %abs3A_1336 = math.absf %sub3A_1335 : vector<16xf32>
        %add3A_1337 = arith.addf %add3A_1321, %abs3A_1336 : vector<16xf32>
        %broadcast_in_dim3A_1338 = vector.shape_cast %xor3A_4 : vector<16xi32> to vector<16x1xi32>
        %gather3A_1339 = vector.shape_cast %broadcast_in_dim3A_1338 : vector<16x1xi32> to vector<16xi32>
        %gather3A_1340 = tpu.dynamic_gather %add3A_1337[%gather3A_1339] in [0] : vector<16xf32>, vector<16xi32> -> vector<16xf32>
        %add3A_1341 = arith.addf %add3A_1337, %gather3A_1340 : vector<16xf32>
        %broadcast_in_dim3A_1342 = vector.shape_cast %xor3A_7 : vector<16xi32> to vector<16x1xi32>
        %gather3A_1343 = vector.shape_cast %broadcast_in_dim3A_1342 : vector<16x1xi32> to vector<16xi32>
        %gather3A_1344 = tpu.dynamic_gather %add3A_1341[%gather3A_1343] in [0] : vector<16xf32>, vector<16xi32> -> vector<16xf32>
        %add3A_1345 = arith.addf %add3A_1341, %gather3A_1344 : vector<16xf32>
        %broadcast_in_dim3A_1346 = vector.shape_cast %xor3A_10 : vector<16xi32> to vector<16x1xi32>
        %gather3A_1347 = vector.shape_cast %broadcast_in_dim3A_1346 : vector<16x1xi32> to vector<16xi32>
        %gather3A_1348 = tpu.dynamic_gather %add3A_1345[%gather3A_1347] in [0] : vector<16xf32>, vector<16xi32> -> vector<16xf32>
        %add3A_1349 = arith.addf %add3A_1345, %gather3A_1348 : vector<16xf32>
        %broadcast_in_dim3A_1350 = vector.shape_cast %xor3A_13 : vector<16xi32> to vector<16x1xi32>
        %gather3A_1351 = vector.shape_cast %broadcast_in_dim3A_1350 : vector<16x1xi32> to vector<16xi32>
        %gather3A_1352 = tpu.dynamic_gather %add3A_1349[%gather3A_1351] in [0] : vector<16xf32>, vector<16xi32> -> vector<16xf32>
        %add3A_1353 = arith.addf %add3A_1349, %gather3A_1352 : vector<16xf32>
        %eq3A_1354 = arith.constant 13 : i32
        %eq3A_1355 = vector.broadcast %eq3A_1354 : i32 to vector<16xi32>
        %eq3A_1356 = arith.cmpi eq, %iota3A, %eq3A_1355 : vector<16xi32>
        %select_n3A_1357 = arith.select %eq3A_1356, %add3A_1353, %select_n3A_1267 : vector<16xi1>, vector<16xf32>
        %mul3A_1358 = arith.constant 16 : i32
        %mul3A_1359 = arith.muli %scan3A_102, %mul3A_1358 : i32
        %add3A_1360 = arith.constant 14 : i32
        %add3A_1361 = arith.addi %mul3A_1359, %add3A_1360 : i32
        %broadcast_in_dim3A_1362 = arith.constant 0.000000e+00 : f32
        %broadcast_in_dim3A_1363 = vector.broadcast %broadcast_in_dim3A_1362 : f32 to vector<16xf32>
        %get3A_1364 = arith.index_cast %add3A_1361 : i32 to index
        %get3A_1365 = arith.constant 0 : index
        %get3A_1366 = tpu.vector_load %arg18[%get3A_1364, %get3A_1365] {strides = array<i32>} : memref<128x128xf32, #tpu.memory_space<vmem>>, vector<1x16xf32>,
        %get3A_1367 = vector.shape_cast %get3A_1366 : vector<1x16xf32> to vector<16xf32>
        %get3A_1368 = arith.index_cast %add3A_1361 : i32 to index
        %get3A_1369 = arith.constant 0 : index
        %get3A_1370 = tpu.vector_load %arg19[%get3A_1368, %get3A_1369] {strides = array<i32>} : memref<128x128xf32, #tpu.memory_space<vmem>>, vector<1x16xf32>,
        %get3A_1371 = vector.shape_cast %get3A_1370 : vector<1x16xf32> to vector<16xf32>
        %get3A_1372 = arith.index_cast %add3A_1361 : i32 to index
        %get3A_1373 = arith.constant 0 : index
        %get3A_1374 = tpu.vector_load %arg20[%get3A_1372, %get3A_1373] {strides = array<i32>} : memref<128x128xf32, #tpu.memory_space<vmem>>, vector<1x16xf32>,
        %get3A_1375 = vector.shape_cast %get3A_1374 : vector<1x16xf32> to vector<16xf32>
        %add3A_1376 = arith.addf %get3A_1367, %get3A_1375 : vector<16xf32>
        %sub3A_1377 = arith.subf %add3A_1376, %get3A_1371 : vector<16xf32>
        %abs3A_1378 = math.absf %sub3A_1377 : vector<16xf32>
        %add3A_1379 = arith.addf %broadcast_in_dim3A_1363, %abs3A_1378 : vector<16xf32>
        %get3A_1380 = arith.index_cast %add3A_1361 : i32 to index
        %get3A_1381 = arith.constant 16 : index
        %get3A_1382 = tpu.vector_load %arg18[%get3A_1380, %get3A_1381] {strides = array<i32>} : memref<128x128xf32, #tpu.memory_space<vmem>>, vector<1x16xf32>,
        %get3A_1383 = vector.shape_cast %get3A_1382 : vector<1x16xf32> to vector<16xf32>
        %get3A_1384 = arith.index_cast %add3A_1361 : i32 to index
        %get3A_1385 = arith.constant 16 : index
        %get3A_1386 = tpu.vector_load %arg19[%get3A_1384, %get3A_1385] {strides = array<i32>} : memref<128x128xf32, #tpu.memory_space<vmem>>, vector<1x16xf32>,
        %get3A_1387 = vector.shape_cast %get3A_1386 : vector<1x16xf32> to vector<16xf32>
        %get3A_1388 = arith.index_cast %add3A_1361 : i32 to index
        %get3A_1389 = arith.constant 16 : index
        %get3A_1390 = tpu.vector_load %arg20[%get3A_1388, %get3A_1389] {strides = array<i32>} : memref<128x128xf32, #tpu.memory_space<vmem>>, vector<1x16xf32>,
        %get3A_1391 = vector.shape_cast %get3A_1390 : vector<1x16xf32> to vector<16xf32>
        %add3A_1392 = arith.addf %get3A_1383, %get3A_1391 : vector<16xf32>
        %sub3A_1393 = arith.subf %add3A_1392, %get3A_1387 : vector<16xf32>
        %abs3A_1394 = math.absf %sub3A_1393 : vector<16xf32>
        %add3A_1395 = arith.addf %add3A_1379, %abs3A_1394 : vector<16xf32>
        %get3A_1396 = arith.index_cast %add3A_1361 : i32 to index
        %get3A_1397 = arith.constant 32 : index
        %get3A_1398 = tpu.vector_load %arg18[%get3A_1396, %get3A_1397] {strides = array<i32>} : memref<128x128xf32, #tpu.memory_space<vmem>>, vector<1x16xf32>,
        %get3A_1399 = vector.shape_cast %get3A_1398 : vector<1x16xf32> to vector<16xf32>
        %get3A_1400 = arith.index_cast %add3A_1361 : i32 to index
        %get3A_1401 = arith.constant 32 : index
        %get3A_1402 = tpu.vector_load %arg19[%get3A_1400, %get3A_1401] {strides = array<i32>} : memref<128x128xf32, #tpu.memory_space<vmem>>, vector<1x16xf32>,
        %get3A_1403 = vector.shape_cast %get3A_1402 : vector<1x16xf32> to vector<16xf32>
        %get3A_1404 = arith.index_cast %add3A_1361 : i32 to index
        %get3A_1405 = arith.constant 32 : index
        %get3A_1406 = tpu.vector_load %arg20[%get3A_1404, %get3A_1405] {strides = array<i32>} : memref<128x128xf32, #tpu.memory_space<vmem>>, vector<1x16xf32>,
        %get3A_1407 = vector.shape_cast %get3A_1406 : vector<1x16xf32> to vector<16xf32>
        %add3A_1408 = arith.addf %get3A_1399, %get3A_1407 : vector<16xf32>
        %sub3A_1409 = arith.subf %add3A_1408, %get3A_1403 : vector<16xf32>
        %abs3A_1410 = math.absf %sub3A_1409 : vector<16xf32>
        %add3A_1411 = arith.addf %add3A_1395, %abs3A_1410 : vector<16xf32>
        %get3A_1412 = arith.index_cast %add3A_1361 : i32 to index
        %get3A_1413 = arith.constant 48 : index
        %get3A_1414 = tpu.vector_load %arg18[%get3A_1412, %get3A_1413] {strides = array<i32>} : memref<128x128xf32, #tpu.memory_space<vmem>>, vector<1x16xf32>,
        %get3A_1415 = vector.shape_cast %get3A_1414 : vector<1x16xf32> to vector<16xf32>
        %get3A_1416 = arith.index_cast %add3A_1361 : i32 to index
        %get3A_1417 = arith.constant 48 : index
        %get3A_1418 = tpu.vector_load %arg19[%get3A_1416, %get3A_1417] {strides = array<i32>} : memref<128x128xf32, #tpu.memory_space<vmem>>, vector<1x16xf32>,
        %get3A_1419 = vector.shape_cast %get3A_1418 : vector<1x16xf32> to vector<16xf32>
        %get3A_1420 = arith.index_cast %add3A_1361 : i32 to index
        %get3A_1421 = arith.constant 48 : index
        %get3A_1422 = tpu.vector_load %arg20[%get3A_1420, %get3A_1421] {strides = array<i32>} : memref<128x128xf32, #tpu.memory_space<vmem>>, vector<1x16xf32>,
        %get3A_1423 = vector.shape_cast %get3A_1422 : vector<1x16xf32> to vector<16xf32>
        %add3A_1424 = arith.addf %get3A_1415, %get3A_1423 : vector<16xf32>
        %sub3A_1425 = arith.subf %add3A_1424, %get3A_1419 : vector<16xf32>
        %abs3A_1426 = math.absf %sub3A_1425 : vector<16xf32>
        %add3A_1427 = arith.addf %add3A_1411, %abs3A_1426 : vector<16xf32>
        %broadcast_in_dim3A_1428 = vector.shape_cast %xor3A_4 : vector<16xi32> to vector<16x1xi32>
        %gather3A_1429 = vector.shape_cast %broadcast_in_dim3A_1428 : vector<16x1xi32> to vector<16xi32>
        %gather3A_1430 = tpu.dynamic_gather %add3A_1427[%gather3A_1429] in [0] : vector<16xf32>, vector<16xi32> -> vector<16xf32>
        %add3A_1431 = arith.addf %add3A_1427, %gather3A_1430 : vector<16xf32>
        %broadcast_in_dim3A_1432 = vector.shape_cast %xor3A_7 : vector<16xi32> to vector<16x1xi32>
        %gather3A_1433 = vector.shape_cast %broadcast_in_dim3A_1432 : vector<16x1xi32> to vector<16xi32>
        %gather3A_1434 = tpu.dynamic_gather %add3A_1431[%gather3A_1433] in [0] : vector<16xf32>, vector<16xi32> -> vector<16xf32>
        %add3A_1435 = arith.addf %add3A_1431, %gather3A_1434 : vector<16xf32>
        %broadcast_in_dim3A_1436 = vector.shape_cast %xor3A_10 : vector<16xi32> to vector<16x1xi32>
        %gather3A_1437 = vector.shape_cast %broadcast_in_dim3A_1436 : vector<16x1xi32> to vector<16xi32>
        %gather3A_1438 = tpu.dynamic_gather %add3A_1435[%gather3A_1437] in [0] : vector<16xf32>, vector<16xi32> -> vector<16xf32>
        %add3A_1439 = arith.addf %add3A_1435, %gather3A_1438 : vector<16xf32>
        %broadcast_in_dim3A_1440 = vector.shape_cast %xor3A_13 : vector<16xi32> to vector<16x1xi32>
        %gather3A_1441 = vector.shape_cast %broadcast_in_dim3A_1440 : vector<16x1xi32> to vector<16xi32>
        %gather3A_1442 = tpu.dynamic_gather %add3A_1439[%gather3A_1441] in [0] : vector<16xf32>, vector<16xi32> -> vector<16xf32>
        %add3A_1443 = arith.addf %add3A_1439, %gather3A_1442 : vector<16xf32>
        %eq3A_1444 = arith.constant 14 : i32
        %eq3A_1445 = vector.broadcast %eq3A_1444 : i32 to vector<16xi32>
        %eq3A_1446 = arith.cmpi eq, %iota3A, %eq3A_1445 : vector<16xi32>
        %select_n3A_1447 = arith.select %eq3A_1446, %add3A_1443, %select_n3A_1357 : vector<16xi1>, vector<16xf32>
        %mul3A_1448 = arith.constant 16 : i32
        %mul3A_1449 = arith.muli %scan3A_102, %mul3A_1448 : i32
        %add3A_1450 = arith.constant 15 : i32
        %add3A_1451 = arith.addi %mul3A_1449, %add3A_1450 : i32
        %broadcast_in_dim3A_1452 = arith.constant 0.000000e+00 : f32
        %broadcast_in_dim3A_1453 = vector.broadcast %broadcast_in_dim3A_1452 : f32 to vector<16xf32>
        %get3A_1454 = arith.index_cast %add3A_1451 : i32 to index
        %get3A_1455 = arith.constant 0 : index
        %get3A_1456 = tpu.vector_load %arg18[%get3A_1454, %get3A_1455] {strides = array<i32>} : memref<128x128xf32, #tpu.memory_space<vmem>>, vector<1x16xf32>,
        %get3A_1457 = vector.shape_cast %get3A_1456 : vector<1x16xf32> to vector<16xf32>
        %get3A_1458 = arith.index_cast %add3A_1451 : i32 to index
        %get3A_1459 = arith.constant 0 : index
        %get3A_1460 = tpu.vector_load %arg19[%get3A_1458, %get3A_1459] {strides = array<i32>} : memref<128x128xf32, #tpu.memory_space<vmem>>, vector<1x16xf32>,
        %get3A_1461 = vector.shape_cast %get3A_1460 : vector<1x16xf32> to vector<16xf32>
        %get3A_1462 = arith.index_cast %add3A_1451 : i32 to index
        %get3A_1463 = arith.constant 0 : index
        %get3A_1464 = tpu.vector_load %arg20[%get3A_1462, %get3A_1463] {strides = array<i32>} : memref<128x128xf32, #tpu.memory_space<vmem>>, vector<1x16xf32>,
        %get3A_1465 = vector.shape_cast %get3A_1464 : vector<1x16xf32> to vector<16xf32>
        %add3A_1466 = arith.addf %get3A_1457, %get3A_1465 : vector<16xf32>
        %sub3A_1467 = arith.subf %add3A_1466, %get3A_1461 : vector<16xf32>
        %abs3A_1468 = math.absf %sub3A_1467 : vector<16xf32>
        %add3A_1469 = arith.addf %broadcast_in_dim3A_1453, %abs3A_1468 : vector<16xf32>
        %get3A_1470 = arith.index_cast %add3A_1451 : i32 to index
        %get3A_1471 = arith.constant 16 : index
        %get3A_1472 = tpu.vector_load %arg18[%get3A_1470, %get3A_1471] {strides = array<i32>} : memref<128x128xf32, #tpu.memory_space<vmem>>, vector<1x16xf32>,
        %get3A_1473 = vector.shape_cast %get3A_1472 : vector<1x16xf32> to vector<16xf32>
        %get3A_1474 = arith.index_cast %add3A_1451 : i32 to index
        %get3A_1475 = arith.constant 16 : index
        %get3A_1476 = tpu.vector_load %arg19[%get3A_1474, %get3A_1475] {strides = array<i32>} : memref<128x128xf32, #tpu.memory_space<vmem>>, vector<1x16xf32>,
        %get3A_1477 = vector.shape_cast %get3A_1476 : vector<1x16xf32> to vector<16xf32>
        %get3A_1478 = arith.index_cast %add3A_1451 : i32 to index
        %get3A_1479 = arith.constant 16 : index
        %get3A_1480 = tpu.vector_load %arg20[%get3A_1478, %get3A_1479] {strides = array<i32>} : memref<128x128xf32, #tpu.memory_space<vmem>>, vector<1x16xf32>,
        %get3A_1481 = vector.shape_cast %get3A_1480 : vector<1x16xf32> to vector<16xf32>
        %add3A_1482 = arith.addf %get3A_1473, %get3A_1481 : vector<16xf32>
        %sub3A_1483 = arith.subf %add3A_1482, %get3A_1477 : vector<16xf32>
        %abs3A_1484 = math.absf %sub3A_1483 : vector<16xf32>
        %add3A_1485 = arith.addf %add3A_1469, %abs3A_1484 : vector<16xf32>
        %get3A_1486 = arith.index_cast %add3A_1451 : i32 to index
        %get3A_1487 = arith.constant 32 : index
        %get3A_1488 = tpu.vector_load %arg18[%get3A_1486, %get3A_1487] {strides = array<i32>} : memref<128x128xf32, #tpu.memory_space<vmem>>, vector<1x16xf32>,
        %get3A_1489 = vector.shape_cast %get3A_1488 : vector<1x16xf32> to vector<16xf32>
        %get3A_1490 = arith.index_cast %add3A_1451 : i32 to index
        %get3A_1491 = arith.constant 32 : index
        %get3A_1492 = tpu.vector_load %arg19[%get3A_1490, %get3A_1491] {strides = array<i32>} : memref<128x128xf32, #tpu.memory_space<vmem>>, vector<1x16xf32>,
        %get3A_1493 = vector.shape_cast %get3A_1492 : vector<1x16xf32> to vector<16xf32>
        %get3A_1494 = arith.index_cast %add3A_1451 : i32 to index
        %get3A_1495 = arith.constant 32 : index
        %get3A_1496 = tpu.vector_load %arg20[%get3A_1494, %get3A_1495] {strides = array<i32>} : memref<128x128xf32, #tpu.memory_space<vmem>>, vector<1x16xf32>,
        %get3A_1497 = vector.shape_cast %get3A_1496 : vector<1x16xf32> to vector<16xf32>
        %add3A_1498 = arith.addf %get3A_1489, %get3A_1497 : vector<16xf32>
        %sub3A_1499 = arith.subf %add3A_1498, %get3A_1493 : vector<16xf32>
        %abs3A_1500 = math.absf %sub3A_1499 : vector<16xf32>
        %add3A_1501 = arith.addf %add3A_1485, %abs3A_1500 : vector<16xf32>
        %get3A_1502 = arith.index_cast %add3A_1451 : i32 to index
        %get3A_1503 = arith.constant 48 : index
        %get3A_1504 = tpu.vector_load %arg18[%get3A_1502, %get3A_1503] {strides = array<i32>} : memref<128x128xf32, #tpu.memory_space<vmem>>, vector<1x16xf32>,
        %get3A_1505 = vector.shape_cast %get3A_1504 : vector<1x16xf32> to vector<16xf32>
        %get3A_1506 = arith.index_cast %add3A_1451 : i32 to index
        %get3A_1507 = arith.constant 48 : index
        %get3A_1508 = tpu.vector_load %arg19[%get3A_1506, %get3A_1507] {strides = array<i32>} : memref<128x128xf32, #tpu.memory_space<vmem>>, vector<1x16xf32>,
        %get3A_1509 = vector.shape_cast %get3A_1508 : vector<1x16xf32> to vector<16xf32>
        %get3A_1510 = arith.index_cast %add3A_1451 : i32 to index
        %get3A_1511 = arith.constant 48 : index
        %get3A_1512 = tpu.vector_load %arg20[%get3A_1510, %get3A_1511] {strides = array<i32>} : memref<128x128xf32, #tpu.memory_space<vmem>>, vector<1x16xf32>,
        %get3A_1513 = vector.shape_cast %get3A_1512 : vector<1x16xf32> to vector<16xf32>
        %add3A_1514 = arith.addf %get3A_1505, %get3A_1513 : vector<16xf32>
        %sub3A_1515 = arith.subf %add3A_1514, %get3A_1509 : vector<16xf32>
        %abs3A_1516 = math.absf %sub3A_1515 : vector<16xf32>
        %add3A_1517 = arith.addf %add3A_1501, %abs3A_1516 : vector<16xf32>
        %broadcast_in_dim3A_1518 = vector.shape_cast %xor3A_4 : vector<16xi32> to vector<16x1xi32>
        %gather3A_1519 = vector.shape_cast %broadcast_in_dim3A_1518 : vector<16x1xi32> to vector<16xi32>
        %gather3A_1520 = tpu.dynamic_gather %add3A_1517[%gather3A_1519] in [0] : vector<16xf32>, vector<16xi32> -> vector<16xf32>
        %add3A_1521 = arith.addf %add3A_1517, %gather3A_1520 : vector<16xf32>
        %broadcast_in_dim3A_1522 = vector.shape_cast %xor3A_7 : vector<16xi32> to vector<16x1xi32>
        %gather3A_1523 = vector.shape_cast %broadcast_in_dim3A_1522 : vector<16x1xi32> to vector<16xi32>
        %gather3A_1524 = tpu.dynamic_gather %add3A_1521[%gather3A_1523] in [0] : vector<16xf32>, vector<16xi32> -> vector<16xf32>
        %add3A_1525 = arith.addf %add3A_1521, %gather3A_1524 : vector<16xf32>
        %broadcast_in_dim3A_1526 = vector.shape_cast %xor3A_10 : vector<16xi32> to vector<16x1xi32>
        %gather3A_1527 = vector.shape_cast %broadcast_in_dim3A_1526 : vector<16x1xi32> to vector<16xi32>
        %gather3A_1528 = tpu.dynamic_gather %add3A_1525[%gather3A_1527] in [0] : vector<16xf32>, vector<16xi32> -> vector<16xf32>
        %add3A_1529 = arith.addf %add3A_1525, %gather3A_1528 : vector<16xf32>
        %broadcast_in_dim3A_1530 = vector.shape_cast %xor3A_13 : vector<16xi32> to vector<16x1xi32>
        %gather3A_1531 = vector.shape_cast %broadcast_in_dim3A_1530 : vector<16x1xi32> to vector<16xi32>
        %gather3A_1532 = tpu.dynamic_gather %add3A_1529[%gather3A_1531] in [0] : vector<16xf32>, vector<16xi32> -> vector<16xf32>
        %add3A_1533 = arith.addf %add3A_1529, %gather3A_1532 : vector<16xf32>
        %eq3A_1534 = arith.constant 15 : i32
        %eq3A_1535 = vector.broadcast %eq3A_1534 : i32 to vector<16xi32>
        %eq3A_1536 = arith.cmpi eq, %iota3A, %eq3A_1535 : vector<16xi32>
        %select_n3A_1537 = arith.select %eq3A_1536, %add3A_1533, %select_n3A_1447 : vector<16xi1>, vector<16xf32>
        %mul3A_1538 = arith.constant 16 : i32
        %mul3A_1539 = arith.muli %scan3A_102, %mul3A_1538 : i32
        %add3A_1540 = arith.addi %multiple_of3A_40, %mul3A_1539 : i32
        %swap3A = arith.index_cast %add3A_1540 : i32 to index
        %swap3A_1541 = tpu.vector_load %arg21[%swap3A] {strides = array<i32>} : memref<1024xf32, #tpu.memory_space<vmem>>, vector<16xf32>,
        %swap3A_1542 = vector.shape_cast %swap3A_1541 : vector<16xf32> to vector<16xf32>
        %swap3A_1543 = vector.shape_cast %select_n3A_1537 : vector<16xf32> to vector<16xf32>
        tpu.vector_store %arg21[%swap3A], %swap3A_1543 {strides = array<i32>} : memref<1024xf32, #tpu.memory_space<vmem>>, vector<16xf32>,
      }
      %scan3A_101 = arith.constant 8 : i32
    }
    %scan3A_32 = arith.constant 4 : i32
    "tpu.region"() ({
      %run_scoped3A = tpu.sem_alloc : memref<!tpu.dma_semaphore, #tpu.memory_space<semaphore_mem>>
      %dma_start3A_33 = arith.constant 0 : i32
      %dma_start3A_34 = tpu.memref_slice %arg21[%dma_start3A_33] : memref<1024xf32, #tpu.memory_space<vmem>> -> memref<512xf32, #tpu.memory_space<vmem>>
      %dma_start3A_35 = tpu.memref_slice %arg10[%mul3A_2] : memref<16384xf32, #tpu.memory_space<hbm>> -> memref<512xf32, #tpu.memory_space<hbm>>
      %dma_start3A_36 = tpu.memref_slice %arg10[%mul3A_2] : memref<16384xf32, #tpu.memory_space<hbm>> -> memref<512xf32, #tpu.memory_space<hbm>>
      %dma_start3A_37 = arith.constant 0 : i32
      %dma_start3A_38 = tpu.memref_slice %arg21[%dma_start3A_37] : memref<1024xf32, #tpu.memory_space<vmem>> -> memref<512xf32, #tpu.memory_space<vmem>>
      tpu.enqueue_dma source(%dma_start3A_38 : memref<512xf32, #tpu.memory_space<vmem>>) target(%dma_start3A_36 : memref<512xf32, #tpu.memory_space<hbm>>) target_semaphore(%run_scoped3A : memref<!tpu.dma_semaphore, #tpu.memory_space<semaphore_mem>>)
      %dma_wait3A = arith.constant 0 : i32
      %dma_wait3A_39 = tpu.memref_slice %arg21[%dma_wait3A] : memref<1024xf32, #tpu.memory_space<vmem>> -> memref<512xf32, #tpu.memory_space<vmem>>
      %dma_wait3A_40 = tpu.memref_slice %arg10[%mul3A_2] : memref<16384xf32, #tpu.memory_space<hbm>> -> memref<512xf32, #tpu.memory_space<hbm>>
      %dma_wait3A_41 = tpu.memref_slice %arg10[%mul3A_2] : memref<16384xf32, #tpu.memory_space<hbm>> -> memref<512xf32, #tpu.memory_space<hbm>>
      %dma_wait3A_42 = arith.constant 0 : i32
      %dma_wait3A_43 = tpu.memref_slice %arg21[%dma_wait3A_42] : memref<1024xf32, #tpu.memory_space<vmem>> -> memref<512xf32, #tpu.memory_space<vmem>>
      tpu.wait_dma2 semaphore(%run_scoped3A : memref<!tpu.dma_semaphore, #tpu.memory_space<semaphore_mem>>) src(%dma_wait3A_43 : memref<512xf32, #tpu.memory_space<vmem>>) dst(%dma_wait3A_41 : memref<512xf32, #tpu.memory_space<hbm>>)
      tpu.yield
    }) : () -> ()
    "tpu.region"() ({
      %run_scoped3A = tpu.sem_alloc : memref<!tpu.dma_semaphore, #tpu.memory_space<semaphore_mem>>
      %dma_start3A_33 = arith.constant 512 : i32
      %dma_start3A_34 = tpu.memref_slice %arg21[%dma_start3A_33] : memref<1024xf32, #tpu.memory_space<vmem>> -> memref<512xf32, #tpu.memory_space<vmem>>
      %dma_start3A_35 = tpu.memref_slice %arg11[%mul3A_2] : memref<16384xf32, #tpu.memory_space<hbm>> -> memref<512xf32, #tpu.memory_space<hbm>>
      %dma_start3A_36 = tpu.memref_slice %arg11[%mul3A_2] : memref<16384xf32, #tpu.memory_space<hbm>> -> memref<512xf32, #tpu.memory_space<hbm>>
      %dma_start3A_37 = arith.constant 512 : i32
      %dma_start3A_38 = tpu.memref_slice %arg21[%dma_start3A_37] : memref<1024xf32, #tpu.memory_space<vmem>> -> memref<512xf32, #tpu.memory_space<vmem>>
      tpu.enqueue_dma source(%dma_start3A_38 : memref<512xf32, #tpu.memory_space<vmem>>) target(%dma_start3A_36 : memref<512xf32, #tpu.memory_space<hbm>>) target_semaphore(%run_scoped3A : memref<!tpu.dma_semaphore, #tpu.memory_space<semaphore_mem>>)
      %dma_wait3A = arith.constant 512 : i32
      %dma_wait3A_39 = tpu.memref_slice %arg21[%dma_wait3A] : memref<1024xf32, #tpu.memory_space<vmem>> -> memref<512xf32, #tpu.memory_space<vmem>>
      %dma_wait3A_40 = tpu.memref_slice %arg11[%mul3A_2] : memref<16384xf32, #tpu.memory_space<hbm>> -> memref<512xf32, #tpu.memory_space<hbm>>
      %dma_wait3A_41 = tpu.memref_slice %arg11[%mul3A_2] : memref<16384xf32, #tpu.memory_space<hbm>> -> memref<512xf32, #tpu.memory_space<hbm>>
      %dma_wait3A_42 = arith.constant 512 : i32
      %dma_wait3A_43 = tpu.memref_slice %arg21[%dma_wait3A_42] : memref<1024xf32, #tpu.memory_space<vmem>> -> memref<512xf32, #tpu.memory_space<vmem>>
      tpu.wait_dma2 semaphore(%run_scoped3A : memref<!tpu.dma_semaphore, #tpu.memory_space<semaphore_mem>>) src(%dma_wait3A_43 : memref<512xf32, #tpu.memory_space<vmem>>) dst(%dma_wait3A_41 : memref<512xf32, #tpu.memory_space<hbm>>)
      tpu.yield
    }) : () -> ()
    return
  }
}

</mosaic_0001>

<sc_bundles>
// kernel: _run.3.cloned.1.call-start
scs
__scs_entry_jumppad:
0x0: {  	(pc) =	sbr.rel $0x88, $3  }
0x1: {  	(tag) =	ssettag $0x0;
	lr =	simm.s32 $0x1  }
0x2: {  	[smem:$0x3F99] =	sst lr;
	_ =	strace $0xD0000000  }
0x3: {  	_ = 	snop  }
0x4: {  	_ = 	snop  }
0x5: {  	_ = 	snop  }
0x6: {  	_ = 	snop  }
0x7: {  	_ = 	snop  }
__scs_overlays_trampoline_lowered:
0x8: {  	[smem:$0x3FA8] =	sst s0  }
0x9: {  	[smem:$0x3FA9] =	sst s1  }
0xa: {  	[smem:$0x3FAA] =	sst s2  }
0xb: {  	[smem:$0x3FAB] =	sst s3  }
0xc: {  	[smem:$0x3FAC] =	sst s4  }
0xd: {  	[smem:$0x3FAD] =	sst s5  }
0xe: {  	[smem:$0x3FAE] =	sst s6  }
0xf: {  	[smem:$0x3FAF] =	sst s7  }
0x10: {  	[smem:$0x3FB0] =	sst s8  }
0x11: {  	[smem:$0x3FB1] =	sst s9;
	s0 =	simm.s32 @!p0 $0x0  }
0x12: {  	s1 =	sld [smem:$0x3F97];
	s0 =	simm.s32 @p0 $0x1  }
0x13: {  	[smem:$0x3FB2] =	sst s0;
	s0 =	simm.s32 @!p1 $0x0  }
0x14: {  	s2 =	sld [smem:$0x3F96];
	s0 =	simm.s32 @p1 $0x1  }
0x15: {  	[smem:$0x3FB3] =	sst s0;
	s0 =	simm.s32 @!p2 $0x0  }
0x16: {  	s3 =	sld [smem:$0x3FDB];
	s0 =	simm.s32 @p2 $0x1  }
0x17: {  	s4 =	simm.s32 $0x1BF5;
	[smem:$0x3FB5] =	sst s0  }
0x18: {  	s0 =	sld [smem:$0x3F98];
	_ =	swait.ge [sflag:s4], $0x0  }
0x19: {  	s7 =	sld [smem:$0x3F99]  }
0x1a: {  	s8 =	sadd.s32 $0xFFFFE003, lr  }
0x1b: {  	s9 =	sadd.s32 $0xFFFFFEF7, lr;
	s5 =	simm.s32 $0xFFFFFFFF;
	p2 =	slt.u32 s8, $0xFFFFF086  }
0x1c: {  	p1 =	slt.u32 s9, $0xF7A;
	s5 =	simm.s32 @!p2 $0x0  }
0x1d: {  	s5 =	simm.s32 @p1 $0x1;
	p0 =	seq.s32 s7, s2  }
0x1e: {  	s7 =	smul.u32 @!p0 $0xF7A, s2;
	p2 =	seq.s32 @!p0 s5, $0x0  }
0x1f: {  	s9 =	smul.u32 $0xF7A, s1;
	s8 =	simm.s32 @!p0 $0x1BF5;
	p2 =	por !p2, p0  }
0x20: {  	[sflag:s8] =	ssyncset.s32 @!p0 $0xFFFFF086;
	s6 =	sadd.s32 @!p0 s3, s7;
	s7 =	simm.s32 @!p0 $0x108  }
0x21: {  	s3 =	sadd.s32 s3, s9;
	s6 =	sadd.s32 @!p0 $0x88, s6;
	s7 =	simm.s32 @p2 $0x1082  }
0x22: {  	[simem:s7], [sflag:s8] =	dma.local @!p0 [hbm:s6], $0xF7A  }
0x23: {  	s9 =	sor.u32 $0xD0000000, s2;
	s6 =	simm.s32 $0x108;
	_ =	swait.ge @!p0 [sflag:s8], $0x0  }
0x24: {  	s3 =	sadd.s32 $0x88, s3;
	s6 =	simm.s32 @!p1 $0x1082;
	[sflag:s4] =	ssyncset.s32 $0xFFFFF086  }
0x25: {  	[simem:s6], [sflag:s4] =	dma.local [hbm:s3], $0xF7A  }
0x26: {  	[smem:$0x3F99] =	sst s1;
	(tag) =	ssettag s2;
	_ =	strace s9  }
0x27: {  	s1 =	sld [smem:$0x3FA9]  }
0x28: {  	s2 =	sld [smem:$0x3FAA]  }
0x29: {  	s4 =	sld [smem:$0x3FAC]  }
0x2a: {  	p0 =	seq.s32 s5, $0x0;
	s5 =	sld [smem:$0x3FAD]  }
0x2b: {  	s6 =	sld [smem:$0x3FAE]  }
0x2c: {  	s7 =	sld [smem:$0x3FAF]  }
0x2d: {  	s3 =	simm.s32 $0x108;
	s8 =	sld [smem:$0x3FB0]  }
0x2e: {  	s3 =	simm.s32 @!p0 $0x1082;
	s9 =	sld [smem:$0x3FB1]  }
0x2f: {  	lr =	sadd.s32 s0, s3;
	s0 =	sld [smem:$0x3FA8]  }
0x30: {  	s3 =	sld [smem:$0x3FAB]  }
0x31: {  	[smem:$0x3FB4] =	sst s10  }
0x32: {  	s10 =	sld [smem:$0x3FB2];
	_ =	sdelay $0x3  }
0x33: {  	p0 =	seq.s32 s10, $0x1;
	s10 =	sld [smem:$0x3FB4];
	_ =	sdelay $0x3  }
0x34: {  	[smem:$0x3FB4] =	sst s10  }
0x35: {  	s10 =	sld [smem:$0x3FB3];
	_ =	sdelay $0x3  }
0x36: {  	p1 =	seq.s32 s10, $0x1;
	s10 =	sld [smem:$0x3FB4];
	_ =	sdelay $0x3  }
0x37: {  	[smem:$0x3FB4] =	sst s10  }
0x38: {  	s10 =	sld [smem:$0x3FB5]  }
0x39: {  	_ = 	snop;
	(pc) =	sbr.ind lr, $3  }
0x3a: {  	_ = 	snop  }
0x3b: {  	_ = 	snop  }
0x3c: {  	p2 =	seq.s32 s10, $0x1;
	s10 =	sld [smem:$0x3FB4]  }
0x3d: {  	_ =	shalt  }
0x3e: {  	_ =	shalt  }
0x3f: {  	_ =	shalt  }
0x40: {  	_ =	shalt  }
0x41: {  	_ =	shalt  }
0x42: {  	_ =	shalt  }
0x43: {  	_ =	shalt  }
0x44: {  	_ =	shalt  }
0x45: {  	_ =	shalt  }
0x46: {  	_ =	shalt  }
0x47: {  	_ =	shalt  }
0x48: {  	_ =	shalt  }
0x49: {  	_ =	shalt  }
0x4a: {  	_ =	shalt  }
0x4b: {  	_ =	shalt  }
0x4c: {  	_ =	shalt  }
0x4d: {  	_ =	shalt  }
0x4e: {  	_ =	shalt  }
0x4f: {  	_ =	shalt  }
0x50: {  	_ =	shalt  }
0x51: {  	_ =	shalt  }
0x52: {  	_ =	shalt  }
0x53: {  	_ =	shalt  }
0x54: {  	_ =	shalt  }
0x55: {  	_ =	shalt  }
0x56: {  	_ =	shalt  }
0x57: {  	_ =	shalt  }
0x58: {  	_ =	shalt  }
0x59: {  	_ =	shalt  }
0x5a: {  	_ =	shalt  }
0x5b: {  	_ =	shalt  }
0x5c: {  	_ =	shalt  }
0x5d: {  	_ =	shalt  }
0x5e: {  	_ =	shalt  }
0x5f: {  	_ =	shalt  }
0x60: {  	_ =	shalt  }
0x61: {  	_ =	shalt  }
0x62: {  	_ =	shalt  }
0x63: {  	_ =	shalt  }
0x64: {  	_ =	shalt  }
0x65: {  	_ =	shalt  }
0x66: {  	_ =	shalt  }
0x67: {  	_ =	shalt  }
0x68: {  	_ =	shalt  }
0x69: {  	_ =	shalt  }
0x6a: {  	_ =	shalt  }
0x6b: {  	_ =	shalt  }
0x6c: {  	_ =	shalt  }
0x6d: {  	_ =	shalt  }
0x6e: {  	_ =	shalt  }
0x6f: {  	_ =	shalt  }
0x70: {  	_ =	shalt  }
0x71: {  	_ =	shalt  }
0x72: {  	_ =	shalt  }
0x73: {  	_ =	shalt  }
0x74: {  	_ =	shalt  }
0x75: {  	_ =	shalt  }
0x76: {  	_ =	shalt  }
0x77: {  	_ =	shalt  }
0x78: {  	_ =	shalt  }
0x79: {  	_ =	shalt  }
0x7a: {  	_ =	shalt  }
0x7b: {  	_ =	shalt  }
0x7c: {  	_ =	shalt  }
0x7d: {  	_ =	shalt  }
0x7e: {  	_ =	shalt  }
0x7f: {  	_ =	shalt  }
0x80: {  	_ =	shalt  }
0x81: {  	_ =	shalt  }
0x82: {  	_ =	shalt  }
0x83: {  	_ =	shalt  }
0x84: {  	_ =	shalt  }
0x85: {  	_ =	shalt  }
0x86: {  	_ =	shalt  }
0x87: {  	_ =	shalt  }
.Lfunc_end0:
.L_simem_size_0:
called_computation_lowered:
.L_overlay_start_0:
0x88: {  	s2 =	sld [smem:$0x3FD9]  }
0x89: {  	s3 =	sld [smem:$0x3FFE];
	_ =	sdelay $0x1  }
0x8a: {  	s1 =	srdreg.scid  }
0x8b: {  	s0 =	sand.u32 $0x1, s1  }
0x8c: {  	s14 =	sshll.u32 s0, $0xA;
	s2 =	sadd.s32 s3, s2  }
0x8d: {  	s2 =	sadd.s32 s2, s14  }
0x8e: {  	[smem:$0x3FC0] =	sst s2  }
0x8f: {  	_ = 	snop  }
0x90: {  	s2 =	sld [smem:$0x3FC9]  }
0x91: {  	s15 =	sld [smem:$0x3FC8]  }
0x92: {  	s4 =	sld [smem:$0x3FC7]  }
0x93: {  	s5 =	sld [smem:$0x3FD0]  }
0x94: {  	s6 =	sld [smem:$0x3FC6]  }
0x95: {  	s7 =	sld [smem:$0x3FC5]  }
0x96: {  	s9 =	simm.s32 $0xA;
	s10 =	simm.s32 $0x10;
	s8 =	sld [smem:$0x3FC4]  }
0x97: {  	[smem:s10], [sflag:s9] =	dma.local [hbm:s5], $0x1  }
0x98: {  	_ =	swait.eq [sflag:s9], $0x1  }
0x99: {  	[sflag:s9] =	ssyncset.done $0x0  }
0x9a: {  	s16 =	sld [smem:$0x10];
	[sflag:s9] =	ssyncadd.s32 $0xFFFFFFFF  }
0x9b: {  	s17 =	sld [smem:$0x11];
	(tm) =	ssettm $0x1  }
0x9c: {  	s18 =	sld [smem:$0x3FFB];
	_ =	sdelay $0x3  }
0x9d: {  	_ =	strace s18  }
0x9e: {  	s10 =	sld [smem:$0x3FFC];
	_ =	sdelay $0x3  }
0x9f: {  	_ =	strace s10  }
0xa0: {  	s10 =	sld [smem:$0x3FFD];
	_ =	sdelay $0x3  }
0xa1: {  	_ =	strace s10  }
0xa2: {  	_ =	strace $0x8FFFFFFF  }
0xa3: {  	s19 =	sld [smem:$0x3FDB];
	_ =	sdelay $0x1  }
0xa4: {  	s11 =	simm.s32 $_scs_section_size  }
0xa5: {  	s12 =	simm.s32 $_size__tile_overlayer_lowered;
	s13 =	simm.s32 $_tile_overlayer_lowered  }
0xa6: {  	s22 =	simm.s32 $0x1BFF;
	s21 =	sshll.u32 s13, $0x1;
	s10 =	sadd.s32 s11, s19  }
0xa7: {  	s20 =	sshll.u32 s12, $0x1;
	s14 =	simm.s32 $0x0;
	s12 =	sadd.s32 s21, s10  }
0xa8: {  	[timem:s14], [sflag:s22] =	dma.local [hbm:s12], s20  }
0xa9: {  	_ =	swait.ge [sflag:s22], s20  }
0xaa: {  	s11 =	ssub.s32 $0x0, s20;
	[sflag:s22] =	ssyncset.done $0x0  }
0xab: {  	[sflag:s22] =	ssyncadd.s32 s11;
	_ =	sdelay $0x1  }
0xac: {  	s23 =	simm.s32 $0x1B8B  }
0xad: {  	_ =	swait.ge [sflag:s23], $0x1  }
0xae: {  	[sflag:s23] =	ssyncset.done $0x0  }
0xaf: {  	s25 =	simm.s32 $0x1B8E;
	s24 =	sld [smem:$0x3FFE];
	[sflag:s23] =	ssyncadd.s32 $0xFFFFFFFF  }
0xb0: {  	s26 =	simm.s32 $execute0_lowered;
	[smem:$0x3FD2] =	sst s25  }
0xb1: {  	s12 =	sshll.u32 s26, $0x1;
	_ =	strace $0x80000046;
	[dreg:$0x1] =	wrdreg $0xFFFFFFFF  }
0xb2: {  	s28 =	simm.s32 $_size_execute0_lowered;
	s10 =	sadd.s32 s10, s12;
	[dreg:$0x0] =	wrdreg $0x0  }
0xb3: {  	s12 =	sshll.u32 s28, $0x1;
	[dreg:$0x2] =	wrdreg s10  }
0xb4: {  	[dreg:$0x3] =	wrdreg s12  }
0xb5: {  	[dreg:$0x4] =	wrdreg $0xC0  }
0xb6: {  	_ =	task [dreg:s14], $0x5FFFF  }
0xb7: {  	[dreg:$0x1] =	wrdreg $0xFFFFFFFF  }
0xb8: {  	[dreg:$0x0] =	wrdreg $0x60  }
0xb9: {  	[dreg:$0x2] =	wrdreg s2  }
0xba: {  	[dreg:$0x3] =	wrdreg s15  }
0xbb: {  	[dreg:$0x4] =	wrdreg s4  }
0xbc: {  	[dreg:$0x5] =	wrdreg s6  }
0xbd: {  	[dreg:$0x6] =	wrdreg s7  }
0xbe: {  	[dreg:$0x7] =	wrdreg s8  }
0xbf: {  	[dreg:$0x8] =	wrdreg s24  }
0xc0: {  	[dreg:$0x9] =	wrdreg s16  }
0xc1: {  	[dreg:$0xa] =	wrdreg s17  }
0xc2: {  	[dreg:$0xb] =	wrdreg $0x9  }
0xc3: {  	_ =	task.clear_ibuf [dreg:s14], $0xCFFFF;
	_ =	strace $0x90000046  }
0xc4: {  	s29 =	simm.s32 $0x9;
	_ =	strace $0x80000048  }
0xc5: {  	_ =	swait.ge [sflag:s29], $0x1  }
0xc6: {  	[sflag:s29] =	ssyncadd.s32 $0xFFFFFFFF  }
0xc7: {  	_ =	strace $0x90000048  }
0xc8: {  	_ =	sfence  }
0xc9: {  	s30 =	sld [smem:$0x0];
	_ =	sdelay $0x2  }
0xca: {  	s31 =	sshll.u32 s1, $0xD;
	s1 =	sshrl.u32 s1, $0x2  }
0xcb: {  	s3 =	sand.u32 $0x4000, s31;
	s1 =	sadd.s32 s1, s30  }
0xcc: {  	s0 =	sor.u32 s3, s0;
	s1 =	sshll.u32 s1, $0x11  }
0xcd: {  	s0 =	sor.u32 s1, s0  }
0xce: {  	s0 =	sadd.s32 $0x8F2B, s0  }
0xcf: {  	[sflag:s0] =	ssyncadd.remote.s32 $0x1  }
0xd0: {  	_ =	sfence.sel $0xFFFF  }
0xd1: {  	[dreg:$0x0] =	wrdreg $0xFFFFFFFF;
	(pc) =	sbr.abs _section_cstart, $3  }
0xd2: {  	[dreg:$0x1] =	wrdreg $0xFFFFFFFF  }
0xd3: {  	_ =	task.clear_ibuf [dreg:s14], $0x2FFFF;
	_ =	strace $0x9FFFFFFF  }
0xd4: {  	(tm) =	ssettm $0x7FFFFFFF  }
0xd5: {  	_ =	shalt  }
tec
execute0_lowered:
.L_overlay_start_1:
0x0: {  	(tag) =	ssettag $0x1  }
0x1: {  	s0 =	rddreg [dreg:$0x0]  }
0x2: {  	s2 =	rddreg [dreg:$0x1]  }
0x3: {  	s9 =	rddreg [dreg:$0x2]  }
0x4: {  	s6 =	rddreg [dreg:$0x3]  }
0x5: {  	s8 =	rddreg [dreg:$0x4];
	v0 =	vimm.s32 $0xEFCDAB89;
	v1 =	vimm.s32 $0x67452301  }
0x6: {  	s10 =	rddreg [dreg:$0x5];
	v2 =	vimm.s32 $0xDCFE98BA;
	v3 =	vimm.s32 $0x54761032;
	v4 =	vimm.s32 $0xBA98FEDC  }
0x7: {  	s4 =	rddreg [dreg:$0x6];
	v5 =	vimm.s32 $0x32107654;
	v6 =	vimm.s32 $0xFEDCBA98;
	v7 =	vimm.s32 $0x76543210  }
0x8: {  	s11 =	rddreg [dreg:$0x7];
	vm0 =	vmmov $0x1;
	vm1 =	vmmov $0x3;
	vm2 =	vmmov $0x7  }
0x9: {  	s12 =	rddreg [dreg:$0x8];
	s1 =	simm.s32 $0x0;
	s3 =	srdreg.scid;
	vm3 =	vmmov $0xf;
	vm4 =	vmmov $0x1f;
	vm5 =	vmmov $0x3f  }
0xa: {  	s14 =	stileid.u32;
	s16 =	simm.s32 $0x400;
	s18 =	simm.s32 $0x800;
	v0 =	vunpack.c.l.s4.s8 v0;
	v4 =	vunpack.c.l.s4.s8 v4;
	v5 =	vunpack.c.l.s4.s8 v5  }
0xb: {  	s20 =	simm.s32 $0x80;
	s24 =	simm.s32 $0xCC00;
	s25 =	simm.s32 $0x10C00;
	v1 =	vunpack.c.l.s4.s8 v1;
	v2 =	vunpack.c.l.s4.s8 v2;
	v6 =	vunpack.c.l.s4.s8 v6  }
0xc: {  	s26 =	simm.s32 $0x14C00;
	s28 =	simm.s32 $0x1;
	s29 =	simm.s32 $0x2;
	v7 =	vunpack.c.l.s4.s8 v7;
	v4 =	vunpack.c.0.s8.s32 v4;
	v5 =	vunpack.c.0.s8.s32 v5  }
0xd: {  	s30 =	simm.s32 $0x18C00;
	s31 =	simm.s32 $0x18E00;
	[smem:$0x7FF] =	sst s1;
	v3 =	vunpack.c.l.s4.s8 v3;
	v0 =	vunpack.c.0.s8.s32 v0;
	v60 =	vunpack.c.0.s8.s32 v6  }
0xe: {  	s5 =	sand.u32 $0x1, s3;
	s3 =	sadd.s32 $0xF47000, s4;
	s14 =	sshll.u32 s14, $0x7;
	v1 =	vunpack.c.0.s8.s32 v1;
	v62 =	vunpack.c.0.s8.s32 v7;
	v61 =	vcombine.low v5, v4  }
0xf: {  	s4 =	sadd.s32 $0xC00, s4;
	s7 =	ssub.s32 $0x2, s5;
	s5 =	sshll.u32 s5, $0x6;
	v2 =	vunpack.c.0.s8.s32 v2;
	v3 =	vunpack.c.0.s8.s32 v3;
	v63 =	vand.u32 $0xF, v60  }
0x10: {  	_ =	strace $0x80000047;
	s13 =	sshrl.u32 s7, $0x1;
	s14 =	sor.u32 s5, s14;
	v0 =	vcombine.low v1, v0;
	v39 =	vcombine.low v63, v62;
	v47 =	vand.u32 $0xF, v61  }
0x11: {  	vm6 =	vmmov $0x7f;
	vm7 =	vmmov $0xff;
	s13 =	ssub.s32 s7, s13;
	s5 =	sadd.s32 s0, s14;
	s6 =	sadd.s32 s6, s14;
	v2 =	vcombine.low v3, v2;
	[tilespmem:$0x1FFC0] =	vst v47  }
0x12: {  	vm8 =	vmmov $0x1ff;
	vm9 =	vmmov $0x3ff;
	s7 =	sadd.s32 s2, s14;
	s8 =	sadd.s32 s8, s14;
	s9 =	sadd.s32 s9, s14;
	v41 =	vand.u32 $0xF, v0;
	[tilespmem:$0x1FFD0] =	vst v39  }
0x13: {  	vm10 =	vmmov $0x7ff;
	vm11 =	vmmov $0xfff;
	s10 =	sadd.s32 s10, s14;
	s11 =	sadd.s32 s11, s14;
	s12 =	sadd.s32 s12, s14;
	v46 =	vand.u32 $0xF, v2;
	[tilespmem:$0x1FFE0] =	vst v41  }
0x14: {  	vm12 =	vmmov $0x1fff;
	vm13 =	vmmov $0x3fff;
	vm14 =	vmmov $0x7fff;
	s14 =	simm.s32 $0x3;
	s0 =	simm.s32 $0x0;
	s13 =	smax.u32 s13, $0x1;
	[tilespmem:$0x1FFF0] =	vst v46  }
.LBB2_1:
0x15: {  	[tilespmem:s1], [sflag:$0x3] =	stream.linear.gather [hbm4b:s5+s1], $0x200, $0x38;
	[tilespmem:$0x19000] =	vst v63  }
0x16: {  	_ =	swait.ge [sflag:s14], $0x200  }
0x17: {  	[sflag:s14] =	ssyncset.done $0x0  }
0x18: {  	s2 =	simm.s32 $0x200;
	[sflag:s14] =	ssyncadd.s32 $0xFFFFFE00  }
0x19: {  	[tilespmem:s2], [sflag:$0x3] =	stream.linear.gather [hbm4b:s6+s1], $0x200, $0x38;
	[tilespmem:$0x19000] =	vst v63  }
0x1a: {  	_ =	swait.ge [sflag:s14], $0x200  }
0x1b: {  	[sflag:s14] =	ssyncset.done $0x0  }
0x1c: {  	[sflag:s14] =	ssyncadd.s32 $0xFFFFFE00  }
0x1d: {  	[tilespmem:s16], [sflag:$0x3] =	stream.linear.gather [hbm4b:s7+s1], $0x200, $0x38;
	[tilespmem:$0x19000] =	vst v63  }
0x1e: {  	_ =	swait.ge [sflag:s14], $0x200  }
0x1f: {  	[sflag:s14] =	ssyncset.done $0x0  }
0x20: {  	s17 =	simm.s32 $0x600;
	[sflag:s14] =	ssyncadd.s32 $0xFFFFFE00  }
0x21: {  	[tilespmem:s17], [sflag:$0x3] =	stream.linear.gather [hbm4b:s8+s1], $0x200, $0x38;
	[tilespmem:$0x19000] =	vst v63  }
0x22: {  	_ =	swait.ge [sflag:s14], $0x200  }
0x23: {  	[sflag:s14] =	ssyncset.done $0x0  }
0x24: {  	[sflag:s14] =	ssyncadd.s32 $0xFFFFFE00  }
0x25: {  	[tilespmem:s18], [sflag:$0x3] =	stream.linear.gather [hbm4b:s9+s1], $0x200, $0x38;
	[tilespmem:$0x19000] =	vst v63  }
0x26: {  	_ =	swait.ge [sflag:s14], $0x200  }
0x27: {  	[sflag:s14] =	ssyncset.done $0x0  }
0x28: {  	s19 =	simm.s32 $0xA00;
	[sflag:s14] =	ssyncadd.s32 $0xFFFFFE00  }
0x29: {  	[tilespmem:s19], [sflag:$0x3] =	stream.linear.gather [hbm4b:s10+s1], $0x200, $0x38;
	[tilespmem:$0x19000] =	vst v63  }
0x2a: {  	_ =	swait.ge [sflag:s14], $0x200  }
0x2b: {  	[sflag:s14] =	ssyncset.done $0x0  }
0x2c: {  	s21 =	simm.s32 $0xC00;
	[sflag:s14] =	ssyncadd.s32 $0xFFFFFE00  }
0x2d: {  	[tilespmem:s21], [sflag:$0x1] =	stream.indirect.gather [hbm4b:s3+s20], $0x80, s1, s20, $0xb8;
	[tilespmem:$0x19000] =	vst v63  }
0x2e: {  	s22 =	simm.s32 $0x4C00;
	s23 =	simm.s32 $0x8C00  }
0x2f: {  	[tilespmem:s22], [sflag:$0x1] =	stream.indirect.gather [hbm4b:s3+s20], $0x80, s16, s20, $0xb8;
	[tilespmem:$0x19000] =	vst v63  }
0x30: {  	s2 =	simm.s32 $0x18C80;
	s17 =	simm.s32 $0x0;
	s22 =	simm.s32 $0x18C00  }
0x31: {  	[tilespmem:s23], [sflag:$0x1] =	stream.indirect.gather [hbm4b:s4+s20], $0x80, s18, s20, $0xb8;
	[tilespmem:$0x19000] =	vst v63  }
.LBB2_2:
0x32: {  	s19 =	sshll.u32 s17, $0x8  }
0x33: {  	s15 =	sor.u32 $0x80, s19  }
0x34: {  	[tilespmem:s24], [sflag:$0x2] =	stream.indirect.gather [hbm4b:s3+s20], $0x80, s15, s20, $0xb8;
	[tilespmem:$0x19000] =	vst v63  }
0x35: {  	s23 =	sadd.s32 $0x480, s19  }
0x36: {  	[tilespmem:s25], [sflag:$0x2] =	stream.indirect.gather [hbm4b:s3+s20], $0x80, s23, s20, $0xb8;
	[tilespmem:$0x19000] =	vst v63  }
0x37: {  	s21 =	sadd.s32 $0x880, s19  }
0x38: {  	[tilespmem:s26], [sflag:$0x2] =	stream.indirect.gather [hbm4b:s4+s20], $0x80, s21, s20, $0xb8;
	[tilespmem:$0x19000] =	vst v63  }
0x39: {  	_ =	swait.ge [sflag:s28], $0x4000  }
0x3a: {  	[sflag:s28] =	ssyncset.done $0x0  }
0x3b: {  	[sflag:s28] =	ssyncadd.s32 $0xFFFFC000  }
0x3c: {  	_ =	swait.ge [sflag:s28], $0x4000  }
0x3d: {  	[sflag:s28] =	ssyncset.done $0x0  }
0x3e: {  	[sflag:s28] =	ssyncadd.s32 $0xFFFFC000  }
0x3f: {  	_ =	swait.ge [sflag:s28], $0x4000  }
0x40: {  	[sflag:s28] =	ssyncset.done $0x0  }
0x41: {  	s23 =	simm.s32 $0x0;
	[sflag:s28] =	ssyncadd.s32 $0xFFFFC000  }
0x42: {  	v56 =	vld [tilespmem:s23+$0x53B0]  }
0x43: {  	v63 =	vld [tilespmem:s23+$0x5330]  }
0x44: {  	v57 =	vld [tilespmem:s23+$0x53A0]  }
0x45: {  	v8 =	vld [tilespmem:s23+$0x13B0]  }
0x46: {  	v3 =	vld [tilespmem:s23+$0x52B0]  }
0x47: {  	v14 =	vld [tilespmem:s23+$0x93B0]  }
0x48: {  	v28 =	vld [tilespmem:s23+$0x5320]  }
0x49: {  	v16 =	vld [tilespmem:s23+$0x1330]  }
0x4a: {  	v20 =	vld [tilespmem:s23+$0x9330]  }
0x4b: {  	v25 =	vld [tilespmem:s23+$0x5380];
	[tilespmem:$0x1FBA0] =	vst v3  }
0x4c: {  	v32 =	vld [tilespmem:s23+$0x5390]  }
0x4d: {  	v31 =	vld [tilespmem:s23+$0x13A0]  }
0x4e: {  	v35 =	vld [tilespmem:s23+$0x93A0]  }
0x4f: {  	v2 =	vld [tilespmem:s23+$0x5230]  }
0x50: {  	v36 =	vld [tilespmem:s23+$0x52A0]  }
0x51: {  	v18 =	vld [tilespmem:s23+$0x12B0]  }
0x52: {  	v40 =	vld [tilespmem:s23+$0x92B0]  }
0x53: {  	v44 =	vld [tilespmem:s23+$0x5300]  }
0x54: {  	v48 =	vld [tilespmem:s23+$0x5310]  }
0x55: {  	v52 =	vld [tilespmem:s23+$0x1320]  }
0x56: {  	v62 =	vld [tilespmem:s23+$0x9320]  }
0x57: {  	v15 =	vld [tilespmem:s23+$0x1380]  }
0x58: {  	v38 =	vld [tilespmem:s23+$0x9380]  }
0x59: {  	v54 =	vld [tilespmem:s23+$0x1390]  }
0x5a: {  	v55 =	vld [tilespmem:s23+$0x9390]  }
0x5b: {  	v29 =	vld [tilespmem:s23+$0x1230]  }
0x5c: {  	v27 =	vld [tilespmem:s23+$0x9230]  }
0x5d: {  	v21 =	vld [tilespmem:s23+$0x5280]  }
0x5e: {  	v19 =	vld [tilespmem:s23+$0x5290]  }
0x5f: {  	v17 =	vld [tilespmem:s23+$0x12A0]  }
0x60: {  	v13 =	vld [tilespmem:s23+$0x92A0]  }
0x61: {  	v1 =	vld [tilespmem:s23+$0x9300]  }
0x62: {  	v9 =	vld [tilespmem:s23+$0x1310]  }
0x63: {  	v0 =	vld [tilespmem:s23+$0x9310]  }
0x64: {  	v3 =	vld [tilespmem:s23+$0x5130]  }
0x65: {  	v45 =	vld [tilespmem:s23+$0x11B0]  }
0x66: {  	v43 =	vld [tilespmem:s23+$0x91B0]  }
0x67: {  	v51 =	vld [tilespmem:s23+$0x5200]  }
0x68: {  	v34 =	vld [tilespmem:s23+$0x5210]  }
0x69: {  	v33 =	vld [tilespmem:s23+$0x1220]  }
0x6a: {  	v30 =	vld [tilespmem:s23+$0x9220]  }
0x6b: {  	v6 =	vld [tilespmem:s23+$0x1280]  }
0x6c: {  	v5 =	vld [tilespmem:s23+$0x9280]  }
0x6d: {  	v4 =	vld [tilespmem:s23+$0x1290]  }
0x6e: {  	v7 =	vld [tilespmem:s23+$0x50B0]  }
0x6f: {  	v49 =	vld [tilespmem:s23+$0x5180]  }
0x70: {  	v50 =	vld [tilespmem:s23+$0x5190]  }
0x71: {  	v42 =	vld [tilespmem:s23+$0x11A0]  }
0x72: {  	v37 =	vld [tilespmem:s23+$0x91A0]  }
0x73: {  	v12 =	vld [tilespmem:s23+$0x1200]  }
0x74: {  	v11 =	vld [tilespmem:s23+$0x9200]  }
0x75: {  	v10 =	vld [tilespmem:s23+$0x1210]  }
0x76: {  	v22 =	vld [tilespmem:s23+$0x5030]  }
0x77: {  	v26 =	vld [tilespmem:s23+$0x1180]  }
0x78: {  	v23 =	vld [tilespmem:s23+$0x9180]  }
0x79: {  	v24 =	vld [tilespmem:s23+$0x1190]  }
0x7a: {  	v53 =	vld [tilespmem:s23+$0x4FB0]  }
0x7b: {  	v59 =	vld [tilespmem:s23+$0x5020]  }
0x7c: {  	v60 =	vld [tilespmem:s23+$0x1030]  }
0x7d: {  	v61 =	vld [tilespmem:s23+$0x9030]  }
0x7e: {  	v58 =	vld [tilespmem:s23+$0x5080]  }
0x7f: {  	v14 =	vadd.f32 v14, v8;
	v8 =	vld [tilespmem:s23+$0x5000]  }
0x80: {  	v20 =	vadd.f32 v20, v16;
	v16 =	vld [tilespmem:s23+$0x4EB0]  }
0x81: {  	[tilespmem:$0x1FBB0] =	vst v2;
	v2 =	vld [tilespmem:s23+$0x51B0]  }
0x82: {  	[tilespmem:$0x1FC80] =	vst v3;
	v3 =	vld [tilespmem:s23+$0x51A0]  }
0x83: {  	[tilespmem:$0x1FC90] =	vst v7;
	v7 =	vld [tilespmem:s23+$0x5120]  }
0x84: {  	[tilespmem:$0x1FD10] =	vst v22;
	v22 =	vld [tilespmem:s23+$0x50A0]  }
0x85: {  	[tilespmem:$0x1FD20] =	vst v59;
	v59 =	vld [tilespmem:s23+$0x5090]  }
0x86: {  	[tilespmem:$0x1FCE0] =	vst v60;
	v60 =	vld [tilespmem:s23+$0x10A0]  }
0x87: {  	[tilespmem:$0x1FCF0] =	vst v61;
	v61 =	vld [tilespmem:s23+$0x90A0]  }
0x88: {  	[tilespmem:$0x1FCC0] =	vst v58;
	v58 =	vld [tilespmem:s23+$0x1110]  }
0x89: {  	[tilespmem:$0x1FD30] =	vst v53;
	v53 =	vld [tilespmem:s23+$0x4F30]  }
0x8a: {  	v38 =	vadd.f32 v38, v15;
	v15 =	vld [tilespmem:s23+$0x4FA0]  }
0x8b: {  	v54 =	vadd.f32 v55, v54;
	v35 =	vadd.f32 v35, v31;
	v31 =	vld [tilespmem:s23+$0xFB0]  }
0x8c: {  	v0 =	vadd.f32 v0, v9;
	v9 =	vld [tilespmem:s23+$0x4F80]  }
0x8d: {  	v25 =	vsub.f32 v38, v25;
	v38 =	vsub.f32 v54, v32;
	v32 =	vld [tilespmem:s23+$0x8FB0]  }
0x8e: {  	v54 =	vsub.f32 v35, v57;
	v35 =	vld [tilespmem:s23+$0x1020]  }
0x8f: {  	v0 =	vsub.f32 v0, v48;
	v48 =	vld [tilespmem:s23+$0xFA0]  }
0x90: {  	v55 =	vand.u32 $0x7FFFFFFF, v25;
	v25 =	vld [tilespmem:s23+$0x5010]  }
0x91: {  	[tilespmem:$0x1FBE0] =	vst v2;
	v2 =	vld [tilespmem:s23+$0x5220]  }
0x92: {  	[tilespmem:$0x1FBD0] =	vst v3;
	v3 =	vld [tilespmem:s23+$0x9290]  }
0x93: {  	[tilespmem:$0x1FC70] =	vst v7;
	v7 =	vld [tilespmem:s23+$0x1130]  }
0x94: {  	[tilespmem:$0x1FD00] =	vst v22;
	v22 =	vld [tilespmem:s23+$0x10B0]  }
0x95: {  	[tilespmem:$0x1FCD0] =	vst v59;
	v59 =	vld [tilespmem:s23+$0x1100]  }
0x96: {  	[tilespmem:$0x1FCB0] =	vst v61;
	v61 =	vld [tilespmem:s23+$0x9100]  }
0x97: {  	v38 =	vand.u32 $0x7FFFFFFF, v38;
	[tilespmem:$0x1FCA0] =	vst v60;
	v60 =	vld [tilespmem:s23+$0x9110]  }
0x98: {  	v57 =	vadd.f32 v38, v55;
	v38 =	vld [tilespmem:s23+$0x9020]  }
0x99: {  	v55 =	vld [tilespmem:s23+$0x9080]  }
0x9a: {  	v14 =	vsub.f32 v14, v56;
	v54 =	vand.u32 $0x7FFFFFFF, v54;
	[tilespmem:$0x1FD50] =	vst v53;
	v53 =	vld [tilespmem:s23+$0x8F20]  }
0x9b: {  	v56 =	vadd.f32 v54, v57;
	v54 =	vld [tilespmem:s23+$0x1080]  }
0x9c: {  	v14 =	vand.u32 $0x7FFFFFFF, v14;
	v57 =	vld [tilespmem:s23+$0x9090]  }
0x9d: {  	v14 =	vadd.f32 v14, v56;
	v56 =	vld [tilespmem:s23+$0x1090]  }
0x9e: {  	[tilespmem:$0x1FBC0] =	vst v2;
	v2 =	vld [tilespmem:s23+$0x1300]  }
0x9f: {  	[tilespmem:$0x1FC50] =	vst v22;
	v22 =	vld [tilespmem:s23+$0x90B0]  }
0xa0: {  	[tilespmem:$0x1FBF0] =	vst v7;
	v7 =	vld [tilespmem:s23+$0x9130];
	v3 =	vadd.f32 v3, v4;
	v4 =	vadd.f32 v13, v17  }
0xa1: {  	v17 =	vld [tilespmem:$0x1FBB0]  }
0xa2: {  	v4 =	vsub.f32 v4, v36;
	v36 =	vld [tilespmem:s23+$0x4E80]  }
0xa3: {  	v3 =	vsub.f32 v3, v19;
	v19 =	vadd.f32 v37, v42;
	v37 =	vld [tilespmem:s23+$0x4E90]  }
0xa4: {  	[tilespmem:$0x1FC60] =	vst v22;
	v22 =	vld [tilespmem:s23+$0x5100]  }
0xa5: {  	v1 =	vadd.f32 v1, v2;
	v2 =	vld [tilespmem:s23+$0x4F20]  }
0xa6: {  	v42 =	vld [tilespmem:s23+$0xDB0]  }
0xa7: {  	[tilespmem:$0x1FC00] =	vst v7;
	v7 =	vld [tilespmem:s23+$0x9210]  }
0xa8: {  	[tilespmem:$0x1FD60] =	vst v16;
	v1 =	vsub.f32 v1, v44;
	v44 =	vadd.f32 v40, v18;
	v40 =	vld [tilespmem:s23+$0x4F90]  }
0xa9: {  	v16 =	vperm.xlane v14, v41;
	v18 =	vld [tilespmem:$0x1FBC0];
	[tilespmem:$0x1FC30] =	vst v22  }
0xaa: {  	v22 =	vld [tilespmem:s23+$0x5110];
	[tilespmem:$0x1FD40] =	vst v2;
	v2 =	vadd.f32 v62, v52  }
0xab: {  	v20 =	vsub.f32 v20, v63;
	v62 =	vadd.f32 v14, v16;
	v14 =	vld [tilespmem:s23+$0xF30]  }
0xac: {  	v0 =	vand.u32 $0x7FFFFFFF, v0;
	v1 =	vand.u32 $0x7FFFFFFF, v1;
	v16 =	vld [tilespmem:s23+$0x8F30];
	v2 =	vsub.f32 v2, v28  }
0xad: {  	v0 =	vadd.f32 v0, v1;
	v1 =	vadd.f32 v5, v6;
	v52 =	vld [tilespmem:s23+$0x8FA0]  }
0xae: {  	v5 =	vadd.f32 v27, v29;
	v6 =	vand.u32 $0x7FFFFFFF, v20;
	v20 =	vld [tilespmem:s23+$0xE30];
	v2 =	vand.u32 $0x7FFFFFFF, v2  }
0xaf: {  	v29 =	vld [tilespmem:s23+$0x8F00];
	v2 =	vadd.f32 v2, v0;
	v0 =	vsub.f32 v1, v21  }
0xb0: {  	v63 =	vperm.xlane v62, v46;
	v17 =	vsub.f32 v5, v17;
	v5 =	vld [tilespmem:s23+$0x4EA0]  }
0xb1: {  	v3 =	vand.u32 $0x7FFFFFFF, v3;
	[tilespmem:$0x1FC40] =	vst v22;
	v22 =	vld [tilespmem:s23+$0x1120];
	v13 =	vand.u32 $0x7FFFFFFF, v0  }
0xb2: {  	v28 =	vadd.f32 v62, v63;
	v3 =	vadd.f32 v3, v13;
	v13 =	vld [tilespmem:s23+$0x4E30]  }
0xb3: {  	v62 =	vld [tilespmem:s23+$0x1000]  }
0xb4: {  	v63 =	vld [tilespmem:s23+$0x9000];
	v2 =	vadd.f32 v6, v2;
	v6 =	vperm.xlane v28, v47  }
0xb5: {  	v1 =	vld [tilespmem:s23+$0x1010];
	[tilespmem:$0x1FD80] =	vst v5  }
0xb6: {  	v4 =	vand.u32 $0x7FFFFFFF, v4;
	v21 =	vld [tilespmem:s23+$0x8F80];
	v5 =	vadd.f32 v28, v6;
	[tilespmem:$0x1FC10] =	vst v22  }
0xb7: {  	v3 =	vadd.f32 v4, v3;
	[tilespmem:$0x1FD70] =	vst v13;
	v13 =	vld [tilespmem:$0x1FBA0]  }
0xb8: {  	v22 =	vld [tilespmem:s23+$0x9120];
	v4 =	vadd.f32 v11, v12;
	[tilespmem:$0x1FDA0] =	vst v5;
	v5 =	vadd.f32 v7, v10  }
0xb9: {  	v48 =	vadd.f32 v52, v48;
	v52 =	vld [tilespmem:s23+$0x8E00];
	v10 =	vadd.f32 v30, v33  }
0xba: {  	v0 =	vld [tilespmem:s23+$0x9010];
	v4 =	vsub.f32 v4, v51;
	v12 =	vsub.f32 v5, v34  }
0xbb: {  	v15 =	vsub.f32 v48, v15;
	v48 =	vld [tilespmem:s23+$0x4D00];
	v10 =	vsub.f32 v10, v18  }
0xbc: {  	v6 =	vld [tilespmem:s23+$0xEB0];
	v4 =	vand.u32 $0x7FFFFFFF, v4;
	v12 =	vand.u32 $0x7FFFFFFF, v12;
	v13 =	vsub.f32 v44, v13  }
0xbd: {  	[tilespmem:$0x1FC20] =	vst v22;
	v22 =	vld [tilespmem:s23+$0x9190];
	v4 =	vadd.f32 v12, v4  }
0xbe: {  	v28 =	vld [tilespmem:s23+$0x4DB0];
	v10 =	vand.u32 $0x7FFFFFFF, v10;
	v7 =	vand.u32 $0x7FFFFFFF, v13  }
0xbf: {  	v11 =	vld [tilespmem:s23+$0x8EB0];
	v4 =	vadd.f32 v10, v4;
	v3 =	vadd.f32 v7, v3  }
0xc0: {  	v17 =	vand.u32 $0x7FFFFFFF, v17;
	v30 =	vld [tilespmem:$0x1FC40]  }
0xc1: {  	v17 =	vadd.f32 v17, v4;
	v4 =	vld [tilespmem:$0x1FBD0];
	v13 =	vperm.xlane v3, v41  }
0xc2: {  	v33 =	vld [tilespmem:s23+$0xF10];
	v18 =	vadd.f32 v22, v24  }
0xc3: {  	v51 =	vld [tilespmem:s23+$0xF20];
	v7 =	vperm.xlane v2, v41;
	v3 =	vadd.f32 v3, v13;
	v13 =	vadd.f32 v23, v26  }
0xc4: {  	v0 =	vadd.f32 v0, v1;
	v5 =	vld [tilespmem:s23+$0x4F10];
	v18 =	vsub.f32 v18, v50  }
0xc5: {  	v34 =	vld [tilespmem:s23+$0x8F10];
	v2 =	vadd.f32 v2, v7;
	v22 =	vperm.xlane v3, v46;
	v13 =	vsub.f32 v13, v49  }
0xc6: {  	v25 =	vsub.f32 v0, v25;
	v0 =	vld [tilespmem:s23+$0x4D80];
	v18 =	vand.u32 $0x7FFFFFFF, v18;
	v19 =	vsub.f32 v19, v4  }
0xc7: {  	v23 =	vld [tilespmem:$0x1FBE0];
	v3 =	vadd.f32 v3, v22;
	v22 =	vperm.xlane v2, v46;
	v13 =	vand.u32 $0x7FFFFFFF, v13  }
0xc8: {  	v12 =	vld [tilespmem:s23+$0xF80];
	v13 =	vadd.f32 v18, v13;
	v18 =	vand.u32 $0x7FFFFFFF, v19;
	v19 =	vperm.xlane v17, v41  }
0xc9: {  	v27 =	vld [tilespmem:$0x1FC20];
	v53 =	vadd.f32 v53, v51;
	v7 =	vadd.f32 v43, v45  }
0xca: {  	v51 =	vld [tilespmem:s23+$0xD20];
	v2 =	vadd.f32 v2, v22;
	v22 =	vperm.xlane v3, v47;
	v17 =	vadd.f32 v17, v19  }
0xcb: {  	v44 =	vld [tilespmem:s23+$0x4F00]  }
0xcc: {  	v10 =	vld [tilespmem:s23+$0xF90];
	v23 =	vsub.f32 v7, v23;
	v7 =	vadd.f32 v3, v22;
	v22 =	vperm.xlane v17, v46  }
0xcd: {  	v24 =	vld [tilespmem:s23+$0x8F90]  }
0xce: {  	v17 =	vadd.f32 v17, v22;
	v22 =	vld [tilespmem:$0x1FC30]  }
0xcf: {  	v50 =	vld [tilespmem:$0x1FC60];
	v18 =	vadd.f32 v18, v13  }
0xd0: {  	v12 =	vadd.f32 v21, v12;
	v43 =	vld [tilespmem:s23+$0x8EA0];
	v19 =	vand.u32 $0x7FFFFFFF, v23  }
0xd1: {  	v45 =	vld [tilespmem:s23+$0x8DB0];
	v18 =	vadd.f32 v19, v18;
	v19 =	vadd.f32 v61, v59  }
0xd2: {  	v12 =	vsub.f32 v12, v9;
	v9 =	vld [tilespmem:$0x1FD30]  }
0xd3: {  	v26 =	vld [tilespmem:$0x1FC10];
	v19 =	vsub.f32 v19, v22;
	v22 =	vperm.xlane v18, v41  }
0xd4: {  	v4 =	vld [tilespmem:s23+$0x4E20]  }
0xd5: {  	v10 =	vadd.f32 v24, v10;
	v18 =	vadd.f32 v18, v22;
	v22 =	vld [tilespmem:$0x1FC70]  }
0xd6: {  	v24 =	vld [tilespmem:s23+$0x8D30];
	v23 =	vadd.f32 v60, v58  }
0xd7: {  	v31 =	vadd.f32 v32, v31;
	v10 =	vsub.f32 v10, v40;
	v40 =	vld [tilespmem:s23+$0x8DA0];
	v13 =	vperm.xlane v2, v47  }
0xd8: {  	v26 =	vadd.f32 v27, v26;
	v3 =	vld [tilespmem:$0x1FC00];
	v23 =	vsub.f32 v23, v30  }
0xd9: {  	v31 =	vsub.f32 v31, v9;
	v13 =	vadd.f32 v2, v13;
	v2 =	vld [tilespmem:$0x1FBF0]  }
0xda: {  	v9 =	vld [tilespmem:$0x1FD40];
	v19 =	vand.u32 $0x7FFFFFFF, v19;
	v26 =	vsub.f32 v26, v22;
	v22 =	vand.u32 $0x7FFFFFFF, v23  }
0xdb: {  	v19 =	vadd.f32 v22, v19;
	v22 =	vld [tilespmem:$0x1FC80]  }
0xdc: {  	v12 =	vand.u32 $0x7FFFFFFF, v12;
	v10 =	vand.u32 $0x7FFFFFFF, v10;
	[tilespmem:$0x1FD90] =	vst v4;
	v4 =	vld [tilespmem:s23+$0x8E30]  }
0xdd: {  	v27 =	vld [tilespmem:s23+$0xF00];
	v10 =	vadd.f32 v10, v12  }
0xde: {  	v15 =	vand.u32 $0x7FFFFFFF, v15;
	v30 =	vld [tilespmem:$0x1FC50];
	v3 =	vadd.f32 v3, v2  }
0xdf: {  	v60 =	vld [tilespmem:$0x1FCA0];
	v15 =	vadd.f32 v15, v10  }
0xe0: {  	v31 =	vand.u32 $0x7FFFFFFF, v31;
	v3 =	vsub.f32 v3, v22;
	v22 =	vld [tilespmem:$0x1FC90]  }
0xe1: {  	v9 =	vsub.f32 v53, v9;
	v53 =	vld [tilespmem:s23+$0x8D80];
	v15 =	vadd.f32 v31, v15  }
0xe2: {  	v61 =	vld [tilespmem:s23+$0x4D30];
	v27 =	vadd.f32 v29, v27;
	v29 =	vadd.f32 v34, v33  }
0xe3: {  	v33 =	vld [tilespmem:s23+$0xC30];
	v58 =	vperm.xlane v17, v47;
	v30 =	vadd.f32 v50, v30  }
0xe4: {  	v34 =	vld [tilespmem:s23+$0xCB0];
	v27 =	vsub.f32 v27, v44;
	v5 =	vsub.f32 v29, v5;
	v29 =	vperm.xlane v15, v41  }
0xe5: {  	v44 =	vld [tilespmem:s23+$0x4CA0];
	v30 =	vsub.f32 v30, v22;
	v22 =	vadd.f32 v17, v58;
	v17 =	vand.u32 $0x7FFFFFFF, v26  }
0xe6: {  	v17 =	vadd.f32 v17, v19;
	v19 =	vadd.f32 v57, v56;
	v57 =	vld [tilespmem:$0x1FCB0]  }
0xe7: {  	v15 =	vadd.f32 v15, v29;
	v29 =	vld [tilespmem:s23+$0x8CB0]  }
0xe8: {  	v27 =	vand.u32 $0x7FFFFFFF, v27;
	v5 =	vand.u32 $0x7FFFFFFF, v5;
	v2 =	vld [tilespmem:s23+$0xEA0];
	v59 =	vperm.xlane v18, v46  }
0xe9: {  	v5 =	vadd.f32 v5, v27;
	v27 =	vld [tilespmem:$0x1FD50]  }
0xea: {  	v49 =	vadd.f32 v18, v59;
	v18 =	vadd.f32 v55, v54;
	v55 =	vld [tilespmem:$0x1FCE0]  }
0xeb: {  	v50 =	vadd.f32 v57, v60;
	v60 =	vld [tilespmem:$0x1FCF0]  }
0xec: {  	v59 =	vld [tilespmem:$0x1FCD0]  }
0xed: {  	v54 =	vld [tilespmem:s23+$0xE20]  }
0xee: {  	v23 =	vld [tilespmem:s23+$0x4DA0]  }
0xef: {  	v21 =	vperm.xlane v49, v47;
	v58 =	vld [tilespmem:$0x1FCC0]  }
0xf0: {  	v55 =	vadd.f32 v60, v55;
	v60 =	vld [tilespmem:$0x1FD00]  }
0xf1: {  	v10 =	vadd.f32 v49, v21;
	v21 =	vld [tilespmem:s23+$0x8E10]  }
0xf2: {  	v49 =	vld [tilespmem:s23+$0xD80]  }
0xf3: {  	v26 =	vand.u32 $0x7FFFFFFF, v3;
	v3 =	vld [tilespmem:s23+$0x4E00]  }
0xf4: {  	v56 =	vld [tilespmem:s23+$0x8E20];
	v17 =	vadd.f32 v26, v17;
	v19 =	vsub.f32 v19, v59  }
0xf5: {  	v18 =	vsub.f32 v18, v58;
	v50 =	vsub.f32 v50, v60;
	v60 =	vld [tilespmem:$0x1FD10]  }
0xf6: {  	v26 =	vld [tilespmem:s23+$0x4E10]  }
0xf7: {  	v59 =	vld [tilespmem:s23+$0x8E80];
	v19 =	vand.u32 $0x7FFFFFFF, v19;
	v58 =	vperm.xlane v17, v41;
	v18 =	vand.u32 $0x7FFFFFFF, v18  }
0xf8: {  	v57 =	vld [tilespmem:s23+$0xE80];
	v18 =	vadd.f32 v19, v18  }
0xf9: {  	v54 =	vadd.f32 v56, v54;
	v56 =	vld [tilespmem:s23+$0xCA0];
	v32 =	vadd.f32 v17, v58;
	v17 =	vand.u32 $0x7FFFFFFF, v50  }
0xfa: {  	v55 =	vsub.f32 v55, v60;
	v60 =	vadd.f32 v17, v18;
	v17 =	vld [tilespmem:$0x1FD20]  }
0xfb: {  	v63 =	vadd.f32 v63, v62;
	v19 =	vadd.f32 v38, v35;
	v38 =	vld [tilespmem:s23+$0x8E90]  }
0xfc: {  	v50 =	vld [tilespmem:s23+$0xE90]  }
0xfd: {  	v8 =	vsub.f32 v63, v8;
	v1 =	vand.u32 $0x7FFFFFFF, v30;
	v35 =	vld [tilespmem:s23+$0xD30]  }
0xfe: {  	v18 =	vld [tilespmem:s23+$0x4C30];
	v1 =	vadd.f32 v1, v60  }
0xff: {  	v8 =	vand.u32 $0x7FFFFFFF, v8;
	v25 =	vand.u32 $0x7FFFFFFF, v25;
	v60 =	vld [tilespmem:s23+$0x4D90];
	v30 =	vsub.f32 v19, v17  }
0x100: {  	v8 =	vadd.f32 v25, v8;
	v12 =	vand.u32 $0x7FFFFFFF, v55;
	v55 =	vld [tilespmem:s23+$0xE10];
	v58 =	vperm.xlane v1, v41  }
0x101: {  	v14 =	vadd.f32 v16, v14;
	v38 =	vadd.f32 v38, v50;
	v50 =	vld [tilespmem:s23+$0xD10];
	v25 =	vand.u32 $0x7FFFFFFF, v30  }
0x102: {  	v17 =	vld [tilespmem:s23+$0x4CB0];
	v1 =	vadd.f32 v1, v58;
	v8 =	vadd.f32 v25, v8  }
0x103: {  	v9 =	vand.u32 $0x7FFFFFFF, v9;
	v30 =	vld [tilespmem:s23+$0xDA0]  }
0x104: {  	v14 =	vsub.f32 v14, v27;
	v25 =	vld [tilespmem:s23+$0xE00];
	v8 =	vadd.f32 v12, v8;
	v12 =	vperm.xlane v1, v46  }
0x105: {  	v5 =	vadd.f32 v9, v5;
	v19 =	vld [tilespmem:s23+$0x4D20]  }
0x106: {  	v14 =	vand.u32 $0x7FFFFFFF, v14;
	v21 =	vadd.f32 v21, v55;
	v55 =	vld [tilespmem:s23+$0x4C80];
	v1 =	vadd.f32 v1, v12  }
0x107: {  	v11 =	vadd.f32 v11, v6;
	v14 =	vadd.f32 v14, v5;
	v58 =	vperm.xlane v15, v46;
	v12 =	vld [tilespmem:s23+$0x4C20]  }
0x108: {  	v21 =	vsub.f32 v21, v26;
	v26 =	vadd.f32 v40, v30;
	v30 =	vld [tilespmem:s23+$0x8C00];
	v9 =	vperm.xlane v1, v47  }
0x109: {  	v15 =	vadd.f32 v15, v58;
	v31 =	vperm.xlane v8, v41;
	v25 =	vadd.f32 v52, v25;
	v52 =	vld [tilespmem:s23+$0xC00]  }
0x10a: {  	v5 =	vadd.f32 v1, v9;
	v1 =	vadd.f32 v4, v20;
	v4 =	vld [tilespmem:$0x1FD60]  }
0x10b: {  	v63 =	vperm.xlane v32, v46;
	v58 =	vperm.xlane v15, v47;
	v8 =	vadd.f32 v8, v31;
	v31 =	vld [tilespmem:s23+$0x8C30]  }
0x10c: {  	v42 =	vadd.f32 v45, v42;
	v3 =	vsub.f32 v25, v3;
	v25 =	vld [tilespmem:s23+$0x8D10]  }
0x10d: {  	v32 =	vadd.f32 v32, v63;
	v9 =	vadd.f32 v15, v58;
	v15 =	vld [tilespmem:s23+$0x4C00]  }
0x10e: {  	v28 =	vsub.f32 v42, v28;
	v20 =	vld [tilespmem:s23+$0xC20]  }
0x10f: {  	v27 =	vperm.xlane v32, v47;
	v16 =	vperm.xlane v8, v46;
	v11 =	vsub.f32 v11, v4;
	v4 =	vld [tilespmem:$0x1FD70]  }
0x110: {  	v29 =	vadd.f32 v29, v34;
	v24 =	vadd.f32 v24, v35;
	v21 =	vand.u32 $0x7FFFFFFF, v21;
	v58 =	vld [tilespmem:s23+$0x8CA0]  }
0x111: {  	v3 =	vand.u32 $0x7FFFFFFF, v3;
	v16 =	vadd.f32 v8, v16;
	v8 =	vadd.f32 v32, v27;
	v27 =	vld [tilespmem:s23+$0x8D20]  }
0x112: {  	v23 =	vsub.f32 v26, v23;
	v3 =	vadd.f32 v21, v3;
	v21 =	vld [tilespmem:s23+$0xC10]  }
0x113: {  	v26 =	vadd.f32 v31, v33;
	v31 =	vadd.f32 v53, v49;
	v53 =	vld [tilespmem:s23+$0x8C10];
	v62 =	vperm.xlane v16, v47  }
0x114: {  	v2 =	vadd.f32 v43, v2;
	v43 =	vsub.f32 v1, v4;
	v4 =	vld [tilespmem:$0x1FD80]  }
0x115: {  	v24 =	vsub.f32 v24, v61;
	v6 =	vadd.f32 v16, v62;
	v16 =	vld [tilespmem:s23+$0xD90]  }
0x116: {  	v37 =	vsub.f32 v38, v37;
	v17 =	vsub.f32 v29, v17;
	v62 =	vld [tilespmem:s23+$0x8D90]  }
0x117: {  	v30 =	vadd.f32 v30, v52;
	v18 =	vsub.f32 v26, v18;
	v26 =	vld [tilespmem:s23+$0x8C80]  }
0x118: {  	v32 =	vperm.xlane v14, v41;
	v0 =	vsub.f32 v31, v0;
	v31 =	vld [tilespmem:s23+$0xC90];
	v27 =	vadd.f32 v27, v51  }
0x119: {  	v25 =	vadd.f32 v25, v50;
	v2 =	vsub.f32 v2, v4;
	v4 =	vld [tilespmem:$0x1FD90]  }
0x11a: {  	v37 =	vand.u32 $0x7FFFFFFF, v37;
	v19 =	vsub.f32 v27, v19;
	v27 =	vld [tilespmem:s23+$0x8C90];
	v1 =	vadd.f32 v14, v32  }
0x11b: {  	v17 =	vand.u32 $0x7FFFFFFF, v17;
	v32 =	vadd.f32 v59, v57;
	v57 =	vld [tilespmem:s23+$0x8C20];
	v16 =	vadd.f32 v62, v16  }
0x11c: {  	v29 =	vadd.f32 v58, v56;
	v15 =	vsub.f32 v30, v15;
	v0 =	vand.u32 $0x7FFFFFFF, v0;
	v14 =	vld [tilespmem:s23+$0x4C10]  }
0x11d: {  	v21 =	vadd.f32 v53, v21;
	v59 =	vld [tilespmem:s23+$0xD00];
	v63 =	vperm.xlane v1, v46;
	v16 =	vsub.f32 v16, v60  }
0x11e: {  	v11 =	vand.u32 $0x7FFFFFFF, v11;
	v32 =	vsub.f32 v32, v36;
	v4 =	vsub.f32 v54, v4;
	v54 =	vld [tilespmem:s23+$0xC80]  }
0x11f: {  	v1 =	vadd.f32 v1, v63;
	v63 =	vld [tilespmem:s23+$0x8D00];
	v27 =	vadd.f32 v27, v31;
	v16 =	vand.u32 $0x7FFFFFFF, v16  }
0x120: {  	v32 =	vand.u32 $0x7FFFFFFF, v32;
	v20 =	vadd.f32 v57, v20;
	v0 =	vadd.f32 v16, v0;
	v16 =	vld [tilespmem:s23+$0x4C90]  }
0x121: {  	v15 =	vand.u32 $0x7FFFFFFF, v15;
	v32 =	vadd.f32 v37, v32;
	v57 =	vld [tilespmem:s23+$0x4D10];
	v14 =	vsub.f32 v21, v14  }
0x122: {  	v2 =	vand.u32 $0x7FFFFFFF, v2;
	v12 =	vsub.f32 v20, v12;
	v20 =	vsub.f32 v29, v44  }
0x123: {  	v14 =	vand.u32 $0x7FFFFFFF, v14;
	v2 =	vadd.f32 v2, v32;
	v26 =	vadd.f32 v26, v54  }
0x124: {  	v18 =	vand.u32 $0x7FFFFFFF, v18;
	v14 =	vadd.f32 v14, v15;
	v56 =	vadd.f32 v63, v59  }
0x125: {  	v21 =	vand.u32 $0x7FFFFFFF, v23;
	v16 =	vsub.f32 v27, v16;
	v23 =	vsub.f32 v26, v55  }
0x126: {  	v58 =	vand.u32 $0x7FFFFFFF, v43;
	v25 =	vsub.f32 v25, v57;
	v29 =	vsub.f32 v56, v48  }
0x127: {  	v12 =	vand.u32 $0x7FFFFFFF, v12;
	v16 =	vand.u32 $0x7FFFFFFF, v16;
	v23 =	vand.u32 $0x7FFFFFFF, v23  }
0x128: {  	v26 =	vand.u32 $0x7FFFFFFF, v29;
	v15 =	vadd.f32 v16, v23;
	v16 =	vand.u32 $0x7FFFFFFF, v25  }
0x129: {  	v20 =	vand.u32 $0x7FFFFFFF, v20;
	v12 =	vadd.f32 v12, v14;
	v16 =	vadd.f32 v16, v26  }
0x12a: {  	v0 =	vadd.f32 v21, v0;
	v14 =	vadd.f32 v20, v15;
	v15 =	vand.u32 $0x7FFFFFFF, v19  }
0x12b: {  	v4 =	vand.u32 $0x7FFFFFFF, v4;
	v12 =	vadd.f32 v18, v12;
	v15 =	vadd.f32 v15, v16  }
0x12c: {  	v3 =	vadd.f32 v4, v3;
	v16 =	vand.u32 $0x7FFFFFFF, v24;
	v14 =	vadd.f32 v17, v14  }
0x12d: {  	v4 =	vperm.xlane v12, v41;
	v15 =	vadd.f32 v16, v15;
	v16 =	vand.u32 $0x7FFFFFFF, v28  }
0x12e: {  	v59 =	vperm.xlane v1, v47;
	v17 =	vperm.xlane v14, v41;
	v0 =	vadd.f32 v16, v0  }
0x12f: {  	v3 =	vadd.f32 v58, v3;
	v4 =	vadd.f32 v12, v4;
	v16 =	vperm.xlane v15, v41  }
0x130: {  	v2 =	vadd.f32 v11, v2;
	v11 =	vadd.f32 v14, v17;
	v12 =	vperm.xlane v0, v41  }
0x131: {  	v17 =	vperm.xlane v4, v46;
	v14 =	vadd.f32 v15, v16;
	v15 =	vperm.xlane v3, v41  }
0x132: {  	v16 =	vperm.xlane v2, v41;
	v18 =	vperm.xlane v11, v46;
	v0 =	vadd.f32 v0, v12  }
0x133: {  	v4 =	vadd.f32 v4, v17;
	v12 =	vperm.xlane v14, v46;
	v3 =	vadd.f32 v3, v15  }
0x134: {  	v2 =	vadd.f32 v2, v16;
	v11 =	vadd.f32 v11, v18;
	v15 =	vperm.xlane v0, v46  }
0x135: {  	v17 =	vperm.xlane v4, v47;
	v12 =	vadd.f32 v14, v12;
	v14 =	vperm.xlane v3, v46  }
0x136: {  	v16 =	vperm.xlane v2, v46;
	v18 =	vperm.xlane v11, v47;
	v0 =	vadd.f32 v0, v15  }
0x137: {  	v4 =	vadd.f32 v4, v17;
	v15 =	vperm.xlane v12, v47;
	v3 =	vadd.f32 v3, v14  }
0x138: {  	v2 =	vadd.f32 v2, v16;
	v11 =	vadd.f32 v11, v18;
	v14 =	vperm.xlane v0, v47  }
0x139: {  	v17 =	vperm.xlane v4, v39;
	v12 =	vadd.f32 v12, v15;
	v15 =	vperm.xlane v3, v47  }
0x13a: {  	v16 =	vperm.xlane v2, v47;
	v18 =	vperm.xlane v11, v39;
	v0 =	vadd.f32 v0, v14  }
0x13b: {  	v4 =	vadd.f32 v4, v17;
	v14 =	vperm.xlane v12, v39;
	v3 =	vadd.f32 v3, v15  }
0x13c: {  	v2 =	vadd.f32 v2, v16;
	v11 =	vadd.f32 v11, v18;
	v15 =	vperm.xlane v0, v39  }
0x13d: {  	v1 =	vadd.f32 v1, v59;
	v12 =	vadd.f32 v12, v14;
	v14 =	vperm.xlane v3, v39  }
0x13e: {  	v4 =	vsel vm0, v4, v11;
	v0 =	vadd.f32 v0, v15;
	v11 =	vperm.xlane v2, v39  }
0x13f: {  	v4 =	vsel vm1, v4, v12;
	v3 =	vadd.f32 v3, v14;
	v12 =	vperm.xlane v1, v39  }
0x140: {  	v0 =	vsel vm2, v4, v0;
	v2 =	vadd.f32 v2, v11;
	v4 =	vperm.xlane v9, v39  }
0x141: {  	v0 =	vsel vm3, v0, v3;
	v1 =	vadd.f32 v1, v12;
	v3 =	vperm.xlane v6, v39  }
0x142: {  	v0 =	vsel vm4, v0, v2;
	v2 =	vadd.f32 v9, v4;
	v4 =	vperm.xlane v5, v39  }
0x143: {  	v0 =	vsel vm5, v0, v1;
	v1 =	vadd.f32 v6, v3  }
0x144: {  	v3 =	vperm.xlane v8, v39;
	v0 =	vsel vm6, v0, v2;
	v2 =	vadd.f32 v5, v4;
	v5 =	vld [tilespmem:$0x1FDA0]  }
0x145: {  	v4 =	vperm.xlane v10, v39  }
0x146: {  	v0 =	vsel vm7, v0, v1;
	v1 =	vadd.f32 v8, v3;
	v3 =	vperm.xlane v22, v39  }
0x147: {  	v0 =	vsel vm8, v0, v2;
	v2 =	vadd.f32 v10, v4;
	v4 =	vperm.xlane v7, v39  }
0x148: {  	v0 =	vsel vm9, v0, v1;
	v1 =	vadd.f32 v22, v3;
	v3 =	vperm.xlane v13, v39  }
0x149: {  	v0 =	vsel vm10, v0, v2;
	v2 =	vadd.f32 v7, v4;
	v4 =	vperm.xlane v5, v39  }
0x14a: {  	v0 =	vsel vm11, v0, v1;
	v1 =	vadd.f32 v13, v3  }
0x14b: {  	v0 =	vsel vm12, v0, v2;
	v2 =	vadd.f32 v5, v4  }
0x14c: {  	v0 =	vsel vm13, v0, v1  }
0x14d: {  	v0 =	vsel vm14, v0, v2  }
0x14e: {  	s21 =	simm.s32 $0x800;
	[tilespmem:s22+$0x0] =	vst v0  }
0x14f: {  	v56 =	vld [tilespmem:s21+$0x53B0]  }
0x150: {  	v32 =	vld [tilespmem:s21+$0x5330]  }
0x151: {  	v8 =	vld [tilespmem:s21+$0x53A0]  }
0x152: {  	v10 =	vld [tilespmem:s21+$0x13B0]  }
0x153: {  	v11 =	vld [tilespmem:s21+$0x93B0]  }
0x154: {  	v42 =	vld [tilespmem:s21+$0x52B0]  }
0x155: {  	v27 =	vld [tilespmem:s21+$0x5320]  }
0x156: {  	v58 =	vld [tilespmem:s21+$0x1330]  }
0x157: {  	v22 =	vld [tilespmem:s21+$0x9330]  }
0x158: {  	v25 =	vld [tilespmem:s21+$0x5380]  }
0x159: {  	v30 =	vld [tilespmem:s21+$0x5390]  }
0x15a: {  	v15 =	vld [tilespmem:s21+$0x13A0]  }
0x15b: {  	v31 =	vld [tilespmem:s21+$0x93A0]  }
0x15c: {  	v37 =	vld [tilespmem:s21+$0x5230]  }
0x15d: {  	v33 =	vld [tilespmem:s21+$0x52A0]  }
0x15e: {  	v39 =	vld [tilespmem:s21+$0x12B0]  }
0x15f: {  	v49 =	vld [tilespmem:s21+$0x92B0]  }
0x160: {  	v50 =	vld [tilespmem:s21+$0x5300]  }
0x161: {  	v52 =	vld [tilespmem:s21+$0x5310]  }
0x162: {  	v53 =	vld [tilespmem:s21+$0x1320]  }
0x163: {  	v62 =	vld [tilespmem:s21+$0x9320]  }
0x164: {  	v34 =	vld [tilespmem:s21+$0x1380]  }
0x165: {  	v36 =	vld [tilespmem:s21+$0x9380]  }
0x166: {  	v54 =	vld [tilespmem:s21+$0x1390]  }
0x167: {  	v55 =	vld [tilespmem:s21+$0x9390]  }
0x168: {  	v0 =	vld [tilespmem:s21+$0x51B0]  }
0x169: {  	v63 =	vld [tilespmem:s21+$0x1230]  }
0x16a: {  	v26 =	vld [tilespmem:s21+$0x9230]  }
0x16b: {  	v18 =	vld [tilespmem:s21+$0x5280]  }
0x16c: {  	v19 =	vld [tilespmem:s21+$0x5290]  }
0x16d: {  	v17 =	vld [tilespmem:s21+$0x12A0]  }
0x16e: {  	v16 =	vld [tilespmem:s21+$0x92A0]  }
0x16f: {  	v2 =	vld [tilespmem:s21+$0x1300]  }
0x170: {  	v13 =	vld [tilespmem:s21+$0x9300]  }
0x171: {  	v1 =	vld [tilespmem:s21+$0x1310]  }
0x172: {  	v3 =	vld [tilespmem:s21+$0x5130]  }
0x173: {  	v40 =	vld [tilespmem:s21+$0x11B0]  }
0x174: {  	v43 =	vld [tilespmem:s21+$0x91B0]  }
0x175: {  	v45 =	vld [tilespmem:s21+$0x5200]  }
0x176: {  	v51 =	vld [tilespmem:s21+$0x5210]  }
0x177: {  	v29 =	vld [tilespmem:s21+$0x1220]  }
0x178: {  	v28 =	vld [tilespmem:s21+$0x9220]  }
0x179: {  	v6 =	vld [tilespmem:s21+$0x1280]  }
0x17a: {  	v5 =	vld [tilespmem:s21+$0x9280]  }
0x17b: {  	v4 =	vld [tilespmem:s21+$0x1290]  }
0x17c: {  	v7 =	vld [tilespmem:s21+$0x50B0]  }
0x17d: {  	v35 =	vld [tilespmem:s21+$0x5180]  }
0x17e: {  	v38 =	vld [tilespmem:s21+$0x5190]  }
0x17f: {  	v44 =	vld [tilespmem:s21+$0x11A0]  }
0x180: {  	v48 =	vld [tilespmem:s21+$0x91A0]  }
0x181: {  	v14 =	vld [tilespmem:s21+$0x1200]  }
0x182: {  	v12 =	vld [tilespmem:s21+$0x9200]  }
0x183: {  	v9 =	vld [tilespmem:s21+$0x1210]  }
0x184: {  	v20 =	vld [tilespmem:s21+$0x5030]  }
0x185: {  	v24 =	vld [tilespmem:s21+$0x1180]  }
0x186: {  	v23 =	vld [tilespmem:s21+$0x9180]  }
0x187: {  	v21 =	vld [tilespmem:s21+$0x1190]  }
0x188: {  	v60 =	vld [tilespmem:s21+$0x4FB0]  }
0x189: {  	v61 =	vld [tilespmem:s21+$0x5020]  }
0x18a: {  	v59 =	vld [tilespmem:s21+$0x1100]  }
0x18b: {  	v57 =	vld [tilespmem:s21+$0x1110]  }
0x18c: {  	[tilespmem:$0x1FDE0] =	vst v0;
	v0 =	vld [tilespmem:s21+$0x5220]  }
0x18d: {  	[tilespmem:$0x1FE90] =	vst v3;
	v3 =	vld [tilespmem:s21+$0x51A0]  }
0x18e: {  	[tilespmem:$0x1FEA0] =	vst v7;
	v7 =	vld [tilespmem:s21+$0x5120]  }
0x18f: {  	[tilespmem:$0x1FF20] =	vst v20;
	v20 =	vld [tilespmem:s21+$0x50A0]  }
0x190: {  	[tilespmem:$0x1FF50] =	vst v60;
	v60 =	vld [tilespmem:s21+$0x1030]  }
0x191: {  	[tilespmem:$0x1FF30] =	vst v61;
	v61 =	vld [tilespmem:s21+$0x9030]  }
0x192: {  	v34 =	vadd.f32 v36, v34;
	v36 =	vadd.f32 v55, v54;
	v54 =	vld [tilespmem:s21+$0x4F30]  }
0x193: {  	v22 =	vadd.f32 v22, v58;
	v58 =	vld [tilespmem:s21+$0x9090]  }
0x194: {  	v10 =	vadd.f32 v11, v10;
	v2 =	vadd.f32 v13, v2;
	v13 =	vld [tilespmem:s21+$0x4F80]  }
0x195: {  	v36 =	vsub.f32 v36, v30;
	v30 =	vld [tilespmem:s21+$0xFB0]  }
0x196: {  	v10 =	vsub.f32 v10, v56;
	v56 =	vld [tilespmem:s21+$0x1090]  }
0x197: {  	v2 =	vsub.f32 v2, v50;
	v22 =	vsub.f32 v22, v32;
	v50 =	vld [tilespmem:s21+$0x8FA0]  }
0x198: {  	v25 =	vsub.f32 v34, v25;
	v34 =	vand.u32 $0x7FFFFFFF, v36;
	v36 =	vld [tilespmem:s21+$0x9020]  }
0x199: {  	v5 =	vadd.f32 v5, v6;
	v6 =	vand.u32 $0x7FFFFFFF, v22;
	v22 =	vld [tilespmem:s21+$0x8EB0];
	[tilespmem:$0x1FDC0] =	vst v0  }
0x19a: {  	v0 =	vld [tilespmem:s21+$0x9310];
	[tilespmem:$0x1FDD0] =	vst v3  }
0x19b: {  	v3 =	vld [tilespmem:s21+$0x9290];
	[tilespmem:$0x1FE80] =	vst v7  }
0x19c: {  	v7 =	vld [tilespmem:s21+$0x1130];
	[tilespmem:$0x1FF70] =	vst v54;
	v54 =	vadd.f32 v31, v15  }
0x19d: {  	[tilespmem:$0x1FF10] =	vst v20;
	v20 =	vld [tilespmem:s21+$0x10B0]  }
0x19e: {  	[tilespmem:$0x1FEF0] =	vst v60;
	v60 =	vld [tilespmem:s21+$0x5080];
	v11 =	vsub.f32 v54, v8;
	v8 =	vand.u32 $0x7FFFFFFF, v25  }
0x19f: {  	[tilespmem:$0x1FF00] =	vst v61;
	v61 =	vld [tilespmem:s21+$0x5090];
	v55 =	vadd.f32 v34, v8  }
0x1a0: {  	v15 =	vld [tilespmem:s21+$0x4FA0];
	v11 =	vand.u32 $0x7FFFFFFF, v11  }
0x1a1: {  	v31 =	vld [tilespmem:s21+$0x8FB0];
	v11 =	vadd.f32 v11, v55  }
0x1a2: {  	v10 =	vand.u32 $0x7FFFFFFF, v10;
	v0 =	vadd.f32 v0, v1;
	v1 =	vld [tilespmem:s21+$0x4EB0]  }
0x1a3: {  	v25 =	vld [tilespmem:s21+$0x5000];
	v10 =	vadd.f32 v10, v11  }
0x1a4: {  	[tilespmem:$0x1FE60] =	vst v20;
	v20 =	vld [tilespmem:s21+$0x90B0]  }
0x1a5: {  	v54 =	vld [tilespmem:s21+$0x1080];
	v11 =	vperm.xlane v10, v41  }
0x1a6: {  	[tilespmem:$0x1FE00] =	vst v7;
	v7 =	vld [tilespmem:s21+$0x9130];
	v0 =	vsub.f32 v0, v52  }
0x1a7: {  	v34 =	vld [tilespmem:s21+$0x1020];
	[tilespmem:$0x1FF80] =	vst v1;
	v1 =	vadd.f32 v62, v53;
	v62 =	vadd.f32 v10, v11  }
0x1a8: {  	v2 =	vand.u32 $0x7FFFFFFF, v2;
	v8 =	vld [tilespmem:s21+$0xF30];
	v3 =	vadd.f32 v3, v4;
	v52 =	vadd.f32 v49, v39  }
0x1a9: {  	v0 =	vand.u32 $0x7FFFFFFF, v0;
	[tilespmem:$0x1FE70] =	vst v20;
	v20 =	vld [tilespmem:s21+$0x5100];
	v1 =	vsub.f32 v1, v27;
	v39 =	vperm.xlane v62, v46  }
0x1aa: {  	[tilespmem:$0x1FED0] =	vst v60;
	v60 =	vld [tilespmem:s21+$0x10A0];
	v4 =	vadd.f32 v16, v17;
	v0 =	vadd.f32 v0, v2  }
0x1ab: {  	v3 =	vsub.f32 v3, v19;
	[tilespmem:$0x1FE10] =	vst v7;
	v7 =	vld [tilespmem:s21+$0x9210];
	v1 =	vand.u32 $0x7FFFFFFF, v1;
	v2 =	vadd.f32 v62, v39  }
0x1ac: {  	[tilespmem:$0x1FEE0] =	vst v61;
	v61 =	vld [tilespmem:s21+$0x90A0];
	v0 =	vadd.f32 v1, v0;
	v1 =	vsub.f32 v5, v18  }
0x1ad: {  	[tilespmem:$0x1FF40] =	vst v15;
	v15 =	vld [tilespmem:s21+$0x5010];
	v17 =	vperm.xlane v2, v47  }
0x1ae: {  	v4 =	vsub.f32 v4, v33;
	v3 =	vand.u32 $0x7FFFFFFF, v3;
	[tilespmem:$0x1FE40] =	vst v20;
	v20 =	vld [tilespmem:s21+$0x5110];
	v16 =	vand.u32 $0x7FFFFFFF, v1  }
0x1af: {  	v55 =	vld [tilespmem:s21+$0x9080];
	v3 =	vadd.f32 v3, v16;
	v2 =	vadd.f32 v2, v17  }
0x1b0: {  	v4 =	vand.u32 $0x7FFFFFFF, v4;
	v7 =	vadd.f32 v7, v9;
	v17 =	vld [tilespmem:$0x1FDC0]  }
0x1b1: {  	v49 =	vld [tilespmem:s21+$0xFA0];
	[tilespmem:$0x1FDB0] =	vst v2;
	v2 =	vadd.f32 v4, v3;
	v4 =	vadd.f32 v12, v14  }
0x1b2: {  	[tilespmem:$0x1FF60] =	vst v8;
	v8 =	vld [tilespmem:s21+$0x1000];
	v7 =	vsub.f32 v7, v51  }
0x1b3: {  	[tilespmem:$0x1FE50] =	vst v20;
	v20 =	vld [tilespmem:s21+$0x1120];
	v12 =	vadd.f32 v28, v29;
	v4 =	vsub.f32 v4, v45  }
0x1b4: {  	v34 =	vadd.f32 v36, v34;
	v36 =	vld [tilespmem:s21+$0xE90];
	v5 =	vadd.f32 v26, v63  }
0x1b5: {  	[tilespmem:$0x1FEC0] =	vst v61;
	v61 =	vld [tilespmem:s21+$0x9100];
	v7 =	vand.u32 $0x7FFFFFFF, v7;
	v12 =	vsub.f32 v12, v17;
	v4 =	vand.u32 $0x7FFFFFFF, v4  }
0x1b6: {  	[tilespmem:$0x1FEB0] =	vst v60;
	v60 =	vld [tilespmem:s21+$0x9110];
	v4 =	vadd.f32 v7, v4  }
0x1b7: {  	v53 =	vld [tilespmem:s21+$0x4F00];
	v5 =	vsub.f32 v5, v37;
	v12 =	vand.u32 $0x7FFFFFFF, v12  }
0x1b8: {  	[tilespmem:$0x1FE20] =	vst v20;
	v20 =	vld [tilespmem:s21+$0x9120];
	v4 =	vadd.f32 v12, v4  }
0x1b9: {  	v11 =	vld [tilespmem:s21+$0x4F20];
	v5 =	vand.u32 $0x7FFFFFFF, v5  }
0x1ba: {  	v18 =	vsub.f32 v52, v42;
	v5 =	vadd.f32 v5, v4;
	v4 =	vld [tilespmem:$0x1FDD0]  }
0x1bb: {  	v10 =	vld [tilespmem:s21+$0x8F30]  }
0x1bc: {  	v27 =	vld [tilespmem:$0x1FE70];
	v9 =	vand.u32 $0x7FFFFFFF, v18  }
0x1bd: {  	v18 =	vadd.f32 v48, v44;
	v2 =	vadd.f32 v9, v2;
	[tilespmem:$0x1FE30] =	vst v20;
	v20 =	vld [tilespmem:s21+$0x9190]  }
0x1be: {  	v39 =	vld [tilespmem:s21+$0x4F90]  }
0x1bf: {  	v6 =	vadd.f32 v6, v0;
	v14 =	vperm.xlane v2, v41;
	v18 =	vsub.f32 v18, v4;
	v4 =	vld [tilespmem:s21+$0x4DB0]  }
0x1c0: {  	v63 =	vld [tilespmem:s21+$0x9000]  }
0x1c1: {  	v52 =	vld [tilespmem:s21+$0x8F20];
	v9 =	vperm.xlane v6, v41;
	v2 =	vadd.f32 v2, v14  }
0x1c2: {  	v42 =	vld [tilespmem:s21+$0x8DB0];
	v7 =	vadd.f32 v23, v24;
	v14 =	vadd.f32 v20, v21  }
0x1c3: {  	v1 =	vld [tilespmem:s21+$0x1010];
	v6 =	vadd.f32 v6, v9;
	v19 =	vperm.xlane v2, v46  }
0x1c4: {  	v7 =	vsub.f32 v7, v35;
	v14 =	vsub.f32 v14, v38;
	[tilespmem:$0x1FFA0] =	vst v4;
	v4 =	vld [tilespmem:s21+$0x4E20]  }
0x1c5: {  	v0 =	vld [tilespmem:s21+$0x9010];
	v2 =	vadd.f32 v2, v19;
	v19 =	vperm.xlane v6, v46  }
0x1c6: {  	v51 =	vld [tilespmem:s21+$0xF20];
	v7 =	vand.u32 $0x7FFFFFFF, v7;
	v14 =	vand.u32 $0x7FFFFFFF, v14  }
0x1c7: {  	v44 =	vld [tilespmem:s21+$0xE30];
	v19 =	vadd.f32 v6, v19;
	v7 =	vadd.f32 v14, v7  }
0x1c8: {  	v48 =	vld [tilespmem:s21+$0x8E30];
	v14 =	vand.u32 $0x7FFFFFFF, v18  }
0x1c9: {  	v21 =	vperm.xlane v2, v47;
	v7 =	vadd.f32 v14, v7;
	v14 =	vperm.xlane v19, v47;
	[tilespmem:$0x1FFB0] =	vst v4;
	v4 =	vld [tilespmem:$0x1FDE0]  }
0x1ca: {  	v37 =	vld [tilespmem:s21+$0x4DA0];
	v9 =	vadd.f32 v43, v40  }
0x1cb: {  	v16 =	vld [tilespmem:s21+$0x4E30];
	v40 =	vadd.f32 v2, v21;
	v2 =	vadd.f32 v19, v14  }
0x1cc: {  	v3 =	vld [tilespmem:s21+$0x4EA0];
	v18 =	vperm.xlane v5, v41  }
0x1cd: {  	[tilespmem:$0x1FDF0] =	vst v2;
	v2 =	vld [tilespmem:$0x1FE00]  }
0x1ce: {  	v5 =	vadd.f32 v5, v18;
	v9 =	vsub.f32 v9, v4;
	v4 =	vld [tilespmem:$0x1FE10]  }
0x1cf: {  	v26 =	vld [tilespmem:$0x1FE50]  }
0x1d0: {  	v28 =	vld [tilespmem:s21+$0x8F00];
	v18 =	vperm.xlane v5, v46  }
0x1d1: {  	v29 =	vld [tilespmem:s21+$0x8F10]  }
0x1d2: {  	v5 =	vadd.f32 v5, v18;
	v18 =	vld [tilespmem:$0x1FE40]  }
0x1d3: {  	v0 =	vadd.f32 v0, v1;
	v1 =	vld [tilespmem:s21+$0x8E90];
	v14 =	vadd.f32 v4, v2;
	v2 =	vand.u32 $0x7FFFFFFF, v9  }
0x1d4: {  	v45 =	vld [tilespmem:s21+$0x4F10];
	v7 =	vadd.f32 v2, v7  }
0x1d5: {  	v21 =	vld [tilespmem:$0x1FE30];
	v19 =	vadd.f32 v60, v57;
	v9 =	vadd.f32 v61, v59  }
0x1d6: {  	v2 =	vld [tilespmem:$0x1FE20];
	v24 =	vperm.xlane v7, v41  }
0x1d7: {  	v19 =	vsub.f32 v19, v26;
	v26 =	vld [tilespmem:$0x1FE60];
	v9 =	vsub.f32 v9, v18  }
0x1d8: {  	v7 =	vadd.f32 v7, v24;
	v24 =	vld [tilespmem:$0x1FE80]  }
0x1d9: {  	v17 =	vld [tilespmem:s21+$0xF80];
	v19 =	vand.u32 $0x7FFFFFFF, v19;
	v9 =	vand.u32 $0x7FFFFFFF, v9  }
0x1da: {  	v9 =	vadd.f32 v19, v9;
	v19 =	vld [tilespmem:$0x1FE90]  }
0x1db: {  	v43 =	vld [tilespmem:$0x1FEA0];
	v21 =	vadd.f32 v21, v2  }
0x1dc: {  	[tilespmem:$0x1FF90] =	vst v3;
	v3 =	vld [tilespmem:s21+$0xEB0]  }
0x1dd: {  	v23 =	vld [tilespmem:s21+$0x8F90];
	v26 =	vadd.f32 v27, v26;
	v27 =	vperm.xlane v5, v47;
	v21 =	vsub.f32 v21, v24  }
0x1de: {  	v1 =	vadd.f32 v1, v36;
	v12 =	vld [tilespmem:s21+$0x8F80]  }
0x1df: {  	v36 =	vld [tilespmem:s21+$0x8D00];
	v62 =	vadd.f32 v5, v27;
	v14 =	vsub.f32 v14, v19;
	v5 =	vand.u32 $0x7FFFFFFF, v21  }
0x1e0: {  	v35 =	vld [tilespmem:s21+$0x4E80];
	v5 =	vadd.f32 v5, v9  }
0x1e1: {  	v6 =	vld [tilespmem:s21+$0x4E90];
	v14 =	vand.u32 $0x7FFFFFFF, v14  }
0x1e2: {  	v5 =	vadd.f32 v14, v5;
	v14 =	vld [tilespmem:$0x1FED0]  }
0x1e3: {  	v12 =	vadd.f32 v12, v17;
	v17 =	vadd.f32 v50, v49;
	v49 =	vld [tilespmem:s21+$0xD30];
	v19 =	vperm.xlane v7, v46  }
0x1e4: {  	v50 =	vld [tilespmem:s21+$0x8D30]  }
0x1e5: {  	v27 =	vld [tilespmem:$0x1FEC0];
	v9 =	vadd.f32 v7, v19;
	v7 =	vadd.f32 v55, v54  }
0x1e6: {  	v21 =	vld [tilespmem:$0x1FEB0]  }
0x1e7: {  	v7 =	vsub.f32 v7, v14;
	v14 =	vld [tilespmem:$0x1FEE0]  }
0x1e8: {  	v20 =	vld [tilespmem:s21+$0xF90]  }
0x1e9: {  	v59 =	vld [tilespmem:$0x1FF10]  }
0x1ea: {  	v38 =	vld [tilespmem:s21+$0x4D30];
	v19 =	vadd.f32 v58, v56  }
0x1eb: {  	v32 =	vsub.f32 v26, v43;
	v26 =	vld [tilespmem:s21+$0xDB0]  }
0x1ec: {  	v43 =	vld [tilespmem:s21+$0x4C30];
	v57 =	vadd.f32 v27, v21;
	v14 =	vsub.f32 v19, v14  }
0x1ed: {  	v4 =	vld [tilespmem:s21+$0xEA0];
	v60 =	vperm.xlane v5, v41  }
0x1ee: {  	v61 =	vld [tilespmem:$0x1FF20];
	v33 =	vsub.f32 v57, v59;
	v7 =	vand.u32 $0x7FFFFFFF, v7;
	v14 =	vand.u32 $0x7FFFFFFF, v14  }
0x1ef: {  	v2 =	vld [tilespmem:s21+$0x8EA0];
	v7 =	vadd.f32 v14, v7  }
0x1f0: {  	v30 =	vadd.f32 v31, v30;
	v58 =	vld [tilespmem:$0x1FF00];
	v31 =	vadd.f32 v5, v60;
	v5 =	vand.u32 $0x7FFFFFFF, v33  }
0x1f1: {  	v19 =	vld [tilespmem:$0x1FEF0];
	v5 =	vadd.f32 v5, v7  }
0x1f2: {  	v32 =	vand.u32 $0x7FFFFFFF, v32;
	v7 =	vadd.f32 v63, v8;
	v8 =	vld [tilespmem:$0x1FF30]  }
0x1f3: {  	v32 =	vadd.f32 v32, v5;
	v5 =	vld [tilespmem:$0x1FF40]  }
0x1f4: {  	v0 =	vsub.f32 v0, v15;
	v18 =	vld [tilespmem:s21+$0xF00]  }
0x1f5: {  	v12 =	vsub.f32 v12, v13;
	v24 =	vld [tilespmem:s21+$0xF10];
	v63 =	vsub.f32 v7, v25  }
0x1f6: {  	v0 =	vand.u32 $0x7FFFFFFF, v0;
	v2 =	vadd.f32 v2, v4;
	v4 =	vld [tilespmem:$0x1FF90];
	v19 =	vadd.f32 v58, v19  }
0x1f7: {  	v54 =	vld [tilespmem:s21+$0xE20];
	v13 =	vand.u32 $0x7FFFFFFF, v63;
	v34 =	vsub.f32 v34, v8;
	v8 =	vadd.f32 v23, v20  }
0x1f8: {  	v0 =	vadd.f32 v0, v13;
	v13 =	vsub.f32 v17, v5;
	v5 =	vld [tilespmem:$0x1FF50]  }
0x1f9: {  	v55 =	vld [tilespmem:s21+$0x8E20];
	v8 =	vsub.f32 v8, v39  }
0x1fa: {  	v12 =	vand.u32 $0x7FFFFFFF, v12;
	v56 =	vld [tilespmem:s21+$0x4D90];
	v19 =	vsub.f32 v19, v61;
	v15 =	vand.u32 $0x7FFFFFFF, v34  }
0x1fb: {  	v21 =	vld [tilespmem:s21+$0x4E00];
	v20 =	vperm.xlane v32, v41;
	v0 =	vadd.f32 v15, v0;
	v8 =	vand.u32 $0x7FFFFFFF, v8  }
0x1fc: {  	v27 =	vld [tilespmem:s21+$0x4E10];
	v17 =	vperm.xlane v31, v46;
	v8 =	vadd.f32 v8, v12;
	v12 =	vand.u32 $0x7FFFFFFF, v19  }
0x1fd: {  	v57 =	vld [tilespmem:s21+$0xDA0];
	v13 =	vand.u32 $0x7FFFFFFF, v13;
	v0 =	vadd.f32 v12, v0;
	v15 =	vsub.f32 v30, v5  }
0x1fe: {  	v59 =	vld [tilespmem:s21+$0xE10];
	v12 =	vadd.f32 v32, v20;
	v13 =	vadd.f32 v13, v8;
	v8 =	vperm.xlane v9, v47  }
0x1ff: {  	v20 =	vadd.f32 v31, v17;
	v17 =	vadd.f32 v28, v18;
	v5 =	vld [tilespmem:$0x1FF60];
	v15 =	vand.u32 $0x7FFFFFFF, v15  }
0x200: {  	v60 =	vld [tilespmem:s21+$0xD20];
	v8 =	vadd.f32 v9, v8;
	v9 =	vadd.f32 v15, v13  }
0x201: {  	v33 =	vld [tilespmem:s21+$0x8E80];
	v18 =	vadd.f32 v29, v24;
	v24 =	vadd.f32 v52, v51;
	v13 =	vperm.xlane v0, v41  }
0x202: {  	v14 =	vld [tilespmem:s21+$0xE80];
	v29 =	vperm.xlane v9, v41  }
0x203: {  	v58 =	vld [tilespmem:s21+$0x8E00];
	v11 =	vsub.f32 v24, v11;
	v0 =	vadd.f32 v0, v13  }
0x204: {  	v24 =	vadd.f32 v9, v29;
	v9 =	vadd.f32 v10, v5;
	v5 =	vld [tilespmem:$0x1FF70]  }
0x205: {  	v25 =	vld [tilespmem:s21+$0x4CB0];
	v13 =	vsub.f32 v17, v53;
	v17 =	vsub.f32 v18, v45  }
0x206: {  	v7 =	vld [tilespmem:s21+$0x4D20];
	v23 =	vperm.xlane v12, v46  }
0x207: {  	v61 =	vld [tilespmem:s21+$0x8D20];
	v13 =	vand.u32 $0x7FFFFFFF, v13;
	v17 =	vand.u32 $0x7FFFFFFF, v17  }
0x208: {  	v63 =	vld [tilespmem:s21+$0x8D80];
	v12 =	vadd.f32 v12, v23;
	v10 =	vadd.f32 v17, v13;
	v13 =	vperm.xlane v20, v47  }
0x209: {  	v39 =	vld [tilespmem:s21+$0x4D80];
	v11 =	vand.u32 $0x7FFFFFFF, v11;
	v23 =	vperm.xlane v0, v46;
	v29 =	vsub.f32 v9, v5  }
0x20a: {  	v34 =	vld [tilespmem:s21+$0xCA0];
	v10 =	vadd.f32 v11, v10;
	v9 =	vadd.f32 v20, v13;
	v20 =	vperm.xlane v12, v47  }
0x20b: {  	v3 =	vadd.f32 v22, v3;
	v19 =	vld [tilespmem:s21+$0x8DA0];
	v0 =	vadd.f32 v0, v23;
	v22 =	vand.u32 $0x7FFFFFFF, v29  }
0x20c: {  	v22 =	vadd.f32 v22, v10;
	v10 =	vadd.f32 v12, v20;
	v20 =	vld [tilespmem:$0x1FF80]  }
0x20d: {  	v28 =	vld [tilespmem:s21+$0x8E10]  }
0x20e: {  	v51 =	vld [tilespmem:s21+$0xC30];
	v23 =	vperm.xlane v24, v46;
	v11 =	vperm.xlane v0, v47  }
0x20f: {  	v52 =	vld [tilespmem:s21+$0xCB0]  }
0x210: {  	v32 =	vld [tilespmem:s21+$0xC20];
	v13 =	vadd.f32 v24, v23;
	v11 =	vadd.f32 v0, v11  }
0x211: {  	v31 =	vld [tilespmem:s21+$0x8C20];
	v0 =	vadd.f32 v48, v44;
	v23 =	vsub.f32 v3, v20;
	v20 =	vperm.xlane v22, v41  }
0x212: {  	v30 =	vld [tilespmem:s21+$0xE00]  }
0x213: {  	v15 =	vld [tilespmem:s21+$0x4C20];
	v12 =	vperm.xlane v13, v47;
	v24 =	vsub.f32 v0, v16;
	v0 =	vadd.f32 v22, v20  }
0x214: {  	v45 =	vld [tilespmem:s21+$0x8C30]  }
0x215: {  	v18 =	vld [tilespmem:s21+$0x4CA0];
	v12 =	vadd.f32 v13, v12;
	v13 =	vadd.f32 v33, v14;
	v29 =	vperm.xlane v0, v46  }
0x216: {  	v53 =	vld [tilespmem:s21+$0x8CB0]  }
0x217: {  	v33 =	vsub.f32 v13, v35;
	v13 =	vadd.f32 v0, v29;
	v0 =	vld [tilespmem:$0x1FFA0]  }
0x218: {  	v2 =	vsub.f32 v2, v4;
	v4 =	vadd.f32 v58, v30;
	v30 =	vld [tilespmem:s21+$0xC00]  }
0x219: {  	v17 =	vld [tilespmem:s21+$0x4D00]  }
0x21a: {  	v5 =	vld [tilespmem:s21+$0xD80];
	v14 =	vadd.f32 v42, v26  }
0x21b: {  	v48 =	vld [tilespmem:s21+$0x8D90]  }
0x21c: {  	v1 =	vsub.f32 v1, v6;
	v14 =	vsub.f32 v14, v0;
	v0 =	vld [tilespmem:$0x1FFB0]  }
0x21d: {  	v3 =	vld [tilespmem:s21+$0xD90]  }
0x21e: {  	v1 =	vand.u32 $0x7FFFFFFF, v1;
	v35 =	vld [tilespmem:s21+$0x8CA0]  }
0x21f: {  	v19 =	vadd.f32 v19, v57;
	v16 =	vadd.f32 v55, v54;
	v41 =	vld [tilespmem:s21+$0x8C80];
	v6 =	vand.u32 $0x7FFFFFFF, v33  }
0x220: {  	v33 =	vld [tilespmem:s21+$0x8D10];
	v1 =	vadd.f32 v1, v6;
	v6 =	vsub.f32 v4, v21  }
0x221: {  	v20 =	vld [tilespmem:s21+$0x4C00];
	v0 =	vsub.f32 v16, v0;
	v16 =	vadd.f32 v28, v59  }
0x222: {  	v2 =	vand.u32 $0x7FFFFFFF, v2;
	v22 =	vld [tilespmem:s21+$0x4C10];
	v3 =	vadd.f32 v48, v3;
	v28 =	vadd.f32 v50, v49  }
0x223: {  	v29 =	vld [tilespmem:s21+$0xD00];
	v21 =	vsub.f32 v16, v27;
	v16 =	vadd.f32 v2, v1  }
0x224: {  	v27 =	vld [tilespmem:s21+$0xD10];
	v4 =	vsub.f32 v28, v38;
	v1 =	vand.u32 $0x7FFFFFFF, v6;
	v6 =	vadd.f32 v63, v5  }
0x225: {  	v28 =	vld [tilespmem:s21+$0x8C00];
	v63 =	vadd.f32 v61, v60;
	v2 =	vand.u32 $0x7FFFFFFF, v21;
	v21 =	vsub.f32 v19, v37  }
0x226: {  	v38 =	vld [tilespmem:s21+$0x8C10];
	v19 =	vadd.f32 v53, v52;
	v6 =	vsub.f32 v6, v39  }
0x227: {  	v37 =	vld [tilespmem:s21+$0xC10];
	v2 =	vadd.f32 v2, v1;
	v1 =	vadd.f32 v45, v51  }
0x228: {  	v42 =	vsub.f32 v3, v56;
	v39 =	vld [tilespmem:s21+$0xC80];
	v3 =	vsub.f32 v63, v7  }
0x229: {  	s15 =	smov.u32 s22;
	s23 =	simm.s32 $0x4000;
	v7 =	vld [tilespmem:s21+$0xC90];
	v6 =	vand.u32 $0x7FFFFFFF, v6;
	v5 =	vsub.f32 v1, v43;
	v1 =	vsub.f32 v19, v25  }
.LBB2_3:
0x22a: {  	_ = 	snop  }
0x22b: {  	v59 =	vand.u32 $0x7FFFFFFF, v42  }
0x22c: {  	v25 =	vld [tilespmem:s21+$0x8C90];
	v6 =	vadd.f32 v59, v6;
	v19 =	vadd.f32 v31, v32  }
0x22d: {  	v60 =	vld [tilespmem:s21+$0x4C80];
	v31 =	vadd.f32 v35, v34;
	v29 =	vadd.f32 v36, v29  }
0x22e: {  	v23 =	vand.u32 $0x7FFFFFFF, v23;
	v27 =	vadd.f32 v33, v27;
	v15 =	vsub.f32 v19, v15;
	v19 =	vld [tilespmem:s21+$0x4C90]  }
0x22f: {  	v24 =	vand.u32 $0x7FFFFFFF, v24;
	v28 =	vadd.f32 v28, v30;
	v17 =	vsub.f32 v29, v17;
	v29 =	vld [tilespmem:s21+$0x4D10]  }
0x230: {  	v0 =	vand.u32 $0x7FFFFFFF, v0;
	v30 =	vadd.f32 v38, v37;
	v61 =	vadd.f32 v41, v39  }
0x231: {  	v21 =	vand.u32 $0x7FFFFFFF, v21;
	v7 =	vadd.f32 v25, v7;
	v18 =	vsub.f32 v31, v18  }
0x232: {  	v5 =	vand.u32 $0x7FFFFFFF, v5;
	v20 =	vsub.f32 v28, v20;
	v22 =	vsub.f32 v30, v22  }
0x233: {  	v25 =	vsub.f32 v61, v60;
	v17 =	vand.u32 $0x7FFFFFFF, v17;
	v7 =	vsub.f32 v7, v19  }
0x234: {  	v22 =	vand.u32 $0x7FFFFFFF, v22;
	v19 =	vand.u32 $0x7FFFFFFF, v20;
	v20 =	vsub.f32 v27, v29  }
0x235: {  	v25 =	vand.u32 $0x7FFFFFFF, v25;
	v19 =	vadd.f32 v22, v19;
	v7 =	vand.u32 $0x7FFFFFFF, v7  }
0x236: {  	v15 =	vand.u32 $0x7FFFFFFF, v15;
	v20 =	vand.u32 $0x7FFFFFFF, v20;
	v7 =	vadd.f32 v7, v25  }
0x237: {  	v18 =	vand.u32 $0x7FFFFFFF, v18;
	v17 =	vadd.f32 v20, v17;
	v15 =	vadd.f32 v15, v19;
	v19 =	vld [tilespmem:$0x1FFE0]  }
0x238: {  	v26 =	vld [tilespmem:$0x1FFC0];
	v3 =	vand.u32 $0x7FFFFFFF, v3;
	v0 =	vadd.f32 v0, v2;
	v7 =	vadd.f32 v18, v7  }
0x239: {  	v1 =	vand.u32 $0x7FFFFFFF, v1;
	v6 =	vadd.f32 v21, v6;
	v3 =	vadd.f32 v3, v17  }
0x23a: {  	v4 =	vand.u32 $0x7FFFFFFF, v4;
	v5 =	vadd.f32 v5, v15;
	v1 =	vadd.f32 v1, v7  }
0x23b: {  	v0 =	vadd.f32 v24, v0;
	v21 =	vld [tilespmem:$0x1FFF0];
	v3 =	vadd.f32 v4, v3;
	v4 =	vand.u32 $0x7FFFFFFF, v14  }
0x23c: {  	v2 =	vperm.xlane v5, v19;
	v4 =	vadd.f32 v4, v6;
	v7 =	vperm.xlane v1, v19  }
0x23d: {  	v31 =	vperm.xlane v13, v26;
	v14 =	vadd.f32 v23, v16;
	v6 =	vperm.xlane v3, v19  }
0x23e: {  	v2 =	vadd.f32 v5, v2;
	v5 =	vperm.xlane v4, v19;
	v1 =	vadd.f32 v1, v7  }
0x23f: {  	v3 =	vadd.f32 v3, v6;
	v6 =	vperm.xlane v0, v19;
	v7 =	vperm.xlane v14, v19  }
0x240: {  	v15 =	vperm.xlane v2, v21;
	v4 =	vadd.f32 v4, v5;
	v16 =	vperm.xlane v1, v21  }
0x241: {  	v5 =	vperm.xlane v3, v21;
	v0 =	vadd.f32 v0, v6;
	v6 =	vadd.f32 v14, v7  }
0x242: {  	v2 =	vadd.f32 v2, v15;
	v7 =	vperm.xlane v4, v21;
	v1 =	vadd.f32 v1, v16  }
0x243: {  	v17 =	vld [tilespmem:$0x1FFD0];
	v3 =	vadd.f32 v3, v5;
	v5 =	vperm.xlane v0, v21;
	v14 =	vperm.xlane v6, v21  }
0x244: {  	v15 =	vperm.xlane v2, v26;
	v4 =	vadd.f32 v4, v7;
	v16 =	vperm.xlane v1, v26  }
0x245: {  	v7 =	vperm.xlane v3, v26;
	v0 =	vadd.f32 v0, v5;
	v5 =	vadd.f32 v6, v14  }
0x246: {  	v2 =	vadd.f32 v2, v15;
	v6 =	vperm.xlane v4, v26;
	v1 =	vadd.f32 v1, v16  }
0x247: {  	v3 =	vadd.f32 v3, v7;
	v7 =	vperm.xlane v0, v26;
	v14 =	vperm.xlane v5, v26  }
0x248: {  	v15 =	vperm.xlane v2, v17;
	v4 =	vadd.f32 v4, v6;
	v16 =	vperm.xlane v1, v17  }
0x249: {  	v6 =	vperm.xlane v3, v17;
	v0 =	vadd.f32 v0, v7;
	v5 =	vadd.f32 v5, v14  }
0x24a: {  	v2 =	vadd.f32 v2, v15;
	v7 =	vperm.xlane v4, v17;
	v1 =	vadd.f32 v1, v16  }
0x24b: {  	v13 =	vadd.f32 v13, v31;
	v3 =	vadd.f32 v3, v6;
	v6 =	vperm.xlane v0, v17  }
0x24c: {  	v1 =	vsel vm0, v2, v1;
	v2 =	vadd.f32 v4, v7;
	v4 =	vperm.xlane v5, v17  }
0x24d: {  	v0 =	vadd.f32 v0, v6;
	v1 =	vsel vm1, v1, v3;
	v3 =	vperm.xlane v13, v17  }
0x24e: {  	v1 =	vsel vm2, v1, v2;
	v2 =	vadd.f32 v5, v4;
	v4 =	vperm.xlane v12, v17  }
0x24f: {  	v0 =	vsel vm3, v1, v0;
	v1 =	vadd.f32 v13, v3;
	v3 =	vperm.xlane v11, v17  }
0x250: {  	v6 =	vld [tilespmem:$0x1FDF0];
	v0 =	vsel vm4, v0, v2;
	v2 =	vadd.f32 v12, v4;
	v4 =	vperm.xlane v10, v17  }
0x251: {  	v5 =	vld [tilespmem:$0x1FDB0];
	v0 =	vsel vm5, v0, v1;
	v1 =	vadd.f32 v11, v3;
	v3 =	vperm.xlane v9, v17  }
0x252: {  	v0 =	vsel vm6, v0, v2;
	v2 =	vadd.f32 v10, v4;
	v4 =	vperm.xlane v8, v17  }
0x253: {  	v0 =	vsel vm7, v0, v1;
	v1 =	vadd.f32 v9, v3;
	v3 =	vperm.xlane v62, v17  }
0x254: {  	v0 =	vsel vm8, v0, v2;
	v2 =	vadd.f32 v8, v4;
	v4 =	vperm.xlane v40, v17  }
0x255: {  	v0 =	vsel vm9, v0, v1;
	v1 =	vadd.f32 v62, v3;
	v3 =	vperm.xlane v6, v17  }
0x256: {  	v0 =	vsel vm10, v0, v2;
	v2 =	vadd.f32 v40, v4;
	v4 =	vperm.xlane v5, v17  }
0x257: {  	v0 =	vsel vm11, v0, v1;
	v1 =	vadd.f32 v6, v3  }
0x258: {  	v0 =	vsel vm12, v0, v2;
	v2 =	vadd.f32 v5, v4  }
0x259: {  	v0 =	vsel vm13, v0, v1  }
0x25a: {  	s15 =	sadd.s32 $0x10, s15;
	v0 =	vsel vm14, v0, v2  }
0x25b: {  	s21 =	sshra.s32 s23, $0x2;
	[tilespmem:s15+$0x0] =	vst v0  }
0x25c: {  	v30 =	vld [tilespmem:s21+$0x53B0]  }
0x25d: {  	v41 =	vld [tilespmem:s21+$0x5330]  }
0x25e: {  	v25 =	vld [tilespmem:s21+$0x53A0]  }
0x25f: {  	v32 =	vld [tilespmem:s21+$0x13B0]  }
0x260: {  	v39 =	vld [tilespmem:s21+$0x93B0]  }
0x261: {  	v0 =	vld [tilespmem:s21+$0x52B0]  }
0x262: {  	v37 =	vld [tilespmem:s21+$0x5320]  }
0x263: {  	v31 =	vld [tilespmem:s21+$0x1330]  }
0x264: {  	v29 =	vld [tilespmem:s21+$0x9330]  }
0x265: {  	v13 =	vld [tilespmem:s21+$0x5380]  }
0x266: {  	v20 =	vld [tilespmem:s21+$0x5390]  }
0x267: {  	v61 =	vld [tilespmem:s21+$0x13A0]  }
0x268: {  	v63 =	vld [tilespmem:s21+$0x93A0]  }
0x269: {  	v53 =	vld [tilespmem:s21+$0x12B0]  }
0x26a: {  	v55 =	vld [tilespmem:s21+$0x92B0]  }
0x26b: {  	v48 =	vld [tilespmem:s21+$0x5300]  }
0x26c: {  	v28 =	vld [tilespmem:s21+$0x5310]  }
0x26d: {  	v46 =	vld [tilespmem:s21+$0x1320]  }
0x26e: {  	v38 =	vld [tilespmem:s21+$0x9320]  }
0x26f: {  	v35 =	vld [tilespmem:s21+$0x1380]  }
0x270: {  	v2 =	vld [tilespmem:s21+$0x9380]  }
0x271: {  	v1 =	vld [tilespmem:s21+$0x1390]  }
0x272: {  	v3 =	vld [tilespmem:s21+$0x51B0]  }
0x273: {  	v50 =	vld [tilespmem:s21+$0x1230]  }
0x274: {  	v52 =	vld [tilespmem:s21+$0x9230]  }
0x275: {  	v27 =	vld [tilespmem:s21+$0x5280]  }
0x276: {  	v23 =	vld [tilespmem:s21+$0x5290]  }
0x277: {  	v34 =	vld [tilespmem:s21+$0x12A0]  }
0x278: {  	v36 =	vld [tilespmem:s21+$0x92A0]  }
0x279: {  	v9 =	vld [tilespmem:s21+$0x1300]  }
0x27a: {  	v6 =	vld [tilespmem:s21+$0x9300]  }
0x27b: {  	v5 =	vld [tilespmem:s21+$0x1310]  }
0x27c: {  	v4 =	vld [tilespmem:s21+$0x5130]  }
0x27d: {  	v33 =	vld [tilespmem:s21+$0x11B0]  }
0x27e: {  	v44 =	vld [tilespmem:s21+$0x91B0]  }
0x27f: {  	v54 =	vld [tilespmem:s21+$0x5200]  }
0x280: {  	v56 =	vld [tilespmem:s21+$0x5210]  }
0x281: {  	v57 =	vld [tilespmem:s21+$0x1220]  }
0x282: {  	v59 =	vld [tilespmem:s21+$0x9220]  }
0x283: {  	v10 =	vld [tilespmem:s21+$0x1280]  }
0x284: {  	v8 =	vld [tilespmem:s21+$0x9280]  }
0x285: {  	v7 =	vld [tilespmem:s21+$0x1290]  }
0x286: {  	v11 =	vld [tilespmem:s21+$0x50B0]  }
0x287: {  	v45 =	vld [tilespmem:s21+$0x5180]  }
0x288: {  	v51 =	vld [tilespmem:s21+$0x5190]  }
0x289: {  	v58 =	vld [tilespmem:s21+$0x11A0]  }
0x28a: {  	v60 =	vld [tilespmem:s21+$0x91A0]  }
0x28b: {  	v16 =	vld [tilespmem:s21+$0x1200]  }
0x28c: {  	v14 =	vld [tilespmem:s21+$0x9200]  }
0x28d: {  	v12 =	vld [tilespmem:s21+$0x1210]  }
0x28e: {  	v15 =	vld [tilespmem:s21+$0x5030]  }
0x28f: {  	v47 =	vld [tilespmem:s21+$0x1120]  }
0x290: {  	v49 =	vld [tilespmem:s21+$0x9120]  }
0x291: {  	v40 =	vld [tilespmem:s21+$0x1180]  }
0x292: {  	v43 =	vld [tilespmem:s21+$0x9180]  }
0x293: {  	v17 =	vld [tilespmem:s21+$0x1190]  }
0x294: {  	v18 =	vld [tilespmem:s21+$0x4FB0]  }
0x295: {  	[tilespmem:$0x1F980] =	vst v0;
	v0 =	vld [tilespmem:s21+$0x5230]  }
0x296: {  	v62 =	vld [tilespmem:s21+$0x1100]  }
0x297: {  	v24 =	vld [tilespmem:s21+$0x9100]  }
0x298: {  	v22 =	vld [tilespmem:s21+$0x1110]  }
0x299: {  	v42 =	vld [tilespmem:s21+$0x4F30]  }
0x29a: {  	[tilespmem:$0x1F990] =	vst v0;
	v0 =	vld [tilespmem:s21+$0x52A0]  }
0x29b: {  	[tilespmem:$0x1F9C0] =	vst v3;
	v3 =	vld [tilespmem:s21+$0x5220]  }
0x29c: {  	[tilespmem:$0x1FA40] =	vst v4;
	v4 =	vld [tilespmem:s21+$0x51A0]  }
0x29d: {  	[tilespmem:$0x1FA50] =	vst v11;
	v11 =	vld [tilespmem:s21+$0x5120]  }
0x29e: {  	[tilespmem:$0x1FAD0] =	vst v15;
	v15 =	vld [tilespmem:s21+$0x50A0]  }
0x29f: {  	[tilespmem:$0x1F970] =	vst v0;
	v0 =	vld [tilespmem:s21+$0x9390]  }
0x2a0: {  	[tilespmem:$0x1FB30] =	vst v18;
	v18 =	vld [tilespmem:s21+$0x5020]  }
0x2a1: {  	[tilespmem:$0x1FB70] =	vst v42;
	v42 =	vld [tilespmem:s21+$0x4FA0];
	v2 =	vadd.f32 v2, v35  }
0x2a2: {  	v35 =	vld [tilespmem:s21+$0x8FB0]  }
0x2a3: {  	v2 =	vsub.f32 v2, v13;
	v13 =	vld [tilespmem:s21+$0x5010];
	[tilespmem:$0x1F9A0] =	vst v3  }
0x2a4: {  	v3 =	vld [tilespmem:s21+$0x9310];
	[tilespmem:$0x1F9B0] =	vst v4;
	v0 =	vadd.f32 v0, v1  }
0x2a5: {  	v4 =	vld [tilespmem:s21+$0x9290];
	[tilespmem:$0x1FA30] =	vst v11  }
0x2a6: {  	v11 =	vld [tilespmem:s21+$0x1130];
	[tilespmem:$0x1FAC0] =	vst v15;
	v1 =	vadd.f32 v63, v61;
	v0 =	vsub.f32 v0, v20  }
0x2a7: {  	v2 =	vand.u32 $0x7FFFFFFF, v2;
	v15 =	vld [tilespmem:s21+$0x10B0];
	[tilespmem:$0x1FAF0] =	vst v18  }
0x2a8: {  	v18 =	vld [tilespmem:s21+$0x1030];
	[tilespmem:$0x1FB10] =	vst v13;
	v13 =	vadd.f32 v39, v32;
	v1 =	vsub.f32 v1, v25;
	v0 =	vand.u32 $0x7FFFFFFF, v0  }
0x2a9: {  	[tilespmem:$0x1FB20] =	vst v42;
	v42 =	vld [tilespmem:s21+$0xFB0];
	v0 =	vadd.f32 v0, v2  }
0x2aa: {  	v39 =	vld [tilespmem:s21+$0x1020];
	v1 =	vand.u32 $0x7FFFFFFF, v1;
	v2 =	vsub.f32 v13, v30  }
0x2ab: {  	v32 =	vld [tilespmem:s21+$0x9090];
	v0 =	vadd.f32 v1, v0  }
0x2ac: {  	[tilespmem:$0x1F9D0] =	vst v11;
	v11 =	vld [tilespmem:s21+$0x9130];
	v1 =	vand.u32 $0x7FFFFFFF, v2  }
0x2ad: {  	v0 =	vadd.f32 v1, v0;
	v1 =	vld [tilespmem:s21+$0x4EB0]  }
0x2ae: {  	[tilespmem:$0x1FA10] =	vst v15;
	v15 =	vld [tilespmem:s21+$0x90B0]  }
0x2af: {  	[tilespmem:$0x1FAA0] =	vst v18;
	v18 =	vld [tilespmem:s21+$0x9030]  }
0x2b0: {  	v3 =	vadd.f32 v3, v5;
	v5 =	vld [tilespmem:s21+$0x8F30]  }
0x2b1: {  	v4 =	vadd.f32 v4, v7;
	v7 =	vadd.f32 v36, v34;
	v34 =	vld [tilespmem:s21+$0x1010]  }
0x2b2: {  	[tilespmem:$0x1FB80] =	vst v1;
	v1 =	vld [tilespmem:s21+$0x4F20]  }
0x2b3: {  	v36 =	vld [tilespmem:s21+$0x4E30]  }
0x2b4: {  	[tilespmem:$0x1FAE0] =	vst v42;
	v42 =	vld [tilespmem:s21+$0x8DB0];
	v2 =	vperm.xlane v0, v19  }
0x2b5: {  	v6 =	vadd.f32 v6, v9;
	v3 =	vsub.f32 v3, v28;
	v28 =	vld [tilespmem:s21+$0x1000]  }
0x2b6: {  	v4 =	vsub.f32 v4, v23;
	v23 =	vld [tilespmem:s21+$0x9010];
	[tilespmem:$0x1F9E0] =	vst v11;
	v0 =	vadd.f32 v0, v2  }
0x2b7: {  	v11 =	vld [tilespmem:s21+$0x9210];
	v2 =	vsub.f32 v6, v48;
	[tilespmem:$0x1FB40] =	vst v1;
	v1 =	vadd.f32 v29, v31  }
0x2b8: {  	v3 =	vand.u32 $0x7FFFFFFF, v3;
	[tilespmem:$0x1FA20] =	vst v15;
	v15 =	vld [tilespmem:s21+$0x5100]  }
0x2b9: {  	[tilespmem:$0x1FAB0] =	vst v18;
	v18 =	vld [tilespmem:s21+$0x5080];
	v2 =	vand.u32 $0x7FFFFFFF, v2;
	v9 =	vsub.f32 v1, v41;
	v1 =	vperm.xlane v0, v21  }
0x2ba: {  	v63 =	vld [tilespmem:s21+$0x5000];
	[tilespmem:$0x1FB60] =	vst v5;
	v5 =	vadd.f32 v38, v46;
	v2 =	vadd.f32 v3, v2  }
0x2bb: {  	v61 =	vld [tilespmem:s21+$0x1080];
	v3 =	vadd.f32 v0, v1;
	v0 =	vadd.f32 v8, v10  }
0x2bc: {  	v46 =	vld [tilespmem:s21+$0x4F80];
	v5 =	vsub.f32 v5, v37  }
0x2bd: {  	v38 =	vld [tilespmem:s21+$0x8EB0];
	v0 =	vsub.f32 v0, v27  }
0x2be: {  	v20 =	vld [tilespmem:s21+$0x9020];
	v5 =	vand.u32 $0x7FFFFFFF, v5  }
0x2bf: {  	v2 =	vadd.f32 v5, v2;
	v5 =	vand.u32 $0x7FFFFFFF, v9;
	v9 =	vand.u32 $0x7FFFFFFF, v0;
	v0 =	vld [tilespmem:$0x1F970]  }
0x2c0: {  	v25 =	vld [tilespmem:s21+$0x1090]  }
0x2c1: {  	[tilespmem:$0x1F9F0] =	vst v15;
	v15 =	vld [tilespmem:s21+$0x5110]  }
0x2c2: {  	[tilespmem:$0x1FA80] =	vst v18;
	v18 =	vld [tilespmem:s21+$0x5090]  }
0x2c3: {  	[tilespmem:$0x1FB00] =	vst v63;
	v63 =	vld [tilespmem:s21+$0x9080]  }
0x2c4: {  	v7 =	vsub.f32 v7, v0;
	v0 =	vld [tilespmem:s21+$0x4EA0]  }
0x2c5: {  	v13 =	vld [tilespmem:s21+$0xF30]  }
0x2c6: {  	v30 =	vld [tilespmem:s21+$0x4D30]  }
0x2c7: {  	v20 =	vadd.f32 v20, v39;
	v39 =	vld [tilespmem:s21+$0x8E10]  }
0x2c8: {  	[tilespmem:$0x1FA90] =	vst v18;
	v18 =	vld [tilespmem:s21+$0x10A0]  }
0x2c9: {  	[tilespmem:$0x1FB90] =	vst v0;
	v0 =	vld [tilespmem:$0x1F980]  }
0x2ca: {  	v10 =	vld [tilespmem:$0x1F990]  }
0x2cb: {  	[tilespmem:$0x1FA00] =	vst v15;
	v15 =	vld [tilespmem:s21+$0x9190];
	v2 =	vadd.f32 v5, v2;
	v5 =	vperm.xlane v3, v26  }
0x2cc: {  	v4 =	vand.u32 $0x7FFFFFFF, v4;
	v48 =	vld [tilespmem:s21+$0x4F90];
	v6 =	vadd.f32 v55, v53;
	v8 =	vadd.f32 v52, v50  }
0x2cd: {  	[tilespmem:$0x1FA60] =	vst v18;
	v18 =	vld [tilespmem:s21+$0x90A0];
	v3 =	vadd.f32 v3, v5;
	v4 =	vadd.f32 v4, v9  }
0x2ce: {  	[tilespmem:$0x1FB50] =	vst v13;
	v53 =	vld [tilespmem:s21+$0xFA0];
	v5 =	vadd.f32 v11, v12;
	v7 =	vand.u32 $0x7FFFFFFF, v7;
	v6 =	vsub.f32 v6, v0  }
0x2cf: {  	v13 =	vsub.f32 v8, v10;
	v8 =	vld [tilespmem:$0x1F9A0];
	[tilespmem:$0x1FDB0] =	vst v3;
	v3 =	vadd.f32 v7, v4  }
0x2d0: {  	v55 =	vld [tilespmem:s21+$0x8FA0];
	v4 =	vadd.f32 v14, v16;
	v6 =	vand.u32 $0x7FFFFFFF, v6  }
0x2d1: {  	v29 =	vld [tilespmem:s21+$0x4E20];
	v5 =	vsub.f32 v5, v56;
	v6 =	vadd.f32 v6, v3  }
0x2d2: {  	[tilespmem:$0x1FA70] =	vst v18;
	v18 =	vld [tilespmem:s21+$0x9110];
	v7 =	vadd.f32 v59, v57;
	v4 =	vsub.f32 v4, v54  }
0x2d3: {  	v41 =	vld [tilespmem:s21+$0xDB0];
	v11 =	vadd.f32 v15, v17;
	v10 =	vperm.xlane v6, v19  }
0x2d4: {  	v1 =	vld [tilespmem:s21+$0x9000];
	v5 =	vand.u32 $0x7FFFFFFF, v5;
	v7 =	vsub.f32 v7, v8;
	v4 =	vand.u32 $0x7FFFFFFF, v4  }
0x2d5: {  	v50 =	vld [tilespmem:s21+$0x4F00];
	v4 =	vadd.f32 v5, v4;
	v5 =	vadd.f32 v6, v10  }
0x2d6: {  	v52 =	vld [tilespmem:s21+$0x4F10];
	v9 =	vperm.xlane v2, v19;
	v7 =	vand.u32 $0x7FFFFFFF, v7  }
0x2d7: {  	v15 =	vld [tilespmem:s21+$0x8F90];
	v11 =	vsub.f32 v11, v51;
	v4 =	vadd.f32 v7, v4;
	v7 =	vperm.xlane v5, v21  }
0x2d8: {  	v12 =	vadd.f32 v60, v58;
	v60 =	vld [tilespmem:s21+$0x4DB0];
	v2 =	vadd.f32 v2, v9  }
0x2d9: {  	v13 =	vand.u32 $0x7FFFFFFF, v13;
	v5 =	vadd.f32 v5, v7;
	v7 =	vand.u32 $0x7FFFFFFF, v11;
	v11 =	vld [tilespmem:$0x1F9B0]  }
0x2da: {  	v4 =	vadd.f32 v13, v4;
	v13 =	vld [tilespmem:$0x1F9C0];
	v3 =	vperm.xlane v2, v21  }
0x2db: {  	v58 =	vld [tilespmem:s21+$0x8EA0]  }
0x2dc: {  	v17 =	vld [tilespmem:s21+$0xF10];
	v2 =	vadd.f32 v2, v3  }
0x2dd: {  	v51 =	vld [tilespmem:s21+$0xE30];
	v9 =	vadd.f32 v44, v33  }
0x2de: {  	v56 =	vld [tilespmem:s21+$0xEA0];
	v6 =	vadd.f32 v43, v40;
	v11 =	vsub.f32 v12, v11;
	v12 =	vperm.xlane v2, v26  }
0x2df: {  	v44 =	vld [tilespmem:s21+$0x4E80];
	v9 =	vsub.f32 v9, v13;
	v13 =	vperm.xlane v5, v26  }
0x2e0: {  	v33 =	vld [tilespmem:s21+$0x4E00];
	v6 =	vsub.f32 v6, v45;
	v2 =	vadd.f32 v2, v12  }
0x2e1: {  	v40 =	vadd.f32 v5, v13;
	v5 =	vld [tilespmem:$0x1F9E0]  }
0x2e2: {  	v6 =	vand.u32 $0x7FFFFFFF, v6;
	[tilespmem:$0x1FDF0] =	vst v2;
	v2 =	vld [tilespmem:$0x1F9D0]  }
0x2e3: {  	v57 =	vld [tilespmem:s21+$0xF20];
	v6 =	vadd.f32 v7, v6;
	v7 =	vperm.xlane v4, v19  }
0x2e4: {  	v59 =	vld [tilespmem:s21+$0x8F20];
	v11 =	vand.u32 $0x7FFFFFFF, v11  }
0x2e5: {  	v8 =	vld [tilespmem:s21+$0x8F80];
	v4 =	vadd.f32 v4, v7;
	v6 =	vadd.f32 v11, v6  }
0x2e6: {  	v54 =	vld [tilespmem:s21+$0x8E30];
	v7 =	vand.u32 $0x7FFFFFFF, v9  }
0x2e7: {  	v3 =	vld [tilespmem:s21+$0xF80];
	v2 =	vadd.f32 v5, v2;
	v5 =	vadd.f32 v7, v6;
	v6 =	vperm.xlane v4, v21  }
0x2e8: {  	v10 =	vld [tilespmem:s21+$0xF90]  }
0x2e9: {  	v4 =	vadd.f32 v4, v6;
	v6 =	vld [tilespmem:$0x1F9F0]  }
0x2ea: {  	v16 =	vld [tilespmem:$0x1FA10]  }
0x2eb: {  	v0 =	vld [tilespmem:s21+$0xEB0]  }
0x2ec: {  	v54 =	vadd.f32 v54, v51;
	v51 =	vld [tilespmem:s21+$0x8D90];
	v7 =	vadd.f32 v24, v62  }
0x2ed: {  	v43 =	vld [tilespmem:s21+$0x4DA0];
	v3 =	vadd.f32 v8, v3  }
0x2ee: {  	v8 =	vadd.f32 v15, v10;
	v6 =	vsub.f32 v7, v6;
	v7 =	vld [tilespmem:$0x1FA00]  }
0x2ef: {  	v11 =	vadd.f32 v18, v22;
	v18 =	vld [tilespmem:$0x1FA20]  }
0x2f0: {  	v45 =	vld [tilespmem:s21+$0x4E90];
	v46 =	vsub.f32 v3, v46;
	v8 =	vsub.f32 v8, v48  }
0x2f1: {  	v3 =	vld [tilespmem:s21+$0x4D90]  }
0x2f2: {  	v9 =	vld [tilespmem:s21+$0xF00];
	v48 =	vand.u32 $0x7FFFFFFF, v46;
	v8 =	vand.u32 $0x7FFFFFFF, v8  }
0x2f3: {  	v8 =	vadd.f32 v8, v48;
	v48 =	vld [tilespmem:s21+$0xE10];
	v7 =	vsub.f32 v11, v7  }
0x2f4: {  	v16 =	vadd.f32 v18, v16;
	v18 =	vld [tilespmem:$0x1FA30]  }
0x2f5: {  	v12 =	vld [tilespmem:s21+$0x8F00];
	v6 =	vand.u32 $0x7FFFFFFF, v6;
	v7 =	vand.u32 $0x7FFFFFFF, v7  }
0x2f6: {  	v6 =	vadd.f32 v7, v6;
	v7 =	vld [tilespmem:$0x1FA40]  }
0x2f7: {  	v46 =	vld [tilespmem:s21+$0x8DA0];
	v13 =	vadd.f32 v49, v47;
	v14 =	vperm.xlane v5, v19  }
0x2f8: {  	v22 =	vld [tilespmem:$0x1FAB0];
	v48 =	vadd.f32 v39, v48  }
0x2f9: {  	v39 =	vld [tilespmem:s21+$0xC80];
	v5 =	vadd.f32 v5, v14;
	v14 =	vperm.xlane v4, v26;
	v13 =	vsub.f32 v13, v18  }
0x2fa: {  	v9 =	vadd.f32 v12, v9;
	v12 =	vadd.f32 v59, v57;
	v57 =	vld [tilespmem:s21+$0x8D20]  }
0x2fb: {  	v13 =	vand.u32 $0x7FFFFFFF, v13;
	v62 =	vadd.f32 v4, v14;
	v14 =	vld [tilespmem:$0x1FA70];
	v2 =	vsub.f32 v2, v7  }
0x2fc: {  	v11 =	vld [tilespmem:s21+$0x8F10];
	v4 =	vadd.f32 v13, v6  }
0x2fd: {  	v13 =	vld [tilespmem:$0x1FA60];
	v2 =	vand.u32 $0x7FFFFFFF, v2  }
0x2fe: {  	v24 =	vadd.f32 v2, v4;
	v4 =	vld [tilespmem:$0x1FA80]  }
0x2ff: {  	v9 =	vsub.f32 v9, v50;
	v50 =	vld [tilespmem:s21+$0xCB0]  }
0x300: {  	v18 =	vld [tilespmem:$0x1FA50]  }
0x301: {  	v6 =	vadd.f32 v63, v61;
	v63 =	vld [tilespmem:s21+$0x4CB0]  }
0x302: {  	v11 =	vadd.f32 v11, v17;
	v13 =	vadd.f32 v14, v13;
	v14 =	vld [tilespmem:$0x1FAA0]  }
0x303: {  	v7 =	vperm.xlane v5, v21;
	v6 =	vsub.f32 v6, v4;
	v4 =	vld [tilespmem:$0x1FA90]  }
0x304: {  	v11 =	vsub.f32 v11, v52;
	v52 =	vld [tilespmem:s21+$0x8CB0]  }
0x305: {  	v16 =	vsub.f32 v16, v18;
	v18 =	vadd.f32 v5, v7;
	v5 =	vld [tilespmem:s21+$0x4E10]  }
0x306: {  	v7 =	vadd.f32 v32, v25;
	v25 =	vld [tilespmem:s21+$0x8E80]  }
0x307: {  	v27 =	vadd.f32 v22, v14;
	v14 =	vld [tilespmem:$0x1FAC0]  }
0x308: {  	v9 =	vand.u32 $0x7FFFFFFF, v9;
	v11 =	vand.u32 $0x7FFFFFFF, v11;
	v22 =	vld [tilespmem:$0x1FAF0];
	v7 =	vsub.f32 v7, v4  }
0x309: {  	v9 =	vadd.f32 v11, v9;
	v11 =	vld [tilespmem:$0x1FB70]  }
0x30a: {  	v2 =	vld [tilespmem:s21+$0xE20];
	v6 =	vand.u32 $0x7FFFFFFF, v6;
	v7 =	vand.u32 $0x7FFFFFFF, v7  }
0x30b: {  	v6 =	vadd.f32 v7, v6;
	v7 =	vld [tilespmem:$0x1FAE0]  }
0x30c: {  	v47 =	vperm.xlane v24, v19;
	v31 =	vsub.f32 v13, v14;
	v13 =	vld [tilespmem:$0x1FAD0]  }
0x30d: {  	v20 =	vsub.f32 v20, v22;
	v22 =	vld [tilespmem:$0x1FB20]  }
0x30e: {  	v24 =	vadd.f32 v24, v47;
	v47 =	vld [tilespmem:s21+$0x8E00]  }
0x30f: {  	v14 =	vld [tilespmem:s21+$0xE80]  }
0x310: {  	v15 =	vadd.f32 v55, v53;
	v4 =	vld [tilespmem:s21+$0x8E20];
	v35 =	vadd.f32 v35, v7;
	v7 =	vand.u32 $0x7FFFFFFF, v31  }
0x311: {  	v37 =	vsub.f32 v27, v13;
	v13 =	vld [tilespmem:s21+$0xE90];
	v6 =	vadd.f32 v7, v6  }
0x312: {  	v16 =	vand.u32 $0x7FFFFFFF, v16;
	v15 =	vsub.f32 v15, v22;
	v22 =	vld [tilespmem:$0x1FB30]  }
0x313: {  	v1 =	vadd.f32 v1, v28;
	v28 =	vadd.f32 v16, v6;
	v16 =	vld [tilespmem:$0x1FB00]  }
0x314: {  	v27 =	vadd.f32 v23, v34;
	v23 =	vld [tilespmem:$0x1FB60]  }
0x315: {  	v34 =	vld [tilespmem:s21+$0xCA0]  }
0x316: {  	v31 =	vld [tilespmem:s21+$0x8E90]  }
0x317: {  	v35 =	vsub.f32 v35, v22;
	v22 =	vld [tilespmem:$0x1FB40]  }
0x318: {  	v15 =	vand.u32 $0x7FFFFFFF, v15;
	v1 =	vsub.f32 v1, v16;
	v16 =	vld [tilespmem:$0x1FB10]  }
0x319: {  	v10 =	vperm.xlane v18, v26;
	v15 =	vadd.f32 v15, v8;
	v7 =	vld [tilespmem:s21+$0x4C30]  }
0x31a: {  	v6 =	vld [tilespmem:s21+$0x4D20];
	v35 =	vand.u32 $0x7FFFFFFF, v35  }
0x31b: {  	v8 =	vadd.f32 v18, v10;
	v10 =	vadd.f32 v35, v15;
	v15 =	vld [tilespmem:s21+$0x4C20]  }
0x31c: {  	v55 =	vperm.xlane v28, v19;
	v12 =	vsub.f32 v12, v22;
	v22 =	vld [tilespmem:$0x1FB50]  }
0x31d: {  	v13 =	vadd.f32 v31, v13;
	v31 =	vld [tilespmem:s21+$0x8C20];
	v17 =	vperm.xlane v10, v19;
	v49 =	vsub.f32 v27, v16  }
0x31e: {  	v61 =	vadd.f32 v28, v55;
	v28 =	vld [tilespmem:s21+$0xDA0]  }
0x31f: {  	v10 =	vadd.f32 v10, v17;
	v17 =	vld [tilespmem:s21+$0x4D00];
	v53 =	vand.u32 $0x7FFFFFFF, v1;
	v32 =	vand.u32 $0x7FFFFFFF, v49  }
0x320: {  	v56 =	vadd.f32 v58, v56;
	v1 =	vld [tilespmem:s21+$0x4D80];
	v32 =	vadd.f32 v32, v53;
	v53 =	vperm.xlane v24, v21  }
0x321: {  	v23 =	vadd.f32 v23, v22;
	v22 =	vadd.f32 v38, v0;
	v38 =	vld [tilespmem:s21+$0x8D80]  }
0x322: {  	v5 =	vsub.f32 v48, v5;
	v20 =	vand.u32 $0x7FFFFFFF, v20;
	v0 =	vld [tilespmem:$0x1FB80];
	v24 =	vadd.f32 v24, v53  }
0x323: {  	v12 =	vand.u32 $0x7FFFFFFF, v12;
	v35 =	vperm.xlane v10, v21;
	v16 =	vld [tilespmem:s21+$0xD30];
	v20 =	vadd.f32 v20, v32  }
0x324: {  	v27 =	vld [tilespmem:s21+$0x8D30];
	v11 =	vsub.f32 v23, v11;
	v49 =	vand.u32 $0x7FFFFFFF, v37;
	v23 =	vperm.xlane v24, v26  }
0x325: {  	v55 =	vperm.xlane v61, v21;
	v12 =	vadd.f32 v12, v9;
	v37 =	vld [tilespmem:s21+$0xE00];
	v20 =	vadd.f32 v49, v20  }
0x326: {  	v11 =	vand.u32 $0x7FFFFFFF, v11;
	v53 =	vld [tilespmem:s21+$0x8C30];
	v9 =	vadd.f32 v24, v23;
	v24 =	vadd.f32 v10, v35  }
0x327: {  	v35 =	vadd.f32 v11, v12;
	v23 =	vsub.f32 v22, v0;
	v0 =	vld [tilespmem:$0x1FB90]  }
0x328: {  	v14 =	vadd.f32 v25, v14;
	v32 =	vadd.f32 v61, v55;
	v55 =	vld [tilespmem:s21+$0xD20];
	v18 =	vperm.xlane v20, v19  }
0x329: {  	v2 =	vadd.f32 v4, v2;
	v49 =	vld [tilespmem:s21+$0xC30];
	v12 =	vperm.xlane v24, v26;
	v22 =	vperm.xlane v35, v19  }
0x32a: {  	v45 =	vsub.f32 v13, v45;
	v20 =	vadd.f32 v20, v18;
	v18 =	vld [tilespmem:s21+$0x4CA0]  }
0x32b: {  	v12 =	vadd.f32 v24, v12;
	v35 =	vadd.f32 v35, v22;
	v22 =	vld [tilespmem:s21+$0x4C10]  }
0x32c: {  	v24 =	vsub.f32 v54, v36;
	v36 =	vld [tilespmem:s21+$0x8D00];
	v25 =	vsub.f32 v56, v0  }
0x32d: {  	v59 =	vperm.xlane v20, v21;
	v0 =	vadd.f32 v42, v41;
	v56 =	vadd.f32 v27, v16;
	v27 =	vld [tilespmem:s21+$0xD10]  }
0x32e: {  	v4 =	vsub.f32 v14, v44;
	v61 =	vperm.xlane v32, v26;
	v54 =	vand.u32 $0x7FFFFFFF, v45;
	v41 =	vld [tilespmem:s21+$0x8C80]  }
0x32f: {  	v20 =	vadd.f32 v20, v59;
	v59 =	vld [tilespmem:s21+$0xD80];
	v58 =	vperm.xlane v35, v21;
	v14 =	vsub.f32 v0, v60  }
0x330: {  	v0 =	vsub.f32 v2, v29;
	v2 =	vand.u32 $0x7FFFFFFF, v4;
	v29 =	vld [tilespmem:s21+$0xD00];
	v4 =	vadd.f32 v47, v37  }
0x331: {  	v37 =	vld [tilespmem:s21+$0xC10];
	v10 =	vperm.xlane v20, v26;
	v13 =	vadd.f32 v35, v58;
	v2 =	vadd.f32 v54, v2  }
0x332: {  	v35 =	vld [tilespmem:s21+$0x8CA0];
	v58 =	vsub.f32 v4, v33;
	v4 =	vand.u32 $0x7FFFFFFF, v25;
	v25 =	vadd.f32 v46, v28  }
0x333: {  	v11 =	vadd.f32 v20, v10;
	v10 =	vadd.f32 v32, v61;
	v61 =	vld [tilespmem:s21+$0xD90]  }
0x334: {  	v5 =	vand.u32 $0x7FFFFFFF, v5;
	v33 =	vld [tilespmem:s21+$0x8D10];
	v16 =	vadd.f32 v4, v2;
	v4 =	vsub.f32 v56, v30  }
0x335: {  	p0 =	sne.s32 s23, $0xE000;
	v28 =	vld [tilespmem:s21+$0x8C00];
	v2 =	vand.u32 $0x7FFFFFFF, v58;
	v21 =	vsub.f32 v25, v43;
	v25 =	vadd.f32 v38, v59  }
.Ltmp0:
0x336: {  	v20 =	vld [tilespmem:s21+$0x4C00];
	v59 =	vadd.f32 v52, v50;
	v2 =	vadd.f32 v5, v2;
	(pc) =	sbr.rel @p0 .LBB2_3-.Ltmp0, $4  }
0x337: {  	v32 =	vld [tilespmem:s21+$0xC20];
	v5 =	vadd.f32 v53, v49;
	v25 =	vsub.f32 v25, v1  }
0x338: {  	v30 =	vld [tilespmem:s21+$0xC00];
	v60 =	vadd.f32 v51, v61;
	v61 =	vadd.f32 v57, v55  }
0x339: {  	v38 =	vld [tilespmem:s21+$0x8C10];
	v1 =	vsub.f32 v59, v63;
	v5 =	vsub.f32 v5, v7  }
0x33a: {  	s23 =	sadd.s32 $0x2000, s23;
	v7 =	vld [tilespmem:s21+$0xC90];
	v42 =	vsub.f32 v60, v3;
	v3 =	vsub.f32 v61, v6;
	v6 =	vand.u32 $0x7FFFFFFF, v25  }
0x33b: {  	v29 =	vadd.f32 v36, v29  }
0x33c: {  	v25 =	vld [tilespmem:s21+$0x8C90];
	v27 =	vadd.f32 v33, v27;
	v19 =	vadd.f32 v31, v32  }
0x33d: {  	v55 =	vld [tilespmem:s21+$0x4C80];
	v58 =	vadd.f32 v41, v39;
	v0 =	vand.u32 $0x7FFFFFFF, v0;
	v31 =	vadd.f32 v35, v34  }
0x33e: {  	v54 =	vand.u32 $0x7FFFFFFF, v42;
	v0 =	vadd.f32 v0, v2;
	v15 =	vsub.f32 v19, v15;
	v19 =	vld [tilespmem:s21+$0x4C90]  }
0x33f: {  	v6 =	vadd.f32 v54, v6;
	v17 =	vsub.f32 v29, v17;
	v29 =	vld [tilespmem:s21+$0x4D10]  }
0x340: {  	v23 =	vand.u32 $0x7FFFFFFF, v23;
	v28 =	vadd.f32 v28, v30;
	v30 =	vadd.f32 v38, v37  }
0x341: {  	v24 =	vand.u32 $0x7FFFFFFF, v24;
	v18 =	vsub.f32 v31, v18;
	v7 =	vadd.f32 v25, v7  }
0x342: {  	v21 =	vand.u32 $0x7FFFFFFF, v21;
	v20 =	vsub.f32 v28, v20;
	v22 =	vsub.f32 v30, v22  }
0x343: {  	v5 =	vand.u32 $0x7FFFFFFF, v5;
	v25 =	vsub.f32 v58, v55;
	v7 =	vsub.f32 v7, v19  }
0x344: {  	v17 =	vand.u32 $0x7FFFFFFF, v17;
	v19 =	vand.u32 $0x7FFFFFFF, v20;
	v20 =	vsub.f32 v27, v29  }
0x345: {  	v22 =	vand.u32 $0x7FFFFFFF, v22;
	v25 =	vand.u32 $0x7FFFFFFF, v25;
	v7 =	vand.u32 $0x7FFFFFFF, v7  }
0x346: {  	v19 =	vadd.f32 v22, v19;
	v20 =	vand.u32 $0x7FFFFFFF, v20;
	v7 =	vadd.f32 v7, v25  }
0x347: {  	v47 =	vld [tilespmem:$0x1FFE0];
	v15 =	vand.u32 $0x7FFFFFFF, v15;
	v18 =	vand.u32 $0x7FFFFFFF, v18;
	v17 =	vadd.f32 v20, v17  }
0x348: {  	v57 =	vld [tilespmem:$0x1FFC0];
	v3 =	vand.u32 $0x7FFFFFFF, v3;
	v15 =	vadd.f32 v15, v19;
	v7 =	vadd.f32 v18, v7  }
0x349: {  	v1 =	vand.u32 $0x7FFFFFFF, v1;
	v6 =	vadd.f32 v21, v6;
	v3 =	vadd.f32 v3, v17  }
0x34a: {  	v4 =	vand.u32 $0x7FFFFFFF, v4;
	v5 =	vadd.f32 v5, v15;
	v1 =	vadd.f32 v1, v7  }
0x34b: {  	v53 =	vld [tilespmem:$0x1FFF0];
	v0 =	vadd.f32 v24, v0;
	v3 =	vadd.f32 v4, v3;
	v4 =	vand.u32 $0x7FFFFFFF, v14  }
0x34c: {  	v2 =	vperm.xlane v5, v47;
	v4 =	vadd.f32 v4, v6;
	v7 =	vperm.xlane v1, v47  }
0x34d: {  	v31 =	vperm.xlane v13, v57;
	v14 =	vadd.f32 v23, v16;
	v6 =	vperm.xlane v3, v47  }
0x34e: {  	v2 =	vadd.f32 v5, v2;
	v5 =	vperm.xlane v4, v47;
	v1 =	vadd.f32 v1, v7  }
0x34f: {  	v3 =	vadd.f32 v3, v6;
	v6 =	vperm.xlane v0, v47;
	v7 =	vperm.xlane v14, v47  }
0x350: {  	v15 =	vperm.xlane v2, v53;
	v4 =	vadd.f32 v4, v5;
	v16 =	vperm.xlane v1, v53  }
0x351: {  	v5 =	vperm.xlane v3, v53;
	v0 =	vadd.f32 v0, v6;
	v6 =	vadd.f32 v14, v7  }
0x352: {  	v2 =	vadd.f32 v2, v15;
	v7 =	vperm.xlane v4, v53;
	v1 =	vadd.f32 v1, v16  }
0x353: {  	v33 =	vld [tilespmem:$0x1FFD0];
	v3 =	vadd.f32 v3, v5;
	v5 =	vperm.xlane v0, v53;
	v14 =	vperm.xlane v6, v53  }
0x354: {  	v15 =	vperm.xlane v2, v57;
	v4 =	vadd.f32 v4, v7;
	v16 =	vperm.xlane v1, v57  }
0x355: {  	v7 =	vperm.xlane v3, v57;
	v0 =	vadd.f32 v0, v5;
	v5 =	vadd.f32 v6, v14  }
0x356: {  	v2 =	vadd.f32 v2, v15;
	v6 =	vperm.xlane v4, v57;
	v1 =	vadd.f32 v1, v16  }
0x357: {  	v3 =	vadd.f32 v3, v7;
	v7 =	vperm.xlane v0, v57;
	v14 =	vperm.xlane v5, v57  }
0x358: {  	v15 =	vperm.xlane v2, v33;
	v4 =	vadd.f32 v4, v6;
	v16 =	vperm.xlane v1, v33  }
0x359: {  	v6 =	vperm.xlane v3, v33;
	v0 =	vadd.f32 v0, v7;
	v5 =	vadd.f32 v5, v14  }
0x35a: {  	v2 =	vadd.f32 v2, v15;
	v7 =	vperm.xlane v4, v33;
	v1 =	vadd.f32 v1, v16  }
0x35b: {  	v13 =	vadd.f32 v13, v31;
	v3 =	vadd.f32 v3, v6;
	v6 =	vperm.xlane v0, v33  }
0x35c: {  	v1 =	vsel vm0, v2, v1;
	v2 =	vadd.f32 v4, v7;
	v4 =	vperm.xlane v5, v33  }
0x35d: {  	v0 =	vadd.f32 v0, v6;
	v1 =	vsel vm1, v1, v3;
	v3 =	vperm.xlane v13, v33  }
0x35e: {  	v1 =	vsel vm2, v1, v2;
	v2 =	vadd.f32 v5, v4;
	v4 =	vperm.xlane v12, v33  }
0x35f: {  	v0 =	vsel vm3, v1, v0;
	v1 =	vadd.f32 v13, v3;
	v3 =	vperm.xlane v11, v33  }
0x360: {  	v6 =	vld [tilespmem:$0x1FDF0];
	v0 =	vsel vm4, v0, v2;
	v2 =	vadd.f32 v12, v4;
	v4 =	vperm.xlane v10, v33  }
0x361: {  	v5 =	vld [tilespmem:$0x1FDB0];
	v0 =	vsel vm5, v0, v1;
	v1 =	vadd.f32 v11, v3;
	v3 =	vperm.xlane v9, v33  }
0x362: {  	v0 =	vsel vm6, v0, v2;
	v2 =	vadd.f32 v10, v4;
	v4 =	vperm.xlane v8, v33  }
0x363: {  	v0 =	vsel vm7, v0, v1;
	v1 =	vadd.f32 v9, v3;
	v3 =	vperm.xlane v62, v33  }
0x364: {  	v0 =	vsel vm8, v0, v2;
	v2 =	vadd.f32 v8, v4;
	v4 =	vperm.xlane v40, v33  }
0x365: {  	v0 =	vsel vm9, v0, v1;
	v1 =	vadd.f32 v62, v3;
	v3 =	vperm.xlane v6, v33  }
0x366: {  	v0 =	vsel vm10, v0, v2;
	v2 =	vadd.f32 v40, v4;
	v4 =	vperm.xlane v5, v33  }
0x367: {  	v0 =	vsel vm11, v0, v1;
	v1 =	vadd.f32 v6, v3  }
0x368: {  	v0 =	vsel vm12, v0, v2;
	v2 =	vadd.f32 v5, v4  }
0x369: {  	v0 =	vsel vm13, v0, v1  }
0x36a: {  	s15 =	sadd.s32 $0x10, s15;
	p0 =	seq.s32 s17, $0x3;
	v0 =	vsel vm14, v0, v2  }
0x36b: {  	s23 =	simm.s32 @!p0 $0xC00;
	s21 =	simm.s32 @!p0 $0x80;
	[tilespmem:s15+$0x0] =	vst v0;
	s15 =	sadd.s32 @!p0 $0x100, s19  }
0x36c: {  	[tilespmem:s23], [sflag:$0x1] =	stream.indirect.gather @!p0 [hbm4b:s3+s21], $0x80, s15, s21, $0xb8;
	[tilespmem:$0x19000] =	vst v63  }
0x36d: {  	s15 =	sadd.s32 @!p0 $0x500, s19;
	s23 =	simm.s32 @!p0 $0x4C00  }
0x36e: {  	[tilespmem:s23], [sflag:$0x1] =	stream.indirect.gather @!p0 [hbm4b:s3+s21], $0x80, s15, s21, $0xb8;
	[tilespmem:$0x19000] =	vst v63  }
0x36f: {  	s15 =	sadd.s32 @!p0 $0x900, s19;
	s19 =	simm.s32 @!p0 $0x8C00  }
0x370: {  	[tilespmem:s19], [sflag:$0x1] =	stream.indirect.gather @!p0 [hbm4b:s4+s21], $0x80, s15, s21, $0xb8;
	[tilespmem:$0x19000] =	vst v63  }
0x371: {  	_ =	swait.ge [sflag:s29], $0x4000  }
0x372: {  	[sflag:s29] =	ssyncset.done $0x0  }
0x373: {  	[sflag:s29] =	ssyncadd.s32 $0xFFFFC000  }
0x374: {  	_ =	swait.ge [sflag:s29], $0x4000  }
0x375: {  	[sflag:s29] =	ssyncset.done $0x0  }
0x376: {  	[sflag:s29] =	ssyncadd.s32 $0xFFFFC000  }
0x377: {  	_ =	swait.ge [sflag:s29], $0x4000  }
0x378: {  	[sflag:s29] =	ssyncset.done $0x0  }
0x379: {  	s23 =	simm.s32 $0x0;
	[sflag:s29] =	ssyncadd.s32 $0xFFFFC000  }
0x37a: {  	v56 =	vld [tilespmem:s23+$0x113B0]  }
0x37b: {  	v63 =	vld [tilespmem:s23+$0x11330]  }
0x37c: {  	v7 =	vld [tilespmem:s23+$0x113A0]  }
0x37d: {  	v8 =	vld [tilespmem:s23+$0xD3B0]  }
0x37e: {  	v14 =	vld [tilespmem:s23+$0x153B0]  }
0x37f: {  	v0 =	vld [tilespmem:s23+$0x112B0]  }
0x380: {  	v28 =	vld [tilespmem:s23+$0x11320]  }
0x381: {  	v16 =	vld [tilespmem:s23+$0xD330]  }
0x382: {  	v20 =	vld [tilespmem:s23+$0x15330]  }
0x383: {  	v25 =	vld [tilespmem:s23+$0x11380]  }
0x384: {  	v32 =	vld [tilespmem:s23+$0x11390]  }
0x385: {  	v31 =	vld [tilespmem:s23+$0xD3A0]  }
0x386: {  	v35 =	vld [tilespmem:s23+$0x153A0];
	[tilespmem:$0x1F530] =	vst v0  }
0x387: {  	v0 =	vld [tilespmem:s23+$0x11230]  }
0x388: {  	v37 =	vld [tilespmem:s23+$0x112A0]  }
0x389: {  	v39 =	vld [tilespmem:s23+$0xD2B0]  }
0x38a: {  	v40 =	vld [tilespmem:s23+$0x152B0]  }
0x38b: {  	v44 =	vld [tilespmem:s23+$0x11300]  }
0x38c: {  	v48 =	vld [tilespmem:s23+$0x11310]  }
0x38d: {  	v52 =	vld [tilespmem:s23+$0xD320]  }
0x38e: {  	v62 =	vld [tilespmem:s23+$0x15320]  }
0x38f: {  	v15 =	vld [tilespmem:s23+$0xD380]  }
0x390: {  	v38 =	vld [tilespmem:s23+$0x15380]  }
0x391: {  	v54 =	vld [tilespmem:s23+$0xD390]  }
0x392: {  	v55 =	vld [tilespmem:s23+$0x15390]  }
0x393: {  	v29 =	vld [tilespmem:s23+$0xD230]  }
0x394: {  	v27 =	vld [tilespmem:s23+$0x15230]  }
0x395: {  	v21 =	vld [tilespmem:s23+$0x11280]  }
0x396: {  	v19 =	vld [tilespmem:s23+$0x11290]  }
0x397: {  	v17 =	vld [tilespmem:s23+$0xD2A0]  }
0x398: {  	v13 =	vld [tilespmem:s23+$0x152A0]  }
0x399: {  	v2 =	vld [tilespmem:s23+$0xD300]  }
0x39a: {  	v1 =	vld [tilespmem:s23+$0x15300]  }
0x39b: {  	v9 =	vld [tilespmem:s23+$0xD310]  }
0x39c: {  	v3 =	vld [tilespmem:s23+$0x11130]  }
0x39d: {  	v43 =	vld [tilespmem:s23+$0xD1B0]  }
0x39e: {  	v46 =	vld [tilespmem:s23+$0x151B0]  }
0x39f: {  	v51 =	vld [tilespmem:s23+$0x11200]  }
0x3a0: {  	v36 =	vld [tilespmem:s23+$0x11210]  }
0x3a1: {  	v34 =	vld [tilespmem:s23+$0xD220]  }
0x3a2: {  	v30 =	vld [tilespmem:s23+$0x15220]  }
0x3a3: {  	v6 =	vld [tilespmem:s23+$0xD280]  }
0x3a4: {  	v5 =	vld [tilespmem:s23+$0x15280]  }
0x3a5: {  	v4 =	vld [tilespmem:s23+$0xD290]  }
0x3a6: {  	v10 =	vld [tilespmem:s23+$0x110B0]  }
0x3a7: {  	v49 =	vld [tilespmem:s23+$0x11180]  }
0x3a8: {  	v45 =	vld [tilespmem:s23+$0x11190]  }
0x3a9: {  	v42 =	vld [tilespmem:s23+$0xD1A0]  }
0x3aa: {  	v41 =	vld [tilespmem:s23+$0x151A0]  }
0x3ab: {  	v18 =	vld [tilespmem:s23+$0xD200]  }
0x3ac: {  	v11 =	vld [tilespmem:s23+$0x15200]  }
0x3ad: {  	v12 =	vld [tilespmem:s23+$0xD210]  }
0x3ae: {  	v22 =	vld [tilespmem:s23+$0x11030]  }
0x3af: {  	v26 =	vld [tilespmem:s23+$0xD180]  }
0x3b0: {  	v23 =	vld [tilespmem:s23+$0x15180]  }
0x3b1: {  	v24 =	vld [tilespmem:s23+$0xD190]  }
0x3b2: {  	v50 =	vld [tilespmem:s23+$0x10FB0]  }
0x3b3: {  	v59 =	vld [tilespmem:s23+$0x11020]  }
0x3b4: {  	v60 =	vld [tilespmem:s23+$0xD030]  }
0x3b5: {  	v61 =	vld [tilespmem:s23+$0x15030]  }
0x3b6: {  	v58 =	vld [tilespmem:s23+$0x11080]  }
0x3b7: {  	v35 =	vadd.f32 v35, v31;
	v14 =	vadd.f32 v14, v8;
	v31 =	vld [tilespmem:s23+$0xCFB0]  }
0x3b8: {  	v8 =	vld [tilespmem:s23+$0x15090]  }
0x3b9: {  	v14 =	vsub.f32 v14, v56;
	v56 =	vld [tilespmem:s23+$0xD090]  }
0x3ba: {  	[tilespmem:$0x1F540] =	vst v0;
	v0 =	vld [tilespmem:s23+$0x111B0]  }
0x3bb: {  	[tilespmem:$0x1F610] =	vst v3;
	v3 =	vld [tilespmem:s23+$0x111A0]  }
0x3bc: {  	[tilespmem:$0x1F620] =	vst v10;
	v10 =	vld [tilespmem:s23+$0x11120]  }
0x3bd: {  	[tilespmem:$0x1F6A0] =	vst v22;
	v22 =	vld [tilespmem:s23+$0x110A0]  }
0x3be: {  	[tilespmem:$0x1F6B0] =	vst v59;
	v59 =	vld [tilespmem:s23+$0x11090]  }
0x3bf: {  	[tilespmem:$0x1F670] =	vst v60;
	v60 =	vld [tilespmem:s23+$0xD0A0]  }
0x3c0: {  	[tilespmem:$0x1F680] =	vst v61;
	v61 =	vld [tilespmem:s23+$0x150A0]  }
0x3c1: {  	[tilespmem:$0x1F650] =	vst v58;
	v58 =	vld [tilespmem:s23+$0xD110]  }
0x3c2: {  	[tilespmem:$0x1F6D0] =	vst v50;
	v50 =	vld [tilespmem:s23+$0x10F30]  }
0x3c3: {  	v38 =	vadd.f32 v38, v15;
	v15 =	vld [tilespmem:s23+$0x10FA0]  }
0x3c4: {  	v1 =	vadd.f32 v1, v2;
	[tilespmem:$0x1F570] =	vst v0;
	v0 =	vld [tilespmem:s23+$0x11220]  }
0x3c5: {  	v54 =	vadd.f32 v55, v54;
	v2 =	vadd.f32 v62, v52;
	v52 =	vld [tilespmem:s23+$0x14FA0]  }
0x3c6: {  	v1 =	vsub.f32 v1, v44;
	v44 =	vadd.f32 v40, v39;
	v39 =	vld [tilespmem:s23+$0x10F80]  }
0x3c7: {  	v25 =	vsub.f32 v38, v25;
	v40 =	vld [tilespmem:s23+$0x10F90]  }
0x3c8: {  	[tilespmem:$0x1F6E0] =	vst v50;
	v50 =	vsub.f32 v54, v32;
	v54 =	vsub.f32 v35, v7;
	v7 =	vld [tilespmem:s23+$0x10EB0]  }
0x3c9: {  	[tilespmem:$0x1F550] =	vst v0;
	v0 =	vld [tilespmem:s23+$0x15310]  }
0x3ca: {  	v55 =	vand.u32 $0x7FFFFFFF, v25;
	v25 =	vld [tilespmem:s23+$0x11010]  }
0x3cb: {  	[tilespmem:$0x1F560] =	vst v3;
	v3 =	vld [tilespmem:s23+$0x15290]  }
0x3cc: {  	[tilespmem:$0x1F600] =	vst v10;
	v10 =	vld [tilespmem:s23+$0xD130]  }
0x3cd: {  	[tilespmem:$0x1F690] =	vst v22;
	v22 =	vld [tilespmem:s23+$0xD0B0]  }
0x3ce: {  	[tilespmem:$0x1F6F0] =	vst v7;
	v7 =	vld [tilespmem:s23+$0x10E30];
	v0 =	vadd.f32 v0, v9  }
0x3cf: {  	[tilespmem:$0x1F660] =	vst v59;
	v59 =	vld [tilespmem:s23+$0xD100]  }
0x3d0: {  	[tilespmem:$0x1F640] =	vst v61;
	v61 =	vld [tilespmem:s23+$0x15100];
	v0 =	vsub.f32 v0, v48  }
0x3d1: {  	v2 =	vsub.f32 v2, v28;
	v1 =	vand.u32 $0x7FFFFFFF, v1;
	[tilespmem:$0x1F630] =	vst v60;
	v60 =	vld [tilespmem:s23+$0x15110];
	v38 =	vand.u32 $0x7FFFFFFF, v50  }
0x3d2: {  	v50 =	vadd.f32 v38, v55;
	[tilespmem:$0x1F5E0] =	vst v22;
	v22 =	vld [tilespmem:s23+$0x150B0];
	v3 =	vadd.f32 v3, v4;
	v0 =	vand.u32 $0x7FFFFFFF, v0  }
0x3d3: {  	v54 =	vand.u32 $0x7FFFFFFF, v54;
	[tilespmem:$0x1F700] =	vst v7;
	v7 =	vld [tilespmem:$0x1F530];
	v0 =	vadd.f32 v0, v1;
	v1 =	vadd.f32 v5, v6  }
0x3d4: {  	v2 =	vand.u32 $0x7FFFFFFF, v2;
	v32 =	vld [tilespmem:s23+$0x14FB0];
	v50 =	vadd.f32 v54, v50;
	v3 =	vsub.f32 v3, v19  }
0x3d5: {  	v14 =	vand.u32 $0x7FFFFFFF, v14;
	[tilespmem:$0x1F6C0] =	vst v15;
	v15 =	vld [tilespmem:s23+$0x11000];
	v2 =	vadd.f32 v2, v0;
	v0 =	vsub.f32 v1, v21  }
0x3d6: {  	v20 =	vadd.f32 v20, v16;
	v35 =	vld [tilespmem:s23+$0xD020];
	v14 =	vadd.f32 v14, v50  }
0x3d7: {  	v4 =	vadd.f32 v13, v17;
	v3 =	vand.u32 $0x7FFFFFFF, v3;
	[tilespmem:$0x1F5F0] =	vst v22;
	v22 =	vld [tilespmem:s23+$0x11100];
	v13 =	vand.u32 $0x7FFFFFFF, v0  }
0x3d8: {  	v16 =	vperm.xlane v14, v47;
	v3 =	vadd.f32 v3, v13;
	v13 =	vsub.f32 v44, v7;
	v7 =	vld [tilespmem:$0x1F540]  }
0x3d9: {  	v38 =	vld [tilespmem:s23+$0x15020]  }
0x3da: {  	[tilespmem:$0x1F580] =	vst v10;
	v10 =	vld [tilespmem:s23+$0x15130];
	v62 =	vadd.f32 v14, v16  }
0x3db: {  	v55 =	vld [tilespmem:s23+$0x15080];
	v5 =	vadd.f32 v27, v29  }
0x3dc: {  	v20 =	vsub.f32 v20, v63;
	v63 =	vperm.xlane v62, v53;
	[tilespmem:$0x1F5C0] =	vst v22;
	v22 =	vld [tilespmem:s23+$0x11110]  }
0x3dd: {  	v17 =	vsub.f32 v5, v7;
	v5 =	vld [tilespmem:s23+$0x10EA0]  }
0x3de: {  	v54 =	vld [tilespmem:s23+$0xD080];
	v28 =	vadd.f32 v62, v63  }
0x3df: {  	[tilespmem:$0x1F590] =	vst v10;
	v10 =	vld [tilespmem:s23+$0x15210];
	v6 =	vand.u32 $0x7FFFFFFF, v20  }
0x3e0: {  	v4 =	vsub.f32 v4, v37;
	v37 =	vld [tilespmem:s23+$0x10E90];
	v2 =	vadd.f32 v6, v2;
	v6 =	vperm.xlane v28, v57  }
0x3e1: {  	v19 =	vadd.f32 v41, v42;
	v41 =	vld [tilespmem:s23+$0x10D30];
	[tilespmem:$0x1F5D0] =	vst v22  }
0x3e2: {  	v22 =	vld [tilespmem:s23+$0xD120];
	[tilespmem:$0x1F710] =	vst v5;
	v5 =	vadd.f32 v28, v6  }
0x3e3: {  	v42 =	vld [tilespmem:s23+$0xCDB0]  }
0x3e4: {  	v4 =	vand.u32 $0x7FFFFFFF, v4;
	v9 =	vld [tilespmem:s23+$0x10F20];
	[tilespmem:$0x1F740] =	vst v5;
	v5 =	vadd.f32 v10, v12  }
0x3e5: {  	v14 =	vld [tilespmem:s23+$0xCF30];
	v3 =	vadd.f32 v4, v3  }
0x3e6: {  	v4 =	vadd.f32 v11, v18;
	v12 =	vsub.f32 v5, v36;
	v5 =	vld [tilespmem:$0x1F550]  }
0x3e7: {  	[tilespmem:$0x1F5A0] =	vst v22;
	v22 =	vld [tilespmem:s23+$0x15120]  }
0x3e8: {  	v16 =	vld [tilespmem:s23+$0x14F30];
	v4 =	vsub.f32 v4, v51;
	v7 =	vand.u32 $0x7FFFFFFF, v13  }
0x3e9: {  	v48 =	vld [tilespmem:s23+$0xCFA0];
	v3 =	vadd.f32 v7, v3;
	v10 =	vadd.f32 v30, v34  }
0x3ea: {  	v62 =	vld [tilespmem:s23+$0xD000];
	v4 =	vand.u32 $0x7FFFFFFF, v4  }
0x3eb: {  	v63 =	vld [tilespmem:s23+$0x15000];
	v13 =	vperm.xlane v3, v47;
	v12 =	vand.u32 $0x7FFFFFFF, v12;
	v10 =	vsub.f32 v10, v5  }
0x3ec: {  	v7 =	vperm.xlane v2, v47;
	[tilespmem:$0x1F5B0] =	vst v22;
	v22 =	vld [tilespmem:s23+$0x15190];
	v4 =	vadd.f32 v12, v4  }
0x3ed: {  	v3 =	vadd.f32 v3, v13;
	v13 =	vadd.f32 v23, v26;
	v23 =	vld [tilespmem:$0x1F570];
	v10 =	vand.u32 $0x7FFFFFFF, v10  }
0x3ee: {  	v20 =	vld [tilespmem:s23+$0xCEB0];
	v4 =	vadd.f32 v10, v4  }
0x3ef: {  	v27 =	vld [tilespmem:s23+$0xCF00];
	v17 =	vand.u32 $0x7FFFFFFF, v17;
	v2 =	vadd.f32 v2, v7  }
0x3f0: {  	v7 =	vadd.f32 v46, v43;
	v17 =	vadd.f32 v17, v4;
	v4 =	vld [tilespmem:$0x1F560]  }
0x3f1: {  	v26 =	vld [tilespmem:$0x1F5B0];
	v18 =	vadd.f32 v22, v24  }
0x3f2: {  	v23 =	vsub.f32 v7, v23;
	v7 =	vld [tilespmem:$0x1F5A0]  }
0x3f3: {  	v29 =	vld [tilespmem:s23+$0x14F00];
	v13 =	vsub.f32 v13, v49;
	v18 =	vsub.f32 v18, v45  }
0x3f4: {  	v1 =	vld [tilespmem:s23+$0xD010]  }
0x3f5: {  	v21 =	vld [tilespmem:s23+$0x14F80];
	v13 =	vand.u32 $0x7FFFFFFF, v13;
	v18 =	vand.u32 $0x7FFFFFFF, v18;
	v19 =	vsub.f32 v19, v4  }
0x3f6: {  	v48 =	vadd.f32 v52, v48;
	v52 =	vld [tilespmem:s23+$0x14E00];
	v13 =	vadd.f32 v18, v13  }
0x3f7: {  	v26 =	vadd.f32 v26, v7;
	v7 =	vld [tilespmem:$0x1F5C0];
	v18 =	vand.u32 $0x7FFFFFFF, v19;
	v19 =	vperm.xlane v17, v47  }
0x3f8: {  	v0 =	vld [tilespmem:s23+$0x15010];
	v18 =	vadd.f32 v18, v13  }
0x3f9: {  	v44 =	vld [tilespmem:s23+$0x10F00];
	v63 =	vadd.f32 v63, v62;
	v17 =	vadd.f32 v17, v19;
	v19 =	vand.u32 $0x7FFFFFFF, v23  }
0x3fa: {  	v62 =	vld [tilespmem:$0x1F6D0];
	v18 =	vadd.f32 v19, v18;
	v19 =	vadd.f32 v61, v59  }
0x3fb: {  	v11 =	vld [tilespmem:s23+$0x14EB0]  }
0x3fc: {  	v27 =	vadd.f32 v29, v27;
	v19 =	vsub.f32 v19, v7;
	v7 =	vld [tilespmem:$0x1F5D0]  }
0x3fd: {  	v51 =	vld [tilespmem:s23+$0xCF20];
	v0 =	vadd.f32 v0, v1  }
0x3fe: {  	v27 =	vsub.f32 v27, v44;
	v44 =	vld [tilespmem:s23+$0x10CA0]  }
0x3ff: {  	v25 =	vsub.f32 v0, v25;
	v0 =	vld [tilespmem:s23+$0x10D80];
	v22 =	vperm.xlane v3, v53;
	v23 =	vadd.f32 v60, v58  }
0x400: {  	v30 =	vld [tilespmem:$0x1F5F0]  }
0x401: {  	v3 =	vadd.f32 v3, v22;
	v22 =	vperm.xlane v2, v53;
	v23 =	vsub.f32 v23, v7;
	v7 =	vld [tilespmem:$0x1F5E0]  }
0x402: {  	v11 =	vadd.f32 v11, v20;
	v20 =	vld [tilespmem:s23+$0xCC20]  }
0x403: {  	v46 =	vld [tilespmem:s23+$0xCE30];
	v2 =	vadd.f32 v2, v22;
	v22 =	vperm.xlane v3, v57  }
0x404: {  	v43 =	vld [tilespmem:s23+$0x14EA0]  }
0x405: {  	v6 =	vld [tilespmem:s23+$0x10F10];
	v3 =	vadd.f32 v3, v22  }
0x406: {  	v13 =	vperm.xlane v2, v57;
	v30 =	vadd.f32 v30, v7;
	v7 =	vld [tilespmem:$0x1F600]  }
0x407: {  	[tilespmem:$0x1F730] =	vst v3;
	v3 =	vld [tilespmem:$0x1F590]  }
0x408: {  	v13 =	vadd.f32 v2, v13;
	v2 =	vld [tilespmem:$0x1F580]  }
0x409: {  	v28 =	vld [tilespmem:s23+$0x10DB0]  }
0x40a: {  	v34 =	vld [tilespmem:s23+$0x14F10];
	v22 =	vperm.xlane v17, v53  }
0x40b: {  	v26 =	vsub.f32 v26, v7;
	v7 =	vld [tilespmem:$0x1F610]  }
0x40c: {  	v36 =	vld [tilespmem:s23+$0x10E80];
	v17 =	vadd.f32 v17, v22;
	v22 =	vperm.xlane v18, v47  }
0x40d: {  	v12 =	vld [tilespmem:s23+$0xCF80];
	v19 =	vand.u32 $0x7FFFFFFF, v19;
	v3 =	vadd.f32 v3, v2  }
0x40e: {  	v24 =	vld [tilespmem:s23+$0x14F90];
	v18 =	vadd.f32 v18, v22;
	v50 =	vperm.xlane v17, v57;
	v22 =	vand.u32 $0x7FFFFFFF, v23  }
0x40f: {  	v45 =	vld [tilespmem:s23+$0x14DB0];
	v19 =	vadd.f32 v22, v19  }
0x410: {  	v10 =	vld [tilespmem:s23+$0xCF90];
	v22 =	vadd.f32 v17, v50;
	v17 =	vand.u32 $0x7FFFFFFF, v26;
	v3 =	vsub.f32 v3, v7  }
0x411: {  	v17 =	vadd.f32 v17, v19;
	v19 =	vadd.f32 v8, v56;
	v8 =	vld [tilespmem:$0x1F640]  }
0x412: {  	v12 =	vadd.f32 v21, v12;
	v26 =	vand.u32 $0x7FFFFFFF, v3;
	v3 =	vld [tilespmem:$0x1F630]  }
0x413: {  	v5 =	vld [tilespmem:s23+$0x14F20]  }
0x414: {  	v12 =	vsub.f32 v12, v39;
	v39 =	vld [tilespmem:s23+$0x10D90]  }
0x415: {  	v4 =	vld [tilespmem:s23+$0x10E20]  }
0x416: {  	v60 =	vld [tilespmem:s23+$0xCF10]  }
0x417: {  	v10 =	vadd.f32 v24, v10;
	v59 =	vadd.f32 v8, v3;
	v3 =	vld [tilespmem:$0x1F650]  }
0x418: {  	v24 =	vld [tilespmem:s23+$0x14D30];
	v58 =	vperm.xlane v18, v53  }
0x419: {  	v10 =	vsub.f32 v10, v40;
	v40 =	vld [tilespmem:s23+$0x14DA0]  }
0x41a: {  	[tilespmem:$0x1F720] =	vst v4;
	v4 =	vld [tilespmem:s23+$0x14E30];
	v49 =	vadd.f32 v18, v58;
	v18 =	vadd.f32 v55, v54  }
0x41b: {  	v29 =	vadd.f32 v34, v60;
	v60 =	vld [tilespmem:s23+$0xCC30]  }
0x41c: {  	v18 =	vsub.f32 v18, v3;
	v3 =	vld [tilespmem:$0x1F660]  }
0x41d: {  	v34 =	vld [tilespmem:s23+$0xCCB0]  }
0x41e: {  	v2 =	vld [tilespmem:s23+$0xCEA0]  }
0x41f: {  	v23 =	vld [tilespmem:s23+$0x10DA0]  }
0x420: {  	v8 =	vld [tilespmem:$0x1F680]  }
0x421: {  	v19 =	vsub.f32 v19, v3;
	v3 =	vld [tilespmem:$0x1F670]  }
0x422: {  	v54 =	vld [tilespmem:s23+$0xCE20]  }
0x423: {  	v58 =	vadd.f32 v5, v51;
	v5 =	vsub.f32 v29, v6;
	v6 =	vld [tilespmem:$0x1F6E0]  }
0x424: {  	v51 =	vld [tilespmem:s23+$0xCD20]  }
0x425: {  	v7 =	vld [tilespmem:$0x1F620]  }
0x426: {  	v55 =	vadd.f32 v8, v3;
	v8 =	vld [tilespmem:$0x1F6A0]  }
0x427: {  	v3 =	vld [tilespmem:$0x1F690]  }
0x428: {  	v9 =	vsub.f32 v58, v9;
	v58 =	vld [tilespmem:s23+$0x14C20]  }
0x429: {  	v56 =	vld [tilespmem:s23+$0x14E20];
	v17 =	vadd.f32 v26, v17  }
0x42a: {  	v26 =	vld [tilespmem:s23+$0x10E10]  }
0x42b: {  	v30 =	vsub.f32 v30, v7;
	v61 =	vperm.xlane v17, v47;
	v55 =	vsub.f32 v55, v8;
	v8 =	vld [tilespmem:$0x1F6B0]  }
0x42c: {  	v7 =	vld [tilespmem:s23+$0x10E00];
	v18 =	vand.u32 $0x7FFFFFFF, v18;
	v19 =	vand.u32 $0x7FFFFFFF, v19;
	v50 =	vsub.f32 v59, v3  }
0x42d: {  	v18 =	vadd.f32 v19, v18;
	v19 =	vadd.f32 v38, v35;
	v38 =	vld [tilespmem:s23+$0x14E90]  }
0x42e: {  	v31 =	vadd.f32 v32, v31;
	v32 =	vadd.f32 v17, v61;
	v35 =	vld [tilespmem:s23+$0xCD30];
	v17 =	vand.u32 $0x7FFFFFFF, v50  }
0x42f: {  	v3 =	vld [tilespmem:s23+$0xCE80];
	v61 =	vadd.f32 v17, v18  }
0x430: {  	v12 =	vand.u32 $0x7FFFFFFF, v12;
	v1 =	vand.u32 $0x7FFFFFFF, v30;
	v59 =	vld [tilespmem:s23+$0x14E80];
	v30 =	vsub.f32 v19, v8  }
0x431: {  	v10 =	vand.u32 $0x7FFFFFFF, v10;
	v1 =	vadd.f32 v1, v61;
	v8 =	vsub.f32 v63, v15;
	v15 =	vld [tilespmem:$0x1F6C0]  }
0x432: {  	v14 =	vadd.f32 v16, v14;
	v25 =	vand.u32 $0x7FFFFFFF, v25;
	v10 =	vadd.f32 v10, v12;
	v50 =	vld [tilespmem:s23+$0xCE90]  }
0x433: {  	v12 =	vand.u32 $0x7FFFFFFF, v55;
	v55 =	vld [tilespmem:s23+$0xCE10];
	v8 =	vand.u32 $0x7FFFFFFF, v8;
	v61 =	vperm.xlane v1, v47  }
0x434: {  	v31 =	vsub.f32 v31, v62;
	v18 =	vld [tilespmem:s23+$0x10C30];
	v8 =	vadd.f32 v25, v8  }
0x435: {  	v27 =	vand.u32 $0x7FFFFFFF, v27;
	v17 =	vld [tilespmem:s23+$0x10CB0];
	v25 =	vand.u32 $0x7FFFFFFF, v30;
	v1 =	vadd.f32 v1, v61  }
0x436: {  	v5 =	vand.u32 $0x7FFFFFFF, v5;
	v19 =	vld [tilespmem:s23+$0x10D20];
	v15 =	vsub.f32 v48, v15;
	v8 =	vadd.f32 v25, v8  }
0x437: {  	v21 =	vperm.xlane v49, v57;
	v5 =	vadd.f32 v5, v27;
	v38 =	vadd.f32 v38, v50;
	v50 =	vld [tilespmem:s23+$0xCC80]  }
0x438: {  	v30 =	vld [tilespmem:s23+$0xCDA0];
	v15 =	vand.u32 $0x7FFFFFFF, v15;
	v8 =	vadd.f32 v12, v8;
	v12 =	vperm.xlane v1, v53  }
0x439: {  	v31 =	vand.u32 $0x7FFFFFFF, v31;
	v14 =	vsub.f32 v14, v6;
	v25 =	vld [tilespmem:s23+$0xCE00];
	v15 =	vadd.f32 v15, v10  }
0x43a: {  	v9 =	vand.u32 $0x7FFFFFFF, v9;
	v10 =	vadd.f32 v49, v21;
	v21 =	vld [tilespmem:s23+$0x14E10];
	v1 =	vadd.f32 v1, v12  }
0x43b: {  	v5 =	vadd.f32 v9, v5;
	v14 =	vand.u32 $0x7FFFFFFF, v14;
	v63 =	vperm.xlane v32, v53;
	v48 =	vld [tilespmem:s23+$0x10D00]  }
0x43c: {  	v49 =	vld [tilespmem:s23+$0xCD80];
	v15 =	vadd.f32 v31, v15;
	v31 =	vperm.xlane v8, v47;
	v9 =	vperm.xlane v1, v57  }
0x43d: {  	v14 =	vadd.f32 v14, v5;
	v32 =	vadd.f32 v32, v63;
	v12 =	vld [tilespmem:s23+$0x10C20]  }
0x43e: {  	v8 =	vadd.f32 v8, v31;
	v31 =	vld [tilespmem:s23+$0x14C30];
	v29 =	vperm.xlane v15, v47;
	v5 =	vadd.f32 v1, v9  }
0x43f: {  	v1 =	vadd.f32 v4, v46;
	v4 =	vld [tilespmem:$0x1F6F0];
	v21 =	vadd.f32 v21, v55  }
0x440: {  	v46 =	vld [tilespmem:s23+$0x14D90];
	v16 =	vperm.xlane v8, v53;
	v15 =	vadd.f32 v15, v29  }
0x441: {  	v27 =	vperm.xlane v32, v57;
	v29 =	vld [tilespmem:s23+$0x14CB0];
	v21 =	vsub.f32 v21, v26;
	v26 =	vadd.f32 v40, v30  }
0x442: {  	v30 =	vld [tilespmem:s23+$0x14C00];
	v61 =	vperm.xlane v15, v53;
	v16 =	vadd.f32 v8, v16  }
0x443: {  	v8 =	vadd.f32 v32, v27;
	v27 =	vld [tilespmem:s23+$0x14D20];
	v23 =	vsub.f32 v26, v23  }
0x444: {  	v26 =	vadd.f32 v31, v60;
	v15 =	vadd.f32 v15, v61;
	v61 =	vld [tilespmem:s23+$0x14D80]  }
0x445: {  	v32 =	vperm.xlane v16, v57;
	v11 =	vsub.f32 v11, v4;
	v4 =	vld [tilespmem:$0x1F700]  }
0x446: {  	v42 =	vadd.f32 v45, v42;
	v18 =	vsub.f32 v26, v18;
	v26 =	vld [tilespmem:s23+$0x14C80]  }
0x447: {  	v6 =	vadd.f32 v16, v32;
	v16 =	vld [tilespmem:s23+$0xCD90]  }
0x448: {  	v28 =	vsub.f32 v42, v28;
	v32 =	vadd.f32 v59, v3;
	v3 =	vld [tilespmem:$0x1F710]  }
0x449: {  	v2 =	vadd.f32 v43, v2;
	v24 =	vadd.f32 v24, v35;
	v62 =	vperm.xlane v15, v57;
	v59 =	vld [tilespmem:s23+$0x14D00]  }
0x44a: {  	v20 =	vadd.f32 v58, v20;
	v27 =	vadd.f32 v27, v51;
	v51 =	vld [tilespmem:s23+$0x10C80]  }
0x44b: {  	v24 =	vsub.f32 v24, v41;
	v63 =	vperm.xlane v14, v47;
	v9 =	vadd.f32 v15, v62;
	v15 =	vld [tilespmem:s23+$0x10C00]  }
0x44c: {  	v32 =	vsub.f32 v32, v36;
	v36 =	vld [tilespmem:s23+$0xCCA0];
	v43 =	vsub.f32 v1, v4  }
0x44d: {  	v1 =	vadd.f32 v14, v63;
	v63 =	vadd.f32 v56, v54;
	v54 =	vld [tilespmem:s23+$0x14CA0]  }
0x44e: {  	v37 =	vsub.f32 v38, v37;
	v2 =	vsub.f32 v2, v3;
	v3 =	vld [tilespmem:$0x1F720]  }
0x44f: {  	v25 =	vadd.f32 v52, v25;
	v12 =	vsub.f32 v20, v12;
	v56 =	vld [tilespmem:s23+$0xCD00]  }
0x450: {  	v29 =	vadd.f32 v29, v34;
	v31 =	vadd.f32 v61, v49;
	v49 =	vld [tilespmem:s23+$0x14C10];
	v62 =	vperm.xlane v1, v53  }
0x451: {  	v19 =	vsub.f32 v27, v19;
	v27 =	vld [tilespmem:s23+$0x14C90];
	v16 =	vadd.f32 v46, v16  }
0x452: {  	v37 =	vand.u32 $0x7FFFFFFF, v37;
	v0 =	vsub.f32 v31, v0;
	v31 =	vld [tilespmem:s23+$0xCC90];
	v1 =	vadd.f32 v1, v62  }
0x453: {  	v21 =	vand.u32 $0x7FFFFFFF, v21;
	v62 =	vld [tilespmem:s23+$0xCD10];
	v4 =	vsub.f32 v63, v3;
	v3 =	vsub.f32 v25, v7  }
0x454: {  	v17 =	vsub.f32 v29, v17;
	v32 =	vand.u32 $0x7FFFFFFF, v32;
	v16 =	vsub.f32 v16, v39;
	v25 =	vld [tilespmem:s23+$0x14D10]  }
0x455: {  	v32 =	vadd.f32 v37, v32;
	v0 =	vand.u32 $0x7FFFFFFF, v0;
	v63 =	vld [tilespmem:s23+$0xCC00];
	v3 =	vand.u32 $0x7FFFFFFF, v3  }
0x456: {  	v29 =	vadd.f32 v54, v36;
	v16 =	vand.u32 $0x7FFFFFFF, v16;
	v3 =	vadd.f32 v21, v3;
	v21 =	vld [tilespmem:s23+$0xCC10]  }
0x457: {  	v2 =	vand.u32 $0x7FFFFFFF, v2;
	v52 =	vadd.f32 v59, v56;
	v0 =	vadd.f32 v16, v0;
	v16 =	vld [tilespmem:s23+$0x10C90]  }
0x458: {  	v12 =	vand.u32 $0x7FFFFFFF, v12;
	v14 =	vld [tilespmem:s23+$0x10C10];
	v26 =	vadd.f32 v26, v50;
	v2 =	vadd.f32 v2, v32  }
0x459: {  	v11 =	vand.u32 $0x7FFFFFFF, v11;
	v54 =	vld [tilespmem:s23+$0x10D10];
	v20 =	vsub.f32 v29, v44;
	v29 =	vsub.f32 v52, v48  }
0x45a: {  	v18 =	vand.u32 $0x7FFFFFFF, v18;
	v27 =	vadd.f32 v27, v31;
	v30 =	vadd.f32 v30, v63  }
0x45b: {  	v17 =	vand.u32 $0x7FFFFFFF, v17;
	v25 =	vadd.f32 v25, v62;
	v21 =	vadd.f32 v49, v21  }
0x45c: {  	v55 =	vand.u32 $0x7FFFFFFF, v43;
	v16 =	vsub.f32 v27, v16;
	v15 =	vsub.f32 v30, v15  }
0x45d: {  	v14 =	vsub.f32 v21, v14;
	v21 =	vand.u32 $0x7FFFFFFF, v23;
	v23 =	vsub.f32 v26, v51  }
0x45e: {  	v25 =	vsub.f32 v25, v54;
	v16 =	vand.u32 $0x7FFFFFFF, v16;
	v15 =	vand.u32 $0x7FFFFFFF, v15  }
0x45f: {  	v26 =	vand.u32 $0x7FFFFFFF, v29;
	v14 =	vand.u32 $0x7FFFFFFF, v14;
	v23 =	vand.u32 $0x7FFFFFFF, v23  }
0x460: {  	v14 =	vadd.f32 v14, v15;
	v15 =	vadd.f32 v16, v23;
	v16 =	vand.u32 $0x7FFFFFFF, v25  }
0x461: {  	v56 =	vperm.xlane v1, v57;
	v20 =	vand.u32 $0x7FFFFFFF, v20;
	v16 =	vadd.f32 v16, v26  }
0x462: {  	v12 =	vadd.f32 v12, v14;
	v14 =	vadd.f32 v20, v15;
	v15 =	vand.u32 $0x7FFFFFFF, v19  }
0x463: {  	v4 =	vand.u32 $0x7FFFFFFF, v4;
	v0 =	vadd.f32 v21, v0;
	v15 =	vadd.f32 v15, v16  }
0x464: {  	v16 =	vand.u32 $0x7FFFFFFF, v24;
	v12 =	vadd.f32 v18, v12;
	v14 =	vadd.f32 v17, v14  }
0x465: {  	v3 =	vadd.f32 v4, v3;
	v15 =	vadd.f32 v16, v15;
	v16 =	vand.u32 $0x7FFFFFFF, v28  }
0x466: {  	v4 =	vperm.xlane v12, v47;
	v17 =	vperm.xlane v14, v47;
	v0 =	vadd.f32 v16, v0  }
0x467: {  	v2 =	vadd.f32 v11, v2;
	v3 =	vadd.f32 v55, v3;
	v16 =	vperm.xlane v15, v47  }
0x468: {  	v4 =	vadd.f32 v12, v4;
	v11 =	vadd.f32 v14, v17;
	v12 =	vperm.xlane v0, v47  }
0x469: {  	v14 =	vadd.f32 v15, v16;
	v15 =	vperm.xlane v3, v47;
	v16 =	vperm.xlane v2, v47  }
0x46a: {  	v17 =	vperm.xlane v4, v53;
	v18 =	vperm.xlane v11, v53;
	v0 =	vadd.f32 v0, v12  }
0x46b: {  	v12 =	vperm.xlane v14, v53;
	v3 =	vadd.f32 v3, v15;
	v2 =	vadd.f32 v2, v16  }
0x46c: {  	v4 =	vadd.f32 v4, v17;
	v11 =	vadd.f32 v11, v18;
	v15 =	vperm.xlane v0, v53  }
0x46d: {  	v12 =	vadd.f32 v14, v12;
	v14 =	vperm.xlane v3, v53;
	v16 =	vperm.xlane v2, v53  }
0x46e: {  	v17 =	vperm.xlane v4, v57;
	v18 =	vperm.xlane v11, v57;
	v0 =	vadd.f32 v0, v15  }
0x46f: {  	v15 =	vperm.xlane v12, v57;
	v3 =	vadd.f32 v3, v14;
	v2 =	vadd.f32 v2, v16  }
0x470: {  	v4 =	vadd.f32 v4, v17;
	v11 =	vadd.f32 v11, v18;
	v14 =	vperm.xlane v0, v57  }
0x471: {  	v12 =	vadd.f32 v12, v15;
	v15 =	vperm.xlane v3, v57;
	v16 =	vperm.xlane v2, v57  }
0x472: {  	v17 =	vperm.xlane v4, v33;
	v18 =	vperm.xlane v11, v33;
	v0 =	vadd.f32 v0, v14  }
0x473: {  	v14 =	vperm.xlane v12, v33;
	v3 =	vadd.f32 v3, v15;
	v2 =	vadd.f32 v2, v16  }
0x474: {  	v4 =	vadd.f32 v4, v17;
	v11 =	vadd.f32 v11, v18;
	v15 =	vperm.xlane v0, v33  }
0x475: {  	v1 =	vadd.f32 v1, v56;
	v12 =	vadd.f32 v12, v14;
	v14 =	vperm.xlane v3, v33  }
0x476: {  	v4 =	vsel vm0, v4, v11;
	v0 =	vadd.f32 v0, v15;
	v11 =	vperm.xlane v2, v33  }
0x477: {  	v4 =	vsel vm1, v4, v12;
	v3 =	vadd.f32 v3, v14;
	v12 =	vperm.xlane v1, v33  }
0x478: {  	v0 =	vsel vm2, v4, v0;
	v2 =	vadd.f32 v2, v11;
	v4 =	vperm.xlane v9, v33  }
0x479: {  	v0 =	vsel vm3, v0, v3;
	v1 =	vadd.f32 v1, v12  }
0x47a: {  	v0 =	vsel vm4, v0, v2;
	v2 =	vadd.f32 v9, v4;
	v4 =	vperm.xlane v5, v33  }
0x47b: {  	v0 =	vsel vm5, v0, v1  }
0x47c: {  	v3 =	vperm.xlane v6, v33;
	v0 =	vsel vm6, v0, v2;
	v2 =	vadd.f32 v5, v4;
	v5 =	vld [tilespmem:$0x1F730];
	_ =	sdelay $0x1  }
0x47d: {  	v1 =	vadd.f32 v6, v3;
	v3 =	vperm.xlane v8, v33  }
0x47e: {  	v4 =	vperm.xlane v10, v33  }
0x47f: {  	v0 =	vsel vm7, v0, v1;
	v1 =	vadd.f32 v8, v3  }
0x480: {  	v0 =	vsel vm8, v0, v2;
	v2 =	vadd.f32 v10, v4;
	v4 =	vperm.xlane v5, v33  }
0x481: {  	v0 =	vsel vm9, v0, v1  }
0x482: {  	v0 =	vsel vm10, v0, v2;
	v2 =	vadd.f32 v5, v4;
	v5 =	vld [tilespmem:$0x1F740];
	_ =	sdelay $0x1  }
0x483: {  	v3 =	vperm.xlane v22, v33;
	_ =	sdelay $0x1  }
0x484: {  	v1 =	vadd.f32 v22, v3;
	v3 =	vperm.xlane v13, v33  }
0x485: {  	v4 =	vperm.xlane v5, v33  }
0x486: {  	v0 =	vsel vm11, v0, v1;
	v1 =	vadd.f32 v13, v3  }
0x487: {  	v0 =	vsel vm12, v0, v2;
	v2 =	vadd.f32 v5, v4  }
0x488: {  	v0 =	vsel vm13, v0, v1  }
0x489: {  	v0 =	vsel vm14, v0, v2  }
0x48a: {  	s19 =	simm.s32 $0x800;
	[tilespmem:s2+$0x0] =	vst v0  }
0x48b: {  	v54 =	vld [tilespmem:s19+$0x113B0]  }
0x48c: {  	v32 =	vld [tilespmem:s19+$0x11330]  }
0x48d: {  	v8 =	vld [tilespmem:s19+$0x113A0]  }
0x48e: {  	v7 =	vld [tilespmem:s19+$0xD3B0]  }
0x48f: {  	v10 =	vld [tilespmem:s19+$0x153B0]  }
0x490: {  	v46 =	vld [tilespmem:s19+$0x112B0]  }
0x491: {  	v29 =	vld [tilespmem:s19+$0x11320]  }
0x492: {  	v56 =	vld [tilespmem:s19+$0xD330]  }
0x493: {  	v12 =	vld [tilespmem:s19+$0x15330]  }
0x494: {  	v13 =	vld [tilespmem:s19+$0x11380]  }
0x495: {  	v26 =	vld [tilespmem:s19+$0x11390]  }
0x496: {  	v15 =	vld [tilespmem:s19+$0xD3A0]  }
0x497: {  	v30 =	vld [tilespmem:s19+$0x153A0]  }
0x498: {  	v45 =	vld [tilespmem:s19+$0x11230]  }
0x499: {  	v36 =	vld [tilespmem:s19+$0x112A0]  }
0x49a: {  	v40 =	vld [tilespmem:s19+$0xD2B0]  }
0x49b: {  	v48 =	vld [tilespmem:s19+$0x152B0]  }
0x49c: {  	v49 =	vld [tilespmem:s19+$0x11300]  }
0x49d: {  	v51 =	vld [tilespmem:s19+$0x11310]  }
0x49e: {  	v61 =	vld [tilespmem:s19+$0xD320]  }
0x49f: {  	v62 =	vld [tilespmem:s19+$0x15320]  }
0x4a0: {  	v33 =	vld [tilespmem:s19+$0xD380]  }
0x4a1: {  	v34 =	vld [tilespmem:s19+$0x15380]  }
0x4a2: {  	v52 =	vld [tilespmem:s19+$0xD390]  }
0x4a3: {  	v0 =	vld [tilespmem:s19+$0x15390]  }
0x4a4: {  	v1 =	vld [tilespmem:s19+$0x111B0]  }
0x4a5: {  	v63 =	vld [tilespmem:s19+$0xD230]  }
0x4a6: {  	v28 =	vld [tilespmem:s19+$0x15230]  }
0x4a7: {  	v22 =	vld [tilespmem:s19+$0x11280]  }
0x4a8: {  	v21 =	vld [tilespmem:s19+$0x11290]  }
0x4a9: {  	v20 =	vld [tilespmem:s19+$0xD2A0]  }
0x4aa: {  	v18 =	vld [tilespmem:s19+$0x152A0]  }
0x4ab: {  	v11 =	vld [tilespmem:s19+$0xD300]  }
0x4ac: {  	v2 =	vld [tilespmem:s19+$0x15300]  }
0x4ad: {  	v3 =	vld [tilespmem:s19+$0xD310]  }
0x4ae: {  	v4 =	vld [tilespmem:s19+$0x11130]  }
0x4af: {  	v43 =	vld [tilespmem:s19+$0xD1B0]  }
0x4b0: {  	v44 =	vld [tilespmem:s19+$0x151B0]  }
0x4b1: {  	v42 =	vld [tilespmem:s19+$0x11200]  }
0x4b2: {  	v50 =	vld [tilespmem:s19+$0x11210]  }
0x4b3: {  	v35 =	vld [tilespmem:s19+$0xD220]  }
0x4b4: {  	v31 =	vld [tilespmem:s19+$0x15220]  }
0x4b5: {  	v9 =	vld [tilespmem:s19+$0xD280]  }
0x4b6: {  	v5 =	vld [tilespmem:s19+$0x15280]  }
0x4b7: {  	v6 =	vld [tilespmem:s19+$0xD290]  }
0x4b8: {  	v14 =	vld [tilespmem:s19+$0x110B0]  }
0x4b9: {  	v38 =	vld [tilespmem:s19+$0x11180]  }
0x4ba: {  	v23 =	vld [tilespmem:s19+$0x11030]  }
0x4bb: {  	v39 =	vld [tilespmem:s19+$0x11190]  }
0x4bc: {  	v37 =	vld [tilespmem:s19+$0xD1A0]  }
0x4bd: {  	[tilespmem:$0x1F780] =	vst v1;
	v1 =	vld [tilespmem:s19+$0x11220]  }
0x4be: {  	v33 =	vadd.f32 v34, v33;
	v34 =	vadd.f32 v0, v52;
	v0 =	vld [tilespmem:s19+$0x10F30]  }
0x4bf: {  	[tilespmem:$0x1F8D0] =	vst v23;
	v23 =	vld [tilespmem:s19+$0x110A0]  }
0x4c0: {  	v60 =	vld [tilespmem:s19+$0x151A0]  }
0x4c1: {  	[tilespmem:$0x1F840] =	vst v4;
	v4 =	vld [tilespmem:s19+$0x111A0]  }
0x4c2: {  	[tilespmem:$0x1F760] =	vst v1;
	v1 =	vld [tilespmem:s19+$0x15310]  }
0x4c3: {  	v52 =	vadd.f32 v30, v15;
	[tilespmem:$0x1F910] =	vst v0;
	v0 =	vld [tilespmem:s19+$0x10FA0]  }
0x4c4: {  	v13 =	vsub.f32 v33, v13;
	v33 =	vsub.f32 v34, v26;
	[tilespmem:$0x1F8C0] =	vst v23;
	v23 =	vld [tilespmem:s19+$0xD0B0]  }
0x4c5: {  	v19 =	vld [tilespmem:s19+$0xD200];
	v10 =	vadd.f32 v10, v7  }
0x4c6: {  	[tilespmem:$0x1F850] =	vst v14;
	v14 =	vld [tilespmem:s19+$0x11120];
	v8 =	vsub.f32 v52, v8;
	v7 =	vand.u32 $0x7FFFFFFF, v13;
	v33 =	vand.u32 $0x7FFFFFFF, v33  }
0x4c7: {  	[tilespmem:$0x1F770] =	vst v4;
	v4 =	vld [tilespmem:s19+$0x15290];
	v52 =	vadd.f32 v33, v7  }
0x4c8: {  	v10 =	vsub.f32 v10, v54;
	v8 =	vand.u32 $0x7FFFFFFF, v8;
	[tilespmem:$0x1F8F0] =	vst v0;
	v0 =	vadd.f32 v1, v3;
	v1 =	vld [tilespmem:s19+$0x10EB0]  }
0x4c9: {  	v8 =	vadd.f32 v8, v52;
	[tilespmem:$0x1F810] =	vst v23;
	v23 =	vld [tilespmem:s19+$0x150B0]  }
0x4ca: {  	v16 =	vld [tilespmem:s19+$0x15200];
	v2 =	vadd.f32 v2, v11;
	v10 =	vand.u32 $0x7FFFFFFF, v10  }
0x4cb: {  	v17 =	vld [tilespmem:s19+$0xD210];
	v8 =	vadd.f32 v10, v8  }
0x4cc: {  	v27 =	vld [tilespmem:s19+$0xD180];
	v2 =	vsub.f32 v2, v49;
	[tilespmem:$0x1F830] =	vst v14;
	v10 =	vadd.f32 v12, v56  }
0x4cd: {  	v14 =	vld [tilespmem:s19+$0xD130];
	v12 =	vperm.xlane v8, v47;
	v0 =	vsub.f32 v0, v51;
	[tilespmem:$0x1F920] =	vst v1;
	v1 =	vadd.f32 v62, v61  }
0x4ce: {  	v2 =	vand.u32 $0x7FFFFFFF, v2;
	v3 =	vadd.f32 v4, v6;
	[tilespmem:$0x1F820] =	vst v23;
	v23 =	vld [tilespmem:s19+$0x11100]  }
0x4cf: {  	v24 =	vld [tilespmem:s19+$0x15180];
	v0 =	vand.u32 $0x7FFFFFFF, v0;
	v61 =	vadd.f32 v8, v12;
	v1 =	vsub.f32 v1, v29  }
0x4d0: {  	v25 =	vld [tilespmem:s19+$0xD190];
	v5 =	vadd.f32 v5, v9;
	v0 =	vadd.f32 v0, v2  }
0x4d1: {  	v58 =	vld [tilespmem:s19+$0x10FB0];
	v3 =	vsub.f32 v3, v21;
	v49 =	vperm.xlane v61, v53;
	v1 =	vand.u32 $0x7FFFFFFF, v1  }
0x4d2: {  	[tilespmem:$0x1F7B0] =	vst v14;
	v14 =	vld [tilespmem:s19+$0x15130];
	v0 =	vadd.f32 v1, v0;
	v1 =	vsub.f32 v5, v22  }
0x4d3: {  	v2 =	vadd.f32 v61, v49;
	[tilespmem:$0x1F7F0] =	vst v23;
	v23 =	vld [tilespmem:s19+$0x11110]  }
0x4d4: {  	v59 =	vld [tilespmem:s19+$0x11020];
	v3 =	vand.u32 $0x7FFFFFFF, v3;
	v1 =	vand.u32 $0x7FFFFFFF, v1  }
0x4d5: {  	v55 =	vld [tilespmem:s19+$0xD030];
	v1 =	vadd.f32 v3, v1;
	v3 =	vperm.xlane v2, v57  }
0x4d6: {  	v41 =	vld [tilespmem:s19+$0xD100]  }
0x4d7: {  	v4 =	vadd.f32 v18, v20;
	[tilespmem:$0x1F7C0] =	vst v14;
	v14 =	vld [tilespmem:s19+$0x15210];
	v2 =	vadd.f32 v2, v3  }
0x4d8: {  	[tilespmem:$0x1F800] =	vst v23;
	v23 =	vld [tilespmem:s19+$0xD120]  }
0x4d9: {  	v51 =	vadd.f32 v48, v40;
	v4 =	vsub.f32 v4, v36;
	[tilespmem:$0x1F750] =	vst v2;
	v2 =	vld [tilespmem:s19+$0x10EA0]  }
0x4da: {  	[tilespmem:$0x1F900] =	vst v58;
	v9 =	vld [tilespmem:s19+$0x10E30]  }
0x4db: {  	[tilespmem:$0x1F8E0] =	vst v59;
	v58 =	vld [tilespmem:s19+$0x15030];
	v18 =	vsub.f32 v51, v46;
	v4 =	vand.u32 $0x7FFFFFFF, v4  }
0x4dc: {  	[tilespmem:$0x1F8A0] =	vst v55;
	v59 =	vld [tilespmem:s19+$0x11080];
	v1 =	vadd.f32 v4, v1  }
0x4dd: {  	v4 =	vadd.f32 v14, v17;
	v3 =	vand.u32 $0x7FFFFFFF, v18;
	[tilespmem:$0x1F7D0] =	vst v23;
	v23 =	vld [tilespmem:s19+$0x15120]  }
0x4de: {  	v55 =	vld [tilespmem:s19+$0x11090];
	v1 =	vadd.f32 v3, v1;
	[tilespmem:$0x1F940] =	vst v2;
	v2 =	vadd.f32 v16, v19  }
0x4df: {  	[tilespmem:$0x1F930] =	vst v9;
	v9 =	vadd.f32 v31, v35;
	v18 =	vld [tilespmem:$0x1F760]  }
0x4e0: {  	v30 =	vld [tilespmem:s19+$0xCFB0];
	v4 =	vsub.f32 v4, v50;
	v17 =	vperm.xlane v1, v47;
	v2 =	vsub.f32 v2, v42  }
0x4e1: {  	v15 =	vld [tilespmem:s19+$0x11010];
	v32 =	vsub.f32 v10, v32;
	v5 =	vadd.f32 v28, v63  }
0x4e2: {  	v4 =	vand.u32 $0x7FFFFFFF, v4;
	v1 =	vadd.f32 v1, v17;
	[tilespmem:$0x1F7E0] =	vst v23;
	v23 =	vld [tilespmem:s19+$0x15190];
	v2 =	vand.u32 $0x7FFFFFFF, v2  }
0x4e3: {  	v11 =	vld [tilespmem:s19+$0x10F20];
	v6 =	vand.u32 $0x7FFFFFFF, v32;
	v2 =	vadd.f32 v4, v2;
	v4 =	vadd.f32 v24, v27  }
0x4e4: {  	v26 =	vld [tilespmem:s19+$0x14FB0];
	v6 =	vadd.f32 v6, v0;
	v9 =	vsub.f32 v9, v18  }
0x4e5: {  	v34 =	vld [tilespmem:s19+$0x15020];
	v21 =	vperm.xlane v1, v53;
	v4 =	vsub.f32 v4, v38  }
0x4e6: {  	v5 =	vsub.f32 v5, v45;
	v14 =	vperm.xlane v6, v47;
	v9 =	vand.u32 $0x7FFFFFFF, v9;
	v19 =	vld [tilespmem:$0x1F770]  }
0x4e7: {  	v1 =	vadd.f32 v1, v21;
	v17 =	vadd.f32 v23, v25;
	v21 =	vand.u32 $0x7FFFFFFF, v4;
	v4 =	vld [tilespmem:s19+$0x10DB0]  }
0x4e8: {  	v54 =	vld [tilespmem:s19+$0xD090];
	v6 =	vadd.f32 v6, v14;
	v2 =	vadd.f32 v9, v2  }
0x4e9: {  	v13 =	vld [tilespmem:s19+$0x11000];
	v20 =	vadd.f32 v60, v37;
	v5 =	vand.u32 $0x7FFFFFFF, v5;
	v17 =	vsub.f32 v17, v39  }
0x4ea: {  	[tilespmem:$0x1F8B0] =	vst v58;
	v58 =	vld [tilespmem:s19+$0xD0A0];
	v2 =	vadd.f32 v5, v2;
	v5 =	vperm.xlane v6, v53  }
0x4eb: {  	[tilespmem:$0x1F880] =	vst v59;
	v59 =	vld [tilespmem:s19+$0x150A0];
	v20 =	vsub.f32 v20, v19;
	v17 =	vand.u32 $0x7FFFFFFF, v17  }
0x4ec: {  	v5 =	vadd.f32 v6, v5;
	v6 =	vadd.f32 v17, v21;
	v21 =	vperm.xlane v1, v57;
	[tilespmem:$0x1F950] =	vst v4;
	v4 =	vld [tilespmem:s19+$0x10E20]  }
0x4ed: {  	[tilespmem:$0x1F890] =	vst v55;
	v55 =	vld [tilespmem:s19+$0xD110]  }
0x4ee: {  	v33 =	vld [tilespmem:s19+$0xD020];
	v17 =	vand.u32 $0x7FFFFFFF, v20;
	v1 =	vadd.f32 v1, v21  }
0x4ef: {  	v19 =	vld [tilespmem:$0x1F7D0];
	v6 =	vadd.f32 v17, v6;
	v17 =	vperm.xlane v5, v57  }
0x4f0: {  	v20 =	vperm.xlane v2, v47;
	v21 =	vld [tilespmem:$0x1F7E0];
	[tilespmem:$0x1F790] =	vst v1  }
0x4f1: {  	v1 =	vadd.f32 v5, v17;
	[tilespmem:$0x1F960] =	vst v4;
	v4 =	vld [tilespmem:$0x1F780]  }
0x4f2: {  	v20 =	vadd.f32 v2, v20;
	v2 =	vld [tilespmem:$0x1F7C0]  }
0x4f3: {  	[tilespmem:$0x1F7A0] =	vst v1;
	v1 =	vld [tilespmem:$0x1F7B0]  }
0x4f4: {  	[tilespmem:$0x1F870] =	vst v59;
	v59 =	vld [tilespmem:s19+$0x15100];
	v14 =	vadd.f32 v44, v43  }
0x4f5: {  	v7 =	vld [tilespmem:s19+$0x15080]  }
0x4f6: {  	v21 =	vadd.f32 v21, v19;
	v19 =	vld [tilespmem:$0x1F7F0];
	v14 =	vsub.f32 v14, v4  }
0x4f7: {  	v31 =	vld [tilespmem:s19+$0xCF10]  }
0x4f8: {  	v35 =	vld [tilespmem:s19+$0xCDB0];
	v1 =	vadd.f32 v2, v1;
	v2 =	vand.u32 $0x7FFFFFFF, v14  }
0x4f9: {  	[tilespmem:$0x1F860] =	vst v58;
	v58 =	vld [tilespmem:s19+$0x15110];
	v5 =	vadd.f32 v2, v6;
	v6 =	vadd.f32 v59, v41  }
0x4fa: {  	v52 =	vld [tilespmem:s19+$0xD080]  }
0x4fb: {  	v6 =	vsub.f32 v6, v19;
	v19 =	vld [tilespmem:$0x1F800]  }
0x4fc: {  	v56 =	vld [tilespmem:s19+$0x15090]  }
0x4fd: {  	v37 =	vld [tilespmem:s19+$0x10DA0]  }
0x4fe: {  	v60 =	vld [tilespmem:s19+$0x14E20];
	v17 =	vadd.f32 v58, v55  }
0x4ff: {  	v27 =	vld [tilespmem:$0x1F820]  }
0x500: {  	v17 =	vsub.f32 v17, v19;
	v19 =	vld [tilespmem:$0x1F810]  }
0x501: {  	v33 =	vadd.f32 v34, v33;
	v34 =	vld [tilespmem:s19+$0xCE90]  }
0x502: {  	v10 =	vld [tilespmem:s19+$0x14F30];
	v6 =	vand.u32 $0x7FFFFFFF, v6;
	v17 =	vand.u32 $0x7FFFFFFF, v17  }
0x503: {  	v6 =	vadd.f32 v17, v6;
	v17 =	vld [tilespmem:$0x1F840]  }
0x504: {  	v40 =	vld [tilespmem:s19+$0x10F90]  }
0x505: {  	v28 =	vadd.f32 v27, v19;
	v19 =	vld [tilespmem:$0x1F830]  }
0x506: {  	v48 =	vld [tilespmem:s19+$0xCFA0];
	v14 =	vperm.xlane v20, v53  }
0x507: {  	v36 =	vld [tilespmem:s19+$0x10E90]  }
0x508: {  	v14 =	vadd.f32 v20, v14;
	v20 =	vperm.xlane v5, v47;
	v17 =	vsub.f32 v1, v17;
	v1 =	vld [tilespmem:$0x1F850]  }
0x509: {  	v32 =	vld [tilespmem:s19+$0x14F10]  }
0x50a: {  	v51 =	vld [tilespmem:s19+$0x14F20];
	v5 =	vadd.f32 v5, v20;
	v20 =	vsub.f32 v21, v19;
	v21 =	vperm.xlane v14, v57  }
0x50b: {  	v12 =	vld [tilespmem:s19+$0xCF30]  }
0x50c: {  	v8 =	vld [tilespmem:s19+$0x10F80];
	v55 =	vperm.xlane v5, v53;
	v41 =	vadd.f32 v14, v21;
	v14 =	vand.u32 $0x7FFFFFFF, v20  }
0x50d: {  	v38 =	vsub.f32 v28, v1;
	v6 =	vadd.f32 v14, v6;
	v1 =	vld [tilespmem:$0x1F860]  }
0x50e: {  	v14 =	vadd.f32 v5, v55;
	v5 =	vadd.f32 v7, v52;
	v7 =	vld [tilespmem:$0x1F870]  }
0x50f: {  	v62 =	vld [tilespmem:s19+$0x15000]  }
0x510: {  	v29 =	vld [tilespmem:s19+$0x14F00]  }
0x511: {  	v49 =	vld [tilespmem:s19+$0x14FA0]  }
0x512: {  	v61 =	vld [tilespmem:s19+$0xD000]  }
0x513: {  	v28 =	vadd.f32 v56, v54;
	v56 =	vadd.f32 v7, v1;
	v1 =	vld [tilespmem:$0x1F880]  }
0x514: {  	v63 =	vld [tilespmem:s19+$0xD010]  }
0x515: {  	v22 =	vld [tilespmem:s19+$0xCF90]  }
0x516: {  	v0 =	vld [tilespmem:s19+$0x15010]  }
0x517: {  	v45 =	vld [tilespmem:s19+$0x14EA0]  }
0x518: {  	v5 =	vsub.f32 v5, v1;
	v1 =	vld [tilespmem:$0x1F890]  }
0x519: {  	v3 =	vld [tilespmem:s19+$0x14EB0]  }
0x51a: {  	v44 =	vld [tilespmem:s19+$0x10F10]  }
0x51b: {  	v50 =	vld [tilespmem:s19+$0xCF20]  }
0x51c: {  	v17 =	vand.u32 $0x7FFFFFFF, v17;
	v7 =	vld [tilespmem:$0x1F8B0]  }
0x51d: {  	v6 =	vadd.f32 v17, v6;
	v17 =	vsub.f32 v28, v1;
	v1 =	vld [tilespmem:$0x1F8A0]  }
0x51e: {  	v43 =	vld [tilespmem:s19+$0xCE30]  }
0x51f: {  	v0 =	vadd.f32 v0, v63;
	v63 =	vld [tilespmem:s19+$0x10CA0]  }
0x520: {  	v18 =	vld [tilespmem:s19+$0xCF80]  }
0x521: {  	v16 =	vld [tilespmem:s19+$0xCEB0]  }
0x522: {  	v58 =	vadd.f32 v7, v1;
	v1 =	vld [tilespmem:$0x1F8C0]  }
0x523: {  	v9 =	vld [tilespmem:s19+$0x14F80]  }
0x524: {  	v23 =	vld [tilespmem:s19+$0x14F90]  }
0x525: {  	v42 =	vld [tilespmem:s19+$0x10F00]  }
0x526: {  	v24 =	vld [tilespmem:s19+$0xCF00]  }
0x527: {  	v39 =	vsub.f32 v56, v1;
	v1 =	vld [tilespmem:$0x1F8D0]  }
0x528: {  	v25 =	vld [tilespmem:s19+$0x10E80];
	v9 =	vadd.f32 v9, v18  }
0x529: {  	v18 =	vadd.f32 v23, v22;
	v22 =	vadd.f32 v49, v48;
	v48 =	vld [tilespmem:s19+$0xCD30]  }
0x52a: {  	v49 =	vld [tilespmem:s19+$0x14D30]  }
0x52b: {  	v4 =	vld [tilespmem:s19+$0x14E30];
	v59 =	vperm.xlane v6, v47  }
0x52c: {  	v5 =	vand.u32 $0x7FFFFFFF, v5;
	v17 =	vand.u32 $0x7FFFFFFF, v17;
	v46 =	vsub.f32 v58, v1;
	v1 =	vld [tilespmem:$0x1F8E0]  }
0x52d: {  	v2 =	vld [tilespmem:s19+$0xCEA0];
	v5 =	vadd.f32 v17, v5  }
0x52e: {  	v27 =	vld [tilespmem:s19+$0x10D30];
	v17 =	vadd.f32 v26, v30;
	v26 =	vadd.f32 v6, v59;
	v6 =	vand.u32 $0x7FFFFFFF, v39  }
0x52f: {  	v19 =	vld [tilespmem:s19+$0x10C00];
	v5 =	vadd.f32 v6, v5;
	v6 =	vadd.f32 v62, v61  }
0x530: {  	v0 =	vsub.f32 v0, v15;
	v20 =	vld [tilespmem:s19+$0x14DB0]  }
0x531: {  	v13 =	vsub.f32 v6, v13;
	v33 =	vsub.f32 v33, v1;
	v1 =	vld [tilespmem:$0x1F8F0]  }
0x532: {  	v0 =	vand.u32 $0x7FFFFFFF, v0;
	v21 =	vld [tilespmem:s19+$0x10E00];
	v38 =	vand.u32 $0x7FFFFFFF, v38  }
0x533: {  	v8 =	vsub.f32 v9, v8;
	v52 =	vld [tilespmem:s19+$0xCE20];
	v38 =	vadd.f32 v38, v5;
	v9 =	vand.u32 $0x7FFFFFFF, v13  }
0x534: {  	v55 =	vld [tilespmem:s19+$0xCE80];
	v13 =	vsub.f32 v18, v40;
	v0 =	vadd.f32 v0, v9  }
0x535: {  	v8 =	vand.u32 $0x7FFFFFFF, v8;
	v54 =	vld [tilespmem:s19+$0x10D90];
	v18 =	vperm.xlane v38, v47;
	v15 =	vand.u32 $0x7FFFFFFF, v33  }
0x536: {  	v13 =	vand.u32 $0x7FFFFFFF, v13;
	v0 =	vadd.f32 v15, v0;
	v9 =	vsub.f32 v22, v1;
	v1 =	vld [tilespmem:$0x1F900]  }
0x537: {  	v28 =	vld [tilespmem:s19+$0x10E10];
	v8 =	vadd.f32 v13, v8;
	v13 =	vand.u32 $0x7FFFFFFF, v46  }
0x538: {  	v30 =	vld [tilespmem:s19+$0x14E80];
	v0 =	vadd.f32 v13, v0;
	v13 =	vadd.f32 v38, v18  }
0x539: {  	v59 =	vld [tilespmem:s19+$0x14D20];
	v9 =	vand.u32 $0x7FFFFFFF, v9  }
0x53a: {  	v7 =	vld [tilespmem:s19+$0x10D20];
	v23 =	vperm.xlane v13, v53;
	v9 =	vadd.f32 v9, v8;
	v8 =	vperm.xlane v14, v57  }
0x53b: {  	v56 =	vld [tilespmem:s19+$0xCE00];
	v18 =	vadd.f32 v32, v31;
	v15 =	vsub.f32 v17, v1;
	v17 =	vperm.xlane v26, v53  }
0x53c: {  	v39 =	vld [tilespmem:s19+$0x14E90];
	v13 =	vadd.f32 v13, v23;
	v8 =	vadd.f32 v14, v8;
	v14 =	vperm.xlane v0, v47  }
0x53d: {  	v61 =	vld [tilespmem:s19+$0xCD80];
	v22 =	vadd.f32 v26, v17;
	v15 =	vand.u32 $0x7FFFFFFF, v15;
	v17 =	vadd.f32 v29, v24  }
0x53e: {  	v62 =	vld [tilespmem:s19+$0x14D80];
	v0 =	vadd.f32 v0, v14;
	v9 =	vadd.f32 v15, v9  }
0x53f: {  	v5 =	vld [tilespmem:s19+$0x10C30];
	v24 =	vadd.f32 v51, v50;
	v14 =	vsub.f32 v17, v42  }
0x540: {  	v6 =	vld [tilespmem:s19+$0x10CB0];
	v17 =	vsub.f32 v18, v44;
	v23 =	vperm.xlane v0, v53;
	v26 =	vperm.xlane v9, v47  }
0x541: {  	v58 =	vld [tilespmem:s19+$0xCD20];
	v11 =	vsub.f32 v24, v11;
	v14 =	vand.u32 $0x7FFFFFFF, v14  }
0x542: {  	v40 =	vld [tilespmem:s19+$0x10D80];
	v17 =	vand.u32 $0x7FFFFFFF, v17;
	v0 =	vadd.f32 v0, v23;
	v24 =	vadd.f32 v9, v26  }
0x543: {  	v46 =	vld [tilespmem:s19+$0x14DA0];
	v9 =	vadd.f32 v10, v12;
	v10 =	vadd.f32 v17, v14  }
0x544: {  	v33 =	vld [tilespmem:s19+$0xCDA0];
	v11 =	vand.u32 $0x7FFFFFFF, v11  }
0x545: {  	v17 =	vld [tilespmem:$0x1F910];
	v10 =	vadd.f32 v11, v10;
	v11 =	vperm.xlane v0, v57  }
0x546: {  	v38 =	vld [tilespmem:s19+$0x14E00]  }
0x547: {  	v11 =	vadd.f32 v0, v11;
	v0 =	vadd.f32 v4, v43;
	v4 =	vld [tilespmem:$0x1F920]  }
0x548: {  	v31 =	vld [tilespmem:s19+$0x14C20]  }
0x549: {  	v32 =	vld [tilespmem:s19+$0xCCA0]  }
0x54a: {  	v3 =	vadd.f32 v3, v16;
	v1 =	vld [tilespmem:s19+$0xCE10];
	v12 =	vperm.xlane v22, v57;
	v23 =	vsub.f32 v9, v17  }
0x54b: {  	v29 =	vld [tilespmem:s19+$0x14E10];
	v14 =	vperm.xlane v24, v53  }
0x54c: {  	v9 =	vadd.f32 v22, v12;
	v16 =	vand.u32 $0x7FFFFFFF, v23;
	v23 =	vsub.f32 v3, v4;
	v4 =	vld [tilespmem:$0x1F930]  }
0x54d: {  	v50 =	vld [tilespmem:s19+$0xCC30];
	v12 =	vadd.f32 v24, v14;
	v14 =	vperm.xlane v13, v57;
	v16 =	vadd.f32 v16, v10  }
0x54e: {  	v51 =	vld [tilespmem:s19+$0x14CB0]  }
0x54f: {  	v15 =	vld [tilespmem:s19+$0x10C20];
	v10 =	vadd.f32 v13, v14;
	v14 =	vperm.xlane v16, v47  }
0x550: {  	v42 =	vld [tilespmem:s19+$0x14C30]  }
0x551: {  	v44 =	vld [tilespmem:s19+$0xCCB0];
	v13 =	vperm.xlane v12, v57;
	v26 =	vsub.f32 v0, v4;
	v0 =	vadd.f32 v16, v14  }
0x552: {  	v17 =	vld [tilespmem:s19+$0x10D00]  }
0x553: {  	v22 =	vld [tilespmem:s19+$0x10C10];
	v12 =	vadd.f32 v12, v13;
	v13 =	vadd.f32 v30, v55;
	v30 =	vperm.xlane v0, v53  }
0x554: {  	v3 =	vld [tilespmem:s19+$0xCD90]  }
0x555: {  	v55 =	vsub.f32 v13, v25;
	v13 =	vadd.f32 v0, v30;
	v0 =	vld [tilespmem:$0x1F950]  }
0x556: {  	v47 =	vld [tilespmem:s19+$0x14D90]  }
0x557: {  	v2 =	vadd.f32 v45, v2;
	v4 =	vld [tilespmem:$0x1F940];
	v14 =	vadd.f32 v39, v34  }
0x558: {  	v24 =	vadd.f32 v60, v52;
	v16 =	vadd.f32 v20, v35;
	v20 =	vld [tilespmem:s19+$0xCC20]  }
0x559: {  	v60 =	vadd.f32 v62, v61;
	v34 =	vld [tilespmem:s19+$0x14CA0];
	v36 =	vsub.f32 v14, v36  }
0x55a: {  	v61 =	vadd.f32 v51, v44;
	v14 =	vsub.f32 v16, v0;
	v0 =	vld [tilespmem:$0x1F960]  }
0x55b: {  	v62 =	vadd.f32 v59, v58;
	v35 =	vld [tilespmem:s19+$0x14D00];
	v3 =	vadd.f32 v47, v3;
	v25 =	vand.u32 $0x7FFFFFFF, v36  }
0x55c: {  	v36 =	vld [tilespmem:s19+$0xCC80];
	v2 =	vsub.f32 v2, v4;
	v4 =	vand.u32 $0x7FFFFFFF, v55;
	v16 =	vadd.f32 v29, v1  }
0x55d: {  	v40 =	vsub.f32 v60, v40;
	v4 =	vadd.f32 v25, v4;
	v25 =	vld [tilespmem:s19+$0xCD10]  }
0x55e: {  	v39 =	vsub.f32 v3, v54;
	v29 =	vld [tilespmem:s19+$0xCD00];
	v57 =	vsub.f32 v16, v28  }
0x55f: {  	v28 =	vld [tilespmem:s19+$0x14D10];
	v24 =	vsub.f32 v24, v0;
	v0 =	vadd.f32 v38, v56  }
0x560: {  	v30 =	vadd.f32 v49, v48;
	v1 =	vadd.f32 v42, v50;
	v38 =	vld [tilespmem:s19+$0xCC90]  }
0x561: {  	v21 =	vsub.f32 v0, v21;
	v0 =	vand.u32 $0x7FFFFFFF, v2;
	v2 =	vadd.f32 v46, v33;
	v33 =	vld [tilespmem:s19+$0x14C10]  }
0x562: {  	v16 =	vadd.f32 v0, v4;
	v0 =	vsub.f32 v30, v27;
	v27 =	vld [tilespmem:s19+$0x14C00]  }
0x563: {  	v30 =	vand.u32 $0x7FFFFFFF, v57;
	v21 =	vand.u32 $0x7FFFFFFF, v21;
	v4 =	vsub.f32 v2, v37;
	v37 =	vld [tilespmem:s19+$0x14C80]  }
0x564: {  	v3 =	vsub.f32 v62, v7;
	v2 =	vadd.f32 v30, v21;
	v30 =	vld [tilespmem:s19+$0xCC00]  }
0x565: {  	s15 =	simm.s32 $0x4000;
	s21 =	smov.u32 s2;
	v5 =	vsub.f32 v1, v5;
	v1 =	vsub.f32 v61, v6;
	v6 =	vand.u32 $0x7FFFFFFF, v40;
	v21 =	vld [tilespmem:s19+$0xCC10]  }
.LBB2_5:
0x566: {  	_ = 	snop  }
0x567: {  	v7 =	vadd.f32 v31, v20;
	v20 =	vld [tilespmem:s19+$0x14C90]  }
0x568: {  	v46 =	vld [tilespmem:s19+$0x10C80];
	v31 =	vadd.f32 v34, v32  }
0x569: {  	v23 =	vand.u32 $0x7FFFFFFF, v23;
	v29 =	vadd.f32 v35, v29;
	v7 =	vsub.f32 v7, v15;
	v15 =	vld [tilespmem:s19+$0x10C90]  }
0x56a: {  	v26 =	vand.u32 $0x7FFFFFFF, v26;
	v25 =	vadd.f32 v28, v25;
	v27 =	vadd.f32 v27, v30  }
0x56b: {  	v24 =	vand.u32 $0x7FFFFFFF, v24;
	v21 =	vadd.f32 v33, v21;
	v17 =	vsub.f32 v29, v17;
	v29 =	vld [tilespmem:s19+$0x10D10]  }
0x56c: {  	v4 =	vand.u32 $0x7FFFFFFF, v4;
	v30 =	vadd.f32 v37, v36;
	v20 =	vadd.f32 v20, v38  }
0x56d: {  	v45 =	vand.u32 $0x7FFFFFFF, v39;
	v19 =	vsub.f32 v27, v19;
	v21 =	vsub.f32 v21, v22  }
0x56e: {  	v5 =	vand.u32 $0x7FFFFFFF, v5;
	v22 =	vsub.f32 v30, v46;
	v15 =	vsub.f32 v20, v15  }
0x56f: {  	v6 =	vadd.f32 v45, v6;
	v18 =	vsub.f32 v31, v63;
	v19 =	vand.u32 $0x7FFFFFFF, v19  }
0x570: {  	v22 =	vand.u32 $0x7FFFFFFF, v22;
	v20 =	vsub.f32 v25, v29;
	v15 =	vand.u32 $0x7FFFFFFF, v15  }
0x571: {  	v17 =	vand.u32 $0x7FFFFFFF, v17;
	v21 =	vand.u32 $0x7FFFFFFF, v21;
	v15 =	vadd.f32 v15, v22  }
0x572: {  	v18 =	vand.u32 $0x7FFFFFFF, v18;
	v19 =	vadd.f32 v21, v19;
	v20 =	vand.u32 $0x7FFFFFFF, v20  }
0x573: {  	v7 =	vand.u32 $0x7FFFFFFF, v7;
	v17 =	vadd.f32 v20, v17;
	v15 =	vadd.f32 v18, v15;
	v18 =	vld [tilespmem:$0x1FFE0]  }
0x574: {  	v3 =	vand.u32 $0x7FFFFFFF, v3;
	v2 =	vadd.f32 v24, v2;
	v28 =	vld [tilespmem:$0x1FFC0];
	v7 =	vadd.f32 v7, v19  }
0x575: {  	v1 =	vand.u32 $0x7FFFFFFF, v1;
	v4 =	vadd.f32 v4, v6;
	v3 =	vadd.f32 v3, v17  }
0x576: {  	v0 =	vand.u32 $0x7FFFFFFF, v0;
	v5 =	vadd.f32 v5, v7;
	v1 =	vadd.f32 v1, v15  }
0x577: {  	v2 =	vadd.f32 v26, v2;
	v21 =	vld [tilespmem:$0x1FFF0];
	v0 =	vadd.f32 v0, v3;
	v3 =	vand.u32 $0x7FFFFFFF, v14  }
0x578: {  	v3 =	vadd.f32 v3, v4;
	v6 =	vperm.xlane v5, v18;
	v7 =	vperm.xlane v1, v18  }
0x579: {  	v31 =	vperm.xlane v13, v28;
	v14 =	vadd.f32 v23, v16;
	v4 =	vperm.xlane v0, v18  }
0x57a: {  	v5 =	vadd.f32 v5, v6;
	v1 =	vadd.f32 v1, v7;
	v6 =	vperm.xlane v3, v18  }
0x57b: {  	v0 =	vadd.f32 v0, v4;
	v4 =	vperm.xlane v2, v18;
	v7 =	vperm.xlane v14, v18  }
0x57c: {  	v15 =	vperm.xlane v5, v21;
	v16 =	vperm.xlane v1, v21;
	v3 =	vadd.f32 v3, v6  }
0x57d: {  	v6 =	vperm.xlane v0, v21;
	v2 =	vadd.f32 v2, v4;
	v4 =	vadd.f32 v14, v7  }
0x57e: {  	v5 =	vadd.f32 v5, v15;
	v1 =	vadd.f32 v1, v16;
	v7 =	vperm.xlane v3, v21  }
0x57f: {  	v17 =	vld [tilespmem:$0x1FFD0];
	v0 =	vadd.f32 v0, v6;
	v6 =	vperm.xlane v2, v21;
	v14 =	vperm.xlane v4, v21  }
0x580: {  	v15 =	vperm.xlane v5, v28;
	v16 =	vperm.xlane v1, v28;
	v3 =	vadd.f32 v3, v7  }
0x581: {  	v7 =	vperm.xlane v0, v28;
	v2 =	vadd.f32 v2, v6;
	v4 =	vadd.f32 v4, v14  }
0x582: {  	v5 =	vadd.f32 v5, v15;
	v1 =	vadd.f32 v1, v16;
	v6 =	vperm.xlane v3, v28  }
0x583: {  	v0 =	vadd.f32 v0, v7;
	v7 =	vperm.xlane v2, v28;
	v14 =	vperm.xlane v4, v28  }
0x584: {  	v15 =	vperm.xlane v5, v17;
	v16 =	vperm.xlane v1, v17;
	v3 =	vadd.f32 v3, v6  }
0x585: {  	v6 =	vperm.xlane v0, v17;
	v2 =	vadd.f32 v2, v7;
	v4 =	vadd.f32 v4, v14  }
0x586: {  	v5 =	vadd.f32 v5, v15;
	v1 =	vadd.f32 v1, v16;
	v7 =	vperm.xlane v3, v17  }
0x587: {  	v13 =	vadd.f32 v13, v31;
	v0 =	vadd.f32 v0, v6;
	v6 =	vperm.xlane v2, v17  }
0x588: {  	v1 =	vsel vm0, v5, v1;
	v3 =	vadd.f32 v3, v7;
	v5 =	vperm.xlane v4, v17  }
0x589: {  	v0 =	vsel vm1, v1, v0;
	v1 =	vadd.f32 v2, v6;
	v2 =	vperm.xlane v13, v17  }
0x58a: {  	v0 =	vsel vm2, v0, v3;
	v3 =	vadd.f32 v4, v5;
	v4 =	vperm.xlane v12, v17  }
0x58b: {  	v5 =	vld [tilespmem:$0x1F790];
	v0 =	vsel vm3, v0, v1;
	v1 =	vadd.f32 v13, v2;
	v2 =	vperm.xlane v11, v17  }
0x58c: {  	v0 =	vsel vm4, v0, v3;
	v3 =	vadd.f32 v12, v4;
	v4 =	vperm.xlane v10, v17  }
0x58d: {  	v0 =	vsel vm5, v0, v1;
	v1 =	vadd.f32 v11, v2;
	v2 =	vperm.xlane v9, v17  }
0x58e: {  	v0 =	vsel vm6, v0, v3;
	v3 =	vadd.f32 v10, v4;
	v4 =	vperm.xlane v8, v17  }
0x58f: {  	v0 =	vsel vm7, v0, v1;
	v1 =	vadd.f32 v9, v2  }
0x590: {  	v0 =	vsel vm8, v0, v3;
	v3 =	vadd.f32 v8, v4;
	v4 =	vperm.xlane v5, v17  }
0x591: {  	v6 =	vld [tilespmem:$0x1F7A0];
	v0 =	vsel vm9, v0, v1  }
0x592: {  	v0 =	vsel vm10, v0, v3;
	v3 =	vadd.f32 v5, v4;
	v5 =	vld [tilespmem:$0x1F750];
	_ =	sdelay $0x1  }
0x593: {  	v2 =	vperm.xlane v41, v17;
	_ =	sdelay $0x1  }
0x594: {  	v1 =	vadd.f32 v41, v2;
	v2 =	vperm.xlane v6, v17  }
0x595: {  	v4 =	vperm.xlane v5, v17  }
0x596: {  	v0 =	vsel vm11, v0, v1;
	v1 =	vadd.f32 v6, v2  }
0x597: {  	v0 =	vsel vm12, v0, v3;
	v2 =	vadd.f32 v5, v4  }
0x598: {  	v0 =	vsel vm13, v0, v1  }
0x599: {  	s21 =	sadd.s32 $0x10, s21;
	v0 =	vsel vm14, v0, v2  }
0x59a: {  	s19 =	sshra.s32 s15, $0x2;
	[tilespmem:s21+$0x0] =	vst v0  }
0x59b: {  	v63 =	vld [tilespmem:s19+$0x113B0]  }
0x59c: {  	v41 =	vld [tilespmem:s19+$0x11330]  }
0x59d: {  	v24 =	vld [tilespmem:s19+$0x113A0]  }
0x59e: {  	v22 =	vld [tilespmem:s19+$0xD3B0]  }
0x59f: {  	v23 =	vld [tilespmem:s19+$0x153B0]  }
0x5a0: {  	v0 =	vld [tilespmem:s19+$0x112B0]  }
0x5a1: {  	v38 =	vld [tilespmem:s19+$0x11320]  }
0x5a2: {  	v34 =	vld [tilespmem:s19+$0xD330]  }
0x5a3: {  	v33 =	vld [tilespmem:s19+$0x15330]  }
0x5a4: {  	v25 =	vld [tilespmem:s19+$0x11380]  }
0x5a5: {  	v40 =	vld [tilespmem:s19+$0x11390]  }
0x5a6: {  	v61 =	vld [tilespmem:s19+$0xD3A0]  }
0x5a7: {  	v12 =	vld [tilespmem:s19+$0x153A0]  }
0x5a8: {  	v53 =	vld [tilespmem:s19+$0xD2B0]  }
0x5a9: {  	v55 =	vld [tilespmem:s19+$0x152B0]  }
0x5aa: {  	v48 =	vld [tilespmem:s19+$0x11300]  }
0x5ab: {  	v31 =	vld [tilespmem:s19+$0x11310]  }
0x5ac: {  	v46 =	vld [tilespmem:s19+$0xD320]  }
0x5ad: {  	v39 =	vld [tilespmem:s19+$0x15320]  }
0x5ae: {  	v3 =	vld [tilespmem:s19+$0xD380]  }
0x5af: {  	v2 =	vld [tilespmem:s19+$0x15380]  }
0x5b0: {  	v1 =	vld [tilespmem:s19+$0xD390]  }
0x5b1: {  	v4 =	vld [tilespmem:s19+$0x111B0]  }
0x5b2: {  	v50 =	vld [tilespmem:s19+$0xD230]  }
0x5b3: {  	v52 =	vld [tilespmem:s19+$0x15230]  }
0x5b4: {  	v32 =	vld [tilespmem:s19+$0x11280]  }
0x5b5: {  	v30 =	vld [tilespmem:s19+$0x11290]  }
0x5b6: {  	v35 =	vld [tilespmem:s19+$0xD2A0]  }
0x5b7: {  	v37 =	vld [tilespmem:s19+$0x152A0]  }
0x5b8: {  	v9 =	vld [tilespmem:s19+$0xD300]  }
0x5b9: {  	v7 =	vld [tilespmem:s19+$0x15300]  }
0x5ba: {  	v5 =	vld [tilespmem:s19+$0xD310]  }
0x5bb: {  	v6 =	vld [tilespmem:s19+$0x11130]  }
0x5bc: {  	v36 =	vld [tilespmem:s19+$0xD1B0]  }
0x5bd: {  	v44 =	vld [tilespmem:s19+$0x151B0]  }
0x5be: {  	v54 =	vld [tilespmem:s19+$0x11200]  }
0x5bf: {  	v56 =	vld [tilespmem:s19+$0x11210]  }
0x5c0: {  	v57 =	vld [tilespmem:s19+$0xD220]  }
0x5c1: {  	v59 =	vld [tilespmem:s19+$0x15220]  }
0x5c2: {  	v11 =	vld [tilespmem:s19+$0xD280]  }
0x5c3: {  	v10 =	vld [tilespmem:s19+$0x15280]  }
0x5c4: {  	v8 =	vld [tilespmem:s19+$0xD290]  }
0x5c5: {  	v13 =	vld [tilespmem:s19+$0x110B0]  }
0x5c6: {  	v45 =	vld [tilespmem:s19+$0x11180]  }
0x5c7: {  	v51 =	vld [tilespmem:s19+$0x11190]  }
0x5c8: {  	v58 =	vld [tilespmem:s19+$0xD1A0]  }
0x5c9: {  	v60 =	vld [tilespmem:s19+$0x151A0]  }
0x5ca: {  	v17 =	vld [tilespmem:s19+$0xD200]  }
0x5cb: {  	v15 =	vld [tilespmem:s19+$0x15200]  }
0x5cc: {  	v14 =	vld [tilespmem:s19+$0xD210]  }
0x5cd: {  	v16 =	vld [tilespmem:s19+$0x11030]  }
0x5ce: {  	[tilespmem:$0x1F300] =	vst v0;
	v0 =	vld [tilespmem:s19+$0x11230]  }
0x5cf: {  	v47 =	vld [tilespmem:s19+$0xD120]  }
0x5d0: {  	v49 =	vld [tilespmem:s19+$0x15120]  }
0x5d1: {  	v43 =	vld [tilespmem:s19+$0xD180]  }
0x5d2: {  	v20 =	vld [tilespmem:s19+$0x15180]  }
0x5d3: {  	[tilespmem:$0x1F310] =	vst v0;
	v0 =	vld [tilespmem:s19+$0x112A0]  }
0x5d4: {  	v19 =	vld [tilespmem:s19+$0xD190]  }
0x5d5: {  	v26 =	vld [tilespmem:s19+$0x10FB0]  }
0x5d6: {  	v62 =	vld [tilespmem:s19+$0xD100]  }
0x5d7: {  	v2 =	vadd.f32 v2, v3;
	v3 =	vld [tilespmem:s19+$0x11000]  }
0x5d8: {  	[tilespmem:$0x1F2F0] =	vst v0;
	v0 =	vld [tilespmem:s19+$0x15390]  }
0x5d9: {  	v29 =	vld [tilespmem:s19+$0x15100]  }
0x5da: {  	v27 =	vld [tilespmem:s19+$0xD110]  }
0x5db: {  	[tilespmem:$0x1F340] =	vst v4;
	v4 =	vld [tilespmem:s19+$0x11220]  }
0x5dc: {  	[tilespmem:$0x1F480] =	vst v3;
	v3 =	vld [tilespmem:s19+$0x11010]  }
0x5dd: {  	v42 =	vld [tilespmem:s19+$0x10F30];
	[tilespmem:$0x1F3C0] =	vst v6;
	v0 =	vadd.f32 v0, v1  }
0x5de: {  	v6 =	vld [tilespmem:s19+$0x111A0];
	[tilespmem:$0x1F3D0] =	vst v13;
	v2 =	vsub.f32 v2, v25  }
0x5df: {  	v13 =	vld [tilespmem:s19+$0x11120];
	[tilespmem:$0x1F450] =	vst v16;
	v1 =	vadd.f32 v12, v61;
	v0 =	vsub.f32 v0, v40  }
0x5e0: {  	v16 =	vld [tilespmem:s19+$0x110A0];
	v2 =	vand.u32 $0x7FFFFFFF, v2;
	[tilespmem:$0x1F320] =	vst v4  }
0x5e1: {  	v4 =	vld [tilespmem:s19+$0x15310];
	[tilespmem:$0x1F490] =	vst v3;
	v3 =	vadd.f32 v23, v22;
	v1 =	vsub.f32 v1, v24;
	v0 =	vand.u32 $0x7FFFFFFF, v0  }
0x5e2: {  	[tilespmem:$0x1F4B0] =	vst v26;
	v26 =	vld [tilespmem:s19+$0x11020];
	v0 =	vadd.f32 v0, v2  }
0x5e3: {  	[tilespmem:$0x1F4F0] =	vst v42;
	v42 =	vld [tilespmem:s19+$0x10FA0];
	v1 =	vand.u32 $0x7FFFFFFF, v1;
	v2 =	vsub.f32 v3, v63  }
0x5e4: {  	v3 =	vld [tilespmem:s19+$0xCF30];
	v0 =	vadd.f32 v1, v0  }
0x5e5: {  	v25 =	vld [tilespmem:s19+$0xD020];
	v1 =	vand.u32 $0x7FFFFFFF, v2  }
0x5e6: {  	[tilespmem:$0x1F330] =	vst v6;
	v4 =	vadd.f32 v4, v5;
	v5 =	vld [tilespmem:s19+$0x14F30];
	v0 =	vadd.f32 v1, v0  }
0x5e7: {  	v6 =	vld [tilespmem:s19+$0x15290];
	[tilespmem:$0x1F3B0] =	vst v13  }
0x5e8: {  	[tilespmem:$0x1F440] =	vst v16;
	v1 =	vld [tilespmem:s19+$0x10EB0];
	v2 =	vperm.xlane v0, v18  }
0x5e9: {  	v13 =	vld [tilespmem:s19+$0xD130];
	[tilespmem:$0x1F4D0] =	vst v3;
	v3 =	vadd.f32 v7, v9  }
0x5ea: {  	v16 =	vld [tilespmem:s19+$0xD0B0];
	[tilespmem:$0x1F470] =	vst v26;
	v0 =	vadd.f32 v0, v2  }
0x5eb: {  	v26 =	vld [tilespmem:s19+$0xD030];
	[tilespmem:$0x1F4E0] =	vst v5;
	v5 =	vadd.f32 v39, v46;
	v2 =	vsub.f32 v3, v48  }
0x5ec: {  	[tilespmem:$0x1F4A0] =	vst v42;
	v42 =	vld [tilespmem:s19+$0xCFB0];
	v3 =	vsub.f32 v4, v31;
	v7 =	vperm.xlane v0, v21  }
0x5ed: {  	v6 =	vadd.f32 v6, v8;
	v5 =	vsub.f32 v5, v38;
	[tilespmem:$0x1F500] =	vst v1;
	v1 =	vld [tilespmem:s19+$0x10F20];
	v2 =	vand.u32 $0x7FFFFFFF, v2  }
0x5ee: {  	[tilespmem:$0x1F350] =	vst v13;
	v3 =	vand.u32 $0x7FFFFFFF, v3;
	v0 =	vadd.f32 v0, v7;
	v7 =	vadd.f32 v10, v11;
	v10 =	vld [tilespmem:s19+$0x10E30]  }
0x5ef: {  	v13 =	vld [tilespmem:s19+$0x15130];
	[tilespmem:$0x1F390] =	vst v16;
	v2 =	vadd.f32 v3, v2  }
0x5f0: {  	v16 =	vld [tilespmem:s19+$0x150B0];
	[tilespmem:$0x1F420] =	vst v26;
	v6 =	vsub.f32 v6, v30;
	v5 =	vand.u32 $0x7FFFFFFF, v5  }
0x5f1: {  	v26 =	vld [tilespmem:s19+$0x15030];
	[tilespmem:$0x1F460] =	vst v42;
	v2 =	vadd.f32 v5, v2;
	v5 =	vsub.f32 v7, v32  }
0x5f2: {  	v42 =	vld [tilespmem:s19+$0x14FB0];
	[tilespmem:$0x1F4C0] =	vst v1;
	v1 =	vadd.f32 v33, v34  }
0x5f3: {  	v6 =	vand.u32 $0x7FFFFFFF, v6;
	v5 =	vand.u32 $0x7FFFFFFF, v5;
	[tilespmem:$0x1F510] =	vst v10;
	v10 =	vld [tilespmem:$0x1F2F0]  }
0x5f4: {  	v1 =	vsub.f32 v1, v41;
	v5 =	vadd.f32 v6, v5;
	v6 =	vld [tilespmem:$0x1F300]  }
0x5f5: {  	[tilespmem:$0x1F360] =	vst v13;
	v13 =	vld [tilespmem:s19+$0x15210]  }
0x5f6: {  	v8 =	vadd.f32 v37, v35;
	[tilespmem:$0x1F3A0] =	vst v16;
	v16 =	vld [tilespmem:s19+$0x11100];
	v7 =	vand.u32 $0x7FFFFFFF, v1  }
0x5f7: {  	v23 =	vld [tilespmem:s19+$0x15090];
	v4 =	vadd.f32 v55, v53;
	v2 =	vadd.f32 v7, v2  }
0x5f8: {  	v37 =	vld [tilespmem:s19+$0xCEB0];
	v7 =	vperm.xlane v0, v28  }
0x5f9: {  	v35 =	vld [tilespmem:s19+$0x14EB0];
	v8 =	vsub.f32 v8, v10;
	v4 =	vsub.f32 v4, v6;
	v6 =	vperm.xlane v2, v18  }
0x5fa: {  	v30 =	vld [tilespmem:s19+$0x10D30];
	[tilespmem:$0x1F430] =	vst v26;
	v0 =	vadd.f32 v0, v7  }
0x5fb: {  	v26 =	vld [tilespmem:s19+$0x11080];
	[tilespmem:$0x1F370] =	vst v16;
	v8 =	vand.u32 $0x7FFFFFFF, v8;
	v2 =	vadd.f32 v2, v6;
	v6 =	vadd.f32 v13, v14  }
0x5fc: {  	v16 =	vld [tilespmem:s19+$0x11110];
	[tilespmem:$0x1F750] =	vst v0;
	v0 =	vadd.f32 v8, v5;
	v5 =	vadd.f32 v15, v17  }
0x5fd: {  	v61 =	vld [tilespmem:s19+$0xD080];
	v4 =	vand.u32 $0x7FFFFFFF, v4;
	v6 =	vsub.f32 v6, v56  }
0x5fe: {  	v12 =	vld [tilespmem:s19+$0xD090];
	v0 =	vadd.f32 v4, v0;
	v4 =	vperm.xlane v2, v21;
	v5 =	vsub.f32 v5, v54  }
0x5ff: {  	v46 =	vld [tilespmem:s19+$0x10F80]  }
0x600: {  	v2 =	vadd.f32 v2, v4;
	v4 =	vand.u32 $0x7FFFFFFF, v5;
	v5 =	vand.u32 $0x7FFFFFFF, v6;
	v6 =	vld [tilespmem:$0x1F320]  }
0x601: {  	[tilespmem:$0x1F380] =	vst v16;
	v16 =	vld [tilespmem:s19+$0x15190]  }
0x602: {  	[tilespmem:$0x1F400] =	vst v26;
	v26 =	vld [tilespmem:s19+$0x11090]  }
0x603: {  	v39 =	vld [tilespmem:s19+$0xD010];
	v7 =	vadd.f32 v59, v57  }
0x604: {  	v40 =	vld [tilespmem:s19+$0x15020];
	v13 =	vperm.xlane v0, v18  }
0x605: {  	v24 =	vld [tilespmem:s19+$0xCDB0];
	v4 =	vadd.f32 v5, v4;
	v6 =	vsub.f32 v7, v6  }
0x606: {  	v63 =	vld [tilespmem:s19+$0x15080];
	v0 =	vadd.f32 v0, v13;
	v7 =	vadd.f32 v16, v19  }
0x607: {  	[tilespmem:$0x1F410] =	vst v26;
	v26 =	vld [tilespmem:s19+$0xD0A0];
	v9 =	vadd.f32 v52, v50;
	v6 =	vand.u32 $0x7FFFFFFF, v6  }
0x608: {  	v50 =	vld [tilespmem:s19+$0x10F00];
	v7 =	vsub.f32 v7, v51;
	v4 =	vadd.f32 v6, v4;
	v6 =	vperm.xlane v0, v21  }
0x609: {  	v10 =	vld [tilespmem:s19+$0x10EA0]  }
0x60a: {  	v0 =	vadd.f32 v0, v6;
	v6 =	vand.u32 $0x7FFFFFFF, v7;
	v7 =	vld [tilespmem:$0x1F330]  }
0x60b: {  	v52 =	vld [tilespmem:s19+$0x10F10]  }
0x60c: {  	v48 =	vld [tilespmem:s19+$0x10F90]  }
0x60d: {  	v53 =	vld [tilespmem:s19+$0xCFA0];
	v13 =	vadd.f32 v60, v58  }
0x60e: {  	[tilespmem:$0x1F520] =	vst v10;
	v10 =	vld [tilespmem:$0x1F310]  }
0x60f: {  	v7 =	vsub.f32 v13, v7;
	v13 =	vld [tilespmem:$0x1F340]  }
0x610: {  	v55 =	vld [tilespmem:s19+$0x14FA0]  }
0x611: {  	v31 =	vld [tilespmem:s19+$0xD000]  }
0x612: {  	[tilespmem:$0x1F3E0] =	vst v26;
	v26 =	vld [tilespmem:s19+$0x150A0];
	v11 =	vadd.f32 v44, v36  }
0x613: {  	v3 =	vld [tilespmem:s19+$0x15000];
	v10 =	vsub.f32 v9, v10  }
0x614: {  	v44 =	vld [tilespmem:s19+$0x10E80];
	v11 =	vsub.f32 v11, v13;
	v13 =	vperm.xlane v0, v28  }
0x615: {  	v33 =	vld [tilespmem:s19+$0x10E00];
	v5 =	vadd.f32 v20, v43;
	v10 =	vand.u32 $0x7FFFFFFF, v10  }
0x616: {  	v34 =	vld [tilespmem:s19+$0xCE80];
	v4 =	vadd.f32 v10, v4;
	v10 =	vperm.xlane v2, v28;
	v0 =	vadd.f32 v0, v13  }
0x617: {  	v32 =	vld [tilespmem:s19+$0x14E90]  }
0x618: {  	v1 =	vld [tilespmem:s19+$0x15010];
	v5 =	vsub.f32 v5, v45;
	[tilespmem:$0x1F790] =	vst v0;
	v0 =	vadd.f32 v2, v10  }
0x619: {  	v2 =	vld [tilespmem:$0x1F360]  }
0x61a: {  	v5 =	vand.u32 $0x7FFFFFFF, v5;
	[tilespmem:$0x1F7A0] =	vst v0;
	v0 =	vld [tilespmem:$0x1F350]  }
0x61b: {  	[tilespmem:$0x1F3F0] =	vst v26;
	v26 =	vld [tilespmem:s19+$0x15110];
	v5 =	vadd.f32 v6, v5;
	v6 =	vperm.xlane v4, v18  }
0x61c: {  	v57 =	vld [tilespmem:s19+$0xCF20];
	v7 =	vand.u32 $0x7FFFFFFF, v7  }
0x61d: {  	v59 =	vld [tilespmem:s19+$0x14F20];
	v4 =	vadd.f32 v4, v6;
	v5 =	vadd.f32 v7, v5  }
0x61e: {  	v1 =	vadd.f32 v1, v39;
	v39 =	vld [tilespmem:s19+$0x14E10];
	v6 =	vand.u32 $0x7FFFFFFF, v11  }
0x61f: {  	v8 =	vld [tilespmem:s19+$0xCF80];
	v0 =	vadd.f32 v2, v0;
	v2 =	vadd.f32 v6, v5;
	v5 =	vperm.xlane v4, v21  }
0x620: {  	v17 =	vld [tilespmem:s19+$0xCF90]  }
0x621: {  	v4 =	vadd.f32 v4, v5;
	v5 =	vld [tilespmem:$0x1F370]  }
0x622: {  	v15 =	vld [tilespmem:s19+$0x14F90]  }
0x623: {  	v56 =	vld [tilespmem:s19+$0xCEA0]  }
0x624: {  	v54 =	vld [tilespmem:s19+$0x14E30];
	v6 =	vadd.f32 v29, v62  }
0x625: {  	v43 =	vld [tilespmem:s19+$0x10DB0]  }
0x626: {  	v5 =	vsub.f32 v6, v5;
	v6 =	vld [tilespmem:$0x1F380]  }
0x627: {  	v20 =	vld [tilespmem:s19+$0xCF10]  }
0x628: {  	v60 =	vld [tilespmem:s19+$0x10E20]  }
0x629: {  	v9 =	vld [tilespmem:s19+$0x14F80];
	v7 =	vadd.f32 v26, v27  }
0x62a: {  	v16 =	vld [tilespmem:$0x1F3A0]  }
0x62b: {  	v6 =	vsub.f32 v7, v6;
	v7 =	vld [tilespmem:$0x1F390]  }
0x62c: {  	v58 =	vld [tilespmem:s19+$0x14EA0]  }
0x62d: {  	v51 =	vld [tilespmem:s19+$0xCE30]  }
0x62e: {  	v45 =	vld [tilespmem:s19+$0x10E90]  }
0x62f: {  	v19 =	vld [tilespmem:s19+$0x14F10];
	v8 =	vadd.f32 v9, v8  }
0x630: {  	v7 =	vadd.f32 v16, v7;
	v16 =	vld [tilespmem:$0x1F3B0]  }
0x631: {  	v8 =	vsub.f32 v8, v46;
	v46 =	vld [tilespmem:s19+$0xCE10]  }
0x632: {  	v51 =	vadd.f32 v54, v51;
	v54 =	vld [tilespmem:s19+$0x14D90]  }
0x633: {  	v27 =	vld [tilespmem:s19+$0x14DB0];
	v13 =	vadd.f32 v49, v47  }
0x634: {  	v11 =	vld [tilespmem:s19+$0x14F00]  }
0x635: {  	v14 =	vperm.xlane v2, v18;
	v13 =	vsub.f32 v13, v16;
	v16 =	vld [tilespmem:$0x1F3D0]  }
0x636: {  	v10 =	vld [tilespmem:s19+$0xCF00];
	v5 =	vand.u32 $0x7FFFFFFF, v5;
	v6 =	vand.u32 $0x7FFFFFFF, v6  }
0x637: {  	v2 =	vadd.f32 v2, v14;
	v14 =	vperm.xlane v4, v28;
	v5 =	vadd.f32 v6, v5;
	v6 =	vld [tilespmem:$0x1F3C0]  }
0x638: {  	v26 =	vld [tilespmem:$0x1F450]  }
0x639: {  	v41 =	vadd.f32 v4, v14;
	v14 =	vld [tilespmem:$0x1F420]  }
0x63a: {  	v7 =	vsub.f32 v7, v16;
	v16 =	vld [tilespmem:$0x1F430]  }
0x63b: {  	v10 =	vadd.f32 v11, v10;
	v11 =	vadd.f32 v19, v20;
	v20 =	vld [tilespmem:$0x1F4C0]  }
0x63c: {  	v62 =	vld [tilespmem:s19+$0x10DA0];
	v0 =	vsub.f32 v0, v6;
	v6 =	vperm.xlane v2, v21  }
0x63d: {  	v10 =	vsub.f32 v10, v50;
	v50 =	vld [tilespmem:s19+$0x14CB0]  }
0x63e: {  	v11 =	vsub.f32 v11, v52;
	v52 =	vld [tilespmem:s19+$0xCD80];
	v22 =	vadd.f32 v2, v6  }
0x63f: {  	v6 =	vadd.f32 v23, v12;
	v12 =	vld [tilespmem:$0x1F3E0];
	v13 =	vand.u32 $0x7FFFFFFF, v13;
	v16 =	vadd.f32 v16, v14  }
0x640: {  	v5 =	vadd.f32 v13, v5;
	v13 =	vld [tilespmem:$0x1F3F0]  }
0x641: {  	v19 =	vadd.f32 v59, v57;
	v36 =	vsub.f32 v16, v26;
	v16 =	vld [tilespmem:$0x1F460]  }
0x642: {  	v29 =	vld [tilespmem:s19+$0xCD00]  }
0x643: {  	v10 =	vand.u32 $0x7FFFFFFF, v10;
	v11 =	vand.u32 $0x7FFFFFFF, v11;
	v19 =	vsub.f32 v19, v20;
	v20 =	vld [tilespmem:$0x1F4D0]  }
0x644: {  	v10 =	vadd.f32 v11, v10;
	v11 =	vld [tilespmem:$0x1F4F0]  }
0x645: {  	v12 =	vadd.f32 v13, v12;
	v13 =	vld [tilespmem:$0x1F400]  }
0x646: {  	v38 =	vadd.f32 v42, v16;
	v16 =	vadd.f32 v40, v25;
	v25 =	vld [tilespmem:$0x1F470]  }
0x647: {  	v4 =	vld [tilespmem:s19+$0x10E10]  }
0x648: {  	v2 =	vadd.f32 v63, v61;
	v0 =	vand.u32 $0x7FFFFFFF, v0;
	v61 =	vld [tilespmem:s19+$0x14D30]  }
0x649: {  	v63 =	vld [tilespmem:s19+$0x10CA0];
	v5 =	vadd.f32 v0, v5  }
0x64a: {  	v13 =	vsub.f32 v2, v13;
	v2 =	vld [tilespmem:$0x1F410]  }
0x64b: {  	v23 =	vperm.xlane v5, v18;
	v16 =	vsub.f32 v16, v25;
	v25 =	vld [tilespmem:$0x1F480]  }
0x64c: {  	v0 =	vld [tilespmem:s19+$0xCE20]  }
0x64d: {  	v23 =	vadd.f32 v5, v23;
	v14 =	vld [tilespmem:$0x1F440]  }
0x64e: {  	v3 =	vadd.f32 v3, v31;
	v26 =	vld [tilespmem:$0x1F4A0]  }
0x64f: {  	v9 =	vadd.f32 v15, v17;
	v17 =	vadd.f32 v55, v53;
	v5 =	vld [tilespmem:s19+$0x10C30];
	v55 =	vperm.xlane v23, v21  }
0x650: {  	v6 =	vsub.f32 v6, v2;
	v3 =	vsub.f32 v3, v25;
	v25 =	vld [tilespmem:$0x1F490]  }
0x651: {  	v9 =	vsub.f32 v9, v48;
	v8 =	vand.u32 $0x7FFFFFFF, v8;
	v23 =	vadd.f32 v23, v55;
	v55 =	vld [tilespmem:s19+$0x14D20]  }
0x652: {  	v12 =	vsub.f32 v12, v14;
	v13 =	vand.u32 $0x7FFFFFFF, v13;
	v14 =	vld [tilespmem:s19+$0x14E80];
	v6 =	vand.u32 $0x7FFFFFFF, v6  }
0x653: {  	v9 =	vand.u32 $0x7FFFFFFF, v9;
	v17 =	vsub.f32 v17, v26;
	v40 =	vld [tilespmem:s19+$0x14DA0];
	v6 =	vadd.f32 v6, v13  }
0x654: {  	v8 =	vadd.f32 v9, v8;
	v15 =	vperm.xlane v22, v28;
	v12 =	vand.u32 $0x7FFFFFFF, v12;
	v26 =	vld [tilespmem:$0x1F4B0]  }
0x655: {  	v42 =	vld [tilespmem:s19+$0x14E00];
	v17 =	vand.u32 $0x7FFFFFFF, v17;
	v6 =	vadd.f32 v12, v6;
	v31 =	vsub.f32 v1, v25  }
0x656: {  	v2 =	vld [tilespmem:s19+$0x14E20];
	v17 =	vadd.f32 v17, v8;
	v8 =	vadd.f32 v22, v15;
	v12 =	vand.u32 $0x7FFFFFFF, v7  }
0x657: {  	v15 =	vld [tilespmem:s19+$0x10C20];
	v12 =	vadd.f32 v12, v6;
	v47 =	vand.u32 $0x7FFFFFFF, v3;
	v31 =	vand.u32 $0x7FFFFFFF, v31  }
0x658: {  	v14 =	vadd.f32 v14, v34;
	v34 =	vld [tilespmem:s19+$0x14CA0];
	v31 =	vadd.f32 v31, v47  }
0x659: {  	v13 =	vld [tilespmem:s19+$0xCE90];
	v53 =	vand.u32 $0x7FFFFFFF, v16;
	v49 =	vperm.xlane v12, v18  }
0x65a: {  	v38 =	vsub.f32 v38, v26;
	v26 =	vld [tilespmem:$0x1F4E0];
	v9 =	vadd.f32 v53, v31  }
0x65b: {  	v7 =	vld [tilespmem:s19+$0x10CB0];
	v12 =	vadd.f32 v12, v49;
	v31 =	vand.u32 $0x7FFFFFFF, v36  }
0x65c: {  	v16 =	vld [tilespmem:s19+$0xCDA0];
	v9 =	vadd.f32 v31, v9  }
0x65d: {  	v38 =	vand.u32 $0x7FFFFFFF, v38;
	v6 =	vld [tilespmem:s19+$0x10D20];
	v31 =	vperm.xlane v12, v21  }
0x65e: {  	v17 =	vadd.f32 v38, v17;
	v38 =	vld [tilespmem:s19+$0xCC30];
	v22 =	vperm.xlane v9, v18  }
0x65f: {  	v13 =	vadd.f32 v32, v13;
	v32 =	vld [tilespmem:s19+$0xCCA0];
	v12 =	vadd.f32 v12, v31  }
0x660: {  	v3 =	vld [tilespmem:s19+$0x10D90];
	v31 =	vadd.f32 v26, v20;
	v9 =	vadd.f32 v9, v22  }
0x661: {  	v24 =	vadd.f32 v27, v24;
	v19 =	vand.u32 $0x7FFFFFFF, v19;
	v49 =	vld [tilespmem:s19+$0xCCB0];
	v22 =	vperm.xlane v17, v18  }
0x662: {  	v25 =	vld [tilespmem:s19+$0xCD30];
	v11 =	vsub.f32 v31, v11;
	v31 =	vperm.xlane v23, v28;
	v57 =	vperm.xlane v9, v21  }
0x663: {  	v10 =	vadd.f32 v19, v10;
	v1 =	vld [tilespmem:s19+$0x10D80];
	v19 =	vperm.xlane v12, v28;
	v22 =	vadd.f32 v17, v22  }
0x664: {  	v36 =	vld [tilespmem:s19+$0xCE00];
	v11 =	vand.u32 $0x7FFFFFFF, v11;
	v48 =	vadd.f32 v9, v57;
	v9 =	vadd.f32 v23, v31  }
0x665: {  	v31 =	vadd.f32 v11, v10;
	v10 =	vadd.f32 v12, v19;
	v12 =	vld [tilespmem:$0x1F500]  }
0x666: {  	v0 =	vadd.f32 v2, v0;
	v47 =	vld [tilespmem:s19+$0x14C30]  }
0x667: {  	v2 =	vsub.f32 v14, v44;
	v14 =	vsub.f32 v24, v43;
	v53 =	vld [tilespmem:s19+$0xCD20];
	v59 =	vperm.xlane v22, v21  }
0x668: {  	v24 =	vsub.f32 v0, v60;
	v20 =	vadd.f32 v35, v37;
	v35 =	vld [tilespmem:s19+$0x14D00];
	v23 =	vperm.xlane v48, v28  }
0x669: {  	v0 =	vand.u32 $0x7FFFFFFF, v2;
	v37 =	vld [tilespmem:s19+$0x14C80];
	v2 =	vadd.f32 v42, v36;
	v22 =	vadd.f32 v22, v59  }
0x66a: {  	v11 =	vadd.f32 v48, v23;
	v23 =	vsub.f32 v20, v12;
	v20 =	vperm.xlane v31, v18;
	v18 =	vld [tilespmem:$0x1F510]  }
0x66b: {  	v36 =	vld [tilespmem:s19+$0xCC80]  }
0x66c: {  	v2 =	vsub.f32 v2, v33;
	v33 =	vld [tilespmem:s19+$0x14C10];
	v26 =	vperm.xlane v22, v28  }
0x66d: {  	v56 =	vadd.f32 v58, v56;
	v48 =	vld [tilespmem:s19+$0xCD90]  }
0x66e: {  	v17 =	vld [tilespmem:s19+$0x10D00];
	v59 =	vsub.f32 v13, v45;
	v12 =	vadd.f32 v22, v26  }
0x66f: {  	v26 =	vsub.f32 v51, v18;
	v51 =	vadd.f32 v31, v20;
	v18 =	vld [tilespmem:$0x1F520]  }
0x670: {  	v57 =	vld [tilespmem:s19+$0x14D80];
	v45 =	vadd.f32 v61, v25;
	v61 =	vadd.f32 v55, v53  }
0x671: {  	v19 =	vld [tilespmem:s19+$0x10C00];
	v44 =	vand.u32 $0x7FFFFFFF, v59;
	v59 =	vadd.f32 v50, v49;
	v27 =	vperm.xlane v51, v21  }
0x672: {  	v25 =	vld [tilespmem:s19+$0xCD10];
	v0 =	vadd.f32 v44, v0;
	v60 =	vadd.f32 v54, v48  }
0x673: {  	v28 =	vld [tilespmem:s19+$0x14D10];
	v13 =	vadd.f32 v51, v27;
	v27 =	vadd.f32 v39, v46  }
0x674: {  	v22 =	vld [tilespmem:s19+$0x10C10];
	v46 =	vadd.f32 v40, v16;
	v58 =	vsub.f32 v56, v18  }
0x675: {  	p0 =	sne.s32 s15, $0xE000;
	v20 =	vld [tilespmem:s19+$0xCC20];
	v39 =	vsub.f32 v60, v3;
	v56 =	vadd.f32 v47, v38  }
.Ltmp1:
0x676: {  	v31 =	vld [tilespmem:s19+$0x14C20];
	v4 =	vsub.f32 v27, v4;
	v27 =	vand.u32 $0x7FFFFFFF, v58;
	v58 =	vadd.f32 v57, v52;
	(pc) =	sbr.rel @p0 .LBB2_5-.Ltmp1, $4  }
0x677: {  	v21 =	vld [tilespmem:s19+$0xCC10];
	v3 =	vsub.f32 v61, v6;
	v5 =	vsub.f32 v56, v5  }
0x678: {  	v38 =	vld [tilespmem:s19+$0xCC90];
	v51 =	vand.u32 $0x7FFFFFFF, v4;
	v4 =	vsub.f32 v46, v62;
	v62 =	vsub.f32 v58, v1  }
0x679: {  	v2 =	vand.u32 $0x7FFFFFFF, v2;
	v16 =	vadd.f32 v27, v0;
	v27 =	vld [tilespmem:s19+$0x14C00];
	v0 =	vsub.f32 v45, v30  }
0x67a: {  	s15 =	sadd.s32 $0x2000, s15;
	v30 =	vld [tilespmem:s19+$0xCC00];
	v2 =	vadd.f32 v51, v2;
	v1 =	vsub.f32 v59, v7;
	v6 =	vand.u32 $0x7FFFFFFF, v62  }
0x67b: {  	v43 =	vld [tilespmem:s19+$0x14C90]  }
0x67c: {  	v7 =	vadd.f32 v31, v20;
	v48 =	vadd.f32 v34, v32;
	v50 =	vld [tilespmem:s19+$0x10C80]  }
0x67d: {  	v49 =	vand.u32 $0x7FFFFFFF, v39;
	v29 =	vadd.f32 v35, v29;
	v51 =	vld [tilespmem:s19+$0x10C90];
	v25 =	vadd.f32 v28, v25  }
0x67e: {  	v23 =	vand.u32 $0x7FFFFFFF, v23;
	v54 =	vadd.f32 v37, v36;
	v6 =	vadd.f32 v49, v6  }
0x67f: {  	v52 =	vld [tilespmem:s19+$0x10D10];
	v26 =	vand.u32 $0x7FFFFFFF, v26;
	v21 =	vadd.f32 v33, v21;
	v7 =	vsub.f32 v7, v15  }
0x680: {  	v24 =	vand.u32 $0x7FFFFFFF, v24;
	v18 =	vsub.f32 v48, v63;
	v20 =	vadd.f32 v43, v38  }
0x681: {  	v4 =	vand.u32 $0x7FFFFFFF, v4;
	v17 =	vsub.f32 v29, v17;
	v27 =	vadd.f32 v27, v30  }
0x682: {  	v5 =	vand.u32 $0x7FFFFFFF, v5;
	v55 =	vsub.f32 v54, v50;
	v15 =	vsub.f32 v20, v51  }
0x683: {  	v21 =	vsub.f32 v21, v22;
	v17 =	vand.u32 $0x7FFFFFFF, v17;
	v19 =	vsub.f32 v27, v19  }
0x684: {  	v56 =	vsub.f32 v25, v52;
	v22 =	vand.u32 $0x7FFFFFFF, v55;
	v15 =	vand.u32 $0x7FFFFFFF, v15  }
0x685: {  	v21 =	vand.u32 $0x7FFFFFFF, v21;
	v19 =	vand.u32 $0x7FFFFFFF, v19;
	v15 =	vadd.f32 v15, v22  }
0x686: {  	v18 =	vand.u32 $0x7FFFFFFF, v18;
	v20 =	vand.u32 $0x7FFFFFFF, v56;
	v19 =	vadd.f32 v21, v19  }
0x687: {  	v7 =	vand.u32 $0x7FFFFFFF, v7;
	v17 =	vadd.f32 v20, v17;
	v15 =	vadd.f32 v18, v15;
	v18 =	vld [tilespmem:$0x1FFE0]  }
0x688: {  	v47 =	vld [tilespmem:$0x1FFC0];
	v3 =	vand.u32 $0x7FFFFFFF, v3;
	v2 =	vadd.f32 v24, v2;
	v7 =	vadd.f32 v7, v19  }
0x689: {  	v1 =	vand.u32 $0x7FFFFFFF, v1;
	v4 =	vadd.f32 v4, v6;
	v3 =	vadd.f32 v3, v17  }
0x68a: {  	v0 =	vand.u32 $0x7FFFFFFF, v0;
	v5 =	vadd.f32 v5, v7;
	v1 =	vadd.f32 v1, v15  }
0x68b: {  	v57 =	vand.u32 $0x7FFFFFFF, v14;
	v46 =	vld [tilespmem:$0x1FFF0];
	v61 =	vadd.f32 v23, v16;
	v0 =	vadd.f32 v0, v3  }
0x68c: {  	v3 =	vadd.f32 v57, v4;
	v58 =	vperm.xlane v5, v18;
	v59 =	vperm.xlane v1, v18  }
0x68d: {  	v2 =	vadd.f32 v26, v2;
	v53 =	vperm.xlane v13, v47;
	v60 =	vperm.xlane v0, v18  }
0x68e: {  	v62 =	vperm.xlane v3, v18;
	v5 =	vadd.f32 v5, v58;
	v1 =	vadd.f32 v1, v59  }
0x68f: {  	v63 =	vperm.xlane v2, v18;
	v20 =	vperm.xlane v61, v18;
	v0 =	vadd.f32 v0, v60  }
0x690: {  	v3 =	vadd.f32 v3, v62;
	v21 =	vperm.xlane v5, v46;
	v22 =	vperm.xlane v1, v46  }
0x691: {  	v2 =	vadd.f32 v2, v63;
	v24 =	vadd.f32 v61, v20;
	v23 =	vperm.xlane v0, v46  }
0x692: {  	v25 =	vperm.xlane v3, v46;
	v5 =	vadd.f32 v5, v21;
	v1 =	vadd.f32 v1, v22  }
0x693: {  	v39 =	vld [tilespmem:$0x1FFD0];
	v26 =	vperm.xlane v2, v46;
	v14 =	vperm.xlane v24, v46;
	v0 =	vadd.f32 v0, v23  }
0x694: {  	v3 =	vadd.f32 v3, v25;
	v15 =	vperm.xlane v5, v47;
	v16 =	vperm.xlane v1, v47  }
0x695: {  	v2 =	vadd.f32 v2, v26;
	v4 =	vadd.f32 v24, v14;
	v27 =	vperm.xlane v0, v47  }
0x696: {  	v29 =	vperm.xlane v3, v47;
	v5 =	vadd.f32 v5, v15;
	v1 =	vadd.f32 v1, v16  }
0x697: {  	v30 =	vperm.xlane v2, v47;
	v14 =	vperm.xlane v4, v47;
	v0 =	vadd.f32 v0, v27  }
0x698: {  	v3 =	vadd.f32 v3, v29;
	v15 =	vperm.xlane v5, v39;
	v16 =	vperm.xlane v1, v39  }
0x699: {  	v2 =	vadd.f32 v2, v30;
	v4 =	vadd.f32 v4, v14;
	v31 =	vperm.xlane v0, v39  }
0x69a: {  	v32 =	vperm.xlane v3, v39;
	v5 =	vadd.f32 v5, v15;
	v1 =	vadd.f32 v1, v16  }
0x69b: {  	v13 =	vadd.f32 v13, v53;
	v33 =	vperm.xlane v2, v39;
	v0 =	vadd.f32 v0, v31  }
0x69c: {  	v34 =	vperm.xlane v4, v39;
	v3 =	vadd.f32 v3, v32;
	v1 =	vsel vm0, v5, v1  }
0x69d: {  	v36 =	vperm.xlane v13, v39;
	v35 =	vadd.f32 v2, v33;
	v0 =	vsel vm1, v1, v0  }
0x69e: {  	v38 =	vperm.xlane v12, v39;
	v37 =	vadd.f32 v4, v34;
	v0 =	vsel vm2, v0, v3  }
0x69f: {  	v42 =	vperm.xlane v11, v39;
	v54 =	vld [tilespmem:$0x1F790];
	v40 =	vadd.f32 v13, v36;
	v0 =	vsel vm3, v0, v35  }
0x6a0: {  	v44 =	vperm.xlane v10, v39;
	v43 =	vadd.f32 v12, v38;
	v57 =	vld [tilespmem:$0x1F7A0];
	v0 =	vsel vm4, v0, v37  }
0x6a1: {  	v48 =	vperm.xlane v9, v39;
	v45 =	vadd.f32 v11, v42;
	v60 =	vld [tilespmem:$0x1F750];
	v0 =	vsel vm5, v0, v40  }
0x6a2: {  	v50 =	vperm.xlane v8, v39;
	v49 =	vadd.f32 v10, v44;
	v0 =	vsel vm6, v0, v43  }
0x6a3: {  	v52 =	vperm.xlane v41, v39;
	v51 =	vadd.f32 v9, v48;
	v0 =	vsel vm7, v0, v45  }
0x6a4: {  	v53 =	vadd.f32 v8, v50;
	v55 =	vperm.xlane v54, v39;
	v0 =	vsel vm8, v0, v49  }
0x6a5: {  	s17 =	sadd.s32 $0x1, s17;
	v56 =	vadd.f32 v41, v52;
	v58 =	vperm.xlane v57, v39;
	v0 =	vsel vm9, v0, v51  }
0x6a6: {  	p0 =	sne.s32 s17, $0x4;
	v59 =	vadd.f32 v54, v55;
	v61 =	vperm.xlane v60, v39;
	v0 =	vsel vm10, v0, v53  }
.Ltmp2:
0x6a7: {  	v62 =	vadd.f32 v57, v58;
	v0 =	vsel vm11, v0, v56;
	(pc) =	sbr.rel @p0 .LBB2_2-.Ltmp2, $4  }
0x6a8: {  	v63 =	vadd.f32 v60, v61;
	v0 =	vsel vm12, v0, v59  }
0x6a9: {  	v0 =	vsel vm13, v0, v62  }
0x6aa: {  	s15 =	sadd.s32 $0x10, s21;
	v0 =	vsel vm14, v0, v63  }
0x6ab: {  	s22 =	sadd.s32 $0x100, s22;
	s2 =	sadd.s32 $0x100, s2;
	v41 =	vmov v18;
	[tilespmem:s15+$0x0] =	vst v0  }
0x6ac: {  	[hbm4b:s11+s1] =	stream.linear.scatter [tilespmem:s30], [sflag:$0x3], $0x200, $0x38;
	[tilespmem:$0x19000] =	vst v63  }
0x6ad: {  	s0 =	sadd.s32 $0x1, s0;
	_ =	swait.ge [sflag:s14], $0x200  }
0x6ae: {  	p0 =	sne.s32 s0, s13;
	[sflag:s14] =	ssyncset.done $0x0  }
.Ltmp3:
0x6af: {  	[sflag:s14] =	ssyncadd.s32 $0xFFFFFE00;
	(pc) =	sbr.rel @p0 .LBB2_1-.Ltmp3, $4  }
0x6b0: {  	[hbm4b:s12+s1] =	stream.linear.scatter [tilespmem:s31], [sflag:$0x3], $0x200, $0x38;
	[tilespmem:$0x19000] =	vst v63  }
0x6b1: {  	_ =	swait.ge [sflag:s14], $0x200  }
0x6b2: {  	[sflag:s14] =	ssyncset.done $0x0  }
0x6b3: {  	[sflag:s14] =	ssyncadd.s32 $0xFFFFFE00  }
0x6b4: {  	_ =	sfence.sel $0x180000  }
0x6b5: {  	[bflag:$0x0] =	sbarrier.arrive $0xFFFF  }
0x6b6: {  	_ =	strace $0x90000047  }
0x6b7: {  	s0 =	stileid.u32;
	[bflag:$0x2] =	sbarrier.arrive $0xFFFF  }
0x6b8: {  	p0 =	sne.s32 s0, $0x0;
	s0 =	rddreg [dreg:$0x9]  }
0x6b9: {  	s0 =	sadd.s32 @!p0 $0x100000, s0  }
0x6ba: {  	[sflag:s0] =	ssyncadd.tile.s32 @!p0 $0x1;
	_ =	shalt  }
.Lfunc_end2:
_tile_overlayer_lowered:
.L_overlay_start_2:
0x6bb: {  	(tag) =	ssettag $0x2  }
0x6bc: {  	s0 =	rddreg [dreg:$0x0];
	s2 =	stileid.u32  }
0x6bd: {  	s1 =	rddreg [dreg:$0x1];
	p0 =	sne.s32 s2, $0x0  }
0x6be: {  	s3 =	rddreg [dreg:$0x2];
	[bflag:$0x3] =	sbarrier.arrive $0xFFFF;
	s2 =	simm.s32 @!p0 $0x1C03  }
0x6bf: {  	[timem:s3], [sflag:s2] =	dma.local @!p0 [hbm:s0], s1  }
0x6c0: {  	s0 =	simm.s32 @!p0 $0x3  }
0x6c1: {  	_ =	swait.ge @!p0 [sflag:s0], s1  }
0x6c2: {  	s1 =	ssub.s32 @!p0 $0x0, s1;
	[sflag:s0] =	ssyncset.done @!p0 $0x0  }
0x6c3: {  	[sflag:s0] =	ssyncadd.s32 @!p0 s1  }
0x6c4: {  	[bflag:$0x3] =	sbarrier.arrive $0xFFFF  }
0x6c5: {  	_ =	shalt  }

</sc_bundles>
